<compile_context>
chip_gen: v7x
topology: tpu7x:2x2x1
jax: 0.10.2.dev20260603
libtpu: 0.0.44.dev20260713+nightly
codegen_flags: <defaults>
</compile_context>

<pallas_src>
import jax
import jax.numpy as jnp
from jax import lax
from jax.experimental import pallas as pl
from jax.experimental.pallas import tpu as pltpu
from jax.experimental.pallas import tpu_sc as plsc

_S, _B, _D = 2048, 4, 1024
_L = 16
_NC, _NS = 2, 16
_NW = _NC * _NS
_RPW = _S // _NW
_R = 8
_NCH = _RPW // _R
_PC = _R * _D


def _sc_body(x_hbm, pos_hbm, out_hbm, xbuf, pbuf, sx0, sx1, sp0, sp1, so0, so1):
    xf = x_hbm.reshape(_S * _B, _D)
    pf = pos_hbm
    of = out_hbm.reshape(_S * _B, _D)
    wid = lax.axis_index("s") * _NC + lax.axis_index("c")
    xbase = wid * _RPW
    pbase = wid * _RPW
    sx = (sx0, sx1)
    sp = (sp0, sp1)
    so = (so0, so1)
    loads = [None, None]
    stores = [None, None]

    def start_load(g):
        b = g % 2
        cx = pltpu.async_copy(
            xf.at[pl.ds((xbase + g * _R) * _B, _R * _B)], xbuf.at[b], sx[b])
        cp = pltpu.async_copy(
            pf.at[pl.ds(pbase + g * _R, _R)], pbuf.at[b], sp[b])
        loads[b] = (cx, cp)

    start_load(0)
    for g in range(_NCH):
        b = g % 2
        if g + 1 < _NCH:
            if stores[1 - b] is not None:
                stores[1 - b].wait()
            start_load(g + 1)
        cx, cp = loads[b]
        cx.wait()
        cp.wait()

        @plsc.parallel_loop(0, _PC, step=_L, unroll=8)
        def _accumulate(q, _b=b):
            q = pl.multiple_of(q, _L)
            i = q >> 10
            j = pl.multiple_of(q & (_D - 1), _L)
            pvec = pbuf[_b, i, pl.ds(j, _L)]
            i4 = i << 2
            for bb in range(_B):
                plsc.addupdate(xbuf.at[_b, i4 + bb, pl.ds(j, _L)], pvec)

        plsc.subcore_barrier()
        stores[b] = pltpu.async_copy(
            xbuf.at[b], of.at[pl.ds((xbase + g * _R) * _B, _R * _B)], so[b])
    stores[0].wait()
    stores[1].wait()


@jax.jit
def _sc_add(x, pos_table):
    run = pl.kernel(
        _sc_body,
        out_type=jax.ShapeDtypeStruct((_S, _B, _D), jnp.float32),
        mesh=plsc.VectorSubcoreMesh(
            core_axis_name="c", subcore_axis_name="s",
            num_cores=_NC, num_subcores=_NS),
        scratch_types=[
            pltpu.VMEM((2, _R * _B, _D), jnp.float32),
            pltpu.VMEM((2, _R, _D), jnp.float32),
            pltpu.SemaphoreType.DMA,
            pltpu.SemaphoreType.DMA,
            pltpu.SemaphoreType.DMA,
            pltpu.SemaphoreType.DMA,
            pltpu.SemaphoreType.DMA,
            pltpu.SemaphoreType.DMA,
        ],
        compiler_params=pltpu.CompilerParams(use_tc_tiling_on_sc=True),
    )
    return run(x, pos_table)


def kernel(x, pos_table):
    return _sc_add(x, pos_table[: x.shape[0]])

# --- scband reference (transcript-rebuilt; emitter-appended) ---
"""Pipeline reference for scband-positional-encoding-19000935318129 (READ-ONLY COPY).

The authoritative reference and input builder live on the scoring server;
editing this copy changes nothing except your own understanding.
"""

import jax, jax.numpy as jnp
import numpy as np

D_MODEL = 1024
MAX_LEN = 2048
SEQ_LEN = 2048
BATCH = 4

def setup_inputs(seed: int = 0) -> dict:
    key = jax.random.key(seed)
    k1, k2 = jax.random.split(key)
    x = jax.random.normal(k1, (SEQ_LEN, BATCH, D_MODEL), dtype=jnp.float32)
    # learned positional embedding table, init normal(0, 0.02)
    pos_table = 0.02 * jax.random.normal(k2, (MAX_LEN, D_MODEL), dtype=jnp.float32)
    return {"x": x, "pos_table": pos_table}

def reference(x, pos_table):
    seq_len = x.shape[0]
    # eval mode: dropout is identity
    positions = jnp.arange(seq_len, dtype=jnp.int32)
    pos_embed = jnp.take(pos_table, positions, axis=0)  # [S, D]
    pos_embed = jnp.broadcast_to(pos_embed[:, None, :], (seq_len, x.shape[1], pos_table.shape[1]))
    return x + pos_embed

if __name__ == "__main__":
    import jax
    _d = setup_inputs()
    print(jax.jit(kernel)(*tuple(_d.values())))

</pallas_src>

<mosaic_0001>
#map = affine_map<(d0, d1) -> (0, 0, 0)>
#map1 = affine_map<(d0, d1) -> (0, 0)>
module attributes {stable_mosaic.version = 14 : i64} {
  func.func @_sc_body(%arg0: i32, %arg1: i32, %arg2: memref<2048x4x1024xf32, #tpu.memory_space<hbm>>, %arg3: memref<2048x1024xf32, #tpu.memory_space<hbm>>, %arg4: memref<2048x4x1024xf32, #tpu.memory_space<hbm>>, %arg5: memref<2x32x1024xf32, #tpu.memory_space<vmem>>, %arg6: memref<2x8x1024xf32, #tpu.memory_space<vmem>>, %arg7: memref<!tpu.dma_semaphore, #tpu.memory_space<semaphore_mem>>, %arg8: memref<!tpu.dma_semaphore, #tpu.memory_space<semaphore_mem>>, %arg9: memref<!tpu.dma_semaphore, #tpu.memory_space<semaphore_mem>>, %arg10: memref<!tpu.dma_semaphore, #tpu.memory_space<semaphore_mem>>, %arg11: memref<!tpu.dma_semaphore, #tpu.memory_space<semaphore_mem>>, %arg12: memref<!tpu.dma_semaphore, #tpu.memory_space<semaphore_mem>>) attributes {dimension_semantics = [#tpu.dimension_semantics<core_parallel>, #tpu.dimension_semantics<subcore_parallel>], iteration_bounds = array<i64: 2, 16>, scalar_prefetch = 0 : i64, scratch_operands = 8 : i64, tpu.core_type = #tpu.core_type<sc_vector_subcore>, window_params = [{transform_indices = #map}, {transform_indices = #map1}, {transform_indices = #map}]} {
    %mul3A = arith.constant 2 : i32
    %mul3A_0 = arith.muli %arg1, %mul3A : i32
    %add3A = arith.addi %mul3A_0, %arg0 : i32
    %mul3A_1 = arith.constant 64 : i32
    %mul3A_2 = arith.muli %add3A, %mul3A_1 : i32
    %mul3A_3 = arith.constant 64 : i32
    %mul3A_4 = arith.muli %add3A, %mul3A_3 : i32
    %add3A_5 = arith.constant 0 : i32
    %add3A_6 = arith.addi %mul3A_2, %add3A_5 : i32
    %mul3A_7 = arith.constant 4 : i32
    %mul3A_8 = arith.muli %add3A_6, %mul3A_7 : i32
    %dma_start3A = arith.constant 0 : i32
    %dma_start3A_9 = arith.constant 0 : i32
    %dma_start3A_10 = arith.constant 0 : i32
    %dma_start3A_11 = tpu.memref_slice %arg5[%dma_start3A, %dma_start3A_9, %dma_start3A_10] : memref<2x32x1024xf32, #tpu.memory_space<vmem>> -> memref<1x32x1024xf32, #tpu.memory_space<vmem>>
    %dma_start3A_12 = tpu.memref_squeeze %dma_start3A_11 : memref<1x32x1024xf32, #tpu.memory_space<vmem>> -> memref<32x1024xf32, #tpu.memory_space<vmem>>
    %dma_start3A_13 = tpu.memref_reshape %arg2 : memref<2048x4x1024xf32, #tpu.memory_space<hbm>> -> memref<8192x1024xf32, #tpu.memory_space<hbm>>
    %dma_start3A_14 = arith.constant 0 : i32
    %dma_start3A_15 = tpu.memref_slice %dma_start3A_13[%mul3A_8, %dma_start3A_14] : memref<8192x1024xf32, #tpu.memory_space<hbm>> -> memref<32x1024xf32, #tpu.memory_space<hbm>>
    %dma_start3A_16 = arith.constant 0 : i32
    %dma_start3A_17 = arith.constant 0 : i32
    %dma_start3A_18 = tpu.memref_slice %arg5[%dma_start3A, %dma_start3A_16, %dma_start3A_17] : memref<2x32x1024xf32, #tpu.memory_space<vmem>> -> memref<1x32x1024xf32, #tpu.memory_space<vmem>>
    %dma_start3A_19 = tpu.memref_squeeze %dma_start3A_18 : memref<1x32x1024xf32, #tpu.memory_space<vmem>> -> memref<32x1024xf32, #tpu.memory_space<vmem>>
    %dma_start3A_20 = tpu.memref_reshape %arg2 : memref<2048x4x1024xf32, #tpu.memory_space<hbm>> -> memref<8192x1024xf32, #tpu.memory_space<hbm>>
    %dma_start3A_21 = arith.constant 0 : i32
    %dma_start3A_22 = tpu.memref_slice %dma_start3A_20[%mul3A_8, %dma_start3A_21] : memref<8192x1024xf32, #tpu.memory_space<hbm>> -> memref<32x1024xf32, #tpu.memory_space<hbm>>
    tpu.enqueue_dma source(%dma_start3A_22 : memref<32x1024xf32, #tpu.memory_space<hbm>>) target(%dma_start3A_19 : memref<32x1024xf32, #tpu.memory_space<vmem>>) target_semaphore(%arg7 : memref<!tpu.dma_semaphore, #tpu.memory_space<semaphore_mem>>)
    %add3A_23 = arith.constant 0 : i32
    %add3A_24 = arith.addi %mul3A_4, %add3A_23 : i32
    %dma_start3A_25 = arith.constant 0 : i32
    %dma_start3A_26 = arith.constant 0 : i32
    %dma_start3A_27 = arith.constant 0 : i32
    %dma_start3A_28 = tpu.memref_slice %arg6[%dma_start3A_25, %dma_start3A_26, %dma_start3A_27] : memref<2x8x1024xf32, #tpu.memory_space<vmem>> -> memref<1x8x1024xf32, #tpu.memory_space<vmem>>
    %dma_start3A_29 = tpu.memref_squeeze %dma_start3A_28 : memref<1x8x1024xf32, #tpu.memory_space<vmem>> -> memref<8x1024xf32, #tpu.memory_space<vmem>>
    %dma_start3A_30 = arith.constant 0 : i32
    %dma_start3A_31 = tpu.memref_slice %arg3[%add3A_24, %dma_start3A_30] : memref<2048x1024xf32, #tpu.memory_space<hbm>> -> memref<8x1024xf32, #tpu.memory_space<hbm>>
    %dma_start3A_32 = arith.constant 0 : i32
    %dma_start3A_33 = arith.constant 0 : i32
    %dma_start3A_34 = tpu.memref_slice %arg6[%dma_start3A_25, %dma_start3A_32, %dma_start3A_33] : memref<2x8x1024xf32, #tpu.memory_space<vmem>> -> memref<1x8x1024xf32, #tpu.memory_space<vmem>>
    %dma_start3A_35 = tpu.memref_squeeze %dma_start3A_34 : memref<1x8x1024xf32, #tpu.memory_space<vmem>> -> memref<8x1024xf32, #tpu.memory_space<vmem>>
    %dma_start3A_36 = arith.constant 0 : i32
    %dma_start3A_37 = tpu.memref_slice %arg3[%add3A_24, %dma_start3A_36] : memref<2048x1024xf32, #tpu.memory_space<hbm>> -> memref<8x1024xf32, #tpu.memory_space<hbm>>
    tpu.enqueue_dma source(%dma_start3A_37 : memref<8x1024xf32, #tpu.memory_space<hbm>>) target(%dma_start3A_35 : memref<8x1024xf32, #tpu.memory_space<vmem>>) target_semaphore(%arg9 : memref<!tpu.dma_semaphore, #tpu.memory_space<semaphore_mem>>)
    %add3A_38 = arith.constant 8 : i32
    %add3A_39 = arith.addi %mul3A_2, %add3A_38 : i32
    %mul3A_40 = arith.constant 4 : i32
    %mul3A_41 = arith.muli %add3A_39, %mul3A_40 : i32
    %dma_start3A_42 = arith.constant 1 : i32
    %dma_start3A_43 = arith.constant 0 : i32
    %dma_start3A_44 = arith.constant 0 : i32
    %dma_start3A_45 = tpu.memref_slice %arg5[%dma_start3A_42, %dma_start3A_43, %dma_start3A_44] : memref<2x32x1024xf32, #tpu.memory_space<vmem>> -> memref<1x32x1024xf32, #tpu.memory_space<vmem>>
    %dma_start3A_46 = tpu.memref_squeeze %dma_start3A_45 : memref<1x32x1024xf32, #tpu.memory_space<vmem>> -> memref<32x1024xf32, #tpu.memory_space<vmem>>
    %dma_start3A_47 = tpu.memref_reshape %arg2 : memref<2048x4x1024xf32, #tpu.memory_space<hbm>> -> memref<8192x1024xf32, #tpu.memory_space<hbm>>
    %dma_start3A_48 = arith.constant 0 : i32
    %dma_start3A_49 = tpu.memref_slice %dma_start3A_47[%mul3A_41, %dma_start3A_48] : memref<8192x1024xf32, #tpu.memory_space<hbm>> -> memref<32x1024xf32, #tpu.memory_space<hbm>>
    %dma_start3A_50 = arith.constant 0 : i32
    %dma_start3A_51 = arith.constant 0 : i32
    %dma_start3A_52 = tpu.memref_slice %arg5[%dma_start3A_42, %dma_start3A_50, %dma_start3A_51] : memref<2x32x1024xf32, #tpu.memory_space<vmem>> -> memref<1x32x1024xf32, #tpu.memory_space<vmem>>
    %dma_start3A_53 = tpu.memref_squeeze %dma_start3A_52 : memref<1x32x1024xf32, #tpu.memory_space<vmem>> -> memref<32x1024xf32, #tpu.memory_space<vmem>>
    %dma_start3A_54 = tpu.memref_reshape %arg2 : memref<2048x4x1024xf32, #tpu.memory_space<hbm>> -> memref<8192x1024xf32, #tpu.memory_space<hbm>>
    %dma_start3A_55 = arith.constant 0 : i32
    %dma_start3A_56 = tpu.memref_slice %dma_start3A_54[%mul3A_41, %dma_start3A_55] : memref<8192x1024xf32, #tpu.memory_space<hbm>> -> memref<32x1024xf32, #tpu.memory_space<hbm>>
    tpu.enqueue_dma source(%dma_start3A_56 : memref<32x1024xf32, #tpu.memory_space<hbm>>) target(%dma_start3A_53 : memref<32x1024xf32, #tpu.memory_space<vmem>>) target_semaphore(%arg8 : memref<!tpu.dma_semaphore, #tpu.memory_space<semaphore_mem>>)
    %add3A_57 = arith.constant 8 : i32
    %add3A_58 = arith.addi %mul3A_4, %add3A_57 : i32
    %dma_start3A_59 = arith.constant 1 : i32
    %dma_start3A_60 = arith.constant 0 : i32
    %dma_start3A_61 = arith.constant 0 : i32
    %dma_start3A_62 = tpu.memref_slice %arg6[%dma_start3A_59, %dma_start3A_60, %dma_start3A_61] : memref<2x8x1024xf32, #tpu.memory_space<vmem>> -> memref<1x8x1024xf32, #tpu.memory_space<vmem>>
    %dma_start3A_63 = tpu.memref_squeeze %dma_start3A_62 : memref<1x8x1024xf32, #tpu.memory_space<vmem>> -> memref<8x1024xf32, #tpu.memory_space<vmem>>
    %dma_start3A_64 = arith.constant 0 : i32
    %dma_start3A_65 = tpu.memref_slice %arg3[%add3A_58, %dma_start3A_64] : memref<2048x1024xf32, #tpu.memory_space<hbm>> -> memref<8x1024xf32, #tpu.memory_space<hbm>>
    %dma_start3A_66 = arith.constant 0 : i32
    %dma_start3A_67 = arith.constant 0 : i32
    %dma_start3A_68 = tpu.memref_slice %arg6[%dma_start3A_59, %dma_start3A_66, %dma_start3A_67] : memref<2x8x1024xf32, #tpu.memory_space<vmem>> -> memref<1x8x1024xf32, #tpu.memory_space<vmem>>
    %dma_start3A_69 = tpu.memref_squeeze %dma_start3A_68 : memref<1x8x1024xf32, #tpu.memory_space<vmem>> -> memref<8x1024xf32, #tpu.memory_space<vmem>>
    %dma_start3A_70 = arith.constant 0 : i32
    %dma_start3A_71 = tpu.memref_slice %arg3[%add3A_58, %dma_start3A_70] : memref<2048x1024xf32, #tpu.memory_space<hbm>> -> memref<8x1024xf32, #tpu.memory_space<hbm>>
    tpu.enqueue_dma source(%dma_start3A_71 : memref<8x1024xf32, #tpu.memory_space<hbm>>) target(%dma_start3A_69 : memref<8x1024xf32, #tpu.memory_space<vmem>>) target_semaphore(%arg10 : memref<!tpu.dma_semaphore, #tpu.memory_space<semaphore_mem>>)
    %dma_wait3A = arith.constant 0 : i32
    %dma_wait3A_72 = arith.constant 0 : i32
    %dma_wait3A_73 = arith.constant 0 : i32
    %dma_wait3A_74 = tpu.memref_slice %arg5[%dma_wait3A, %dma_wait3A_72, %dma_wait3A_73] : memref<2x32x1024xf32, #tpu.memory_space<vmem>> -> memref<1x32x1024xf32, #tpu.memory_space<vmem>>
    %dma_wait3A_75 = tpu.memref_squeeze %dma_wait3A_74 : memref<1x32x1024xf32, #tpu.memory_space<vmem>> -> memref<32x1024xf32, #tpu.memory_space<vmem>>
    %dma_wait3A_76 = tpu.memref_reshape %arg2 : memref<2048x4x1024xf32, #tpu.memory_space<hbm>> -> memref<8192x1024xf32, #tpu.memory_space<hbm>>
    %dma_wait3A_77 = arith.constant 0 : i32
    %dma_wait3A_78 = tpu.memref_slice %dma_wait3A_76[%mul3A_8, %dma_wait3A_77] : memref<8192x1024xf32, #tpu.memory_space<hbm>> -> memref<32x1024xf32, #tpu.memory_space<hbm>>
    %dma_wait3A_79 = arith.constant 0 : i32
    %dma_wait3A_80 = arith.constant 0 : i32
    %dma_wait3A_81 = tpu.memref_slice %arg5[%dma_wait3A, %dma_wait3A_79, %dma_wait3A_80] : memref<2x32x1024xf32, #tpu.memory_space<vmem>> -> memref<1x32x1024xf32, #tpu.memory_space<vmem>>
    %dma_wait3A_82 = tpu.memref_squeeze %dma_wait3A_81 : memref<1x32x1024xf32, #tpu.memory_space<vmem>> -> memref<32x1024xf32, #tpu.memory_space<vmem>>
    %dma_wait3A_83 = tpu.memref_reshape %arg2 : memref<2048x4x1024xf32, #tpu.memory_space<hbm>> -> memref<8192x1024xf32, #tpu.memory_space<hbm>>
    %dma_wait3A_84 = arith.constant 0 : i32
    %dma_wait3A_85 = tpu.memref_slice %dma_wait3A_83[%mul3A_8, %dma_wait3A_84] : memref<8192x1024xf32, #tpu.memory_space<hbm>> -> memref<32x1024xf32, #tpu.memory_space<hbm>>
    tpu.wait_dma2 semaphore(%arg7 : memref<!tpu.dma_semaphore, #tpu.memory_space<semaphore_mem>>) src(%dma_wait3A_85 : memref<32x1024xf32, #tpu.memory_space<hbm>>) dst(%dma_wait3A_82 : memref<32x1024xf32, #tpu.memory_space<vmem>>)
    %dma_wait3A_86 = arith.constant 0 : i32
    %dma_wait3A_87 = arith.constant 0 : i32
    %dma_wait3A_88 = arith.constant 0 : i32
    %dma_wait3A_89 = tpu.memref_slice %arg6[%dma_wait3A_86, %dma_wait3A_87, %dma_wait3A_88] : memref<2x8x1024xf32, #tpu.memory_space<vmem>> -> memref<1x8x1024xf32, #tpu.memory_space<vmem>>
    %dma_wait3A_90 = tpu.memref_squeeze %dma_wait3A_89 : memref<1x8x1024xf32, #tpu.memory_space<vmem>> -> memref<8x1024xf32, #tpu.memory_space<vmem>>
    %dma_wait3A_91 = arith.constant 0 : i32
    %dma_wait3A_92 = tpu.memref_slice %arg3[%add3A_24, %dma_wait3A_91] : memref<2048x1024xf32, #tpu.memory_space<hbm>> -> memref<8x1024xf32, #tpu.memory_space<hbm>>
    %dma_wait3A_93 = arith.constant 0 : i32
    %dma_wait3A_94 = arith.constant 0 : i32
    %dma_wait3A_95 = tpu.memref_slice %arg6[%dma_wait3A_86, %dma_wait3A_93, %dma_wait3A_94] : memref<2x8x1024xf32, #tpu.memory_space<vmem>> -> memref<1x8x1024xf32, #tpu.memory_space<vmem>>
    %dma_wait3A_96 = tpu.memref_squeeze %dma_wait3A_95 : memref<1x8x1024xf32, #tpu.memory_space<vmem>> -> memref<8x1024xf32, #tpu.memory_space<vmem>>
    %dma_wait3A_97 = arith.constant 0 : i32
    %dma_wait3A_98 = tpu.memref_slice %arg3[%add3A_24, %dma_wait3A_97] : memref<2048x1024xf32, #tpu.memory_space<hbm>> -> memref<8x1024xf32, #tpu.memory_space<hbm>>
    tpu.wait_dma2 semaphore(%arg9 : memref<!tpu.dma_semaphore, #tpu.memory_space<semaphore_mem>>) src(%dma_wait3A_98 : memref<8x1024xf32, #tpu.memory_space<hbm>>) dst(%dma_wait3A_96 : memref<8x1024xf32, #tpu.memory_space<vmem>>)
    %parallel_loop3A = arith.constant 0 : i32
    %parallel_loop3A_99 = arith.constant 8192 : i32
    %parallel_loop3A_100 = arith.constant 16 : i32
    scf.for %parallel_loop3A_801 = %parallel_loop3A to %parallel_loop3A_99 step %parallel_loop3A_100  : i32 {
      %parallel_loop3A_802 = tpu.assume_multiple %parallel_loop3A_801, 16 : i32
      %parallel_loop3A_803 = arith.constant 10 : i32
      %parallel_loop3A_804 = arith.shrsi %parallel_loop3A_802, %parallel_loop3A_803 : i32
      %parallel_loop3A_805 = arith.constant 1023 : i32
      %parallel_loop3A_806 = arith.andi %parallel_loop3A_802, %parallel_loop3A_805 : i32
      %parallel_loop3A_807 = tpu.assume_multiple %parallel_loop3A_806, 16 : i32
      %parallel_loop3A_808 = arith.constant 0 : i32
      %parallel_loop3A_809 = arith.index_cast %parallel_loop3A_808 : i32 to index
      %parallel_loop3A_810 = arith.index_cast %parallel_loop3A_804 : i32 to index
      %parallel_loop3A_811 = arith.index_cast %parallel_loop3A_807 : i32 to index
      %parallel_loop3A_812 = tpu.vector_load %arg6[%parallel_loop3A_809, %parallel_loop3A_810, %parallel_loop3A_811] {strides = array<i32>} : memref<2x8x1024xf32, #tpu.memory_space<vmem>>, vector<1x1x16xf32>,
      %parallel_loop3A_813 = vector.shape_cast %parallel_loop3A_812 : vector<1x1x16xf32> to vector<16xf32>
      %parallel_loop3A_814 = arith.constant 2 : i32
      %parallel_loop3A_815 = arith.shli %parallel_loop3A_804, %parallel_loop3A_814 : i32
      %parallel_loop3A_816 = arith.constant 0 : i32
      %parallel_loop3A_817 = arith.addi %parallel_loop3A_815, %parallel_loop3A_816 : i32
      %parallel_loop3A_818 = arith.constant 0 : i32
      %parallel_loop3A_819 = arith.index_cast %parallel_loop3A_818 : i32 to index
      %parallel_loop3A_820 = arith.index_cast %parallel_loop3A_817 : i32 to index
      %parallel_loop3A_821 = arith.index_cast %parallel_loop3A_807 : i32 to index
      %parallel_loop3A_822 = tpu.vector_load %arg5[%parallel_loop3A_819, %parallel_loop3A_820, %parallel_loop3A_821] {strides = array<i32>} : memref<2x32x1024xf32, #tpu.memory_space<vmem>>, vector<1x1x16xf32>,
      %parallel_loop3A_823 = vector.shape_cast %parallel_loop3A_822 : vector<1x1x16xf32> to vector<16xf32>
      %parallel_loop3A_824 = vector.shape_cast %parallel_loop3A_813 : vector<16xf32> to vector<1x1x16xf32>
      tpu.vector_store %arg5[%parallel_loop3A_819, %parallel_loop3A_820, %parallel_loop3A_821], %parallel_loop3A_824 {add = true, strides = array<i32>} : memref<2x32x1024xf32, #tpu.memory_space<vmem>>, vector<1x1x16xf32>,
      %parallel_loop3A_825 = arith.constant 1 : i32
      %parallel_loop3A_826 = arith.addi %parallel_loop3A_815, %parallel_loop3A_825 : i32
      %parallel_loop3A_827 = arith.constant 0 : i32
      %parallel_loop3A_828 = arith.index_cast %parallel_loop3A_827 : i32 to index
      %parallel_loop3A_829 = arith.index_cast %parallel_loop3A_826 : i32 to index
      %parallel_loop3A_830 = arith.index_cast %parallel_loop3A_807 : i32 to index
      %parallel_loop3A_831 = tpu.vector_load %arg5[%parallel_loop3A_828, %parallel_loop3A_829, %parallel_loop3A_830] {strides = array<i32>} : memref<2x32x1024xf32, #tpu.memory_space<vmem>>, vector<1x1x16xf32>,
      %parallel_loop3A_832 = vector.shape_cast %parallel_loop3A_831 : vector<1x1x16xf32> to vector<16xf32>
      %parallel_loop3A_833 = vector.shape_cast %parallel_loop3A_813 : vector<16xf32> to vector<1x1x16xf32>
      tpu.vector_store %arg5[%parallel_loop3A_828, %parallel_loop3A_829, %parallel_loop3A_830], %parallel_loop3A_833 {add = true, strides = array<i32>} : memref<2x32x1024xf32, #tpu.memory_space<vmem>>, vector<1x1x16xf32>,
      %parallel_loop3A_834 = arith.constant 2 : i32
      %parallel_loop3A_835 = arith.addi %parallel_loop3A_815, %parallel_loop3A_834 : i32
      %parallel_loop3A_836 = arith.constant 0 : i32
      %parallel_loop3A_837 = arith.index_cast %parallel_loop3A_836 : i32 to index
      %parallel_loop3A_838 = arith.index_cast %parallel_loop3A_835 : i32 to index
      %parallel_loop3A_839 = arith.index_cast %parallel_loop3A_807 : i32 to index
      %parallel_loop3A_840 = tpu.vector_load %arg5[%parallel_loop3A_837, %parallel_loop3A_838, %parallel_loop3A_839] {strides = array<i32>} : memref<2x32x1024xf32, #tpu.memory_space<vmem>>, vector<1x1x16xf32>,
      %parallel_loop3A_841 = vector.shape_cast %parallel_loop3A_840 : vector<1x1x16xf32> to vector<16xf32>
      %parallel_loop3A_842 = vector.shape_cast %parallel_loop3A_813 : vector<16xf32> to vector<1x1x16xf32>
      tpu.vector_store %arg5[%parallel_loop3A_837, %parallel_loop3A_838, %parallel_loop3A_839], %parallel_loop3A_842 {add = true, strides = array<i32>} : memref<2x32x1024xf32, #tpu.memory_space<vmem>>, vector<1x1x16xf32>,
      %parallel_loop3A_843 = arith.constant 3 : i32
      %parallel_loop3A_844 = arith.addi %parallel_loop3A_815, %parallel_loop3A_843 : i32
      %parallel_loop3A_845 = arith.constant 0 : i32
      %parallel_loop3A_846 = arith.index_cast %parallel_loop3A_845 : i32 to index
      %parallel_loop3A_847 = arith.index_cast %parallel_loop3A_844 : i32 to index
      %parallel_loop3A_848 = arith.index_cast %parallel_loop3A_807 : i32 to index
      %parallel_loop3A_849 = tpu.vector_load %arg5[%parallel_loop3A_846, %parallel_loop3A_847, %parallel_loop3A_848] {strides = array<i32>} : memref<2x32x1024xf32, #tpu.memory_space<vmem>>, vector<1x1x16xf32>,
      %parallel_loop3A_850 = vector.shape_cast %parallel_loop3A_849 : vector<1x1x16xf32> to vector<16xf32>
      %parallel_loop3A_851 = vector.shape_cast %parallel_loop3A_813 : vector<16xf32> to vector<1x1x16xf32>
      tpu.vector_store %arg5[%parallel_loop3A_846, %parallel_loop3A_847, %parallel_loop3A_848], %parallel_loop3A_851 {add = true, strides = array<i32>} : memref<2x32x1024xf32, #tpu.memory_space<vmem>>, vector<1x1x16xf32>,
    } {sc.loop_unroll_factor = 8 : i64, sc.parallel_access}
    %barrier3A = arith.constant 0 : index
    tpu.barrier barrier_id(%barrier3A)
    %add3A_101 = arith.constant 0 : i32
    %add3A_102 = arith.addi %mul3A_2, %add3A_101 : i32
    %mul3A_103 = arith.constant 4 : i32
    %mul3A_104 = arith.muli %add3A_102, %mul3A_103 : i32
    %dma_start3A_105 = arith.constant 0 : i32
    %dma_start3A_106 = arith.constant 0 : i32
    %dma_start3A_107 = arith.constant 0 : i32
    %dma_start3A_108 = tpu.memref_slice %arg5[%dma_start3A_105, %dma_start3A_106, %dma_start3A_107] : memref<2x32x1024xf32, #tpu.memory_space<vmem>> -> memref<1x32x1024xf32, #tpu.memory_space<vmem>>
    %dma_start3A_109 = tpu.memref_squeeze %dma_start3A_108 : memref<1x32x1024xf32, #tpu.memory_space<vmem>> -> memref<32x1024xf32, #tpu.memory_space<vmem>>
    %dma_start3A_110 = tpu.memref_reshape %arg4 : memref<2048x4x1024xf32, #tpu.memory_space<hbm>> -> memref<8192x1024xf32, #tpu.memory_space<hbm>>
    %dma_start3A_111 = arith.constant 0 : i32
    %dma_start3A_112 = tpu.memref_slice %dma_start3A_110[%mul3A_104, %dma_start3A_111] : memref<8192x1024xf32, #tpu.memory_space<hbm>> -> memref<32x1024xf32, #tpu.memory_space<hbm>>
    %dma_start3A_113 = tpu.memref_reshape %arg4 : memref<2048x4x1024xf32, #tpu.memory_space<hbm>> -> memref<8192x1024xf32, #tpu.memory_space<hbm>>
    %dma_start3A_114 = arith.constant 0 : i32
    %dma_start3A_115 = tpu.memref_slice %dma_start3A_113[%mul3A_104, %dma_start3A_114] : memref<8192x1024xf32, #tpu.memory_space<hbm>> -> memref<32x1024xf32, #tpu.memory_space<hbm>>
    %dma_start3A_116 = arith.constant 0 : i32
    %dma_start3A_117 = arith.constant 0 : i32
    %dma_start3A_118 = tpu.memref_slice %arg5[%dma_start3A_105, %dma_start3A_116, %dma_start3A_117] : memref<2x32x1024xf32, #tpu.memory_space<vmem>> -> memref<1x32x1024xf32, #tpu.memory_space<vmem>>
    %dma_start3A_119 = tpu.memref_squeeze %dma_start3A_118 : memref<1x32x1024xf32, #tpu.memory_space<vmem>> -> memref<32x1024xf32, #tpu.memory_space<vmem>>
    tpu.enqueue_dma source(%dma_start3A_119 : memref<32x1024xf32, #tpu.memory_space<vmem>>) target(%dma_start3A_115 : memref<32x1024xf32, #tpu.memory_space<hbm>>) target_semaphore(%arg11 : memref<!tpu.dma_semaphore, #tpu.memory_space<semaphore_mem>>)
    %dma_wait3A_120 = arith.constant 0 : i32
    %dma_wait3A_121 = arith.constant 0 : i32
    %dma_wait3A_122 = arith.constant 0 : i32
    %dma_wait3A_123 = tpu.memref_slice %arg5[%dma_wait3A_120, %dma_wait3A_121, %dma_wait3A_122] : memref<2x32x1024xf32, #tpu.memory_space<vmem>> -> memref<1x32x1024xf32, #tpu.memory_space<vmem>>
    %dma_wait3A_124 = tpu.memref_squeeze %dma_wait3A_123 : memref<1x32x1024xf32, #tpu.memory_space<vmem>> -> memref<32x1024xf32, #tpu.memory_space<vmem>>
    %dma_wait3A_125 = tpu.memref_reshape %arg4 : memref<2048x4x1024xf32, #tpu.memory_space<hbm>> -> memref<8192x1024xf32, #tpu.memory_space<hbm>>
    %dma_wait3A_126 = arith.constant 0 : i32
    %dma_wait3A_127 = tpu.memref_slice %dma_wait3A_125[%mul3A_104, %dma_wait3A_126] : memref<8192x1024xf32, #tpu.memory_space<hbm>> -> memref<32x1024xf32, #tpu.memory_space<hbm>>
    %dma_wait3A_128 = tpu.memref_reshape %arg4 : memref<2048x4x1024xf32, #tpu.memory_space<hbm>> -> memref<8192x1024xf32, #tpu.memory_space<hbm>>
    %dma_wait3A_129 = arith.constant 0 : i32
    %dma_wait3A_130 = tpu.memref_slice %dma_wait3A_128[%mul3A_104, %dma_wait3A_129] : memref<8192x1024xf32, #tpu.memory_space<hbm>> -> memref<32x1024xf32, #tpu.memory_space<hbm>>
    %dma_wait3A_131 = arith.constant 0 : i32
    %dma_wait3A_132 = arith.constant 0 : i32
    %dma_wait3A_133 = tpu.memref_slice %arg5[%dma_wait3A_120, %dma_wait3A_131, %dma_wait3A_132] : memref<2x32x1024xf32, #tpu.memory_space<vmem>> -> memref<1x32x1024xf32, #tpu.memory_space<vmem>>
    %dma_wait3A_134 = tpu.memref_squeeze %dma_wait3A_133 : memref<1x32x1024xf32, #tpu.memory_space<vmem>> -> memref<32x1024xf32, #tpu.memory_space<vmem>>
    tpu.wait_dma2 semaphore(%arg11 : memref<!tpu.dma_semaphore, #tpu.memory_space<semaphore_mem>>) src(%dma_wait3A_134 : memref<32x1024xf32, #tpu.memory_space<vmem>>) dst(%dma_wait3A_130 : memref<32x1024xf32, #tpu.memory_space<hbm>>)
    %add3A_135 = arith.constant 16 : i32
    %add3A_136 = arith.addi %mul3A_2, %add3A_135 : i32
    %mul3A_137 = arith.constant 4 : i32
    %mul3A_138 = arith.muli %add3A_136, %mul3A_137 : i32
    %dma_start3A_139 = arith.constant 0 : i32
    %dma_start3A_140 = arith.constant 0 : i32
    %dma_start3A_141 = arith.constant 0 : i32
    %dma_start3A_142 = tpu.memref_slice %arg5[%dma_start3A_139, %dma_start3A_140, %dma_start3A_141] : memref<2x32x1024xf32, #tpu.memory_space<vmem>> -> memref<1x32x1024xf32, #tpu.memory_space<vmem>>
    %dma_start3A_143 = tpu.memref_squeeze %dma_start3A_142 : memref<1x32x1024xf32, #tpu.memory_space<vmem>> -> memref<32x1024xf32, #tpu.memory_space<vmem>>
    %dma_start3A_144 = tpu.memref_reshape %arg2 : memref<2048x4x1024xf32, #tpu.memory_space<hbm>> -> memref<8192x1024xf32, #tpu.memory_space<hbm>>
    %dma_start3A_145 = arith.constant 0 : i32
    %dma_start3A_146 = tpu.memref_slice %dma_start3A_144[%mul3A_138, %dma_start3A_145] : memref<8192x1024xf32, #tpu.memory_space<hbm>> -> memref<32x1024xf32, #tpu.memory_space<hbm>>
    %dma_start3A_147 = arith.constant 0 : i32
    %dma_start3A_148 = arith.constant 0 : i32
    %dma_start3A_149 = tpu.memref_slice %arg5[%dma_start3A_139, %dma_start3A_147, %dma_start3A_148] : memref<2x32x1024xf32, #tpu.memory_space<vmem>> -> memref<1x32x1024xf32, #tpu.memory_space<vmem>>
    %dma_start3A_150 = tpu.memref_squeeze %dma_start3A_149 : memref<1x32x1024xf32, #tpu.memory_space<vmem>> -> memref<32x1024xf32, #tpu.memory_space<vmem>>
    %dma_start3A_151 = tpu.memref_reshape %arg2 : memref<2048x4x1024xf32, #tpu.memory_space<hbm>> -> memref<8192x1024xf32, #tpu.memory_space<hbm>>
    %dma_start3A_152 = arith.constant 0 : i32
    %dma_start3A_153 = tpu.memref_slice %dma_start3A_151[%mul3A_138, %dma_start3A_152] : memref<8192x1024xf32, #tpu.memory_space<hbm>> -> memref<32x1024xf32, #tpu.memory_space<hbm>>
    tpu.enqueue_dma source(%dma_start3A_153 : memref<32x1024xf32, #tpu.memory_space<hbm>>) target(%dma_start3A_150 : memref<32x1024xf32, #tpu.memory_space<vmem>>) target_semaphore(%arg7 : memref<!tpu.dma_semaphore, #tpu.memory_space<semaphore_mem>>)
    %add3A_154 = arith.constant 16 : i32
    %add3A_155 = arith.addi %mul3A_4, %add3A_154 : i32
    %dma_start3A_156 = arith.constant 0 : i32
    %dma_start3A_157 = arith.constant 0 : i32
    %dma_start3A_158 = arith.constant 0 : i32
    %dma_start3A_159 = tpu.memref_slice %arg6[%dma_start3A_156, %dma_start3A_157, %dma_start3A_158] : memref<2x8x1024xf32, #tpu.memory_space<vmem>> -> memref<1x8x1024xf32, #tpu.memory_space<vmem>>
    %dma_start3A_160 = tpu.memref_squeeze %dma_start3A_159 : memref<1x8x1024xf32, #tpu.memory_space<vmem>> -> memref<8x1024xf32, #tpu.memory_space<vmem>>
    %dma_start3A_161 = arith.constant 0 : i32
    %dma_start3A_162 = tpu.memref_slice %arg3[%add3A_155, %dma_start3A_161] : memref<2048x1024xf32, #tpu.memory_space<hbm>> -> memref<8x1024xf32, #tpu.memory_space<hbm>>
    %dma_start3A_163 = arith.constant 0 : i32
    %dma_start3A_164 = arith.constant 0 : i32
    %dma_start3A_165 = tpu.memref_slice %arg6[%dma_start3A_156, %dma_start3A_163, %dma_start3A_164] : memref<2x8x1024xf32, #tpu.memory_space<vmem>> -> memref<1x8x1024xf32, #tpu.memory_space<vmem>>
    %dma_start3A_166 = tpu.memref_squeeze %dma_start3A_165 : memref<1x8x1024xf32, #tpu.memory_space<vmem>> -> memref<8x1024xf32, #tpu.memory_space<vmem>>
    %dma_start3A_167 = arith.constant 0 : i32
    %dma_start3A_168 = tpu.memref_slice %arg3[%add3A_155, %dma_start3A_167] : memref<2048x1024xf32, #tpu.memory_space<hbm>> -> memref<8x1024xf32, #tpu.memory_space<hbm>>
    tpu.enqueue_dma source(%dma_start3A_168 : memref<8x1024xf32, #tpu.memory_space<hbm>>) target(%dma_start3A_166 : memref<8x1024xf32, #tpu.memory_space<vmem>>) target_semaphore(%arg9 : memref<!tpu.dma_semaphore, #tpu.memory_space<semaphore_mem>>)
    %dma_wait3A_169 = arith.constant 1 : i32
    %dma_wait3A_170 = arith.constant 0 : i32
    %dma_wait3A_171 = arith.constant 0 : i32
    %dma_wait3A_172 = tpu.memref_slice %arg5[%dma_wait3A_169, %dma_wait3A_170, %dma_wait3A_171] : memref<2x32x1024xf32, #tpu.memory_space<vmem>> -> memref<1x32x1024xf32, #tpu.memory_space<vmem>>
    %dma_wait3A_173 = tpu.memref_squeeze %dma_wait3A_172 : memref<1x32x1024xf32, #tpu.memory_space<vmem>> -> memref<32x1024xf32, #tpu.memory_space<vmem>>
    %dma_wait3A_174 = tpu.memref_reshape %arg2 : memref<2048x4x1024xf32, #tpu.memory_space<hbm>> -> memref<8192x1024xf32, #tpu.memory_space<hbm>>
    %dma_wait3A_175 = arith.constant 0 : i32
    %dma_wait3A_176 = tpu.memref_slice %dma_wait3A_174[%mul3A_41, %dma_wait3A_175] : memref<8192x1024xf32, #tpu.memory_space<hbm>> -> memref<32x1024xf32, #tpu.memory_space<hbm>>
    %dma_wait3A_177 = arith.constant 0 : i32
    %dma_wait3A_178 = arith.constant 0 : i32
    %dma_wait3A_179 = tpu.memref_slice %arg5[%dma_wait3A_169, %dma_wait3A_177, %dma_wait3A_178] : memref<2x32x1024xf32, #tpu.memory_space<vmem>> -> memref<1x32x1024xf32, #tpu.memory_space<vmem>>
    %dma_wait3A_180 = tpu.memref_squeeze %dma_wait3A_179 : memref<1x32x1024xf32, #tpu.memory_space<vmem>> -> memref<32x1024xf32, #tpu.memory_space<vmem>>
    %dma_wait3A_181 = tpu.memref_reshape %arg2 : memref<2048x4x1024xf32, #tpu.memory_space<hbm>> -> memref<8192x1024xf32, #tpu.memory_space<hbm>>
    %dma_wait3A_182 = arith.constant 0 : i32
    %dma_wait3A_183 = tpu.memref_slice %dma_wait3A_181[%mul3A_41, %dma_wait3A_182] : memref<8192x1024xf32, #tpu.memory_space<hbm>> -> memref<32x1024xf32, #tpu.memory_space<hbm>>
    tpu.wait_dma2 semaphore(%arg8 : memref<!tpu.dma_semaphore, #tpu.memory_space<semaphore_mem>>) src(%dma_wait3A_183 : memref<32x1024xf32, #tpu.memory_space<hbm>>) dst(%dma_wait3A_180 : memref<32x1024xf32, #tpu.memory_space<vmem>>)
    %dma_wait3A_184 = arith.constant 1 : i32
    %dma_wait3A_185 = arith.constant 0 : i32
    %dma_wait3A_186 = arith.constant 0 : i32
    %dma_wait3A_187 = tpu.memref_slice %arg6[%dma_wait3A_184, %dma_wait3A_185, %dma_wait3A_186] : memref<2x8x1024xf32, #tpu.memory_space<vmem>> -> memref<1x8x1024xf32, #tpu.memory_space<vmem>>
    %dma_wait3A_188 = tpu.memref_squeeze %dma_wait3A_187 : memref<1x8x1024xf32, #tpu.memory_space<vmem>> -> memref<8x1024xf32, #tpu.memory_space<vmem>>
    %dma_wait3A_189 = arith.constant 0 : i32
    %dma_wait3A_190 = tpu.memref_slice %arg3[%add3A_58, %dma_wait3A_189] : memref<2048x1024xf32, #tpu.memory_space<hbm>> -> memref<8x1024xf32, #tpu.memory_space<hbm>>
    %dma_wait3A_191 = arith.constant 0 : i32
    %dma_wait3A_192 = arith.constant 0 : i32
    %dma_wait3A_193 = tpu.memref_slice %arg6[%dma_wait3A_184, %dma_wait3A_191, %dma_wait3A_192] : memref<2x8x1024xf32, #tpu.memory_space<vmem>> -> memref<1x8x1024xf32, #tpu.memory_space<vmem>>
    %dma_wait3A_194 = tpu.memref_squeeze %dma_wait3A_193 : memref<1x8x1024xf32, #tpu.memory_space<vmem>> -> memref<8x1024xf32, #tpu.memory_space<vmem>>
    %dma_wait3A_195 = arith.constant 0 : i32
    %dma_wait3A_196 = tpu.memref_slice %arg3[%add3A_58, %dma_wait3A_195] : memref<2048x1024xf32, #tpu.memory_space<hbm>> -> memref<8x1024xf32, #tpu.memory_space<hbm>>
    tpu.wait_dma2 semaphore(%arg10 : memref<!tpu.dma_semaphore, #tpu.memory_space<semaphore_mem>>) src(%dma_wait3A_196 : memref<8x1024xf32, #tpu.memory_space<hbm>>) dst(%dma_wait3A_194 : memref<8x1024xf32, #tpu.memory_space<vmem>>)
    %parallel_loop3A_197 = arith.constant 0 : i32
    %parallel_loop3A_198 = arith.constant 8192 : i32
    %parallel_loop3A_199 = arith.constant 16 : i32
    scf.for %parallel_loop3A_801 = %parallel_loop3A_197 to %parallel_loop3A_198 step %parallel_loop3A_199  : i32 {
      %parallel_loop3A_802 = tpu.assume_multiple %parallel_loop3A_801, 16 : i32
      %parallel_loop3A_803 = arith.constant 10 : i32
      %parallel_loop3A_804 = arith.shrsi %parallel_loop3A_802, %parallel_loop3A_803 : i32
      %parallel_loop3A_805 = arith.constant 1023 : i32
      %parallel_loop3A_806 = arith.andi %parallel_loop3A_802, %parallel_loop3A_805 : i32
      %parallel_loop3A_807 = tpu.assume_multiple %parallel_loop3A_806, 16 : i32
      %parallel_loop3A_808 = arith.constant 1 : i32
      %parallel_loop3A_809 = arith.index_cast %parallel_loop3A_808 : i32 to index
      %parallel_loop3A_810 = arith.index_cast %parallel_loop3A_804 : i32 to index
      %parallel_loop3A_811 = arith.index_cast %parallel_loop3A_807 : i32 to index
      %parallel_loop3A_812 = tpu.vector_load %arg6[%parallel_loop3A_809, %parallel_loop3A_810, %parallel_loop3A_811] {strides = array<i32>} : memref<2x8x1024xf32, #tpu.memory_space<vmem>>, vector<1x1x16xf32>,
      %parallel_loop3A_813 = vector.shape_cast %parallel_loop3A_812 : vector<1x1x16xf32> to vector<16xf32>
      %parallel_loop3A_814 = arith.constant 2 : i32
      %parallel_loop3A_815 = arith.shli %parallel_loop3A_804, %parallel_loop3A_814 : i32
      %parallel_loop3A_816 = arith.constant 0 : i32
      %parallel_loop3A_817 = arith.addi %parallel_loop3A_815, %parallel_loop3A_816 : i32
      %parallel_loop3A_818 = arith.constant 1 : i32
      %parallel_loop3A_819 = arith.index_cast %parallel_loop3A_818 : i32 to index
      %parallel_loop3A_820 = arith.index_cast %parallel_loop3A_817 : i32 to index
      %parallel_loop3A_821 = arith.index_cast %parallel_loop3A_807 : i32 to index
      %parallel_loop3A_822 = tpu.vector_load %arg5[%parallel_loop3A_819, %parallel_loop3A_820, %parallel_loop3A_821] {strides = array<i32>} : memref<2x32x1024xf32, #tpu.memory_space<vmem>>, vector<1x1x16xf32>,
      %parallel_loop3A_823 = vector.shape_cast %parallel_loop3A_822 : vector<1x1x16xf32> to vector<16xf32>
      %parallel_loop3A_824 = vector.shape_cast %parallel_loop3A_813 : vector<16xf32> to vector<1x1x16xf32>
      tpu.vector_store %arg5[%parallel_loop3A_819, %parallel_loop3A_820, %parallel_loop3A_821], %parallel_loop3A_824 {add = true, strides = array<i32>} : memref<2x32x1024xf32, #tpu.memory_space<vmem>>, vector<1x1x16xf32>,
      %parallel_loop3A_825 = arith.constant 1 : i32
      %parallel_loop3A_826 = arith.addi %parallel_loop3A_815, %parallel_loop3A_825 : i32
      %parallel_loop3A_827 = arith.constant 1 : i32
      %parallel_loop3A_828 = arith.index_cast %parallel_loop3A_827 : i32 to index
      %parallel_loop3A_829 = arith.index_cast %parallel_loop3A_826 : i32 to index
      %parallel_loop3A_830 = arith.index_cast %parallel_loop3A_807 : i32 to index
      %parallel_loop3A_831 = tpu.vector_load %arg5[%parallel_loop3A_828, %parallel_loop3A_829, %parallel_loop3A_830] {strides = array<i32>} : memref<2x32x1024xf32, #tpu.memory_space<vmem>>, vector<1x1x16xf32>,
      %parallel_loop3A_832 = vector.shape_cast %parallel_loop3A_831 : vector<1x1x16xf32> to vector<16xf32>
      %parallel_loop3A_833 = vector.shape_cast %parallel_loop3A_813 : vector<16xf32> to vector<1x1x16xf32>
      tpu.vector_store %arg5[%parallel_loop3A_828, %parallel_loop3A_829, %parallel_loop3A_830], %parallel_loop3A_833 {add = true, strides = array<i32>} : memref<2x32x1024xf32, #tpu.memory_space<vmem>>, vector<1x1x16xf32>,
      %parallel_loop3A_834 = arith.constant 2 : i32
      %parallel_loop3A_835 = arith.addi %parallel_loop3A_815, %parallel_loop3A_834 : i32
      %parallel_loop3A_836 = arith.constant 1 : i32
      %parallel_loop3A_837 = arith.index_cast %parallel_loop3A_836 : i32 to index
      %parallel_loop3A_838 = arith.index_cast %parallel_loop3A_835 : i32 to index
      %parallel_loop3A_839 = arith.index_cast %parallel_loop3A_807 : i32 to index
      %parallel_loop3A_840 = tpu.vector_load %arg5[%parallel_loop3A_837, %parallel_loop3A_838, %parallel_loop3A_839] {strides = array<i32>} : memref<2x32x1024xf32, #tpu.memory_space<vmem>>, vector<1x1x16xf32>,
      %parallel_loop3A_841 = vector.shape_cast %parallel_loop3A_840 : vector<1x1x16xf32> to vector<16xf32>
      %parallel_loop3A_842 = vector.shape_cast %parallel_loop3A_813 : vector<16xf32> to vector<1x1x16xf32>
      tpu.vector_store %arg5[%parallel_loop3A_837, %parallel_loop3A_838, %parallel_loop3A_839], %parallel_loop3A_842 {add = true, strides = array<i32>} : memref<2x32x1024xf32, #tpu.memory_space<vmem>>, vector<1x1x16xf32>,
      %parallel_loop3A_843 = arith.constant 3 : i32
      %parallel_loop3A_844 = arith.addi %parallel_loop3A_815, %parallel_loop3A_843 : i32
      %parallel_loop3A_845 = arith.constant 1 : i32
      %parallel_loop3A_846 = arith.index_cast %parallel_loop3A_845 : i32 to index
      %parallel_loop3A_847 = arith.index_cast %parallel_loop3A_844 : i32 to index
      %parallel_loop3A_848 = arith.index_cast %parallel_loop3A_807 : i32 to index
      %parallel_loop3A_849 = tpu.vector_load %arg5[%parallel_loop3A_846, %parallel_loop3A_847, %parallel_loop3A_848] {strides = array<i32>} : memref<2x32x1024xf32, #tpu.memory_space<vmem>>, vector<1x1x16xf32>,
      %parallel_loop3A_850 = vector.shape_cast %parallel_loop3A_849 : vector<1x1x16xf32> to vector<16xf32>
      %parallel_loop3A_851 = vector.shape_cast %parallel_loop3A_813 : vector<16xf32> to vector<1x1x16xf32>
      tpu.vector_store %arg5[%parallel_loop3A_846, %parallel_loop3A_847, %parallel_loop3A_848], %parallel_loop3A_851 {add = true, strides = array<i32>} : memref<2x32x1024xf32, #tpu.memory_space<vmem>>, vector<1x1x16xf32>,
    } {sc.loop_unroll_factor = 8 : i64, sc.parallel_access}
    %barrier3A_200 = arith.constant 0 : index
    tpu.barrier barrier_id(%barrier3A_200)
    %add3A_201 = arith.constant 8 : i32
    %add3A_202 = arith.addi %mul3A_2, %add3A_201 : i32
    %mul3A_203 = arith.constant 4 : i32
    %mul3A_204 = arith.muli %add3A_202, %mul3A_203 : i32
    %dma_start3A_205 = arith.constant 1 : i32
    %dma_start3A_206 = arith.constant 0 : i32
    %dma_start3A_207 = arith.constant 0 : i32
    %dma_start3A_208 = tpu.memref_slice %arg5[%dma_start3A_205, %dma_start3A_206, %dma_start3A_207] : memref<2x32x1024xf32, #tpu.memory_space<vmem>> -> memref<1x32x1024xf32, #tpu.memory_space<vmem>>
    %dma_start3A_209 = tpu.memref_squeeze %dma_start3A_208 : memref<1x32x1024xf32, #tpu.memory_space<vmem>> -> memref<32x1024xf32, #tpu.memory_space<vmem>>
    %dma_start3A_210 = tpu.memref_reshape %arg4 : memref<2048x4x1024xf32, #tpu.memory_space<hbm>> -> memref<8192x1024xf32, #tpu.memory_space<hbm>>
    %dma_start3A_211 = arith.constant 0 : i32
    %dma_start3A_212 = tpu.memref_slice %dma_start3A_210[%mul3A_204, %dma_start3A_211] : memref<8192x1024xf32, #tpu.memory_space<hbm>> -> memref<32x1024xf32, #tpu.memory_space<hbm>>
    %dma_start3A_213 = tpu.memref_reshape %arg4 : memref<2048x4x1024xf32, #tpu.memory_space<hbm>> -> memref<8192x1024xf32, #tpu.memory_space<hbm>>
    %dma_start3A_214 = arith.constant 0 : i32
    %dma_start3A_215 = tpu.memref_slice %dma_start3A_213[%mul3A_204, %dma_start3A_214] : memref<8192x1024xf32, #tpu.memory_space<hbm>> -> memref<32x1024xf32, #tpu.memory_space<hbm>>
    %dma_start3A_216 = arith.constant 0 : i32
    %dma_start3A_217 = arith.constant 0 : i32
    %dma_start3A_218 = tpu.memref_slice %arg5[%dma_start3A_205, %dma_start3A_216, %dma_start3A_217] : memref<2x32x1024xf32, #tpu.memory_space<vmem>> -> memref<1x32x1024xf32, #tpu.memory_space<vmem>>
    %dma_start3A_219 = tpu.memref_squeeze %dma_start3A_218 : memref<1x32x1024xf32, #tpu.memory_space<vmem>> -> memref<32x1024xf32, #tpu.memory_space<vmem>>
    tpu.enqueue_dma source(%dma_start3A_219 : memref<32x1024xf32, #tpu.memory_space<vmem>>) target(%dma_start3A_215 : memref<32x1024xf32, #tpu.memory_space<hbm>>) target_semaphore(%arg12 : memref<!tpu.dma_semaphore, #tpu.memory_space<semaphore_mem>>)
    %dma_wait3A_220 = arith.constant 1 : i32
    %dma_wait3A_221 = arith.constant 0 : i32
    %dma_wait3A_222 = arith.constant 0 : i32
    %dma_wait3A_223 = tpu.memref_slice %arg5[%dma_wait3A_220, %dma_wait3A_221, %dma_wait3A_222] : memref<2x32x1024xf32, #tpu.memory_space<vmem>> -> memref<1x32x1024xf32, #tpu.memory_space<vmem>>
    %dma_wait3A_224 = tpu.memref_squeeze %dma_wait3A_223 : memref<1x32x1024xf32, #tpu.memory_space<vmem>> -> memref<32x1024xf32, #tpu.memory_space<vmem>>
    %dma_wait3A_225 = tpu.memref_reshape %arg4 : memref<2048x4x1024xf32, #tpu.memory_space<hbm>> -> memref<8192x1024xf32, #tpu.memory_space<hbm>>
    %dma_wait3A_226 = arith.constant 0 : i32
    %dma_wait3A_227 = tpu.memref_slice %dma_wait3A_225[%mul3A_204, %dma_wait3A_226] : memref<8192x1024xf32, #tpu.memory_space<hbm>> -> memref<32x1024xf32, #tpu.memory_space<hbm>>
    %dma_wait3A_228 = tpu.memref_reshape %arg4 : memref<2048x4x1024xf32, #tpu.memory_space<hbm>> -> memref<8192x1024xf32, #tpu.memory_space<hbm>>
    %dma_wait3A_229 = arith.constant 0 : i32
    %dma_wait3A_230 = tpu.memref_slice %dma_wait3A_228[%mul3A_204, %dma_wait3A_229] : memref<8192x1024xf32, #tpu.memory_space<hbm>> -> memref<32x1024xf32, #tpu.memory_space<hbm>>
    %dma_wait3A_231 = arith.constant 0 : i32
    %dma_wait3A_232 = arith.constant 0 : i32
    %dma_wait3A_233 = tpu.memref_slice %arg5[%dma_wait3A_220, %dma_wait3A_231, %dma_wait3A_232] : memref<2x32x1024xf32, #tpu.memory_space<vmem>> -> memref<1x32x1024xf32, #tpu.memory_space<vmem>>
    %dma_wait3A_234 = tpu.memref_squeeze %dma_wait3A_233 : memref<1x32x1024xf32, #tpu.memory_space<vmem>> -> memref<32x1024xf32, #tpu.memory_space<vmem>>
    tpu.wait_dma2 semaphore(%arg12 : memref<!tpu.dma_semaphore, #tpu.memory_space<semaphore_mem>>) src(%dma_wait3A_234 : memref<32x1024xf32, #tpu.memory_space<vmem>>) dst(%dma_wait3A_230 : memref<32x1024xf32, #tpu.memory_space<hbm>>)
    %add3A_235 = arith.constant 24 : i32
    %add3A_236 = arith.addi %mul3A_2, %add3A_235 : i32
    %mul3A_237 = arith.constant 4 : i32
    %mul3A_238 = arith.muli %add3A_236, %mul3A_237 : i32
    %dma_start3A_239 = arith.constant 1 : i32
    %dma_start3A_240 = arith.constant 0 : i32
    %dma_start3A_241 = arith.constant 0 : i32
    %dma_start3A_242 = tpu.memref_slice %arg5[%dma_start3A_239, %dma_start3A_240, %dma_start3A_241] : memref<2x32x1024xf32, #tpu.memory_space<vmem>> -> memref<1x32x1024xf32, #tpu.memory_space<vmem>>
    %dma_start3A_243 = tpu.memref_squeeze %dma_start3A_242 : memref<1x32x1024xf32, #tpu.memory_space<vmem>> -> memref<32x1024xf32, #tpu.memory_space<vmem>>
    %dma_start3A_244 = tpu.memref_reshape %arg2 : memref<2048x4x1024xf32, #tpu.memory_space<hbm>> -> memref<8192x1024xf32, #tpu.memory_space<hbm>>
    %dma_start3A_245 = arith.constant 0 : i32
    %dma_start3A_246 = tpu.memref_slice %dma_start3A_244[%mul3A_238, %dma_start3A_245] : memref<8192x1024xf32, #tpu.memory_space<hbm>> -> memref<32x1024xf32, #tpu.memory_space<hbm>>
    %dma_start3A_247 = arith.constant 0 : i32
    %dma_start3A_248 = arith.constant 0 : i32
    %dma_start3A_249 = tpu.memref_slice %arg5[%dma_start3A_239, %dma_start3A_247, %dma_start3A_248] : memref<2x32x1024xf32, #tpu.memory_space<vmem>> -> memref<1x32x1024xf32, #tpu.memory_space<vmem>>
    %dma_start3A_250 = tpu.memref_squeeze %dma_start3A_249 : memref<1x32x1024xf32, #tpu.memory_space<vmem>> -> memref<32x1024xf32, #tpu.memory_space<vmem>>
    %dma_start3A_251 = tpu.memref_reshape %arg2 : memref<2048x4x1024xf32, #tpu.memory_space<hbm>> -> memref<8192x1024xf32, #tpu.memory_space<hbm>>
    %dma_start3A_252 = arith.constant 0 : i32
    %dma_start3A_253 = tpu.memref_slice %dma_start3A_251[%mul3A_238, %dma_start3A_252] : memref<8192x1024xf32, #tpu.memory_space<hbm>> -> memref<32x1024xf32, #tpu.memory_space<hbm>>
    tpu.enqueue_dma source(%dma_start3A_253 : memref<32x1024xf32, #tpu.memory_space<hbm>>) target(%dma_start3A_250 : memref<32x1024xf32, #tpu.memory_space<vmem>>) target_semaphore(%arg8 : memref<!tpu.dma_semaphore, #tpu.memory_space<semaphore_mem>>)
    %add3A_254 = arith.constant 24 : i32
    %add3A_255 = arith.addi %mul3A_4, %add3A_254 : i32
    %dma_start3A_256 = arith.constant 1 : i32
    %dma_start3A_257 = arith.constant 0 : i32
    %dma_start3A_258 = arith.constant 0 : i32
    %dma_start3A_259 = tpu.memref_slice %arg6[%dma_start3A_256, %dma_start3A_257, %dma_start3A_258] : memref<2x8x1024xf32, #tpu.memory_space<vmem>> -> memref<1x8x1024xf32, #tpu.memory_space<vmem>>
    %dma_start3A_260 = tpu.memref_squeeze %dma_start3A_259 : memref<1x8x1024xf32, #tpu.memory_space<vmem>> -> memref<8x1024xf32, #tpu.memory_space<vmem>>
    %dma_start3A_261 = arith.constant 0 : i32
    %dma_start3A_262 = tpu.memref_slice %arg3[%add3A_255, %dma_start3A_261] : memref<2048x1024xf32, #tpu.memory_space<hbm>> -> memref<8x1024xf32, #tpu.memory_space<hbm>>
    %dma_start3A_263 = arith.constant 0 : i32
    %dma_start3A_264 = arith.constant 0 : i32
    %dma_start3A_265 = tpu.memref_slice %arg6[%dma_start3A_256, %dma_start3A_263, %dma_start3A_264] : memref<2x8x1024xf32, #tpu.memory_space<vmem>> -> memref<1x8x1024xf32, #tpu.memory_space<vmem>>
    %dma_start3A_266 = tpu.memref_squeeze %dma_start3A_265 : memref<1x8x1024xf32, #tpu.memory_space<vmem>> -> memref<8x1024xf32, #tpu.memory_space<vmem>>
    %dma_start3A_267 = arith.constant 0 : i32
    %dma_start3A_268 = tpu.memref_slice %arg3[%add3A_255, %dma_start3A_267] : memref<2048x1024xf32, #tpu.memory_space<hbm>> -> memref<8x1024xf32, #tpu.memory_space<hbm>>
    tpu.enqueue_dma source(%dma_start3A_268 : memref<8x1024xf32, #tpu.memory_space<hbm>>) target(%dma_start3A_266 : memref<8x1024xf32, #tpu.memory_space<vmem>>) target_semaphore(%arg10 : memref<!tpu.dma_semaphore, #tpu.memory_space<semaphore_mem>>)
    %dma_wait3A_269 = arith.constant 0 : i32
    %dma_wait3A_270 = arith.constant 0 : i32
    %dma_wait3A_271 = arith.constant 0 : i32
    %dma_wait3A_272 = tpu.memref_slice %arg5[%dma_wait3A_269, %dma_wait3A_270, %dma_wait3A_271] : memref<2x32x1024xf32, #tpu.memory_space<vmem>> -> memref<1x32x1024xf32, #tpu.memory_space<vmem>>
    %dma_wait3A_273 = tpu.memref_squeeze %dma_wait3A_272 : memref<1x32x1024xf32, #tpu.memory_space<vmem>> -> memref<32x1024xf32, #tpu.memory_space<vmem>>
    %dma_wait3A_274 = tpu.memref_reshape %arg2 : memref<2048x4x1024xf32, #tpu.memory_space<hbm>> -> memref<8192x1024xf32, #tpu.memory_space<hbm>>
    %dma_wait3A_275 = arith.constant 0 : i32
    %dma_wait3A_276 = tpu.memref_slice %dma_wait3A_274[%mul3A_138, %dma_wait3A_275] : memref<8192x1024xf32, #tpu.memory_space<hbm>> -> memref<32x1024xf32, #tpu.memory_space<hbm>>
    %dma_wait3A_277 = arith.constant 0 : i32
    %dma_wait3A_278 = arith.constant 0 : i32
    %dma_wait3A_279 = tpu.memref_slice %arg5[%dma_wait3A_269, %dma_wait3A_277, %dma_wait3A_278] : memref<2x32x1024xf32, #tpu.memory_space<vmem>> -> memref<1x32x1024xf32, #tpu.memory_space<vmem>>
    %dma_wait3A_280 = tpu.memref_squeeze %dma_wait3A_279 : memref<1x32x1024xf32, #tpu.memory_space<vmem>> -> memref<32x1024xf32, #tpu.memory_space<vmem>>
    %dma_wait3A_281 = tpu.memref_reshape %arg2 : memref<2048x4x1024xf32, #tpu.memory_space<hbm>> -> memref<8192x1024xf32, #tpu.memory_space<hbm>>
    %dma_wait3A_282 = arith.constant 0 : i32
    %dma_wait3A_283 = tpu.memref_slice %dma_wait3A_281[%mul3A_138, %dma_wait3A_282] : memref<8192x1024xf32, #tpu.memory_space<hbm>> -> memref<32x1024xf32, #tpu.memory_space<hbm>>
    tpu.wait_dma2 semaphore(%arg7 : memref<!tpu.dma_semaphore, #tpu.memory_space<semaphore_mem>>) src(%dma_wait3A_283 : memref<32x1024xf32, #tpu.memory_space<hbm>>) dst(%dma_wait3A_280 : memref<32x1024xf32, #tpu.memory_space<vmem>>)
    %dma_wait3A_284 = arith.constant 0 : i32
    %dma_wait3A_285 = arith.constant 0 : i32
    %dma_wait3A_286 = arith.constant 0 : i32
    %dma_wait3A_287 = tpu.memref_slice %arg6[%dma_wait3A_284, %dma_wait3A_285, %dma_wait3A_286] : memref<2x8x1024xf32, #tpu.memory_space<vmem>> -> memref<1x8x1024xf32, #tpu.memory_space<vmem>>
    %dma_wait3A_288 = tpu.memref_squeeze %dma_wait3A_287 : memref<1x8x1024xf32, #tpu.memory_space<vmem>> -> memref<8x1024xf32, #tpu.memory_space<vmem>>
    %dma_wait3A_289 = arith.constant 0 : i32
    %dma_wait3A_290 = tpu.memref_slice %arg3[%add3A_155, %dma_wait3A_289] : memref<2048x1024xf32, #tpu.memory_space<hbm>> -> memref<8x1024xf32, #tpu.memory_space<hbm>>
    %dma_wait3A_291 = arith.constant 0 : i32
    %dma_wait3A_292 = arith.constant 0 : i32
    %dma_wait3A_293 = tpu.memref_slice %arg6[%dma_wait3A_284, %dma_wait3A_291, %dma_wait3A_292] : memref<2x8x1024xf32, #tpu.memory_space<vmem>> -> memref<1x8x1024xf32, #tpu.memory_space<vmem>>
    %dma_wait3A_294 = tpu.memref_squeeze %dma_wait3A_293 : memref<1x8x1024xf32, #tpu.memory_space<vmem>> -> memref<8x1024xf32, #tpu.memory_space<vmem>>
    %dma_wait3A_295 = arith.constant 0 : i32
    %dma_wait3A_296 = tpu.memref_slice %arg3[%add3A_155, %dma_wait3A_295] : memref<2048x1024xf32, #tpu.memory_space<hbm>> -> memref<8x1024xf32, #tpu.memory_space<hbm>>
    tpu.wait_dma2 semaphore(%arg9 : memref<!tpu.dma_semaphore, #tpu.memory_space<semaphore_mem>>) src(%dma_wait3A_296 : memref<8x1024xf32, #tpu.memory_space<hbm>>) dst(%dma_wait3A_294 : memref<8x1024xf32, #tpu.memory_space<vmem>>)
    %parallel_loop3A_297 = arith.constant 0 : i32
    %parallel_loop3A_298 = arith.constant 8192 : i32
    %parallel_loop3A_299 = arith.constant 16 : i32
    scf.for %parallel_loop3A_801 = %parallel_loop3A_297 to %parallel_loop3A_298 step %parallel_loop3A_299  : i32 {
      %parallel_loop3A_802 = tpu.assume_multiple %parallel_loop3A_801, 16 : i32
      %parallel_loop3A_803 = arith.constant 10 : i32
      %parallel_loop3A_804 = arith.shrsi %parallel_loop3A_802, %parallel_loop3A_803 : i32
      %parallel_loop3A_805 = arith.constant 1023 : i32
      %parallel_loop3A_806 = arith.andi %parallel_loop3A_802, %parallel_loop3A_805 : i32
      %parallel_loop3A_807 = tpu.assume_multiple %parallel_loop3A_806, 16 : i32
      %parallel_loop3A_808 = arith.constant 0 : i32
      %parallel_loop3A_809 = arith.index_cast %parallel_loop3A_808 : i32 to index
      %parallel_loop3A_810 = arith.index_cast %parallel_loop3A_804 : i32 to index
      %parallel_loop3A_811 = arith.index_cast %parallel_loop3A_807 : i32 to index
      %parallel_loop3A_812 = tpu.vector_load %arg6[%parallel_loop3A_809, %parallel_loop3A_810, %parallel_loop3A_811] {strides = array<i32>} : memref<2x8x1024xf32, #tpu.memory_space<vmem>>, vector<1x1x16xf32>,
      %parallel_loop3A_813 = vector.shape_cast %parallel_loop3A_812 : vector<1x1x16xf32> to vector<16xf32>
      %parallel_loop3A_814 = arith.constant 2 : i32
      %parallel_loop3A_815 = arith.shli %parallel_loop3A_804, %parallel_loop3A_814 : i32
      %parallel_loop3A_816 = arith.constant 0 : i32
      %parallel_loop3A_817 = arith.addi %parallel_loop3A_815, %parallel_loop3A_816 : i32
      %parallel_loop3A_818 = arith.constant 0 : i32
      %parallel_loop3A_819 = arith.index_cast %parallel_loop3A_818 : i32 to index
      %parallel_loop3A_820 = arith.index_cast %parallel_loop3A_817 : i32 to index
      %parallel_loop3A_821 = arith.index_cast %parallel_loop3A_807 : i32 to index
      %parallel_loop3A_822 = tpu.vector_load %arg5[%parallel_loop3A_819, %parallel_loop3A_820, %parallel_loop3A_821] {strides = array<i32>} : memref<2x32x1024xf32, #tpu.memory_space<vmem>>, vector<1x1x16xf32>,
      %parallel_loop3A_823 = vector.shape_cast %parallel_loop3A_822 : vector<1x1x16xf32> to vector<16xf32>
      %parallel_loop3A_824 = vector.shape_cast %parallel_loop3A_813 : vector<16xf32> to vector<1x1x16xf32>
      tpu.vector_store %arg5[%parallel_loop3A_819, %parallel_loop3A_820, %parallel_loop3A_821], %parallel_loop3A_824 {add = true, strides = array<i32>} : memref<2x32x1024xf32, #tpu.memory_space<vmem>>, vector<1x1x16xf32>,
      %parallel_loop3A_825 = arith.constant 1 : i32
      %parallel_loop3A_826 = arith.addi %parallel_loop3A_815, %parallel_loop3A_825 : i32
      %parallel_loop3A_827 = arith.constant 0 : i32
      %parallel_loop3A_828 = arith.index_cast %parallel_loop3A_827 : i32 to index
      %parallel_loop3A_829 = arith.index_cast %parallel_loop3A_826 : i32 to index
      %parallel_loop3A_830 = arith.index_cast %parallel_loop3A_807 : i32 to index
      %parallel_loop3A_831 = tpu.vector_load %arg5[%parallel_loop3A_828, %parallel_loop3A_829, %parallel_loop3A_830] {strides = array<i32>} : memref<2x32x1024xf32, #tpu.memory_space<vmem>>, vector<1x1x16xf32>,
      %parallel_loop3A_832 = vector.shape_cast %parallel_loop3A_831 : vector<1x1x16xf32> to vector<16xf32>
      %parallel_loop3A_833 = vector.shape_cast %parallel_loop3A_813 : vector<16xf32> to vector<1x1x16xf32>
      tpu.vector_store %arg5[%parallel_loop3A_828, %parallel_loop3A_829, %parallel_loop3A_830], %parallel_loop3A_833 {add = true, strides = array<i32>} : memref<2x32x1024xf32, #tpu.memory_space<vmem>>, vector<1x1x16xf32>,
      %parallel_loop3A_834 = arith.constant 2 : i32
      %parallel_loop3A_835 = arith.addi %parallel_loop3A_815, %parallel_loop3A_834 : i32
      %parallel_loop3A_836 = arith.constant 0 : i32
      %parallel_loop3A_837 = arith.index_cast %parallel_loop3A_836 : i32 to index
      %parallel_loop3A_838 = arith.index_cast %parallel_loop3A_835 : i32 to index
      %parallel_loop3A_839 = arith.index_cast %parallel_loop3A_807 : i32 to index
      %parallel_loop3A_840 = tpu.vector_load %arg5[%parallel_loop3A_837, %parallel_loop3A_838, %parallel_loop3A_839] {strides = array<i32>} : memref<2x32x1024xf32, #tpu.memory_space<vmem>>, vector<1x1x16xf32>,
      %parallel_loop3A_841 = vector.shape_cast %parallel_loop3A_840 : vector<1x1x16xf32> to vector<16xf32>
      %parallel_loop3A_842 = vector.shape_cast %parallel_loop3A_813 : vector<16xf32> to vector<1x1x16xf32>
      tpu.vector_store %arg5[%parallel_loop3A_837, %parallel_loop3A_838, %parallel_loop3A_839], %parallel_loop3A_842 {add = true, strides = array<i32>} : memref<2x32x1024xf32, #tpu.memory_space<vmem>>, vector<1x1x16xf32>,
      %parallel_loop3A_843 = arith.constant 3 : i32
      %parallel_loop3A_844 = arith.addi %parallel_loop3A_815, %parallel_loop3A_843 : i32
      %parallel_loop3A_845 = arith.constant 0 : i32
      %parallel_loop3A_846 = arith.index_cast %parallel_loop3A_845 : i32 to index
      %parallel_loop3A_847 = arith.index_cast %parallel_loop3A_844 : i32 to index
      %parallel_loop3A_848 = arith.index_cast %parallel_loop3A_807 : i32 to index
      %parallel_loop3A_849 = tpu.vector_load %arg5[%parallel_loop3A_846, %parallel_loop3A_847, %parallel_loop3A_848] {strides = array<i32>} : memref<2x32x1024xf32, #tpu.memory_space<vmem>>, vector<1x1x16xf32>,
      %parallel_loop3A_850 = vector.shape_cast %parallel_loop3A_849 : vector<1x1x16xf32> to vector<16xf32>
      %parallel_loop3A_851 = vector.shape_cast %parallel_loop3A_813 : vector<16xf32> to vector<1x1x16xf32>
      tpu.vector_store %arg5[%parallel_loop3A_846, %parallel_loop3A_847, %parallel_loop3A_848], %parallel_loop3A_851 {add = true, strides = array<i32>} : memref<2x32x1024xf32, #tpu.memory_space<vmem>>, vector<1x1x16xf32>,
    } {sc.loop_unroll_factor = 8 : i64, sc.parallel_access}
    %barrier3A_300 = arith.constant 0 : index
    tpu.barrier barrier_id(%barrier3A_300)
    %add3A_301 = arith.constant 16 : i32
    %add3A_302 = arith.addi %mul3A_2, %add3A_301 : i32
    %mul3A_303 = arith.constant 4 : i32
    %mul3A_304 = arith.muli %add3A_302, %mul3A_303 : i32
    %dma_start3A_305 = arith.constant 0 : i32
    %dma_start3A_306 = arith.constant 0 : i32
    %dma_start3A_307 = arith.constant 0 : i32
    %dma_start3A_308 = tpu.memref_slice %arg5[%dma_start3A_305, %dma_start3A_306, %dma_start3A_307] : memref<2x32x1024xf32, #tpu.memory_space<vmem>> -> memref<1x32x1024xf32, #tpu.memory_space<vmem>>
    %dma_start3A_309 = tpu.memref_squeeze %dma_start3A_308 : memref<1x32x1024xf32, #tpu.memory_space<vmem>> -> memref<32x1024xf32, #tpu.memory_space<vmem>>
    %dma_start3A_310 = tpu.memref_reshape %arg4 : memref<2048x4x1024xf32, #tpu.memory_space<hbm>> -> memref<8192x1024xf32, #tpu.memory_space<hbm>>
    %dma_start3A_311 = arith.constant 0 : i32
    %dma_start3A_312 = tpu.memref_slice %dma_start3A_310[%mul3A_304, %dma_start3A_311] : memref<8192x1024xf32, #tpu.memory_space<hbm>> -> memref<32x1024xf32, #tpu.memory_space<hbm>>
    %dma_start3A_313 = tpu.memref_reshape %arg4 : memref<2048x4x1024xf32, #tpu.memory_space<hbm>> -> memref<8192x1024xf32, #tpu.memory_space<hbm>>
    %dma_start3A_314 = arith.constant 0 : i32
    %dma_start3A_315 = tpu.memref_slice %dma_start3A_313[%mul3A_304, %dma_start3A_314] : memref<8192x1024xf32, #tpu.memory_space<hbm>> -> memref<32x1024xf32, #tpu.memory_space<hbm>>
    %dma_start3A_316 = arith.constant 0 : i32
    %dma_start3A_317 = arith.constant 0 : i32
    %dma_start3A_318 = tpu.memref_slice %arg5[%dma_start3A_305, %dma_start3A_316, %dma_start3A_317] : memref<2x32x1024xf32, #tpu.memory_space<vmem>> -> memref<1x32x1024xf32, #tpu.memory_space<vmem>>
    %dma_start3A_319 = tpu.memref_squeeze %dma_start3A_318 : memref<1x32x1024xf32, #tpu.memory_space<vmem>> -> memref<32x1024xf32, #tpu.memory_space<vmem>>
    tpu.enqueue_dma source(%dma_start3A_319 : memref<32x1024xf32, #tpu.memory_space<vmem>>) target(%dma_start3A_315 : memref<32x1024xf32, #tpu.memory_space<hbm>>) target_semaphore(%arg11 : memref<!tpu.dma_semaphore, #tpu.memory_space<semaphore_mem>>)
    %dma_wait3A_320 = arith.constant 0 : i32
    %dma_wait3A_321 = arith.constant 0 : i32
    %dma_wait3A_322 = arith.constant 0 : i32
    %dma_wait3A_323 = tpu.memref_slice %arg5[%dma_wait3A_320, %dma_wait3A_321, %dma_wait3A_322] : memref<2x32x1024xf32, #tpu.memory_space<vmem>> -> memref<1x32x1024xf32, #tpu.memory_space<vmem>>
    %dma_wait3A_324 = tpu.memref_squeeze %dma_wait3A_323 : memref<1x32x1024xf32, #tpu.memory_space<vmem>> -> memref<32x1024xf32, #tpu.memory_space<vmem>>
    %dma_wait3A_325 = tpu.memref_reshape %arg4 : memref<2048x4x1024xf32, #tpu.memory_space<hbm>> -> memref<8192x1024xf32, #tpu.memory_space<hbm>>
    %dma_wait3A_326 = arith.constant 0 : i32
    %dma_wait3A_327 = tpu.memref_slice %dma_wait3A_325[%mul3A_304, %dma_wait3A_326] : memref<8192x1024xf32, #tpu.memory_space<hbm>> -> memref<32x1024xf32, #tpu.memory_space<hbm>>
    %dma_wait3A_328 = tpu.memref_reshape %arg4 : memref<2048x4x1024xf32, #tpu.memory_space<hbm>> -> memref<8192x1024xf32, #tpu.memory_space<hbm>>
    %dma_wait3A_329 = arith.constant 0 : i32
    %dma_wait3A_330 = tpu.memref_slice %dma_wait3A_328[%mul3A_304, %dma_wait3A_329] : memref<8192x1024xf32, #tpu.memory_space<hbm>> -> memref<32x1024xf32, #tpu.memory_space<hbm>>
    %dma_wait3A_331 = arith.constant 0 : i32
    %dma_wait3A_332 = arith.constant 0 : i32
    %dma_wait3A_333 = tpu.memref_slice %arg5[%dma_wait3A_320, %dma_wait3A_331, %dma_wait3A_332] : memref<2x32x1024xf32, #tpu.memory_space<vmem>> -> memref<1x32x1024xf32, #tpu.memory_space<vmem>>
    %dma_wait3A_334 = tpu.memref_squeeze %dma_wait3A_333 : memref<1x32x1024xf32, #tpu.memory_space<vmem>> -> memref<32x1024xf32, #tpu.memory_space<vmem>>
    tpu.wait_dma2 semaphore(%arg11 : memref<!tpu.dma_semaphore, #tpu.memory_space<semaphore_mem>>) src(%dma_wait3A_334 : memref<32x1024xf32, #tpu.memory_space<vmem>>) dst(%dma_wait3A_330 : memref<32x1024xf32, #tpu.memory_space<hbm>>)
    %add3A_335 = arith.constant 32 : i32
    %add3A_336 = arith.addi %mul3A_2, %add3A_335 : i32
    %mul3A_337 = arith.constant 4 : i32
    %mul3A_338 = arith.muli %add3A_336, %mul3A_337 : i32
    %dma_start3A_339 = arith.constant 0 : i32
    %dma_start3A_340 = arith.constant 0 : i32
    %dma_start3A_341 = arith.constant 0 : i32
    %dma_start3A_342 = tpu.memref_slice %arg5[%dma_start3A_339, %dma_start3A_340, %dma_start3A_341] : memref<2x32x1024xf32, #tpu.memory_space<vmem>> -> memref<1x32x1024xf32, #tpu.memory_space<vmem>>
    %dma_start3A_343 = tpu.memref_squeeze %dma_start3A_342 : memref<1x32x1024xf32, #tpu.memory_space<vmem>> -> memref<32x1024xf32, #tpu.memory_space<vmem>>
    %dma_start3A_344 = tpu.memref_reshape %arg2 : memref<2048x4x1024xf32, #tpu.memory_space<hbm>> -> memref<8192x1024xf32, #tpu.memory_space<hbm>>
    %dma_start3A_345 = arith.constant 0 : i32
    %dma_start3A_346 = tpu.memref_slice %dma_start3A_344[%mul3A_338, %dma_start3A_345] : memref<8192x1024xf32, #tpu.memory_space<hbm>> -> memref<32x1024xf32, #tpu.memory_space<hbm>>
    %dma_start3A_347 = arith.constant 0 : i32
    %dma_start3A_348 = arith.constant 0 : i32
    %dma_start3A_349 = tpu.memref_slice %arg5[%dma_start3A_339, %dma_start3A_347, %dma_start3A_348] : memref<2x32x1024xf32, #tpu.memory_space<vmem>> -> memref<1x32x1024xf32, #tpu.memory_space<vmem>>
    %dma_start3A_350 = tpu.memref_squeeze %dma_start3A_349 : memref<1x32x1024xf32, #tpu.memory_space<vmem>> -> memref<32x1024xf32, #tpu.memory_space<vmem>>
    %dma_start3A_351 = tpu.memref_reshape %arg2 : memref<2048x4x1024xf32, #tpu.memory_space<hbm>> -> memref<8192x1024xf32, #tpu.memory_space<hbm>>
    %dma_start3A_352 = arith.constant 0 : i32
    %dma_start3A_353 = tpu.memref_slice %dma_start3A_351[%mul3A_338, %dma_start3A_352] : memref<8192x1024xf32, #tpu.memory_space<hbm>> -> memref<32x1024xf32, #tpu.memory_space<hbm>>
    tpu.enqueue_dma source(%dma_start3A_353 : memref<32x1024xf32, #tpu.memory_space<hbm>>) target(%dma_start3A_350 : memref<32x1024xf32, #tpu.memory_space<vmem>>) target_semaphore(%arg7 : memref<!tpu.dma_semaphore, #tpu.memory_space<semaphore_mem>>)
    %add3A_354 = arith.constant 32 : i32
    %add3A_355 = arith.addi %mul3A_4, %add3A_354 : i32
    %dma_start3A_356 = arith.constant 0 : i32
    %dma_start3A_357 = arith.constant 0 : i32
    %dma_start3A_358 = arith.constant 0 : i32
    %dma_start3A_359 = tpu.memref_slice %arg6[%dma_start3A_356, %dma_start3A_357, %dma_start3A_358] : memref<2x8x1024xf32, #tpu.memory_space<vmem>> -> memref<1x8x1024xf32, #tpu.memory_space<vmem>>
    %dma_start3A_360 = tpu.memref_squeeze %dma_start3A_359 : memref<1x8x1024xf32, #tpu.memory_space<vmem>> -> memref<8x1024xf32, #tpu.memory_space<vmem>>
    %dma_start3A_361 = arith.constant 0 : i32
    %dma_start3A_362 = tpu.memref_slice %arg3[%add3A_355, %dma_start3A_361] : memref<2048x1024xf32, #tpu.memory_space<hbm>> -> memref<8x1024xf32, #tpu.memory_space<hbm>>
    %dma_start3A_363 = arith.constant 0 : i32
    %dma_start3A_364 = arith.constant 0 : i32
    %dma_start3A_365 = tpu.memref_slice %arg6[%dma_start3A_356, %dma_start3A_363, %dma_start3A_364] : memref<2x8x1024xf32, #tpu.memory_space<vmem>> -> memref<1x8x1024xf32, #tpu.memory_space<vmem>>
    %dma_start3A_366 = tpu.memref_squeeze %dma_start3A_365 : memref<1x8x1024xf32, #tpu.memory_space<vmem>> -> memref<8x1024xf32, #tpu.memory_space<vmem>>
    %dma_start3A_367 = arith.constant 0 : i32
    %dma_start3A_368 = tpu.memref_slice %arg3[%add3A_355, %dma_start3A_367] : memref<2048x1024xf32, #tpu.memory_space<hbm>> -> memref<8x1024xf32, #tpu.memory_space<hbm>>
    tpu.enqueue_dma source(%dma_start3A_368 : memref<8x1024xf32, #tpu.memory_space<hbm>>) target(%dma_start3A_366 : memref<8x1024xf32, #tpu.memory_space<vmem>>) target_semaphore(%arg9 : memref<!tpu.dma_semaphore, #tpu.memory_space<semaphore_mem>>)
    %dma_wait3A_369 = arith.constant 1 : i32
    %dma_wait3A_370 = arith.constant 0 : i32
    %dma_wait3A_371 = arith.constant 0 : i32
    %dma_wait3A_372 = tpu.memref_slice %arg5[%dma_wait3A_369, %dma_wait3A_370, %dma_wait3A_371] : memref<2x32x1024xf32, #tpu.memory_space<vmem>> -> memref<1x32x1024xf32, #tpu.memory_space<vmem>>
    %dma_wait3A_373 = tpu.memref_squeeze %dma_wait3A_372 : memref<1x32x1024xf32, #tpu.memory_space<vmem>> -> memref<32x1024xf32, #tpu.memory_space<vmem>>
    %dma_wait3A_374 = tpu.memref_reshape %arg2 : memref<2048x4x1024xf32, #tpu.memory_space<hbm>> -> memref<8192x1024xf32, #tpu.memory_space<hbm>>
    %dma_wait3A_375 = arith.constant 0 : i32
    %dma_wait3A_376 = tpu.memref_slice %dma_wait3A_374[%mul3A_238, %dma_wait3A_375] : memref<8192x1024xf32, #tpu.memory_space<hbm>> -> memref<32x1024xf32, #tpu.memory_space<hbm>>
    %dma_wait3A_377 = arith.constant 0 : i32
    %dma_wait3A_378 = arith.constant 0 : i32
    %dma_wait3A_379 = tpu.memref_slice %arg5[%dma_wait3A_369, %dma_wait3A_377, %dma_wait3A_378] : memref<2x32x1024xf32, #tpu.memory_space<vmem>> -> memref<1x32x1024xf32, #tpu.memory_space<vmem>>
    %dma_wait3A_380 = tpu.memref_squeeze %dma_wait3A_379 : memref<1x32x1024xf32, #tpu.memory_space<vmem>> -> memref<32x1024xf32, #tpu.memory_space<vmem>>
    %dma_wait3A_381 = tpu.memref_reshape %arg2 : memref<2048x4x1024xf32, #tpu.memory_space<hbm>> -> memref<8192x1024xf32, #tpu.memory_space<hbm>>
    %dma_wait3A_382 = arith.constant 0 : i32
    %dma_wait3A_383 = tpu.memref_slice %dma_wait3A_381[%mul3A_238, %dma_wait3A_382] : memref<8192x1024xf32, #tpu.memory_space<hbm>> -> memref<32x1024xf32, #tpu.memory_space<hbm>>
    tpu.wait_dma2 semaphore(%arg8 : memref<!tpu.dma_semaphore, #tpu.memory_space<semaphore_mem>>) src(%dma_wait3A_383 : memref<32x1024xf32, #tpu.memory_space<hbm>>) dst(%dma_wait3A_380 : memref<32x1024xf32, #tpu.memory_space<vmem>>)
    %dma_wait3A_384 = arith.constant 1 : i32
    %dma_wait3A_385 = arith.constant 0 : i32
    %dma_wait3A_386 = arith.constant 0 : i32
    %dma_wait3A_387 = tpu.memref_slice %arg6[%dma_wait3A_384, %dma_wait3A_385, %dma_wait3A_386] : memref<2x8x1024xf32, #tpu.memory_space<vmem>> -> memref<1x8x1024xf32, #tpu.memory_space<vmem>>
    %dma_wait3A_388 = tpu.memref_squeeze %dma_wait3A_387 : memref<1x8x1024xf32, #tpu.memory_space<vmem>> -> memref<8x1024xf32, #tpu.memory_space<vmem>>
    %dma_wait3A_389 = arith.constant 0 : i32
    %dma_wait3A_390 = tpu.memref_slice %arg3[%add3A_255, %dma_wait3A_389] : memref<2048x1024xf32, #tpu.memory_space<hbm>> -> memref<8x1024xf32, #tpu.memory_space<hbm>>
    %dma_wait3A_391 = arith.constant 0 : i32
    %dma_wait3A_392 = arith.constant 0 : i32
    %dma_wait3A_393 = tpu.memref_slice %arg6[%dma_wait3A_384, %dma_wait3A_391, %dma_wait3A_392] : memref<2x8x1024xf32, #tpu.memory_space<vmem>> -> memref<1x8x1024xf32, #tpu.memory_space<vmem>>
    %dma_wait3A_394 = tpu.memref_squeeze %dma_wait3A_393 : memref<1x8x1024xf32, #tpu.memory_space<vmem>> -> memref<8x1024xf32, #tpu.memory_space<vmem>>
    %dma_wait3A_395 = arith.constant 0 : i32
    %dma_wait3A_396 = tpu.memref_slice %arg3[%add3A_255, %dma_wait3A_395] : memref<2048x1024xf32, #tpu.memory_space<hbm>> -> memref<8x1024xf32, #tpu.memory_space<hbm>>
    tpu.wait_dma2 semaphore(%arg10 : memref<!tpu.dma_semaphore, #tpu.memory_space<semaphore_mem>>) src(%dma_wait3A_396 : memref<8x1024xf32, #tpu.memory_space<hbm>>) dst(%dma_wait3A_394 : memref<8x1024xf32, #tpu.memory_space<vmem>>)
    %parallel_loop3A_397 = arith.constant 0 : i32
    %parallel_loop3A_398 = arith.constant 8192 : i32
    %parallel_loop3A_399 = arith.constant 16 : i32
    scf.for %parallel_loop3A_801 = %parallel_loop3A_397 to %parallel_loop3A_398 step %parallel_loop3A_399  : i32 {
      %parallel_loop3A_802 = tpu.assume_multiple %parallel_loop3A_801, 16 : i32
      %parallel_loop3A_803 = arith.constant 10 : i32
      %parallel_loop3A_804 = arith.shrsi %parallel_loop3A_802, %parallel_loop3A_803 : i32
      %parallel_loop3A_805 = arith.constant 1023 : i32
      %parallel_loop3A_806 = arith.andi %parallel_loop3A_802, %parallel_loop3A_805 : i32
      %parallel_loop3A_807 = tpu.assume_multiple %parallel_loop3A_806, 16 : i32
      %parallel_loop3A_808 = arith.constant 1 : i32
      %parallel_loop3A_809 = arith.index_cast %parallel_loop3A_808 : i32 to index
      %parallel_loop3A_810 = arith.index_cast %parallel_loop3A_804 : i32 to index
      %parallel_loop3A_811 = arith.index_cast %parallel_loop3A_807 : i32 to index
      %parallel_loop3A_812 = tpu.vector_load %arg6[%parallel_loop3A_809, %parallel_loop3A_810, %parallel_loop3A_811] {strides = array<i32>} : memref<2x8x1024xf32, #tpu.memory_space<vmem>>, vector<1x1x16xf32>,
      %parallel_loop3A_813 = vector.shape_cast %parallel_loop3A_812 : vector<1x1x16xf32> to vector<16xf32>
      %parallel_loop3A_814 = arith.constant 2 : i32
      %parallel_loop3A_815 = arith.shli %parallel_loop3A_804, %parallel_loop3A_814 : i32
      %parallel_loop3A_816 = arith.constant 0 : i32
      %parallel_loop3A_817 = arith.addi %parallel_loop3A_815, %parallel_loop3A_816 : i32
      %parallel_loop3A_818 = arith.constant 1 : i32
      %parallel_loop3A_819 = arith.index_cast %parallel_loop3A_818 : i32 to index
      %parallel_loop3A_820 = arith.index_cast %parallel_loop3A_817 : i32 to index
      %parallel_loop3A_821 = arith.index_cast %parallel_loop3A_807 : i32 to index
      %parallel_loop3A_822 = tpu.vector_load %arg5[%parallel_loop3A_819, %parallel_loop3A_820, %parallel_loop3A_821] {strides = array<i32>} : memref<2x32x1024xf32, #tpu.memory_space<vmem>>, vector<1x1x16xf32>,
      %parallel_loop3A_823 = vector.shape_cast %parallel_loop3A_822 : vector<1x1x16xf32> to vector<16xf32>
      %parallel_loop3A_824 = vector.shape_cast %parallel_loop3A_813 : vector<16xf32> to vector<1x1x16xf32>
      tpu.vector_store %arg5[%parallel_loop3A_819, %parallel_loop3A_820, %parallel_loop3A_821], %parallel_loop3A_824 {add = true, strides = array<i32>} : memref<2x32x1024xf32, #tpu.memory_space<vmem>>, vector<1x1x16xf32>,
      %parallel_loop3A_825 = arith.constant 1 : i32
      %parallel_loop3A_826 = arith.addi %parallel_loop3A_815, %parallel_loop3A_825 : i32
      %parallel_loop3A_827 = arith.constant 1 : i32
      %parallel_loop3A_828 = arith.index_cast %parallel_loop3A_827 : i32 to index
      %parallel_loop3A_829 = arith.index_cast %parallel_loop3A_826 : i32 to index
      %parallel_loop3A_830 = arith.index_cast %parallel_loop3A_807 : i32 to index
      %parallel_loop3A_831 = tpu.vector_load %arg5[%parallel_loop3A_828, %parallel_loop3A_829, %parallel_loop3A_830] {strides = array<i32>} : memref<2x32x1024xf32, #tpu.memory_space<vmem>>, vector<1x1x16xf32>,
      %parallel_loop3A_832 = vector.shape_cast %parallel_loop3A_831 : vector<1x1x16xf32> to vector<16xf32>
      %parallel_loop3A_833 = vector.shape_cast %parallel_loop3A_813 : vector<16xf32> to vector<1x1x16xf32>
      tpu.vector_store %arg5[%parallel_loop3A_828, %parallel_loop3A_829, %parallel_loop3A_830], %parallel_loop3A_833 {add = true, strides = array<i32>} : memref<2x32x1024xf32, #tpu.memory_space<vmem>>, vector<1x1x16xf32>,
      %parallel_loop3A_834 = arith.constant 2 : i32
      %parallel_loop3A_835 = arith.addi %parallel_loop3A_815, %parallel_loop3A_834 : i32
      %parallel_loop3A_836 = arith.constant 1 : i32
      %parallel_loop3A_837 = arith.index_cast %parallel_loop3A_836 : i32 to index
      %parallel_loop3A_838 = arith.index_cast %parallel_loop3A_835 : i32 to index
      %parallel_loop3A_839 = arith.index_cast %parallel_loop3A_807 : i32 to index
      %parallel_loop3A_840 = tpu.vector_load %arg5[%parallel_loop3A_837, %parallel_loop3A_838, %parallel_loop3A_839] {strides = array<i32>} : memref<2x32x1024xf32, #tpu.memory_space<vmem>>, vector<1x1x16xf32>,
      %parallel_loop3A_841 = vector.shape_cast %parallel_loop3A_840 : vector<1x1x16xf32> to vector<16xf32>
      %parallel_loop3A_842 = vector.shape_cast %parallel_loop3A_813 : vector<16xf32> to vector<1x1x16xf32>
      tpu.vector_store %arg5[%parallel_loop3A_837, %parallel_loop3A_838, %parallel_loop3A_839], %parallel_loop3A_842 {add = true, strides = array<i32>} : memref<2x32x1024xf32, #tpu.memory_space<vmem>>, vector<1x1x16xf32>,
      %parallel_loop3A_843 = arith.constant 3 : i32
      %parallel_loop3A_844 = arith.addi %parallel_loop3A_815, %parallel_loop3A_843 : i32
      %parallel_loop3A_845 = arith.constant 1 : i32
      %parallel_loop3A_846 = arith.index_cast %parallel_loop3A_845 : i32 to index
      %parallel_loop3A_847 = arith.index_cast %parallel_loop3A_844 : i32 to index
      %parallel_loop3A_848 = arith.index_cast %parallel_loop3A_807 : i32 to index
      %parallel_loop3A_849 = tpu.vector_load %arg5[%parallel_loop3A_846, %parallel_loop3A_847, %parallel_loop3A_848] {strides = array<i32>} : memref<2x32x1024xf32, #tpu.memory_space<vmem>>, vector<1x1x16xf32>,
      %parallel_loop3A_850 = vector.shape_cast %parallel_loop3A_849 : vector<1x1x16xf32> to vector<16xf32>
      %parallel_loop3A_851 = vector.shape_cast %parallel_loop3A_813 : vector<16xf32> to vector<1x1x16xf32>
      tpu.vector_store %arg5[%parallel_loop3A_846, %parallel_loop3A_847, %parallel_loop3A_848], %parallel_loop3A_851 {add = true, strides = array<i32>} : memref<2x32x1024xf32, #tpu.memory_space<vmem>>, vector<1x1x16xf32>,
    } {sc.loop_unroll_factor = 8 : i64, sc.parallel_access}
    %barrier3A_400 = arith.constant 0 : index
    tpu.barrier barrier_id(%barrier3A_400)
    %add3A_401 = arith.constant 24 : i32
    %add3A_402 = arith.addi %mul3A_2, %add3A_401 : i32
    %mul3A_403 = arith.constant 4 : i32
    %mul3A_404 = arith.muli %add3A_402, %mul3A_403 : i32
    %dma_start3A_405 = arith.constant 1 : i32
    %dma_start3A_406 = arith.constant 0 : i32
    %dma_start3A_407 = arith.constant 0 : i32
    %dma_start3A_408 = tpu.memref_slice %arg5[%dma_start3A_405, %dma_start3A_406, %dma_start3A_407] : memref<2x32x1024xf32, #tpu.memory_space<vmem>> -> memref<1x32x1024xf32, #tpu.memory_space<vmem>>
    %dma_start3A_409 = tpu.memref_squeeze %dma_start3A_408 : memref<1x32x1024xf32, #tpu.memory_space<vmem>> -> memref<32x1024xf32, #tpu.memory_space<vmem>>
    %dma_start3A_410 = tpu.memref_reshape %arg4 : memref<2048x4x1024xf32, #tpu.memory_space<hbm>> -> memref<8192x1024xf32, #tpu.memory_space<hbm>>
    %dma_start3A_411 = arith.constant 0 : i32
    %dma_start3A_412 = tpu.memref_slice %dma_start3A_410[%mul3A_404, %dma_start3A_411] : memref<8192x1024xf32, #tpu.memory_space<hbm>> -> memref<32x1024xf32, #tpu.memory_space<hbm>>
    %dma_start3A_413 = tpu.memref_reshape %arg4 : memref<2048x4x1024xf32, #tpu.memory_space<hbm>> -> memref<8192x1024xf32, #tpu.memory_space<hbm>>
    %dma_start3A_414 = arith.constant 0 : i32
    %dma_start3A_415 = tpu.memref_slice %dma_start3A_413[%mul3A_404, %dma_start3A_414] : memref<8192x1024xf32, #tpu.memory_space<hbm>> -> memref<32x1024xf32, #tpu.memory_space<hbm>>
    %dma_start3A_416 = arith.constant 0 : i32
    %dma_start3A_417 = arith.constant 0 : i32
    %dma_start3A_418 = tpu.memref_slice %arg5[%dma_start3A_405, %dma_start3A_416, %dma_start3A_417] : memref<2x32x1024xf32, #tpu.memory_space<vmem>> -> memref<1x32x1024xf32, #tpu.memory_space<vmem>>
    %dma_start3A_419 = tpu.memref_squeeze %dma_start3A_418 : memref<1x32x1024xf32, #tpu.memory_space<vmem>> -> memref<32x1024xf32, #tpu.memory_space<vmem>>
    tpu.enqueue_dma source(%dma_start3A_419 : memref<32x1024xf32, #tpu.memory_space<vmem>>) target(%dma_start3A_415 : memref<32x1024xf32, #tpu.memory_space<hbm>>) target_semaphore(%arg12 : memref<!tpu.dma_semaphore, #tpu.memory_space<semaphore_mem>>)
    %dma_wait3A_420 = arith.constant 1 : i32
    %dma_wait3A_421 = arith.constant 0 : i32
    %dma_wait3A_422 = arith.constant 0 : i32
    %dma_wait3A_423 = tpu.memref_slice %arg5[%dma_wait3A_420, %dma_wait3A_421, %dma_wait3A_422] : memref<2x32x1024xf32, #tpu.memory_space<vmem>> -> memref<1x32x1024xf32, #tpu.memory_space<vmem>>
    %dma_wait3A_424 = tpu.memref_squeeze %dma_wait3A_423 : memref<1x32x1024xf32, #tpu.memory_space<vmem>> -> memref<32x1024xf32, #tpu.memory_space<vmem>>
    %dma_wait3A_425 = tpu.memref_reshape %arg4 : memref<2048x4x1024xf32, #tpu.memory_space<hbm>> -> memref<8192x1024xf32, #tpu.memory_space<hbm>>
    %dma_wait3A_426 = arith.constant 0 : i32
    %dma_wait3A_427 = tpu.memref_slice %dma_wait3A_425[%mul3A_404, %dma_wait3A_426] : memref<8192x1024xf32, #tpu.memory_space<hbm>> -> memref<32x1024xf32, #tpu.memory_space<hbm>>
    %dma_wait3A_428 = tpu.memref_reshape %arg4 : memref<2048x4x1024xf32, #tpu.memory_space<hbm>> -> memref<8192x1024xf32, #tpu.memory_space<hbm>>
    %dma_wait3A_429 = arith.constant 0 : i32
    %dma_wait3A_430 = tpu.memref_slice %dma_wait3A_428[%mul3A_404, %dma_wait3A_429] : memref<8192x1024xf32, #tpu.memory_space<hbm>> -> memref<32x1024xf32, #tpu.memory_space<hbm>>
    %dma_wait3A_431 = arith.constant 0 : i32
    %dma_wait3A_432 = arith.constant 0 : i32
    %dma_wait3A_433 = tpu.memref_slice %arg5[%dma_wait3A_420, %dma_wait3A_431, %dma_wait3A_432] : memref<2x32x1024xf32, #tpu.memory_space<vmem>> -> memref<1x32x1024xf32, #tpu.memory_space<vmem>>
    %dma_wait3A_434 = tpu.memref_squeeze %dma_wait3A_433 : memref<1x32x1024xf32, #tpu.memory_space<vmem>> -> memref<32x1024xf32, #tpu.memory_space<vmem>>
    tpu.wait_dma2 semaphore(%arg12 : memref<!tpu.dma_semaphore, #tpu.memory_space<semaphore_mem>>) src(%dma_wait3A_434 : memref<32x1024xf32, #tpu.memory_space<vmem>>) dst(%dma_wait3A_430 : memref<32x1024xf32, #tpu.memory_space<hbm>>)
    %add3A_435 = arith.constant 40 : i32
    %add3A_436 = arith.addi %mul3A_2, %add3A_435 : i32
    %mul3A_437 = arith.constant 4 : i32
    %mul3A_438 = arith.muli %add3A_436, %mul3A_437 : i32
    %dma_start3A_439 = arith.constant 1 : i32
    %dma_start3A_440 = arith.constant 0 : i32
    %dma_start3A_441 = arith.constant 0 : i32
    %dma_start3A_442 = tpu.memref_slice %arg5[%dma_start3A_439, %dma_start3A_440, %dma_start3A_441] : memref<2x32x1024xf32, #tpu.memory_space<vmem>> -> memref<1x32x1024xf32, #tpu.memory_space<vmem>>
    %dma_start3A_443 = tpu.memref_squeeze %dma_start3A_442 : memref<1x32x1024xf32, #tpu.memory_space<vmem>> -> memref<32x1024xf32, #tpu.memory_space<vmem>>
    %dma_start3A_444 = tpu.memref_reshape %arg2 : memref<2048x4x1024xf32, #tpu.memory_space<hbm>> -> memref<8192x1024xf32, #tpu.memory_space<hbm>>
    %dma_start3A_445 = arith.constant 0 : i32
    %dma_start3A_446 = tpu.memref_slice %dma_start3A_444[%mul3A_438, %dma_start3A_445] : memref<8192x1024xf32, #tpu.memory_space<hbm>> -> memref<32x1024xf32, #tpu.memory_space<hbm>>
    %dma_start3A_447 = arith.constant 0 : i32
    %dma_start3A_448 = arith.constant 0 : i32
    %dma_start3A_449 = tpu.memref_slice %arg5[%dma_start3A_439, %dma_start3A_447, %dma_start3A_448] : memref<2x32x1024xf32, #tpu.memory_space<vmem>> -> memref<1x32x1024xf32, #tpu.memory_space<vmem>>
    %dma_start3A_450 = tpu.memref_squeeze %dma_start3A_449 : memref<1x32x1024xf32, #tpu.memory_space<vmem>> -> memref<32x1024xf32, #tpu.memory_space<vmem>>
    %dma_start3A_451 = tpu.memref_reshape %arg2 : memref<2048x4x1024xf32, #tpu.memory_space<hbm>> -> memref<8192x1024xf32, #tpu.memory_space<hbm>>
    %dma_start3A_452 = arith.constant 0 : i32
    %dma_start3A_453 = tpu.memref_slice %dma_start3A_451[%mul3A_438, %dma_start3A_452] : memref<8192x1024xf32, #tpu.memory_space<hbm>> -> memref<32x1024xf32, #tpu.memory_space<hbm>>
    tpu.enqueue_dma source(%dma_start3A_453 : memref<32x1024xf32, #tpu.memory_space<hbm>>) target(%dma_start3A_450 : memref<32x1024xf32, #tpu.memory_space<vmem>>) target_semaphore(%arg8 : memref<!tpu.dma_semaphore, #tpu.memory_space<semaphore_mem>>)
    %add3A_454 = arith.constant 40 : i32
    %add3A_455 = arith.addi %mul3A_4, %add3A_454 : i32
    %dma_start3A_456 = arith.constant 1 : i32
    %dma_start3A_457 = arith.constant 0 : i32
    %dma_start3A_458 = arith.constant 0 : i32
    %dma_start3A_459 = tpu.memref_slice %arg6[%dma_start3A_456, %dma_start3A_457, %dma_start3A_458] : memref<2x8x1024xf32, #tpu.memory_space<vmem>> -> memref<1x8x1024xf32, #tpu.memory_space<vmem>>
    %dma_start3A_460 = tpu.memref_squeeze %dma_start3A_459 : memref<1x8x1024xf32, #tpu.memory_space<vmem>> -> memref<8x1024xf32, #tpu.memory_space<vmem>>
    %dma_start3A_461 = arith.constant 0 : i32
    %dma_start3A_462 = tpu.memref_slice %arg3[%add3A_455, %dma_start3A_461] : memref<2048x1024xf32, #tpu.memory_space<hbm>> -> memref<8x1024xf32, #tpu.memory_space<hbm>>
    %dma_start3A_463 = arith.constant 0 : i32
    %dma_start3A_464 = arith.constant 0 : i32
    %dma_start3A_465 = tpu.memref_slice %arg6[%dma_start3A_456, %dma_start3A_463, %dma_start3A_464] : memref<2x8x1024xf32, #tpu.memory_space<vmem>> -> memref<1x8x1024xf32, #tpu.memory_space<vmem>>
    %dma_start3A_466 = tpu.memref_squeeze %dma_start3A_465 : memref<1x8x1024xf32, #tpu.memory_space<vmem>> -> memref<8x1024xf32, #tpu.memory_space<vmem>>
    %dma_start3A_467 = arith.constant 0 : i32
    %dma_start3A_468 = tpu.memref_slice %arg3[%add3A_455, %dma_start3A_467] : memref<2048x1024xf32, #tpu.memory_space<hbm>> -> memref<8x1024xf32, #tpu.memory_space<hbm>>
    tpu.enqueue_dma source(%dma_start3A_468 : memref<8x1024xf32, #tpu.memory_space<hbm>>) target(%dma_start3A_466 : memref<8x1024xf32, #tpu.memory_space<vmem>>) target_semaphore(%arg10 : memref<!tpu.dma_semaphore, #tpu.memory_space<semaphore_mem>>)
    %dma_wait3A_469 = arith.constant 0 : i32
    %dma_wait3A_470 = arith.constant 0 : i32
    %dma_wait3A_471 = arith.constant 0 : i32
    %dma_wait3A_472 = tpu.memref_slice %arg5[%dma_wait3A_469, %dma_wait3A_470, %dma_wait3A_471] : memref<2x32x1024xf32, #tpu.memory_space<vmem>> -> memref<1x32x1024xf32, #tpu.memory_space<vmem>>
    %dma_wait3A_473 = tpu.memref_squeeze %dma_wait3A_472 : memref<1x32x1024xf32, #tpu.memory_space<vmem>> -> memref<32x1024xf32, #tpu.memory_space<vmem>>
    %dma_wait3A_474 = tpu.memref_reshape %arg2 : memref<2048x4x1024xf32, #tpu.memory_space<hbm>> -> memref<8192x1024xf32, #tpu.memory_space<hbm>>
    %dma_wait3A_475 = arith.constant 0 : i32
    %dma_wait3A_476 = tpu.memref_slice %dma_wait3A_474[%mul3A_338, %dma_wait3A_475] : memref<8192x1024xf32, #tpu.memory_space<hbm>> -> memref<32x1024xf32, #tpu.memory_space<hbm>>
    %dma_wait3A_477 = arith.constant 0 : i32
    %dma_wait3A_478 = arith.constant 0 : i32
    %dma_wait3A_479 = tpu.memref_slice %arg5[%dma_wait3A_469, %dma_wait3A_477, %dma_wait3A_478] : memref<2x32x1024xf32, #tpu.memory_space<vmem>> -> memref<1x32x1024xf32, #tpu.memory_space<vmem>>
    %dma_wait3A_480 = tpu.memref_squeeze %dma_wait3A_479 : memref<1x32x1024xf32, #tpu.memory_space<vmem>> -> memref<32x1024xf32, #tpu.memory_space<vmem>>
    %dma_wait3A_481 = tpu.memref_reshape %arg2 : memref<2048x4x1024xf32, #tpu.memory_space<hbm>> -> memref<8192x1024xf32, #tpu.memory_space<hbm>>
    %dma_wait3A_482 = arith.constant 0 : i32
    %dma_wait3A_483 = tpu.memref_slice %dma_wait3A_481[%mul3A_338, %dma_wait3A_482] : memref<8192x1024xf32, #tpu.memory_space<hbm>> -> memref<32x1024xf32, #tpu.memory_space<hbm>>
    tpu.wait_dma2 semaphore(%arg7 : memref<!tpu.dma_semaphore, #tpu.memory_space<semaphore_mem>>) src(%dma_wait3A_483 : memref<32x1024xf32, #tpu.memory_space<hbm>>) dst(%dma_wait3A_480 : memref<32x1024xf32, #tpu.memory_space<vmem>>)
    %dma_wait3A_484 = arith.constant 0 : i32
    %dma_wait3A_485 = arith.constant 0 : i32
    %dma_wait3A_486 = arith.constant 0 : i32
    %dma_wait3A_487 = tpu.memref_slice %arg6[%dma_wait3A_484, %dma_wait3A_485, %dma_wait3A_486] : memref<2x8x1024xf32, #tpu.memory_space<vmem>> -> memref<1x8x1024xf32, #tpu.memory_space<vmem>>
    %dma_wait3A_488 = tpu.memref_squeeze %dma_wait3A_487 : memref<1x8x1024xf32, #tpu.memory_space<vmem>> -> memref<8x1024xf32, #tpu.memory_space<vmem>>
    %dma_wait3A_489 = arith.constant 0 : i32
    %dma_wait3A_490 = tpu.memref_slice %arg3[%add3A_355, %dma_wait3A_489] : memref<2048x1024xf32, #tpu.memory_space<hbm>> -> memref<8x1024xf32, #tpu.memory_space<hbm>>
    %dma_wait3A_491 = arith.constant 0 : i32
    %dma_wait3A_492 = arith.constant 0 : i32
    %dma_wait3A_493 = tpu.memref_slice %arg6[%dma_wait3A_484, %dma_wait3A_491, %dma_wait3A_492] : memref<2x8x1024xf32, #tpu.memory_space<vmem>> -> memref<1x8x1024xf32, #tpu.memory_space<vmem>>
    %dma_wait3A_494 = tpu.memref_squeeze %dma_wait3A_493 : memref<1x8x1024xf32, #tpu.memory_space<vmem>> -> memref<8x1024xf32, #tpu.memory_space<vmem>>
    %dma_wait3A_495 = arith.constant 0 : i32
    %dma_wait3A_496 = tpu.memref_slice %arg3[%add3A_355, %dma_wait3A_495] : memref<2048x1024xf32, #tpu.memory_space<hbm>> -> memref<8x1024xf32, #tpu.memory_space<hbm>>
    tpu.wait_dma2 semaphore(%arg9 : memref<!tpu.dma_semaphore, #tpu.memory_space<semaphore_mem>>) src(%dma_wait3A_496 : memref<8x1024xf32, #tpu.memory_space<hbm>>) dst(%dma_wait3A_494 : memref<8x1024xf32, #tpu.memory_space<vmem>>)
    %parallel_loop3A_497 = arith.constant 0 : i32
    %parallel_loop3A_498 = arith.constant 8192 : i32
    %parallel_loop3A_499 = arith.constant 16 : i32
    scf.for %parallel_loop3A_801 = %parallel_loop3A_497 to %parallel_loop3A_498 step %parallel_loop3A_499  : i32 {
      %parallel_loop3A_802 = tpu.assume_multiple %parallel_loop3A_801, 16 : i32
      %parallel_loop3A_803 = arith.constant 10 : i32
      %parallel_loop3A_804 = arith.shrsi %parallel_loop3A_802, %parallel_loop3A_803 : i32
      %parallel_loop3A_805 = arith.constant 1023 : i32
      %parallel_loop3A_806 = arith.andi %parallel_loop3A_802, %parallel_loop3A_805 : i32
      %parallel_loop3A_807 = tpu.assume_multiple %parallel_loop3A_806, 16 : i32
      %parallel_loop3A_808 = arith.constant 0 : i32
      %parallel_loop3A_809 = arith.index_cast %parallel_loop3A_808 : i32 to index
      %parallel_loop3A_810 = arith.index_cast %parallel_loop3A_804 : i32 to index
      %parallel_loop3A_811 = arith.index_cast %parallel_loop3A_807 : i32 to index
      %parallel_loop3A_812 = tpu.vector_load %arg6[%parallel_loop3A_809, %parallel_loop3A_810, %parallel_loop3A_811] {strides = array<i32>} : memref<2x8x1024xf32, #tpu.memory_space<vmem>>, vector<1x1x16xf32>,
      %parallel_loop3A_813 = vector.shape_cast %parallel_loop3A_812 : vector<1x1x16xf32> to vector<16xf32>
      %parallel_loop3A_814 = arith.constant 2 : i32
      %parallel_loop3A_815 = arith.shli %parallel_loop3A_804, %parallel_loop3A_814 : i32
      %parallel_loop3A_816 = arith.constant 0 : i32
      %parallel_loop3A_817 = arith.addi %parallel_loop3A_815, %parallel_loop3A_816 : i32
      %parallel_loop3A_818 = arith.constant 0 : i32
      %parallel_loop3A_819 = arith.index_cast %parallel_loop3A_818 : i32 to index
      %parallel_loop3A_820 = arith.index_cast %parallel_loop3A_817 : i32 to index
      %parallel_loop3A_821 = arith.index_cast %parallel_loop3A_807 : i32 to index
      %parallel_loop3A_822 = tpu.vector_load %arg5[%parallel_loop3A_819, %parallel_loop3A_820, %parallel_loop3A_821] {strides = array<i32>} : memref<2x32x1024xf32, #tpu.memory_space<vmem>>, vector<1x1x16xf32>,
      %parallel_loop3A_823 = vector.shape_cast %parallel_loop3A_822 : vector<1x1x16xf32> to vector<16xf32>
      %parallel_loop3A_824 = vector.shape_cast %parallel_loop3A_813 : vector<16xf32> to vector<1x1x16xf32>
      tpu.vector_store %arg5[%parallel_loop3A_819, %parallel_loop3A_820, %parallel_loop3A_821], %parallel_loop3A_824 {add = true, strides = array<i32>} : memref<2x32x1024xf32, #tpu.memory_space<vmem>>, vector<1x1x16xf32>,
      %parallel_loop3A_825 = arith.constant 1 : i32
      %parallel_loop3A_826 = arith.addi %parallel_loop3A_815, %parallel_loop3A_825 : i32
      %parallel_loop3A_827 = arith.constant 0 : i32
      %parallel_loop3A_828 = arith.index_cast %parallel_loop3A_827 : i32 to index
      %parallel_loop3A_829 = arith.index_cast %parallel_loop3A_826 : i32 to index
      %parallel_loop3A_830 = arith.index_cast %parallel_loop3A_807 : i32 to index
      %parallel_loop3A_831 = tpu.vector_load %arg5[%parallel_loop3A_828, %parallel_loop3A_829, %parallel_loop3A_830] {strides = array<i32>} : memref<2x32x1024xf32, #tpu.memory_space<vmem>>, vector<1x1x16xf32>,
      %parallel_loop3A_832 = vector.shape_cast %parallel_loop3A_831 : vector<1x1x16xf32> to vector<16xf32>
      %parallel_loop3A_833 = vector.shape_cast %parallel_loop3A_813 : vector<16xf32> to vector<1x1x16xf32>
      tpu.vector_store %arg5[%parallel_loop3A_828, %parallel_loop3A_829, %parallel_loop3A_830], %parallel_loop3A_833 {add = true, strides = array<i32>} : memref<2x32x1024xf32, #tpu.memory_space<vmem>>, vector<1x1x16xf32>,
      %parallel_loop3A_834 = arith.constant 2 : i32
      %parallel_loop3A_835 = arith.addi %parallel_loop3A_815, %parallel_loop3A_834 : i32
      %parallel_loop3A_836 = arith.constant 0 : i32
      %parallel_loop3A_837 = arith.index_cast %parallel_loop3A_836 : i32 to index
      %parallel_loop3A_838 = arith.index_cast %parallel_loop3A_835 : i32 to index
      %parallel_loop3A_839 = arith.index_cast %parallel_loop3A_807 : i32 to index
      %parallel_loop3A_840 = tpu.vector_load %arg5[%parallel_loop3A_837, %parallel_loop3A_838, %parallel_loop3A_839] {strides = array<i32>} : memref<2x32x1024xf32, #tpu.memory_space<vmem>>, vector<1x1x16xf32>,
      %parallel_loop3A_841 = vector.shape_cast %parallel_loop3A_840 : vector<1x1x16xf32> to vector<16xf32>
      %parallel_loop3A_842 = vector.shape_cast %parallel_loop3A_813 : vector<16xf32> to vector<1x1x16xf32>
      tpu.vector_store %arg5[%parallel_loop3A_837, %parallel_loop3A_838, %parallel_loop3A_839], %parallel_loop3A_842 {add = true, strides = array<i32>} : memref<2x32x1024xf32, #tpu.memory_space<vmem>>, vector<1x1x16xf32>,
      %parallel_loop3A_843 = arith.constant 3 : i32
      %parallel_loop3A_844 = arith.addi %parallel_loop3A_815, %parallel_loop3A_843 : i32
      %parallel_loop3A_845 = arith.constant 0 : i32
      %parallel_loop3A_846 = arith.index_cast %parallel_loop3A_845 : i32 to index
      %parallel_loop3A_847 = arith.index_cast %parallel_loop3A_844 : i32 to index
      %parallel_loop3A_848 = arith.index_cast %parallel_loop3A_807 : i32 to index
      %parallel_loop3A_849 = tpu.vector_load %arg5[%parallel_loop3A_846, %parallel_loop3A_847, %parallel_loop3A_848] {strides = array<i32>} : memref<2x32x1024xf32, #tpu.memory_space<vmem>>, vector<1x1x16xf32>,
      %parallel_loop3A_850 = vector.shape_cast %parallel_loop3A_849 : vector<1x1x16xf32> to vector<16xf32>
      %parallel_loop3A_851 = vector.shape_cast %parallel_loop3A_813 : vector<16xf32> to vector<1x1x16xf32>
      tpu.vector_store %arg5[%parallel_loop3A_846, %parallel_loop3A_847, %parallel_loop3A_848], %parallel_loop3A_851 {add = true, strides = array<i32>} : memref<2x32x1024xf32, #tpu.memory_space<vmem>>, vector<1x1x16xf32>,
    } {sc.loop_unroll_factor = 8 : i64, sc.parallel_access}
    %barrier3A_500 = arith.constant 0 : index
    tpu.barrier barrier_id(%barrier3A_500)
    %add3A_501 = arith.constant 32 : i32
    %add3A_502 = arith.addi %mul3A_2, %add3A_501 : i32
    %mul3A_503 = arith.constant 4 : i32
    %mul3A_504 = arith.muli %add3A_502, %mul3A_503 : i32
    %dma_start3A_505 = arith.constant 0 : i32
    %dma_start3A_506 = arith.constant 0 : i32
    %dma_start3A_507 = arith.constant 0 : i32
    %dma_start3A_508 = tpu.memref_slice %arg5[%dma_start3A_505, %dma_start3A_506, %dma_start3A_507] : memref<2x32x1024xf32, #tpu.memory_space<vmem>> -> memref<1x32x1024xf32, #tpu.memory_space<vmem>>
    %dma_start3A_509 = tpu.memref_squeeze %dma_start3A_508 : memref<1x32x1024xf32, #tpu.memory_space<vmem>> -> memref<32x1024xf32, #tpu.memory_space<vmem>>
    %dma_start3A_510 = tpu.memref_reshape %arg4 : memref<2048x4x1024xf32, #tpu.memory_space<hbm>> -> memref<8192x1024xf32, #tpu.memory_space<hbm>>
    %dma_start3A_511 = arith.constant 0 : i32
    %dma_start3A_512 = tpu.memref_slice %dma_start3A_510[%mul3A_504, %dma_start3A_511] : memref<8192x1024xf32, #tpu.memory_space<hbm>> -> memref<32x1024xf32, #tpu.memory_space<hbm>>
    %dma_start3A_513 = tpu.memref_reshape %arg4 : memref<2048x4x1024xf32, #tpu.memory_space<hbm>> -> memref<8192x1024xf32, #tpu.memory_space<hbm>>
    %dma_start3A_514 = arith.constant 0 : i32
    %dma_start3A_515 = tpu.memref_slice %dma_start3A_513[%mul3A_504, %dma_start3A_514] : memref<8192x1024xf32, #tpu.memory_space<hbm>> -> memref<32x1024xf32, #tpu.memory_space<hbm>>
    %dma_start3A_516 = arith.constant 0 : i32
    %dma_start3A_517 = arith.constant 0 : i32
    %dma_start3A_518 = tpu.memref_slice %arg5[%dma_start3A_505, %dma_start3A_516, %dma_start3A_517] : memref<2x32x1024xf32, #tpu.memory_space<vmem>> -> memref<1x32x1024xf32, #tpu.memory_space<vmem>>
    %dma_start3A_519 = tpu.memref_squeeze %dma_start3A_518 : memref<1x32x1024xf32, #tpu.memory_space<vmem>> -> memref<32x1024xf32, #tpu.memory_space<vmem>>
    tpu.enqueue_dma source(%dma_start3A_519 : memref<32x1024xf32, #tpu.memory_space<vmem>>) target(%dma_start3A_515 : memref<32x1024xf32, #tpu.memory_space<hbm>>) target_semaphore(%arg11 : memref<!tpu.dma_semaphore, #tpu.memory_space<semaphore_mem>>)
    %dma_wait3A_520 = arith.constant 0 : i32
    %dma_wait3A_521 = arith.constant 0 : i32
    %dma_wait3A_522 = arith.constant 0 : i32
    %dma_wait3A_523 = tpu.memref_slice %arg5[%dma_wait3A_520, %dma_wait3A_521, %dma_wait3A_522] : memref<2x32x1024xf32, #tpu.memory_space<vmem>> -> memref<1x32x1024xf32, #tpu.memory_space<vmem>>
    %dma_wait3A_524 = tpu.memref_squeeze %dma_wait3A_523 : memref<1x32x1024xf32, #tpu.memory_space<vmem>> -> memref<32x1024xf32, #tpu.memory_space<vmem>>
    %dma_wait3A_525 = tpu.memref_reshape %arg4 : memref<2048x4x1024xf32, #tpu.memory_space<hbm>> -> memref<8192x1024xf32, #tpu.memory_space<hbm>>
    %dma_wait3A_526 = arith.constant 0 : i32
    %dma_wait3A_527 = tpu.memref_slice %dma_wait3A_525[%mul3A_504, %dma_wait3A_526] : memref<8192x1024xf32, #tpu.memory_space<hbm>> -> memref<32x1024xf32, #tpu.memory_space<hbm>>
    %dma_wait3A_528 = tpu.memref_reshape %arg4 : memref<2048x4x1024xf32, #tpu.memory_space<hbm>> -> memref<8192x1024xf32, #tpu.memory_space<hbm>>
    %dma_wait3A_529 = arith.constant 0 : i32
    %dma_wait3A_530 = tpu.memref_slice %dma_wait3A_528[%mul3A_504, %dma_wait3A_529] : memref<8192x1024xf32, #tpu.memory_space<hbm>> -> memref<32x1024xf32, #tpu.memory_space<hbm>>
    %dma_wait3A_531 = arith.constant 0 : i32
    %dma_wait3A_532 = arith.constant 0 : i32
    %dma_wait3A_533 = tpu.memref_slice %arg5[%dma_wait3A_520, %dma_wait3A_531, %dma_wait3A_532] : memref<2x32x1024xf32, #tpu.memory_space<vmem>> -> memref<1x32x1024xf32, #tpu.memory_space<vmem>>
    %dma_wait3A_534 = tpu.memref_squeeze %dma_wait3A_533 : memref<1x32x1024xf32, #tpu.memory_space<vmem>> -> memref<32x1024xf32, #tpu.memory_space<vmem>>
    tpu.wait_dma2 semaphore(%arg11 : memref<!tpu.dma_semaphore, #tpu.memory_space<semaphore_mem>>) src(%dma_wait3A_534 : memref<32x1024xf32, #tpu.memory_space<vmem>>) dst(%dma_wait3A_530 : memref<32x1024xf32, #tpu.memory_space<hbm>>)
    %add3A_535 = arith.constant 48 : i32
    %add3A_536 = arith.addi %mul3A_2, %add3A_535 : i32
    %mul3A_537 = arith.constant 4 : i32
    %mul3A_538 = arith.muli %add3A_536, %mul3A_537 : i32
    %dma_start3A_539 = arith.constant 0 : i32
    %dma_start3A_540 = arith.constant 0 : i32
    %dma_start3A_541 = arith.constant 0 : i32
    %dma_start3A_542 = tpu.memref_slice %arg5[%dma_start3A_539, %dma_start3A_540, %dma_start3A_541] : memref<2x32x1024xf32, #tpu.memory_space<vmem>> -> memref<1x32x1024xf32, #tpu.memory_space<vmem>>
    %dma_start3A_543 = tpu.memref_squeeze %dma_start3A_542 : memref<1x32x1024xf32, #tpu.memory_space<vmem>> -> memref<32x1024xf32, #tpu.memory_space<vmem>>
    %dma_start3A_544 = tpu.memref_reshape %arg2 : memref<2048x4x1024xf32, #tpu.memory_space<hbm>> -> memref<8192x1024xf32, #tpu.memory_space<hbm>>
    %dma_start3A_545 = arith.constant 0 : i32
    %dma_start3A_546 = tpu.memref_slice %dma_start3A_544[%mul3A_538, %dma_start3A_545] : memref<8192x1024xf32, #tpu.memory_space<hbm>> -> memref<32x1024xf32, #tpu.memory_space<hbm>>
    %dma_start3A_547 = arith.constant 0 : i32
    %dma_start3A_548 = arith.constant 0 : i32
    %dma_start3A_549 = tpu.memref_slice %arg5[%dma_start3A_539, %dma_start3A_547, %dma_start3A_548] : memref<2x32x1024xf32, #tpu.memory_space<vmem>> -> memref<1x32x1024xf32, #tpu.memory_space<vmem>>
    %dma_start3A_550 = tpu.memref_squeeze %dma_start3A_549 : memref<1x32x1024xf32, #tpu.memory_space<vmem>> -> memref<32x1024xf32, #tpu.memory_space<vmem>>
    %dma_start3A_551 = tpu.memref_reshape %arg2 : memref<2048x4x1024xf32, #tpu.memory_space<hbm>> -> memref<8192x1024xf32, #tpu.memory_space<hbm>>
    %dma_start3A_552 = arith.constant 0 : i32
    %dma_start3A_553 = tpu.memref_slice %dma_start3A_551[%mul3A_538, %dma_start3A_552] : memref<8192x1024xf32, #tpu.memory_space<hbm>> -> memref<32x1024xf32, #tpu.memory_space<hbm>>
    tpu.enqueue_dma source(%dma_start3A_553 : memref<32x1024xf32, #tpu.memory_space<hbm>>) target(%dma_start3A_550 : memref<32x1024xf32, #tpu.memory_space<vmem>>) target_semaphore(%arg7 : memref<!tpu.dma_semaphore, #tpu.memory_space<semaphore_mem>>)
    %add3A_554 = arith.constant 48 : i32
    %add3A_555 = arith.addi %mul3A_4, %add3A_554 : i32
    %dma_start3A_556 = arith.constant 0 : i32
    %dma_start3A_557 = arith.constant 0 : i32
    %dma_start3A_558 = arith.constant 0 : i32
    %dma_start3A_559 = tpu.memref_slice %arg6[%dma_start3A_556, %dma_start3A_557, %dma_start3A_558] : memref<2x8x1024xf32, #tpu.memory_space<vmem>> -> memref<1x8x1024xf32, #tpu.memory_space<vmem>>
    %dma_start3A_560 = tpu.memref_squeeze %dma_start3A_559 : memref<1x8x1024xf32, #tpu.memory_space<vmem>> -> memref<8x1024xf32, #tpu.memory_space<vmem>>
    %dma_start3A_561 = arith.constant 0 : i32
    %dma_start3A_562 = tpu.memref_slice %arg3[%add3A_555, %dma_start3A_561] : memref<2048x1024xf32, #tpu.memory_space<hbm>> -> memref<8x1024xf32, #tpu.memory_space<hbm>>
    %dma_start3A_563 = arith.constant 0 : i32
    %dma_start3A_564 = arith.constant 0 : i32
    %dma_start3A_565 = tpu.memref_slice %arg6[%dma_start3A_556, %dma_start3A_563, %dma_start3A_564] : memref<2x8x1024xf32, #tpu.memory_space<vmem>> -> memref<1x8x1024xf32, #tpu.memory_space<vmem>>
    %dma_start3A_566 = tpu.memref_squeeze %dma_start3A_565 : memref<1x8x1024xf32, #tpu.memory_space<vmem>> -> memref<8x1024xf32, #tpu.memory_space<vmem>>
    %dma_start3A_567 = arith.constant 0 : i32
    %dma_start3A_568 = tpu.memref_slice %arg3[%add3A_555, %dma_start3A_567] : memref<2048x1024xf32, #tpu.memory_space<hbm>> -> memref<8x1024xf32, #tpu.memory_space<hbm>>
    tpu.enqueue_dma source(%dma_start3A_568 : memref<8x1024xf32, #tpu.memory_space<hbm>>) target(%dma_start3A_566 : memref<8x1024xf32, #tpu.memory_space<vmem>>) target_semaphore(%arg9 : memref<!tpu.dma_semaphore, #tpu.memory_space<semaphore_mem>>)
    %dma_wait3A_569 = arith.constant 1 : i32
    %dma_wait3A_570 = arith.constant 0 : i32
    %dma_wait3A_571 = arith.constant 0 : i32
    %dma_wait3A_572 = tpu.memref_slice %arg5[%dma_wait3A_569, %dma_wait3A_570, %dma_wait3A_571] : memref<2x32x1024xf32, #tpu.memory_space<vmem>> -> memref<1x32x1024xf32, #tpu.memory_space<vmem>>
    %dma_wait3A_573 = tpu.memref_squeeze %dma_wait3A_572 : memref<1x32x1024xf32, #tpu.memory_space<vmem>> -> memref<32x1024xf32, #tpu.memory_space<vmem>>
    %dma_wait3A_574 = tpu.memref_reshape %arg2 : memref<2048x4x1024xf32, #tpu.memory_space<hbm>> -> memref<8192x1024xf32, #tpu.memory_space<hbm>>
    %dma_wait3A_575 = arith.constant 0 : i32
    %dma_wait3A_576 = tpu.memref_slice %dma_wait3A_574[%mul3A_438, %dma_wait3A_575] : memref<8192x1024xf32, #tpu.memory_space<hbm>> -> memref<32x1024xf32, #tpu.memory_space<hbm>>
    %dma_wait3A_577 = arith.constant 0 : i32
    %dma_wait3A_578 = arith.constant 0 : i32
    %dma_wait3A_579 = tpu.memref_slice %arg5[%dma_wait3A_569, %dma_wait3A_577, %dma_wait3A_578] : memref<2x32x1024xf32, #tpu.memory_space<vmem>> -> memref<1x32x1024xf32, #tpu.memory_space<vmem>>
    %dma_wait3A_580 = tpu.memref_squeeze %dma_wait3A_579 : memref<1x32x1024xf32, #tpu.memory_space<vmem>> -> memref<32x1024xf32, #tpu.memory_space<vmem>>
    %dma_wait3A_581 = tpu.memref_reshape %arg2 : memref<2048x4x1024xf32, #tpu.memory_space<hbm>> -> memref<8192x1024xf32, #tpu.memory_space<hbm>>
    %dma_wait3A_582 = arith.constant 0 : i32
    %dma_wait3A_583 = tpu.memref_slice %dma_wait3A_581[%mul3A_438, %dma_wait3A_582] : memref<8192x1024xf32, #tpu.memory_space<hbm>> -> memref<32x1024xf32, #tpu.memory_space<hbm>>
    tpu.wait_dma2 semaphore(%arg8 : memref<!tpu.dma_semaphore, #tpu.memory_space<semaphore_mem>>) src(%dma_wait3A_583 : memref<32x1024xf32, #tpu.memory_space<hbm>>) dst(%dma_wait3A_580 : memref<32x1024xf32, #tpu.memory_space<vmem>>)
    %dma_wait3A_584 = arith.constant 1 : i32
    %dma_wait3A_585 = arith.constant 0 : i32
    %dma_wait3A_586 = arith.constant 0 : i32
    %dma_wait3A_587 = tpu.memref_slice %arg6[%dma_wait3A_584, %dma_wait3A_585, %dma_wait3A_586] : memref<2x8x1024xf32, #tpu.memory_space<vmem>> -> memref<1x8x1024xf32, #tpu.memory_space<vmem>>
    %dma_wait3A_588 = tpu.memref_squeeze %dma_wait3A_587 : memref<1x8x1024xf32, #tpu.memory_space<vmem>> -> memref<8x1024xf32, #tpu.memory_space<vmem>>
    %dma_wait3A_589 = arith.constant 0 : i32
    %dma_wait3A_590 = tpu.memref_slice %arg3[%add3A_455, %dma_wait3A_589] : memref<2048x1024xf32, #tpu.memory_space<hbm>> -> memref<8x1024xf32, #tpu.memory_space<hbm>>
    %dma_wait3A_591 = arith.constant 0 : i32
    %dma_wait3A_592 = arith.constant 0 : i32
    %dma_wait3A_593 = tpu.memref_slice %arg6[%dma_wait3A_584, %dma_wait3A_591, %dma_wait3A_592] : memref<2x8x1024xf32, #tpu.memory_space<vmem>> -> memref<1x8x1024xf32, #tpu.memory_space<vmem>>
    %dma_wait3A_594 = tpu.memref_squeeze %dma_wait3A_593 : memref<1x8x1024xf32, #tpu.memory_space<vmem>> -> memref<8x1024xf32, #tpu.memory_space<vmem>>
    %dma_wait3A_595 = arith.constant 0 : i32
    %dma_wait3A_596 = tpu.memref_slice %arg3[%add3A_455, %dma_wait3A_595] : memref<2048x1024xf32, #tpu.memory_space<hbm>> -> memref<8x1024xf32, #tpu.memory_space<hbm>>
    tpu.wait_dma2 semaphore(%arg10 : memref<!tpu.dma_semaphore, #tpu.memory_space<semaphore_mem>>) src(%dma_wait3A_596 : memref<8x1024xf32, #tpu.memory_space<hbm>>) dst(%dma_wait3A_594 : memref<8x1024xf32, #tpu.memory_space<vmem>>)
    %parallel_loop3A_597 = arith.constant 0 : i32
    %parallel_loop3A_598 = arith.constant 8192 : i32
    %parallel_loop3A_599 = arith.constant 16 : i32
    scf.for %parallel_loop3A_801 = %parallel_loop3A_597 to %parallel_loop3A_598 step %parallel_loop3A_599  : i32 {
      %parallel_loop3A_802 = tpu.assume_multiple %parallel_loop3A_801, 16 : i32
      %parallel_loop3A_803 = arith.constant 10 : i32
      %parallel_loop3A_804 = arith.shrsi %parallel_loop3A_802, %parallel_loop3A_803 : i32
      %parallel_loop3A_805 = arith.constant 1023 : i32
      %parallel_loop3A_806 = arith.andi %parallel_loop3A_802, %parallel_loop3A_805 : i32
      %parallel_loop3A_807 = tpu.assume_multiple %parallel_loop3A_806, 16 : i32
      %parallel_loop3A_808 = arith.constant 1 : i32
      %parallel_loop3A_809 = arith.index_cast %parallel_loop3A_808 : i32 to index
      %parallel_loop3A_810 = arith.index_cast %parallel_loop3A_804 : i32 to index
      %parallel_loop3A_811 = arith.index_cast %parallel_loop3A_807 : i32 to index
      %parallel_loop3A_812 = tpu.vector_load %arg6[%parallel_loop3A_809, %parallel_loop3A_810, %parallel_loop3A_811] {strides = array<i32>} : memref<2x8x1024xf32, #tpu.memory_space<vmem>>, vector<1x1x16xf32>,
      %parallel_loop3A_813 = vector.shape_cast %parallel_loop3A_812 : vector<1x1x16xf32> to vector<16xf32>
      %parallel_loop3A_814 = arith.constant 2 : i32
      %parallel_loop3A_815 = arith.shli %parallel_loop3A_804, %parallel_loop3A_814 : i32
      %parallel_loop3A_816 = arith.constant 0 : i32
      %parallel_loop3A_817 = arith.addi %parallel_loop3A_815, %parallel_loop3A_816 : i32
      %parallel_loop3A_818 = arith.constant 1 : i32
      %parallel_loop3A_819 = arith.index_cast %parallel_loop3A_818 : i32 to index
      %parallel_loop3A_820 = arith.index_cast %parallel_loop3A_817 : i32 to index
      %parallel_loop3A_821 = arith.index_cast %parallel_loop3A_807 : i32 to index
      %parallel_loop3A_822 = tpu.vector_load %arg5[%parallel_loop3A_819, %parallel_loop3A_820, %parallel_loop3A_821] {strides = array<i32>} : memref<2x32x1024xf32, #tpu.memory_space<vmem>>, vector<1x1x16xf32>,
      %parallel_loop3A_823 = vector.shape_cast %parallel_loop3A_822 : vector<1x1x16xf32> to vector<16xf32>
      %parallel_loop3A_824 = vector.shape_cast %parallel_loop3A_813 : vector<16xf32> to vector<1x1x16xf32>
      tpu.vector_store %arg5[%parallel_loop3A_819, %parallel_loop3A_820, %parallel_loop3A_821], %parallel_loop3A_824 {add = true, strides = array<i32>} : memref<2x32x1024xf32, #tpu.memory_space<vmem>>, vector<1x1x16xf32>,
      %parallel_loop3A_825 = arith.constant 1 : i32
      %parallel_loop3A_826 = arith.addi %parallel_loop3A_815, %parallel_loop3A_825 : i32
      %parallel_loop3A_827 = arith.constant 1 : i32
      %parallel_loop3A_828 = arith.index_cast %parallel_loop3A_827 : i32 to index
      %parallel_loop3A_829 = arith.index_cast %parallel_loop3A_826 : i32 to index
      %parallel_loop3A_830 = arith.index_cast %parallel_loop3A_807 : i32 to index
      %parallel_loop3A_831 = tpu.vector_load %arg5[%parallel_loop3A_828, %parallel_loop3A_829, %parallel_loop3A_830] {strides = array<i32>} : memref<2x32x1024xf32, #tpu.memory_space<vmem>>, vector<1x1x16xf32>,
      %parallel_loop3A_832 = vector.shape_cast %parallel_loop3A_831 : vector<1x1x16xf32> to vector<16xf32>
      %parallel_loop3A_833 = vector.shape_cast %parallel_loop3A_813 : vector<16xf32> to vector<1x1x16xf32>
      tpu.vector_store %arg5[%parallel_loop3A_828, %parallel_loop3A_829, %parallel_loop3A_830], %parallel_loop3A_833 {add = true, strides = array<i32>} : memref<2x32x1024xf32, #tpu.memory_space<vmem>>, vector<1x1x16xf32>,
      %parallel_loop3A_834 = arith.constant 2 : i32
      %parallel_loop3A_835 = arith.addi %parallel_loop3A_815, %parallel_loop3A_834 : i32
      %parallel_loop3A_836 = arith.constant 1 : i32
      %parallel_loop3A_837 = arith.index_cast %parallel_loop3A_836 : i32 to index
      %parallel_loop3A_838 = arith.index_cast %parallel_loop3A_835 : i32 to index
      %parallel_loop3A_839 = arith.index_cast %parallel_loop3A_807 : i32 to index
      %parallel_loop3A_840 = tpu.vector_load %arg5[%parallel_loop3A_837, %parallel_loop3A_838, %parallel_loop3A_839] {strides = array<i32>} : memref<2x32x1024xf32, #tpu.memory_space<vmem>>, vector<1x1x16xf32>,
      %parallel_loop3A_841 = vector.shape_cast %parallel_loop3A_840 : vector<1x1x16xf32> to vector<16xf32>
      %parallel_loop3A_842 = vector.shape_cast %parallel_loop3A_813 : vector<16xf32> to vector<1x1x16xf32>
      tpu.vector_store %arg5[%parallel_loop3A_837, %parallel_loop3A_838, %parallel_loop3A_839], %parallel_loop3A_842 {add = true, strides = array<i32>} : memref<2x32x1024xf32, #tpu.memory_space<vmem>>, vector<1x1x16xf32>,
      %parallel_loop3A_843 = arith.constant 3 : i32
      %parallel_loop3A_844 = arith.addi %parallel_loop3A_815, %parallel_loop3A_843 : i32
      %parallel_loop3A_845 = arith.constant 1 : i32
      %parallel_loop3A_846 = arith.index_cast %parallel_loop3A_845 : i32 to index
      %parallel_loop3A_847 = arith.index_cast %parallel_loop3A_844 : i32 to index
      %parallel_loop3A_848 = arith.index_cast %parallel_loop3A_807 : i32 to index
      %parallel_loop3A_849 = tpu.vector_load %arg5[%parallel_loop3A_846, %parallel_loop3A_847, %parallel_loop3A_848] {strides = array<i32>} : memref<2x32x1024xf32, #tpu.memory_space<vmem>>, vector<1x1x16xf32>,
      %parallel_loop3A_850 = vector.shape_cast %parallel_loop3A_849 : vector<1x1x16xf32> to vector<16xf32>
      %parallel_loop3A_851 = vector.shape_cast %parallel_loop3A_813 : vector<16xf32> to vector<1x1x16xf32>
      tpu.vector_store %arg5[%parallel_loop3A_846, %parallel_loop3A_847, %parallel_loop3A_848], %parallel_loop3A_851 {add = true, strides = array<i32>} : memref<2x32x1024xf32, #tpu.memory_space<vmem>>, vector<1x1x16xf32>,
    } {sc.loop_unroll_factor = 8 : i64, sc.parallel_access}
    %barrier3A_600 = arith.constant 0 : index
    tpu.barrier barrier_id(%barrier3A_600)
    %add3A_601 = arith.constant 40 : i32
    %add3A_602 = arith.addi %mul3A_2, %add3A_601 : i32
    %mul3A_603 = arith.constant 4 : i32
    %mul3A_604 = arith.muli %add3A_602, %mul3A_603 : i32
    %dma_start3A_605 = arith.constant 1 : i32
    %dma_start3A_606 = arith.constant 0 : i32
    %dma_start3A_607 = arith.constant 0 : i32
    %dma_start3A_608 = tpu.memref_slice %arg5[%dma_start3A_605, %dma_start3A_606, %dma_start3A_607] : memref<2x32x1024xf32, #tpu.memory_space<vmem>> -> memref<1x32x1024xf32, #tpu.memory_space<vmem>>
    %dma_start3A_609 = tpu.memref_squeeze %dma_start3A_608 : memref<1x32x1024xf32, #tpu.memory_space<vmem>> -> memref<32x1024xf32, #tpu.memory_space<vmem>>
    %dma_start3A_610 = tpu.memref_reshape %arg4 : memref<2048x4x1024xf32, #tpu.memory_space<hbm>> -> memref<8192x1024xf32, #tpu.memory_space<hbm>>
    %dma_start3A_611 = arith.constant 0 : i32
    %dma_start3A_612 = tpu.memref_slice %dma_start3A_610[%mul3A_604, %dma_start3A_611] : memref<8192x1024xf32, #tpu.memory_space<hbm>> -> memref<32x1024xf32, #tpu.memory_space<hbm>>
    %dma_start3A_613 = tpu.memref_reshape %arg4 : memref<2048x4x1024xf32, #tpu.memory_space<hbm>> -> memref<8192x1024xf32, #tpu.memory_space<hbm>>
    %dma_start3A_614 = arith.constant 0 : i32
    %dma_start3A_615 = tpu.memref_slice %dma_start3A_613[%mul3A_604, %dma_start3A_614] : memref<8192x1024xf32, #tpu.memory_space<hbm>> -> memref<32x1024xf32, #tpu.memory_space<hbm>>
    %dma_start3A_616 = arith.constant 0 : i32
    %dma_start3A_617 = arith.constant 0 : i32
    %dma_start3A_618 = tpu.memref_slice %arg5[%dma_start3A_605, %dma_start3A_616, %dma_start3A_617] : memref<2x32x1024xf32, #tpu.memory_space<vmem>> -> memref<1x32x1024xf32, #tpu.memory_space<vmem>>
    %dma_start3A_619 = tpu.memref_squeeze %dma_start3A_618 : memref<1x32x1024xf32, #tpu.memory_space<vmem>> -> memref<32x1024xf32, #tpu.memory_space<vmem>>
    tpu.enqueue_dma source(%dma_start3A_619 : memref<32x1024xf32, #tpu.memory_space<vmem>>) target(%dma_start3A_615 : memref<32x1024xf32, #tpu.memory_space<hbm>>) target_semaphore(%arg12 : memref<!tpu.dma_semaphore, #tpu.memory_space<semaphore_mem>>)
    %dma_wait3A_620 = arith.constant 1 : i32
    %dma_wait3A_621 = arith.constant 0 : i32
    %dma_wait3A_622 = arith.constant 0 : i32
    %dma_wait3A_623 = tpu.memref_slice %arg5[%dma_wait3A_620, %dma_wait3A_621, %dma_wait3A_622] : memref<2x32x1024xf32, #tpu.memory_space<vmem>> -> memref<1x32x1024xf32, #tpu.memory_space<vmem>>
    %dma_wait3A_624 = tpu.memref_squeeze %dma_wait3A_623 : memref<1x32x1024xf32, #tpu.memory_space<vmem>> -> memref<32x1024xf32, #tpu.memory_space<vmem>>
    %dma_wait3A_625 = tpu.memref_reshape %arg4 : memref<2048x4x1024xf32, #tpu.memory_space<hbm>> -> memref<8192x1024xf32, #tpu.memory_space<hbm>>
    %dma_wait3A_626 = arith.constant 0 : i32
    %dma_wait3A_627 = tpu.memref_slice %dma_wait3A_625[%mul3A_604, %dma_wait3A_626] : memref<8192x1024xf32, #tpu.memory_space<hbm>> -> memref<32x1024xf32, #tpu.memory_space<hbm>>
    %dma_wait3A_628 = tpu.memref_reshape %arg4 : memref<2048x4x1024xf32, #tpu.memory_space<hbm>> -> memref<8192x1024xf32, #tpu.memory_space<hbm>>
    %dma_wait3A_629 = arith.constant 0 : i32
    %dma_wait3A_630 = tpu.memref_slice %dma_wait3A_628[%mul3A_604, %dma_wait3A_629] : memref<8192x1024xf32, #tpu.memory_space<hbm>> -> memref<32x1024xf32, #tpu.memory_space<hbm>>
    %dma_wait3A_631 = arith.constant 0 : i32
    %dma_wait3A_632 = arith.constant 0 : i32
    %dma_wait3A_633 = tpu.memref_slice %arg5[%dma_wait3A_620, %dma_wait3A_631, %dma_wait3A_632] : memref<2x32x1024xf32, #tpu.memory_space<vmem>> -> memref<1x32x1024xf32, #tpu.memory_space<vmem>>
    %dma_wait3A_634 = tpu.memref_squeeze %dma_wait3A_633 : memref<1x32x1024xf32, #tpu.memory_space<vmem>> -> memref<32x1024xf32, #tpu.memory_space<vmem>>
    tpu.wait_dma2 semaphore(%arg12 : memref<!tpu.dma_semaphore, #tpu.memory_space<semaphore_mem>>) src(%dma_wait3A_634 : memref<32x1024xf32, #tpu.memory_space<vmem>>) dst(%dma_wait3A_630 : memref<32x1024xf32, #tpu.memory_space<hbm>>)
    %add3A_635 = arith.constant 56 : i32
    %add3A_636 = arith.addi %mul3A_2, %add3A_635 : i32
    %mul3A_637 = arith.constant 4 : i32
    %mul3A_638 = arith.muli %add3A_636, %mul3A_637 : i32
    %dma_start3A_639 = arith.constant 1 : i32
    %dma_start3A_640 = arith.constant 0 : i32
    %dma_start3A_641 = arith.constant 0 : i32
    %dma_start3A_642 = tpu.memref_slice %arg5[%dma_start3A_639, %dma_start3A_640, %dma_start3A_641] : memref<2x32x1024xf32, #tpu.memory_space<vmem>> -> memref<1x32x1024xf32, #tpu.memory_space<vmem>>
    %dma_start3A_643 = tpu.memref_squeeze %dma_start3A_642 : memref<1x32x1024xf32, #tpu.memory_space<vmem>> -> memref<32x1024xf32, #tpu.memory_space<vmem>>
    %dma_start3A_644 = tpu.memref_reshape %arg2 : memref<2048x4x1024xf32, #tpu.memory_space<hbm>> -> memref<8192x1024xf32, #tpu.memory_space<hbm>>
    %dma_start3A_645 = arith.constant 0 : i32
    %dma_start3A_646 = tpu.memref_slice %dma_start3A_644[%mul3A_638, %dma_start3A_645] : memref<8192x1024xf32, #tpu.memory_space<hbm>> -> memref<32x1024xf32, #tpu.memory_space<hbm>>
    %dma_start3A_647 = arith.constant 0 : i32
    %dma_start3A_648 = arith.constant 0 : i32
    %dma_start3A_649 = tpu.memref_slice %arg5[%dma_start3A_639, %dma_start3A_647, %dma_start3A_648] : memref<2x32x1024xf32, #tpu.memory_space<vmem>> -> memref<1x32x1024xf32, #tpu.memory_space<vmem>>
    %dma_start3A_650 = tpu.memref_squeeze %dma_start3A_649 : memref<1x32x1024xf32, #tpu.memory_space<vmem>> -> memref<32x1024xf32, #tpu.memory_space<vmem>>
    %dma_start3A_651 = tpu.memref_reshape %arg2 : memref<2048x4x1024xf32, #tpu.memory_space<hbm>> -> memref<8192x1024xf32, #tpu.memory_space<hbm>>
    %dma_start3A_652 = arith.constant 0 : i32
    %dma_start3A_653 = tpu.memref_slice %dma_start3A_651[%mul3A_638, %dma_start3A_652] : memref<8192x1024xf32, #tpu.memory_space<hbm>> -> memref<32x1024xf32, #tpu.memory_space<hbm>>
    tpu.enqueue_dma source(%dma_start3A_653 : memref<32x1024xf32, #tpu.memory_space<hbm>>) target(%dma_start3A_650 : memref<32x1024xf32, #tpu.memory_space<vmem>>) target_semaphore(%arg8 : memref<!tpu.dma_semaphore, #tpu.memory_space<semaphore_mem>>)
    %add3A_654 = arith.constant 56 : i32
    %add3A_655 = arith.addi %mul3A_4, %add3A_654 : i32
    %dma_start3A_656 = arith.constant 1 : i32
    %dma_start3A_657 = arith.constant 0 : i32
    %dma_start3A_658 = arith.constant 0 : i32
    %dma_start3A_659 = tpu.memref_slice %arg6[%dma_start3A_656, %dma_start3A_657, %dma_start3A_658] : memref<2x8x1024xf32, #tpu.memory_space<vmem>> -> memref<1x8x1024xf32, #tpu.memory_space<vmem>>
    %dma_start3A_660 = tpu.memref_squeeze %dma_start3A_659 : memref<1x8x1024xf32, #tpu.memory_space<vmem>> -> memref<8x1024xf32, #tpu.memory_space<vmem>>
    %dma_start3A_661 = arith.constant 0 : i32
    %dma_start3A_662 = tpu.memref_slice %arg3[%add3A_655, %dma_start3A_661] : memref<2048x1024xf32, #tpu.memory_space<hbm>> -> memref<8x1024xf32, #tpu.memory_space<hbm>>
    %dma_start3A_663 = arith.constant 0 : i32
    %dma_start3A_664 = arith.constant 0 : i32
    %dma_start3A_665 = tpu.memref_slice %arg6[%dma_start3A_656, %dma_start3A_663, %dma_start3A_664] : memref<2x8x1024xf32, #tpu.memory_space<vmem>> -> memref<1x8x1024xf32, #tpu.memory_space<vmem>>
    %dma_start3A_666 = tpu.memref_squeeze %dma_start3A_665 : memref<1x8x1024xf32, #tpu.memory_space<vmem>> -> memref<8x1024xf32, #tpu.memory_space<vmem>>
    %dma_start3A_667 = arith.constant 0 : i32
    %dma_start3A_668 = tpu.memref_slice %arg3[%add3A_655, %dma_start3A_667] : memref<2048x1024xf32, #tpu.memory_space<hbm>> -> memref<8x1024xf32, #tpu.memory_space<hbm>>
    tpu.enqueue_dma source(%dma_start3A_668 : memref<8x1024xf32, #tpu.memory_space<hbm>>) target(%dma_start3A_666 : memref<8x1024xf32, #tpu.memory_space<vmem>>) target_semaphore(%arg10 : memref<!tpu.dma_semaphore, #tpu.memory_space<semaphore_mem>>)
    %dma_wait3A_669 = arith.constant 0 : i32
    %dma_wait3A_670 = arith.constant 0 : i32
    %dma_wait3A_671 = arith.constant 0 : i32
    %dma_wait3A_672 = tpu.memref_slice %arg5[%dma_wait3A_669, %dma_wait3A_670, %dma_wait3A_671] : memref<2x32x1024xf32, #tpu.memory_space<vmem>> -> memref<1x32x1024xf32, #tpu.memory_space<vmem>>
    %dma_wait3A_673 = tpu.memref_squeeze %dma_wait3A_672 : memref<1x32x1024xf32, #tpu.memory_space<vmem>> -> memref<32x1024xf32, #tpu.memory_space<vmem>>
    %dma_wait3A_674 = tpu.memref_reshape %arg2 : memref<2048x4x1024xf32, #tpu.memory_space<hbm>> -> memref<8192x1024xf32, #tpu.memory_space<hbm>>
    %dma_wait3A_675 = arith.constant 0 : i32
    %dma_wait3A_676 = tpu.memref_slice %dma_wait3A_674[%mul3A_538, %dma_wait3A_675] : memref<8192x1024xf32, #tpu.memory_space<hbm>> -> memref<32x1024xf32, #tpu.memory_space<hbm>>
    %dma_wait3A_677 = arith.constant 0 : i32
    %dma_wait3A_678 = arith.constant 0 : i32
    %dma_wait3A_679 = tpu.memref_slice %arg5[%dma_wait3A_669, %dma_wait3A_677, %dma_wait3A_678] : memref<2x32x1024xf32, #tpu.memory_space<vmem>> -> memref<1x32x1024xf32, #tpu.memory_space<vmem>>
    %dma_wait3A_680 = tpu.memref_squeeze %dma_wait3A_679 : memref<1x32x1024xf32, #tpu.memory_space<vmem>> -> memref<32x1024xf32, #tpu.memory_space<vmem>>
    %dma_wait3A_681 = tpu.memref_reshape %arg2 : memref<2048x4x1024xf32, #tpu.memory_space<hbm>> -> memref<8192x1024xf32, #tpu.memory_space<hbm>>
    %dma_wait3A_682 = arith.constant 0 : i32
    %dma_wait3A_683 = tpu.memref_slice %dma_wait3A_681[%mul3A_538, %dma_wait3A_682] : memref<8192x1024xf32, #tpu.memory_space<hbm>> -> memref<32x1024xf32, #tpu.memory_space<hbm>>
    tpu.wait_dma2 semaphore(%arg7 : memref<!tpu.dma_semaphore, #tpu.memory_space<semaphore_mem>>) src(%dma_wait3A_683 : memref<32x1024xf32, #tpu.memory_space<hbm>>) dst(%dma_wait3A_680 : memref<32x1024xf32, #tpu.memory_space<vmem>>)
    %dma_wait3A_684 = arith.constant 0 : i32
    %dma_wait3A_685 = arith.constant 0 : i32
    %dma_wait3A_686 = arith.constant 0 : i32
    %dma_wait3A_687 = tpu.memref_slice %arg6[%dma_wait3A_684, %dma_wait3A_685, %dma_wait3A_686] : memref<2x8x1024xf32, #tpu.memory_space<vmem>> -> memref<1x8x1024xf32, #tpu.memory_space<vmem>>
    %dma_wait3A_688 = tpu.memref_squeeze %dma_wait3A_687 : memref<1x8x1024xf32, #tpu.memory_space<vmem>> -> memref<8x1024xf32, #tpu.memory_space<vmem>>
    %dma_wait3A_689 = arith.constant 0 : i32
    %dma_wait3A_690 = tpu.memref_slice %arg3[%add3A_555, %dma_wait3A_689] : memref<2048x1024xf32, #tpu.memory_space<hbm>> -> memref<8x1024xf32, #tpu.memory_space<hbm>>
    %dma_wait3A_691 = arith.constant 0 : i32
    %dma_wait3A_692 = arith.constant 0 : i32
    %dma_wait3A_693 = tpu.memref_slice %arg6[%dma_wait3A_684, %dma_wait3A_691, %dma_wait3A_692] : memref<2x8x1024xf32, #tpu.memory_space<vmem>> -> memref<1x8x1024xf32, #tpu.memory_space<vmem>>
    %dma_wait3A_694 = tpu.memref_squeeze %dma_wait3A_693 : memref<1x8x1024xf32, #tpu.memory_space<vmem>> -> memref<8x1024xf32, #tpu.memory_space<vmem>>
    %dma_wait3A_695 = arith.constant 0 : i32
    %dma_wait3A_696 = tpu.memref_slice %arg3[%add3A_555, %dma_wait3A_695] : memref<2048x1024xf32, #tpu.memory_space<hbm>> -> memref<8x1024xf32, #tpu.memory_space<hbm>>
    tpu.wait_dma2 semaphore(%arg9 : memref<!tpu.dma_semaphore, #tpu.memory_space<semaphore_mem>>) src(%dma_wait3A_696 : memref<8x1024xf32, #tpu.memory_space<hbm>>) dst(%dma_wait3A_694 : memref<8x1024xf32, #tpu.memory_space<vmem>>)
    %parallel_loop3A_697 = arith.constant 0 : i32
    %parallel_loop3A_698 = arith.constant 8192 : i32
    %parallel_loop3A_699 = arith.constant 16 : i32
    scf.for %parallel_loop3A_801 = %parallel_loop3A_697 to %parallel_loop3A_698 step %parallel_loop3A_699  : i32 {
      %parallel_loop3A_802 = tpu.assume_multiple %parallel_loop3A_801, 16 : i32
      %parallel_loop3A_803 = arith.constant 10 : i32
      %parallel_loop3A_804 = arith.shrsi %parallel_loop3A_802, %parallel_loop3A_803 : i32
      %parallel_loop3A_805 = arith.constant 1023 : i32
      %parallel_loop3A_806 = arith.andi %parallel_loop3A_802, %parallel_loop3A_805 : i32
      %parallel_loop3A_807 = tpu.assume_multiple %parallel_loop3A_806, 16 : i32
      %parallel_loop3A_808 = arith.constant 0 : i32
      %parallel_loop3A_809 = arith.index_cast %parallel_loop3A_808 : i32 to index
      %parallel_loop3A_810 = arith.index_cast %parallel_loop3A_804 : i32 to index
      %parallel_loop3A_811 = arith.index_cast %parallel_loop3A_807 : i32 to index
      %parallel_loop3A_812 = tpu.vector_load %arg6[%parallel_loop3A_809, %parallel_loop3A_810, %parallel_loop3A_811] {strides = array<i32>} : memref<2x8x1024xf32, #tpu.memory_space<vmem>>, vector<1x1x16xf32>,
      %parallel_loop3A_813 = vector.shape_cast %parallel_loop3A_812 : vector<1x1x16xf32> to vector<16xf32>
      %parallel_loop3A_814 = arith.constant 2 : i32
      %parallel_loop3A_815 = arith.shli %parallel_loop3A_804, %parallel_loop3A_814 : i32
      %parallel_loop3A_816 = arith.constant 0 : i32
      %parallel_loop3A_817 = arith.addi %parallel_loop3A_815, %parallel_loop3A_816 : i32
      %parallel_loop3A_818 = arith.constant 0 : i32
      %parallel_loop3A_819 = arith.index_cast %parallel_loop3A_818 : i32 to index
      %parallel_loop3A_820 = arith.index_cast %parallel_loop3A_817 : i32 to index
      %parallel_loop3A_821 = arith.index_cast %parallel_loop3A_807 : i32 to index
      %parallel_loop3A_822 = tpu.vector_load %arg5[%parallel_loop3A_819, %parallel_loop3A_820, %parallel_loop3A_821] {strides = array<i32>} : memref<2x32x1024xf32, #tpu.memory_space<vmem>>, vector<1x1x16xf32>,
      %parallel_loop3A_823 = vector.shape_cast %parallel_loop3A_822 : vector<1x1x16xf32> to vector<16xf32>
      %parallel_loop3A_824 = vector.shape_cast %parallel_loop3A_813 : vector<16xf32> to vector<1x1x16xf32>
      tpu.vector_store %arg5[%parallel_loop3A_819, %parallel_loop3A_820, %parallel_loop3A_821], %parallel_loop3A_824 {add = true, strides = array<i32>} : memref<2x32x1024xf32, #tpu.memory_space<vmem>>, vector<1x1x16xf32>,
      %parallel_loop3A_825 = arith.constant 1 : i32
      %parallel_loop3A_826 = arith.addi %parallel_loop3A_815, %parallel_loop3A_825 : i32
      %parallel_loop3A_827 = arith.constant 0 : i32
      %parallel_loop3A_828 = arith.index_cast %parallel_loop3A_827 : i32 to index
      %parallel_loop3A_829 = arith.index_cast %parallel_loop3A_826 : i32 to index
      %parallel_loop3A_830 = arith.index_cast %parallel_loop3A_807 : i32 to index
      %parallel_loop3A_831 = tpu.vector_load %arg5[%parallel_loop3A_828, %parallel_loop3A_829, %parallel_loop3A_830] {strides = array<i32>} : memref<2x32x1024xf32, #tpu.memory_space<vmem>>, vector<1x1x16xf32>,
      %parallel_loop3A_832 = vector.shape_cast %parallel_loop3A_831 : vector<1x1x16xf32> to vector<16xf32>
      %parallel_loop3A_833 = vector.shape_cast %parallel_loop3A_813 : vector<16xf32> to vector<1x1x16xf32>
      tpu.vector_store %arg5[%parallel_loop3A_828, %parallel_loop3A_829, %parallel_loop3A_830], %parallel_loop3A_833 {add = true, strides = array<i32>} : memref<2x32x1024xf32, #tpu.memory_space<vmem>>, vector<1x1x16xf32>,
      %parallel_loop3A_834 = arith.constant 2 : i32
      %parallel_loop3A_835 = arith.addi %parallel_loop3A_815, %parallel_loop3A_834 : i32
      %parallel_loop3A_836 = arith.constant 0 : i32
      %parallel_loop3A_837 = arith.index_cast %parallel_loop3A_836 : i32 to index
      %parallel_loop3A_838 = arith.index_cast %parallel_loop3A_835 : i32 to index
      %parallel_loop3A_839 = arith.index_cast %parallel_loop3A_807 : i32 to index
      %parallel_loop3A_840 = tpu.vector_load %arg5[%parallel_loop3A_837, %parallel_loop3A_838, %parallel_loop3A_839] {strides = array<i32>} : memref<2x32x1024xf32, #tpu.memory_space<vmem>>, vector<1x1x16xf32>,
      %parallel_loop3A_841 = vector.shape_cast %parallel_loop3A_840 : vector<1x1x16xf32> to vector<16xf32>
      %parallel_loop3A_842 = vector.shape_cast %parallel_loop3A_813 : vector<16xf32> to vector<1x1x16xf32>
      tpu.vector_store %arg5[%parallel_loop3A_837, %parallel_loop3A_838, %parallel_loop3A_839], %parallel_loop3A_842 {add = true, strides = array<i32>} : memref<2x32x1024xf32, #tpu.memory_space<vmem>>, vector<1x1x16xf32>,
      %parallel_loop3A_843 = arith.constant 3 : i32
      %parallel_loop3A_844 = arith.addi %parallel_loop3A_815, %parallel_loop3A_843 : i32
      %parallel_loop3A_845 = arith.constant 0 : i32
      %parallel_loop3A_846 = arith.index_cast %parallel_loop3A_845 : i32 to index
      %parallel_loop3A_847 = arith.index_cast %parallel_loop3A_844 : i32 to index
      %parallel_loop3A_848 = arith.index_cast %parallel_loop3A_807 : i32 to index
      %parallel_loop3A_849 = tpu.vector_load %arg5[%parallel_loop3A_846, %parallel_loop3A_847, %parallel_loop3A_848] {strides = array<i32>} : memref<2x32x1024xf32, #tpu.memory_space<vmem>>, vector<1x1x16xf32>,
      %parallel_loop3A_850 = vector.shape_cast %parallel_loop3A_849 : vector<1x1x16xf32> to vector<16xf32>
      %parallel_loop3A_851 = vector.shape_cast %parallel_loop3A_813 : vector<16xf32> to vector<1x1x16xf32>
      tpu.vector_store %arg5[%parallel_loop3A_846, %parallel_loop3A_847, %parallel_loop3A_848], %parallel_loop3A_851 {add = true, strides = array<i32>} : memref<2x32x1024xf32, #tpu.memory_space<vmem>>, vector<1x1x16xf32>,
    } {sc.loop_unroll_factor = 8 : i64, sc.parallel_access}
    %barrier3A_700 = arith.constant 0 : index
    tpu.barrier barrier_id(%barrier3A_700)
    %add3A_701 = arith.constant 48 : i32
    %add3A_702 = arith.addi %mul3A_2, %add3A_701 : i32
    %mul3A_703 = arith.constant 4 : i32
    %mul3A_704 = arith.muli %add3A_702, %mul3A_703 : i32
    %dma_start3A_705 = arith.constant 0 : i32
    %dma_start3A_706 = arith.constant 0 : i32
    %dma_start3A_707 = arith.constant 0 : i32
    %dma_start3A_708 = tpu.memref_slice %arg5[%dma_start3A_705, %dma_start3A_706, %dma_start3A_707] : memref<2x32x1024xf32, #tpu.memory_space<vmem>> -> memref<1x32x1024xf32, #tpu.memory_space<vmem>>
    %dma_start3A_709 = tpu.memref_squeeze %dma_start3A_708 : memref<1x32x1024xf32, #tpu.memory_space<vmem>> -> memref<32x1024xf32, #tpu.memory_space<vmem>>
    %dma_start3A_710 = tpu.memref_reshape %arg4 : memref<2048x4x1024xf32, #tpu.memory_space<hbm>> -> memref<8192x1024xf32, #tpu.memory_space<hbm>>
    %dma_start3A_711 = arith.constant 0 : i32
    %dma_start3A_712 = tpu.memref_slice %dma_start3A_710[%mul3A_704, %dma_start3A_711] : memref<8192x1024xf32, #tpu.memory_space<hbm>> -> memref<32x1024xf32, #tpu.memory_space<hbm>>
    %dma_start3A_713 = tpu.memref_reshape %arg4 : memref<2048x4x1024xf32, #tpu.memory_space<hbm>> -> memref<8192x1024xf32, #tpu.memory_space<hbm>>
    %dma_start3A_714 = arith.constant 0 : i32
    %dma_start3A_715 = tpu.memref_slice %dma_start3A_713[%mul3A_704, %dma_start3A_714] : memref<8192x1024xf32, #tpu.memory_space<hbm>> -> memref<32x1024xf32, #tpu.memory_space<hbm>>
    %dma_start3A_716 = arith.constant 0 : i32
    %dma_start3A_717 = arith.constant 0 : i32
    %dma_start3A_718 = tpu.memref_slice %arg5[%dma_start3A_705, %dma_start3A_716, %dma_start3A_717] : memref<2x32x1024xf32, #tpu.memory_space<vmem>> -> memref<1x32x1024xf32, #tpu.memory_space<vmem>>
    %dma_start3A_719 = tpu.memref_squeeze %dma_start3A_718 : memref<1x32x1024xf32, #tpu.memory_space<vmem>> -> memref<32x1024xf32, #tpu.memory_space<vmem>>
    tpu.enqueue_dma source(%dma_start3A_719 : memref<32x1024xf32, #tpu.memory_space<vmem>>) target(%dma_start3A_715 : memref<32x1024xf32, #tpu.memory_space<hbm>>) target_semaphore(%arg11 : memref<!tpu.dma_semaphore, #tpu.memory_space<semaphore_mem>>)
    %dma_wait3A_720 = arith.constant 1 : i32
    %dma_wait3A_721 = arith.constant 0 : i32
    %dma_wait3A_722 = arith.constant 0 : i32
    %dma_wait3A_723 = tpu.memref_slice %arg5[%dma_wait3A_720, %dma_wait3A_721, %dma_wait3A_722] : memref<2x32x1024xf32, #tpu.memory_space<vmem>> -> memref<1x32x1024xf32, #tpu.memory_space<vmem>>
    %dma_wait3A_724 = tpu.memref_squeeze %dma_wait3A_723 : memref<1x32x1024xf32, #tpu.memory_space<vmem>> -> memref<32x1024xf32, #tpu.memory_space<vmem>>
    %dma_wait3A_725 = tpu.memref_reshape %arg2 : memref<2048x4x1024xf32, #tpu.memory_space<hbm>> -> memref<8192x1024xf32, #tpu.memory_space<hbm>>
    %dma_wait3A_726 = arith.constant 0 : i32
    %dma_wait3A_727 = tpu.memref_slice %dma_wait3A_725[%mul3A_638, %dma_wait3A_726] : memref<8192x1024xf32, #tpu.memory_space<hbm>> -> memref<32x1024xf32, #tpu.memory_space<hbm>>
    %dma_wait3A_728 = arith.constant 0 : i32
    %dma_wait3A_729 = arith.constant 0 : i32
    %dma_wait3A_730 = tpu.memref_slice %arg5[%dma_wait3A_720, %dma_wait3A_728, %dma_wait3A_729] : memref<2x32x1024xf32, #tpu.memory_space<vmem>> -> memref<1x32x1024xf32, #tpu.memory_space<vmem>>
    %dma_wait3A_731 = tpu.memref_squeeze %dma_wait3A_730 : memref<1x32x1024xf32, #tpu.memory_space<vmem>> -> memref<32x1024xf32, #tpu.memory_space<vmem>>
    %dma_wait3A_732 = tpu.memref_reshape %arg2 : memref<2048x4x1024xf32, #tpu.memory_space<hbm>> -> memref<8192x1024xf32, #tpu.memory_space<hbm>>
    %dma_wait3A_733 = arith.constant 0 : i32
    %dma_wait3A_734 = tpu.memref_slice %dma_wait3A_732[%mul3A_638, %dma_wait3A_733] : memref<8192x1024xf32, #tpu.memory_space<hbm>> -> memref<32x1024xf32, #tpu.memory_space<hbm>>
    tpu.wait_dma2 semaphore(%arg8 : memref<!tpu.dma_semaphore, #tpu.memory_space<semaphore_mem>>) src(%dma_wait3A_734 : memref<32x1024xf32, #tpu.memory_space<hbm>>) dst(%dma_wait3A_731 : memref<32x1024xf32, #tpu.memory_space<vmem>>)
    %dma_wait3A_735 = arith.constant 1 : i32
    %dma_wait3A_736 = arith.constant 0 : i32
    %dma_wait3A_737 = arith.constant 0 : i32
    %dma_wait3A_738 = tpu.memref_slice %arg6[%dma_wait3A_735, %dma_wait3A_736, %dma_wait3A_737] : memref<2x8x1024xf32, #tpu.memory_space<vmem>> -> memref<1x8x1024xf32, #tpu.memory_space<vmem>>
    %dma_wait3A_739 = tpu.memref_squeeze %dma_wait3A_738 : memref<1x8x1024xf32, #tpu.memory_space<vmem>> -> memref<8x1024xf32, #tpu.memory_space<vmem>>
    %dma_wait3A_740 = arith.constant 0 : i32
    %dma_wait3A_741 = tpu.memref_slice %arg3[%add3A_655, %dma_wait3A_740] : memref<2048x1024xf32, #tpu.memory_space<hbm>> -> memref<8x1024xf32, #tpu.memory_space<hbm>>
    %dma_wait3A_742 = arith.constant 0 : i32
    %dma_wait3A_743 = arith.constant 0 : i32
    %dma_wait3A_744 = tpu.memref_slice %arg6[%dma_wait3A_735, %dma_wait3A_742, %dma_wait3A_743] : memref<2x8x1024xf32, #tpu.memory_space<vmem>> -> memref<1x8x1024xf32, #tpu.memory_space<vmem>>
    %dma_wait3A_745 = tpu.memref_squeeze %dma_wait3A_744 : memref<1x8x1024xf32, #tpu.memory_space<vmem>> -> memref<8x1024xf32, #tpu.memory_space<vmem>>
    %dma_wait3A_746 = arith.constant 0 : i32
    %dma_wait3A_747 = tpu.memref_slice %arg3[%add3A_655, %dma_wait3A_746] : memref<2048x1024xf32, #tpu.memory_space<hbm>> -> memref<8x1024xf32, #tpu.memory_space<hbm>>
    tpu.wait_dma2 semaphore(%arg10 : memref<!tpu.dma_semaphore, #tpu.memory_space<semaphore_mem>>) src(%dma_wait3A_747 : memref<8x1024xf32, #tpu.memory_space<hbm>>) dst(%dma_wait3A_745 : memref<8x1024xf32, #tpu.memory_space<vmem>>)
    %parallel_loop3A_748 = arith.constant 0 : i32
    %parallel_loop3A_749 = arith.constant 8192 : i32
    %parallel_loop3A_750 = arith.constant 16 : i32
    scf.for %parallel_loop3A_801 = %parallel_loop3A_748 to %parallel_loop3A_749 step %parallel_loop3A_750  : i32 {
      %parallel_loop3A_802 = tpu.assume_multiple %parallel_loop3A_801, 16 : i32
      %parallel_loop3A_803 = arith.constant 10 : i32
      %parallel_loop3A_804 = arith.shrsi %parallel_loop3A_802, %parallel_loop3A_803 : i32
      %parallel_loop3A_805 = arith.constant 1023 : i32
      %parallel_loop3A_806 = arith.andi %parallel_loop3A_802, %parallel_loop3A_805 : i32
      %parallel_loop3A_807 = tpu.assume_multiple %parallel_loop3A_806, 16 : i32
      %parallel_loop3A_808 = arith.constant 1 : i32
      %parallel_loop3A_809 = arith.index_cast %parallel_loop3A_808 : i32 to index
      %parallel_loop3A_810 = arith.index_cast %parallel_loop3A_804 : i32 to index
      %parallel_loop3A_811 = arith.index_cast %parallel_loop3A_807 : i32 to index
      %parallel_loop3A_812 = tpu.vector_load %arg6[%parallel_loop3A_809, %parallel_loop3A_810, %parallel_loop3A_811] {strides = array<i32>} : memref<2x8x1024xf32, #tpu.memory_space<vmem>>, vector<1x1x16xf32>,
      %parallel_loop3A_813 = vector.shape_cast %parallel_loop3A_812 : vector<1x1x16xf32> to vector<16xf32>
      %parallel_loop3A_814 = arith.constant 2 : i32
      %parallel_loop3A_815 = arith.shli %parallel_loop3A_804, %parallel_loop3A_814 : i32
      %parallel_loop3A_816 = arith.constant 0 : i32
      %parallel_loop3A_817 = arith.addi %parallel_loop3A_815, %parallel_loop3A_816 : i32
      %parallel_loop3A_818 = arith.constant 1 : i32
      %parallel_loop3A_819 = arith.index_cast %parallel_loop3A_818 : i32 to index
      %parallel_loop3A_820 = arith.index_cast %parallel_loop3A_817 : i32 to index
      %parallel_loop3A_821 = arith.index_cast %parallel_loop3A_807 : i32 to index
      %parallel_loop3A_822 = tpu.vector_load %arg5[%parallel_loop3A_819, %parallel_loop3A_820, %parallel_loop3A_821] {strides = array<i32>} : memref<2x32x1024xf32, #tpu.memory_space<vmem>>, vector<1x1x16xf32>,
      %parallel_loop3A_823 = vector.shape_cast %parallel_loop3A_822 : vector<1x1x16xf32> to vector<16xf32>
      %parallel_loop3A_824 = vector.shape_cast %parallel_loop3A_813 : vector<16xf32> to vector<1x1x16xf32>
      tpu.vector_store %arg5[%parallel_loop3A_819, %parallel_loop3A_820, %parallel_loop3A_821], %parallel_loop3A_824 {add = true, strides = array<i32>} : memref<2x32x1024xf32, #tpu.memory_space<vmem>>, vector<1x1x16xf32>,
      %parallel_loop3A_825 = arith.constant 1 : i32
      %parallel_loop3A_826 = arith.addi %parallel_loop3A_815, %parallel_loop3A_825 : i32
      %parallel_loop3A_827 = arith.constant 1 : i32
      %parallel_loop3A_828 = arith.index_cast %parallel_loop3A_827 : i32 to index
      %parallel_loop3A_829 = arith.index_cast %parallel_loop3A_826 : i32 to index
      %parallel_loop3A_830 = arith.index_cast %parallel_loop3A_807 : i32 to index
      %parallel_loop3A_831 = tpu.vector_load %arg5[%parallel_loop3A_828, %parallel_loop3A_829, %parallel_loop3A_830] {strides = array<i32>} : memref<2x32x1024xf32, #tpu.memory_space<vmem>>, vector<1x1x16xf32>,
      %parallel_loop3A_832 = vector.shape_cast %parallel_loop3A_831 : vector<1x1x16xf32> to vector<16xf32>
      %parallel_loop3A_833 = vector.shape_cast %parallel_loop3A_813 : vector<16xf32> to vector<1x1x16xf32>
      tpu.vector_store %arg5[%parallel_loop3A_828, %parallel_loop3A_829, %parallel_loop3A_830], %parallel_loop3A_833 {add = true, strides = array<i32>} : memref<2x32x1024xf32, #tpu.memory_space<vmem>>, vector<1x1x16xf32>,
      %parallel_loop3A_834 = arith.constant 2 : i32
      %parallel_loop3A_835 = arith.addi %parallel_loop3A_815, %parallel_loop3A_834 : i32
      %parallel_loop3A_836 = arith.constant 1 : i32
      %parallel_loop3A_837 = arith.index_cast %parallel_loop3A_836 : i32 to index
      %parallel_loop3A_838 = arith.index_cast %parallel_loop3A_835 : i32 to index
      %parallel_loop3A_839 = arith.index_cast %parallel_loop3A_807 : i32 to index
      %parallel_loop3A_840 = tpu.vector_load %arg5[%parallel_loop3A_837, %parallel_loop3A_838, %parallel_loop3A_839] {strides = array<i32>} : memref<2x32x1024xf32, #tpu.memory_space<vmem>>, vector<1x1x16xf32>,
      %parallel_loop3A_841 = vector.shape_cast %parallel_loop3A_840 : vector<1x1x16xf32> to vector<16xf32>
      %parallel_loop3A_842 = vector.shape_cast %parallel_loop3A_813 : vector<16xf32> to vector<1x1x16xf32>
      tpu.vector_store %arg5[%parallel_loop3A_837, %parallel_loop3A_838, %parallel_loop3A_839], %parallel_loop3A_842 {add = true, strides = array<i32>} : memref<2x32x1024xf32, #tpu.memory_space<vmem>>, vector<1x1x16xf32>,
      %parallel_loop3A_843 = arith.constant 3 : i32
      %parallel_loop3A_844 = arith.addi %parallel_loop3A_815, %parallel_loop3A_843 : i32
      %parallel_loop3A_845 = arith.constant 1 : i32
      %parallel_loop3A_846 = arith.index_cast %parallel_loop3A_845 : i32 to index
      %parallel_loop3A_847 = arith.index_cast %parallel_loop3A_844 : i32 to index
      %parallel_loop3A_848 = arith.index_cast %parallel_loop3A_807 : i32 to index
      %parallel_loop3A_849 = tpu.vector_load %arg5[%parallel_loop3A_846, %parallel_loop3A_847, %parallel_loop3A_848] {strides = array<i32>} : memref<2x32x1024xf32, #tpu.memory_space<vmem>>, vector<1x1x16xf32>,
      %parallel_loop3A_850 = vector.shape_cast %parallel_loop3A_849 : vector<1x1x16xf32> to vector<16xf32>
      %parallel_loop3A_851 = vector.shape_cast %parallel_loop3A_813 : vector<16xf32> to vector<1x1x16xf32>
      tpu.vector_store %arg5[%parallel_loop3A_846, %parallel_loop3A_847, %parallel_loop3A_848], %parallel_loop3A_851 {add = true, strides = array<i32>} : memref<2x32x1024xf32, #tpu.memory_space<vmem>>, vector<1x1x16xf32>,
    } {sc.loop_unroll_factor = 8 : i64, sc.parallel_access}
    %barrier3A_751 = arith.constant 0 : index
    tpu.barrier barrier_id(%barrier3A_751)
    %add3A_752 = arith.constant 56 : i32
    %add3A_753 = arith.addi %mul3A_2, %add3A_752 : i32
    %mul3A_754 = arith.constant 4 : i32
    %mul3A_755 = arith.muli %add3A_753, %mul3A_754 : i32
    %dma_start3A_756 = arith.constant 1 : i32
    %dma_start3A_757 = arith.constant 0 : i32
    %dma_start3A_758 = arith.constant 0 : i32
    %dma_start3A_759 = tpu.memref_slice %arg5[%dma_start3A_756, %dma_start3A_757, %dma_start3A_758] : memref<2x32x1024xf32, #tpu.memory_space<vmem>> -> memref<1x32x1024xf32, #tpu.memory_space<vmem>>
    %dma_start3A_760 = tpu.memref_squeeze %dma_start3A_759 : memref<1x32x1024xf32, #tpu.memory_space<vmem>> -> memref<32x1024xf32, #tpu.memory_space<vmem>>
    %dma_start3A_761 = tpu.memref_reshape %arg4 : memref<2048x4x1024xf32, #tpu.memory_space<hbm>> -> memref<8192x1024xf32, #tpu.memory_space<hbm>>
    %dma_start3A_762 = arith.constant 0 : i32
    %dma_start3A_763 = tpu.memref_slice %dma_start3A_761[%mul3A_755, %dma_start3A_762] : memref<8192x1024xf32, #tpu.memory_space<hbm>> -> memref<32x1024xf32, #tpu.memory_space<hbm>>
    %dma_start3A_764 = tpu.memref_reshape %arg4 : memref<2048x4x1024xf32, #tpu.memory_space<hbm>> -> memref<8192x1024xf32, #tpu.memory_space<hbm>>
    %dma_start3A_765 = arith.constant 0 : i32
    %dma_start3A_766 = tpu.memref_slice %dma_start3A_764[%mul3A_755, %dma_start3A_765] : memref<8192x1024xf32, #tpu.memory_space<hbm>> -> memref<32x1024xf32, #tpu.memory_space<hbm>>
    %dma_start3A_767 = arith.constant 0 : i32
    %dma_start3A_768 = arith.constant 0 : i32
    %dma_start3A_769 = tpu.memref_slice %arg5[%dma_start3A_756, %dma_start3A_767, %dma_start3A_768] : memref<2x32x1024xf32, #tpu.memory_space<vmem>> -> memref<1x32x1024xf32, #tpu.memory_space<vmem>>
    %dma_start3A_770 = tpu.memref_squeeze %dma_start3A_769 : memref<1x32x1024xf32, #tpu.memory_space<vmem>> -> memref<32x1024xf32, #tpu.memory_space<vmem>>
    tpu.enqueue_dma source(%dma_start3A_770 : memref<32x1024xf32, #tpu.memory_space<vmem>>) target(%dma_start3A_766 : memref<32x1024xf32, #tpu.memory_space<hbm>>) target_semaphore(%arg12 : memref<!tpu.dma_semaphore, #tpu.memory_space<semaphore_mem>>)
    %dma_wait3A_771 = arith.constant 0 : i32
    %dma_wait3A_772 = arith.constant 0 : i32
    %dma_wait3A_773 = arith.constant 0 : i32
    %dma_wait3A_774 = tpu.memref_slice %arg5[%dma_wait3A_771, %dma_wait3A_772, %dma_wait3A_773] : memref<2x32x1024xf32, #tpu.memory_space<vmem>> -> memref<1x32x1024xf32, #tpu.memory_space<vmem>>
    %dma_wait3A_775 = tpu.memref_squeeze %dma_wait3A_774 : memref<1x32x1024xf32, #tpu.memory_space<vmem>> -> memref<32x1024xf32, #tpu.memory_space<vmem>>
    %dma_wait3A_776 = tpu.memref_reshape %arg4 : memref<2048x4x1024xf32, #tpu.memory_space<hbm>> -> memref<8192x1024xf32, #tpu.memory_space<hbm>>
    %dma_wait3A_777 = arith.constant 0 : i32
    %dma_wait3A_778 = tpu.memref_slice %dma_wait3A_776[%mul3A_704, %dma_wait3A_777] : memref<8192x1024xf32, #tpu.memory_space<hbm>> -> memref<32x1024xf32, #tpu.memory_space<hbm>>
    %dma_wait3A_779 = tpu.memref_reshape %arg4 : memref<2048x4x1024xf32, #tpu.memory_space<hbm>> -> memref<8192x1024xf32, #tpu.memory_space<hbm>>
    %dma_wait3A_780 = arith.constant 0 : i32
    %dma_wait3A_781 = tpu.memref_slice %dma_wait3A_779[%mul3A_704, %dma_wait3A_780] : memref<8192x1024xf32, #tpu.memory_space<hbm>> -> memref<32x1024xf32, #tpu.memory_space<hbm>>
    %dma_wait3A_782 = arith.constant 0 : i32
    %dma_wait3A_783 = arith.constant 0 : i32
    %dma_wait3A_784 = tpu.memref_slice %arg5[%dma_wait3A_771, %dma_wait3A_782, %dma_wait3A_783] : memref<2x32x1024xf32, #tpu.memory_space<vmem>> -> memref<1x32x1024xf32, #tpu.memory_space<vmem>>
    %dma_wait3A_785 = tpu.memref_squeeze %dma_wait3A_784 : memref<1x32x1024xf32, #tpu.memory_space<vmem>> -> memref<32x1024xf32, #tpu.memory_space<vmem>>
    tpu.wait_dma2 semaphore(%arg11 : memref<!tpu.dma_semaphore, #tpu.memory_space<semaphore_mem>>) src(%dma_wait3A_785 : memref<32x1024xf32, #tpu.memory_space<vmem>>) dst(%dma_wait3A_781 : memref<32x1024xf32, #tpu.memory_space<hbm>>)
    %dma_wait3A_786 = arith.constant 1 : i32
    %dma_wait3A_787 = arith.constant 0 : i32
    %dma_wait3A_788 = arith.constant 0 : i32
    %dma_wait3A_789 = tpu.memref_slice %arg5[%dma_wait3A_786, %dma_wait3A_787, %dma_wait3A_788] : memref<2x32x1024xf32, #tpu.memory_space<vmem>> -> memref<1x32x1024xf32, #tpu.memory_space<vmem>>
    %dma_wait3A_790 = tpu.memref_squeeze %dma_wait3A_789 : memref<1x32x1024xf32, #tpu.memory_space<vmem>> -> memref<32x1024xf32, #tpu.memory_space<vmem>>
    %dma_wait3A_791 = tpu.memref_reshape %arg4 : memref<2048x4x1024xf32, #tpu.memory_space<hbm>> -> memref<8192x1024xf32, #tpu.memory_space<hbm>>
    %dma_wait3A_792 = arith.constant 0 : i32
    %dma_wait3A_793 = tpu.memref_slice %dma_wait3A_791[%mul3A_755, %dma_wait3A_792] : memref<8192x1024xf32, #tpu.memory_space<hbm>> -> memref<32x1024xf32, #tpu.memory_space<hbm>>
    %dma_wait3A_794 = tpu.memref_reshape %arg4 : memref<2048x4x1024xf32, #tpu.memory_space<hbm>> -> memref<8192x1024xf32, #tpu.memory_space<hbm>>
    %dma_wait3A_795 = arith.constant 0 : i32
    %dma_wait3A_796 = tpu.memref_slice %dma_wait3A_794[%mul3A_755, %dma_wait3A_795] : memref<8192x1024xf32, #tpu.memory_space<hbm>> -> memref<32x1024xf32, #tpu.memory_space<hbm>>
    %dma_wait3A_797 = arith.constant 0 : i32
    %dma_wait3A_798 = arith.constant 0 : i32
    %dma_wait3A_799 = tpu.memref_slice %arg5[%dma_wait3A_786, %dma_wait3A_797, %dma_wait3A_798] : memref<2x32x1024xf32, #tpu.memory_space<vmem>> -> memref<1x32x1024xf32, #tpu.memory_space<vmem>>
    %dma_wait3A_800 = tpu.memref_squeeze %dma_wait3A_799 : memref<1x32x1024xf32, #tpu.memory_space<vmem>> -> memref<32x1024xf32, #tpu.memory_space<vmem>>
    tpu.wait_dma2 semaphore(%arg12 : memref<!tpu.dma_semaphore, #tpu.memory_space<semaphore_mem>>) src(%dma_wait3A_800 : memref<32x1024xf32, #tpu.memory_space<vmem>>) dst(%dma_wait3A_796 : memref<32x1024xf32, #tpu.memory_space<hbm>>)
    return
  }
}

</mosaic_0001>

<sc_bundles>
// kernel: _sc_add.3.cloned.1.call-start
scs
__scs_entry_jumppad:
0x0: {  	(pc) =	sbr.rel $0x88, $3  }
0x1: {  	(tag) =	ssettag $0x0;
	lr =	simm.s32 $0x1  }
0x2: {  	[smem:$0x3F9F] =	sst lr;
	_ =	strace $0xD0000000  }
0x3: {  	_ = 	snop  }
0x4: {  	_ = 	snop  }
0x5: {  	_ = 	snop  }
0x6: {  	_ = 	snop  }
0x7: {  	_ = 	snop  }
__scs_overlays_trampoline_lowered:
0x8: {  	[smem:$0x3FAE] =	sst s0  }
0x9: {  	[smem:$0x3FAF] =	sst s1  }
0xa: {  	[smem:$0x3FB0] =	sst s2  }
0xb: {  	[smem:$0x3FB1] =	sst s3  }
0xc: {  	[smem:$0x3FB2] =	sst s4  }
0xd: {  	[smem:$0x3FB3] =	sst s5  }
0xe: {  	[smem:$0x3FB4] =	sst s6  }
0xf: {  	[smem:$0x3FB5] =	sst s7  }
0x10: {  	[smem:$0x3FB6] =	sst s8  }
0x11: {  	[smem:$0x3FB7] =	sst s9;
	s0 =	simm.s32 @!p0 $0x0  }
0x12: {  	s1 =	sld [smem:$0x3F9D];
	s0 =	simm.s32 @p0 $0x1  }
0x13: {  	[smem:$0x3FB8] =	sst s0;
	s0 =	simm.s32 @!p1 $0x0  }
0x14: {  	s2 =	sld [smem:$0x3F9C];
	s0 =	simm.s32 @p1 $0x1  }
0x15: {  	[smem:$0x3FB9] =	sst s0;
	s0 =	simm.s32 @!p2 $0x0  }
0x16: {  	s3 =	sld [smem:$0x3FDB];
	s0 =	simm.s32 @p2 $0x1  }
0x17: {  	s4 =	simm.s32 $0x1BF5;
	[smem:$0x3FBB] =	sst s0  }
0x18: {  	s0 =	sld [smem:$0x3F9E];
	_ =	swait.ge [sflag:s4], $0x0  }
0x19: {  	s7 =	sld [smem:$0x3F9F]  }
0x1a: {  	s8 =	sadd.s32 $0xFFFFE003, lr  }
0x1b: {  	s9 =	sadd.s32 $0xFFFFFEF7, lr;
	s5 =	simm.s32 $0xFFFFFFFF;
	p2 =	slt.u32 s8, $0xFFFFF086  }
0x1c: {  	p1 =	slt.u32 s9, $0xF7A;
	s5 =	simm.s32 @!p2 $0x0  }
0x1d: {  	s5 =	simm.s32 @p1 $0x1;
	p0 =	seq.s32 s7, s2  }
0x1e: {  	s7 =	smul.u32 @!p0 $0xF7A, s2;
	p2 =	seq.s32 @!p0 s5, $0x0  }
0x1f: {  	s9 =	smul.u32 $0xF7A, s1;
	s8 =	simm.s32 @!p0 $0x1BF5;
	p2 =	por !p2, p0  }
0x20: {  	[sflag:s8] =	ssyncset.s32 @!p0 $0xFFFFF086;
	s6 =	sadd.s32 @!p0 s3, s7;
	s7 =	simm.s32 @!p0 $0x108  }
0x21: {  	s3 =	sadd.s32 s3, s9;
	s6 =	sadd.s32 @!p0 $0x88, s6;
	s7 =	simm.s32 @p2 $0x1082  }
0x22: {  	[simem:s7], [sflag:s8] =	dma.local @!p0 [hbm:s6], $0xF7A  }
0x23: {  	s9 =	sor.u32 $0xD0000000, s2;
	s6 =	simm.s32 $0x108;
	_ =	swait.ge @!p0 [sflag:s8], $0x0  }
0x24: {  	s3 =	sadd.s32 $0x88, s3;
	s6 =	simm.s32 @!p1 $0x1082;
	[sflag:s4] =	ssyncset.s32 $0xFFFFF086  }
0x25: {  	[simem:s6], [sflag:s4] =	dma.local [hbm:s3], $0xF7A  }
0x26: {  	[smem:$0x3F9F] =	sst s1;
	(tag) =	ssettag s2;
	_ =	strace s9  }
0x27: {  	s1 =	sld [smem:$0x3FAF]  }
0x28: {  	s2 =	sld [smem:$0x3FB0]  }
0x29: {  	s4 =	sld [smem:$0x3FB2]  }
0x2a: {  	p0 =	seq.s32 s5, $0x0;
	s5 =	sld [smem:$0x3FB3]  }
0x2b: {  	s6 =	sld [smem:$0x3FB4]  }
0x2c: {  	s7 =	sld [smem:$0x3FB5]  }
0x2d: {  	s3 =	simm.s32 $0x108;
	s8 =	sld [smem:$0x3FB6]  }
0x2e: {  	s3 =	simm.s32 @!p0 $0x1082;
	s9 =	sld [smem:$0x3FB7]  }
0x2f: {  	lr =	sadd.s32 s0, s3;
	s0 =	sld [smem:$0x3FAE]  }
0x30: {  	s3 =	sld [smem:$0x3FB1]  }
0x31: {  	[smem:$0x3FBA] =	sst s10  }
0x32: {  	s10 =	sld [smem:$0x3FB8];
	_ =	sdelay $0x3  }
0x33: {  	p0 =	seq.s32 s10, $0x1;
	s10 =	sld [smem:$0x3FBA];
	_ =	sdelay $0x3  }
0x34: {  	[smem:$0x3FBA] =	sst s10  }
0x35: {  	s10 =	sld [smem:$0x3FB9];
	_ =	sdelay $0x3  }
0x36: {  	p1 =	seq.s32 s10, $0x1;
	s10 =	sld [smem:$0x3FBA];
	_ =	sdelay $0x3  }
0x37: {  	[smem:$0x3FBA] =	sst s10  }
0x38: {  	s10 =	sld [smem:$0x3FBB]  }
0x39: {  	_ = 	snop;
	(pc) =	sbr.ind lr, $3  }
0x3a: {  	_ = 	snop  }
0x3b: {  	_ = 	snop  }
0x3c: {  	p2 =	seq.s32 s10, $0x1;
	s10 =	sld [smem:$0x3FBA]  }
0x3d: {  	_ =	shalt  }
0x3e: {  	_ =	shalt  }
0x3f: {  	_ =	shalt  }
0x40: {  	_ =	shalt  }
0x41: {  	_ =	shalt  }
0x42: {  	_ =	shalt  }
0x43: {  	_ =	shalt  }
0x44: {  	_ =	shalt  }
0x45: {  	_ =	shalt  }
0x46: {  	_ =	shalt  }
0x47: {  	_ =	shalt  }
0x48: {  	_ =	shalt  }
0x49: {  	_ =	shalt  }
0x4a: {  	_ =	shalt  }
0x4b: {  	_ =	shalt  }
0x4c: {  	_ =	shalt  }
0x4d: {  	_ =	shalt  }
0x4e: {  	_ =	shalt  }
0x4f: {  	_ =	shalt  }
0x50: {  	_ =	shalt  }
0x51: {  	_ =	shalt  }
0x52: {  	_ =	shalt  }
0x53: {  	_ =	shalt  }
0x54: {  	_ =	shalt  }
0x55: {  	_ =	shalt  }
0x56: {  	_ =	shalt  }
0x57: {  	_ =	shalt  }
0x58: {  	_ =	shalt  }
0x59: {  	_ =	shalt  }
0x5a: {  	_ =	shalt  }
0x5b: {  	_ =	shalt  }
0x5c: {  	_ =	shalt  }
0x5d: {  	_ =	shalt  }
0x5e: {  	_ =	shalt  }
0x5f: {  	_ =	shalt  }
0x60: {  	_ =	shalt  }
0x61: {  	_ =	shalt  }
0x62: {  	_ =	shalt  }
0x63: {  	_ =	shalt  }
0x64: {  	_ =	shalt  }
0x65: {  	_ =	shalt  }
0x66: {  	_ =	shalt  }
0x67: {  	_ =	shalt  }
0x68: {  	_ =	shalt  }
0x69: {  	_ =	shalt  }
0x6a: {  	_ =	shalt  }
0x6b: {  	_ =	shalt  }
0x6c: {  	_ =	shalt  }
0x6d: {  	_ =	shalt  }
0x6e: {  	_ =	shalt  }
0x6f: {  	_ =	shalt  }
0x70: {  	_ =	shalt  }
0x71: {  	_ =	shalt  }
0x72: {  	_ =	shalt  }
0x73: {  	_ =	shalt  }
0x74: {  	_ =	shalt  }
0x75: {  	_ =	shalt  }
0x76: {  	_ =	shalt  }
0x77: {  	_ =	shalt  }
0x78: {  	_ =	shalt  }
0x79: {  	_ =	shalt  }
0x7a: {  	_ =	shalt  }
0x7b: {  	_ =	shalt  }
0x7c: {  	_ =	shalt  }
0x7d: {  	_ =	shalt  }
0x7e: {  	_ =	shalt  }
0x7f: {  	_ =	shalt  }
0x80: {  	_ =	shalt  }
0x81: {  	_ =	shalt  }
0x82: {  	_ =	shalt  }
0x83: {  	_ =	shalt  }
0x84: {  	_ =	shalt  }
0x85: {  	_ =	shalt  }
0x86: {  	_ =	shalt  }
0x87: {  	_ =	shalt  }
.Lfunc_end0:
.L_simem_size_0:
called_computation_lowered:
.L_overlay_start_0:
0x88: {  	s2 =	sld [smem:$0x3FD9]  }
0x89: {  	s3 =	sld [smem:$0x3FFE];
	_ =	sdelay $0x1  }
0x8a: {  	s1 =	srdreg.scid  }
0x8b: {  	s0 =	sand.u32 $0x1, s1  }
0x8c: {  	s18 =	sshll.u32 s0, $0xA;
	s2 =	sadd.s32 s3, s2  }
0x8d: {  	s2 =	sadd.s32 s2, s18  }
0x8e: {  	[smem:$0x3FC6] =	sst s2  }
0x8f: {  	_ = 	snop  }
0x90: {  	s2 =	sld [smem:$0x3FC9]  }
0x91: {  	s19 =	sld [smem:$0x3FC8]  }
0x92: {  	s4 =	sld [smem:$0x3FD0];
	(tm) =	ssettm $0x1  }
0x93: {  	s5 =	sld [smem:$0x3FFB];
	_ =	sdelay $0x3  }
0x94: {  	_ =	strace s5  }
0x95: {  	s5 =	sld [smem:$0x3FFC];
	_ =	sdelay $0x3  }
0x96: {  	_ =	strace s5  }
0x97: {  	s5 =	sld [smem:$0x3FFD];
	_ =	sdelay $0x3  }
0x98: {  	_ =	strace s5  }
0x99: {  	_ =	strace $0x8FFFFFFF  }
0x9a: {  	s20 =	sld [smem:$0x3FDB];
	_ =	sdelay $0x1  }
0x9b: {  	s6 =	simm.s32 $_scs_section_size  }
0x9c: {  	s7 =	simm.s32 $_size__tile_overlayer_lowered;
	s8 =	simm.s32 $_tile_overlayer_lowered  }
0x9d: {  	s23 =	simm.s32 $0x1BFF;
	s22 =	sshll.u32 s8, $0x1;
	s5 =	sadd.s32 s6, s20  }
0x9e: {  	s9 =	simm.s32 $0x0;
	s21 =	sshll.u32 s7, $0x1;
	s7 =	sadd.s32 s22, s5  }
0x9f: {  	[timem:s9], [sflag:s23] =	dma.local [hbm:s7], s21  }
0xa0: {  	_ =	swait.ge [sflag:s23], s21  }
0xa1: {  	s6 =	ssub.s32 $0x0, s21;
	[sflag:s23] =	ssyncset.done $0x0  }
0xa2: {  	[sflag:s23] =	ssyncadd.s32 s6;
	_ =	sdelay $0x1  }
0xa3: {  	s24 =	simm.s32 $0x1B8B  }
0xa4: {  	_ =	swait.ge [sflag:s24], $0x1  }
0xa5: {  	[sflag:s24] =	ssyncset.done $0x0  }
0xa6: {  	s25 =	simm.s32 $0x1B8E;
	[sflag:s24] =	ssyncadd.s32 $0xFFFFFFFF  }
0xa7: {  	s26 =	simm.s32 $execute0_lowered;
	[smem:$0x3FD2] =	sst s25  }
0xa8: {  	s6 =	sshll.u32 s26, $0x1;
	_ =	strace $0x80000046;
	[dreg:$0x1] =	wrdreg $0xFFFFFFFF  }
0xa9: {  	s28 =	simm.s32 $_size_execute0_lowered;
	s5 =	sadd.s32 s5, s6;
	[dreg:$0x0] =	wrdreg $0x0  }
0xaa: {  	s6 =	sshll.u32 s28, $0x1;
	[dreg:$0x2] =	wrdreg s5  }
0xab: {  	[dreg:$0x3] =	wrdreg s6  }
0xac: {  	[dreg:$0x4] =	wrdreg $0xC0  }
0xad: {  	_ =	task [dreg:s9], $0x5FFFF  }
0xae: {  	[dreg:$0x1] =	wrdreg $0xFFFFFFFF  }
0xaf: {  	[dreg:$0x0] =	wrdreg $0x60  }
0xb0: {  	[dreg:$0x2] =	wrdreg s2  }
0xb1: {  	[dreg:$0x3] =	wrdreg s19  }
0xb2: {  	[dreg:$0x4] =	wrdreg s4  }
0xb3: {  	[dreg:$0x5] =	wrdreg $0x9  }
0xb4: {  	_ =	task.clear_ibuf [dreg:s9], $0x6FFFF;
	_ =	strace $0x90000046  }
0xb5: {  	s29 =	simm.s32 $0x9;
	_ =	strace $0x80000048  }
0xb6: {  	_ =	swait.ge [sflag:s29], $0x1  }
0xb7: {  	[sflag:s29] =	ssyncadd.s32 $0xFFFFFFFF  }
0xb8: {  	_ =	strace $0x90000048  }
0xb9: {  	_ =	sfence  }
0xba: {  	s30 =	sld [smem:$0x0];
	_ =	sdelay $0x2  }
0xbb: {  	s31 =	sshll.u32 s1, $0xD;
	s1 =	sshrl.u32 s1, $0x2  }
0xbc: {  	s3 =	sand.u32 $0x4000, s31;
	s1 =	sadd.s32 s1, s30  }
0xbd: {  	s0 =	sor.u32 s3, s0;
	s1 =	sshll.u32 s1, $0x11  }
0xbe: {  	s0 =	sor.u32 s1, s0  }
0xbf: {  	s0 =	sadd.s32 $0x8F2B, s0  }
0xc0: {  	[sflag:s0] =	ssyncadd.remote.s32 $0x1  }
0xc1: {  	_ =	sfence.sel $0xFFFF  }
0xc2: {  	[dreg:$0x0] =	wrdreg $0xFFFFFFFF;
	(pc) =	sbr.abs _section_cstart, $3  }
0xc3: {  	[dreg:$0x1] =	wrdreg $0xFFFFFFFF  }
0xc4: {  	_ =	task.clear_ibuf [dreg:s9], $0x2FFFF;
	_ =	strace $0x9FFFFFFF  }
0xc5: {  	(tm) =	ssettm $0x7FFFFFFF  }
tec
execute0_lowered:
.L_overlay_start_1:
0x0: {  	(tag) =	ssettag $0x1  }
0x1: {  	s0 =	rddreg [dreg:$0x0]  }
0x2: {  	s1 =	srdreg.scid;
	s3 =	rddreg [dreg:$0x1]  }
0x3: {  	s6 =	stileid.u32;
	s5 =	rddreg [dreg:$0x2];
	s29 =	simm.s32 $0x200  }
0x4: {  	s30 =	simm.s32 $0x1000;
	s2 =	sand.u32 $0x1, s1;
	s6 =	sshll.u32 s6, $0x1  }
0x5: {  	s1 =	simm.s32 $0x0;
	s4 =	ssub.s32 $0x2, s2;
	s2 =	sor.u32 s2, s6  }
0x6: {  	[smem:$0x7FF] =	sst s1;
	s7 =	sshrl.u32 s4, $0x1;
	s11 =	sshll.u32 s2, $0x6  }
0x7: {  	s6 =	sshll.u32 s2, $0xF;
	s17 =	sshll.u32 s2, $0xD;
	s8 =	ssub.s32 s4, s7  }
0x8: {  	s18 =	sor.u32 $0x8, s11;
	s19 =	sadd.s32 s0, s6;
	s20 =	sadd.s32 s3, s17  }
0x9: {  	s10 =	sor.u32 $0x10, s11;
	s23 =	sadd.s32 s5, s6;
	[dreg:$0x5] =	wrdreg s19  }
0xa: {  	s13 =	sor.u32 $0x18, s11;
	[dreg:$0x6] =	wrdreg s20;
	s9 =	sshll.u32 s18, $0x9  }
0xb: {  	s7 =	sshll.u32 s18, $0x7;
	[dreg:$0x9] =	wrdreg s23;
	s21 =	sadd.s32 s0, s9  }
0xc: {  	s12 =	sshll.u32 s10, $0x9;
	s22 =	sadd.s32 s3, s7;
	[dreg:$0x7] =	wrdreg s21  }
0xd: {  	s10 =	sshll.u32 s10, $0x7;
	s24 =	sadd.s32 s0, s12;
	[dreg:$0x8] =	wrdreg s22  }
0xe: {  	s15 =	sor.u32 $0x20, s11;
	s25 =	sadd.s32 s3, s10;
	[dreg:$0xa] =	wrdreg s24  }
0xf: {  	s14 =	sshll.u32 s13, $0x9;
	s26 =	sadd.s32 s5, s9;
	[dreg:$0xb] =	wrdreg s25  }
0x10: {  	s13 =	sshll.u32 s13, $0x7;
	s28 =	sadd.s32 s0, s14;
	[dreg:$0xc] =	wrdreg s26  }
0x11: {  	s6 =	sshll.u32 s15, $0x7;
	s31 =	sadd.s32 s3, s13;
	[dreg:$0xd] =	wrdreg s28  }
0x12: {  	s15 =	sshll.u32 s15, $0x9;
	s4 =	sadd.s32 s5, s12;
	[dreg:$0xe] =	wrdreg s31  }
0x13: {  	s20 =	sor.u32 $0x30, s11;
	s7 =	sadd.s32 s3, s6;
	[dreg:$0xf] =	wrdreg s4  }
0x14: {  	s9 =	sor.u32 $0x28, s11;
	s18 =	sadd.s32 s0, s15;
	[dreg:$0x10] =	wrdreg s7  }
0x15: {  	s11 =	sor.u32 $0x38, s11;
	s19 =	sadd.s32 s5, s14;
	[dreg:$0x14] =	wrdreg s18  }
0x16: {  	s23 =	sshll.u32 s20, $0x9;
	[dreg:$0x15] =	wrdreg s19;
	s22 =	sadd.s32 s5, s15  }
0x17: {  	s16 =	sshll.u32 s9, $0x7;
	s28 =	sadd.s32 s0, s23;
	[dreg:$0x16] =	wrdreg s22  }
0x18: {  	s12 =	sshll.u32 s20, $0x7;
	s10 =	sadd.s32 s3, s16;
	[dreg:$0x19] =	wrdreg s28  }
0x19: {  	s17 =	sshll.u32 s11, $0x7;
	s16 =	sadd.s32 s3, s12;
	[dreg:$0x11] =	wrdreg s10  }
0x1a: {  	s21 =	sshll.u32 s9, $0x9;
	s17 =	sadd.s32 s3, s17;
	[dreg:$0x12] =	wrdreg s16  }
0x1b: {  	s11 =	sshll.u32 s11, $0x9;
	s25 =	sadd.s32 s0, s21;
	[dreg:$0x13] =	wrdreg s17  }
0x1c: {  	s31 =	smax.u32 s8, $0x1;
	s26 =	sadd.s32 s5, s21;
	[dreg:$0x17] =	wrdreg s25  }
0x1d: {  	s24 =	sadd.s32 s0, s11;
	[dreg:$0x18] =	wrdreg s26;
	s25 =	sadd.s32 s5, s23  }
0x1e: {  	s26 =	sadd.s32 s5, s11;
	_ =	strace $0x80000047;
	[dreg:$0x1a] =	wrdreg s31  }
.LBB2_1:
0x1f: {  	s14 =	simm.s32 $0x0;
	s0 =	rddreg [dreg:$0x5]  }
0x20: {  	[tilespmem:s14], [sflag:$0x1] =	stream.strided.gather [hbm4b:s0+s29], $0x400, s30, s29, $0x38;
	[tilespmem:$0x14000] =	vst v63  }
0x21: {  	s15 =	simm.s32 $0x400;
	s13 =	sadd.s32 $0x40, s0  }
0x22: {  	[tilespmem:s15], [sflag:$0x1] =	stream.strided.gather [hbm4b:s13+s29], $0x400, s30, s29, $0x38;
	[tilespmem:$0x14000] =	vst v63  }
0x23: {  	s17 =	simm.s32 $0x800;
	s16 =	sadd.s32 $0x80, s0  }
0x24: {  	[tilespmem:s17], [sflag:$0x1] =	stream.strided.gather [hbm4b:s16+s29], $0x400, s30, s29, $0x38;
	[tilespmem:$0x14000] =	vst v63  }
0x25: {  	s19 =	simm.s32 $0xC00;
	s21 =	simm.s32 $0x1000;
	s18 =	sadd.s32 $0xC0, s0  }
0x26: {  	[tilespmem:s19], [sflag:$0x1] =	stream.strided.gather [hbm4b:s18+s29], $0x400, s30, s29, $0x38;
	[tilespmem:$0x14000] =	vst v63  }
0x27: {  	s23 =	simm.s32 $0x1400;
	s31 =	simm.s32 $0x1800;
	s20 =	sadd.s32 $0x100, s0  }
0x28: {  	[tilespmem:s21], [sflag:$0x1] =	stream.strided.gather [hbm4b:s20+s29], $0x400, s30, s29, $0x38;
	[tilespmem:$0x14000] =	vst v63  }
0x29: {  	s22 =	sadd.s32 $0x140, s0;
	s28 =	sadd.s32 $0x180, s0;
	s14 =	simm.s32 $0x8000  }
0x2a: {  	[tilespmem:s23], [sflag:$0x1] =	stream.strided.gather [hbm4b:s22+s29], $0x400, s30, s29, $0x38;
	[tilespmem:$0x14000] =	vst v63  }
0x2b: {  	s15 =	sadd.s32 $0x400, s0;
	s16 =	sadd.s32 $0x1C0, s0;
	s20 =	simm.s32 $0x1C00  }
0x2c: {  	[tilespmem:s31], [sflag:$0x1] =	stream.strided.gather [hbm4b:s28+s29], $0x400, s30, s29, $0x38;
	[tilespmem:$0x14000] =	vst v63  }
.LBB2_2:
0x2d: {  	[tilespmem:s20], [sflag:$0x1] =	stream.strided.gather [hbm4b:s16+s29], $0x400, s30, s29, $0x38;
	[tilespmem:$0x14000] =	vst v63  }
0x2e: {  	s20 =	sshra.s32 s14, $0x2;
	p0 =	sne.s32 s14, $0x18000;
	s14 =	sadd.s32 $0x8000, s14  }
0x2f: {  	[tilespmem:s20], [sflag:$0x1] =	stream.strided.gather [hbm4b:s15+s29], $0x400, s30, s29, $0x38;
	[tilespmem:$0x14000] =	vst v63  }
0x30: {  	s16 =	sadd.s32 $0x40, s15;
	s28 =	sadd.s32 $0x400, s20  }
0x31: {  	[tilespmem:s28], [sflag:$0x1] =	stream.strided.gather [hbm4b:s16+s29], $0x400, s30, s29, $0x38;
	[tilespmem:$0x14000] =	vst v63  }
0x32: {  	s16 =	sadd.s32 $0x80, s15;
	s28 =	sadd.s32 $0x800, s20  }
0x33: {  	[tilespmem:s28], [sflag:$0x1] =	stream.strided.gather [hbm4b:s16+s29], $0x400, s30, s29, $0x38;
	[tilespmem:$0x14000] =	vst v63  }
0x34: {  	s16 =	sadd.s32 $0xC0, s15;
	s28 =	sadd.s32 $0xC00, s20  }
0x35: {  	[tilespmem:s28], [sflag:$0x1] =	stream.strided.gather [hbm4b:s16+s29], $0x400, s30, s29, $0x38;
	[tilespmem:$0x14000] =	vst v63  }
0x36: {  	s16 =	sadd.s32 $0x100, s15;
	s28 =	sadd.s32 $0x1000, s20  }
0x37: {  	[tilespmem:s28], [sflag:$0x1] =	stream.strided.gather [hbm4b:s16+s29], $0x400, s30, s29, $0x38;
	[tilespmem:$0x14000] =	vst v63  }
.Ltmp0:
0x38: {  	s16 =	sadd.s32 $0x140, s15;
	s28 =	sadd.s32 $0x1400, s20;
	(pc) =	sbr.rel @p0 .LBB2_2-.Ltmp0, $4  }
0x39: {  	[tilespmem:s28], [sflag:$0x1] =	stream.strided.gather [hbm4b:s16+s29], $0x400, s30, s29, $0x38;
	[tilespmem:$0x14000] =	vst v63  }
0x3a: {  	s16 =	sadd.s32 $0x180, s15;
	s28 =	sadd.s32 $0x1800, s20  }
0x3b: {  	[tilespmem:s28], [sflag:$0x1] =	stream.strided.gather [hbm4b:s16+s29], $0x400, s30, s29, $0x38;
	[tilespmem:$0x14000] =	vst v63  }
0x3c: {  	s20 =	sadd.s32 $0x1C00, s20;
	s16 =	sadd.s32 $0x1C0, s15;
	s15 =	sadd.s32 $0x400, s15  }
0x3d: {  	[tilespmem:s20], [sflag:$0x1] =	stream.strided.gather [hbm4b:s16+s29], $0x400, s30, s29, $0x38;
	[tilespmem:$0x14000] =	vst v63  }
0x3e: {  	s14 =	simm.s32 $0x0;
	s0 =	rddreg [dreg:$0x6];
	s10 =	simm.s32 $0x10000  }
0x3f: {  	[tilespmem:s10], [sflag:$0x3] =	stream.linear.gather [hbm4b:s0+s14], $0x2000, $0x38;
	[tilespmem:$0x14000] =	vst v63  }
0x40: {  	s11 =	simm.s32 $0x8000;
	s12 =	rddreg [dreg:$0x7]  }
0x41: {  	[tilespmem:s11], [sflag:$0x2] =	stream.strided.gather [hbm4b:s12+s29], $0x400, s30, s29, $0x38;
	[tilespmem:$0x14000] =	vst v63  }
0x42: {  	[dreg:$0x4] =	wrdreg s1;
	s15 =	simm.s32 $0x8400;
	s13 =	sadd.s32 $0x40, s12  }
0x43: {  	[tilespmem:s15], [sflag:$0x2] =	stream.strided.gather [hbm4b:s13+s29], $0x400, s30, s29, $0x38;
	[tilespmem:$0x14000] =	vst v63  }
0x44: {  	s16 =	simm.s32 $0x8800;
	s18 =	simm.s32 $0x8C00;
	s15 =	sadd.s32 $0x80, s12  }
0x45: {  	[tilespmem:s16], [sflag:$0x2] =	stream.strided.gather [hbm4b:s15+s29], $0x400, s30, s29, $0x38;
	[tilespmem:$0x14000] =	vst v63  }
0x46: {  	s20 =	simm.s32 $0x9000;
	s22 =	simm.s32 $0x9400;
	s17 =	sadd.s32 $0xC0, s12  }
0x47: {  	[tilespmem:s18], [sflag:$0x2] =	stream.strided.gather [hbm4b:s17+s29], $0x400, s30, s29, $0x38;
	[tilespmem:$0x14000] =	vst v63  }
0x48: {  	s31 =	simm.s32 $0x9800;
	s28 =	simm.s32 $0x9C00;
	s19 =	sadd.s32 $0x100, s12  }
0x49: {  	[tilespmem:s20], [sflag:$0x2] =	stream.strided.gather [hbm4b:s19+s29], $0x400, s30, s29, $0x38;
	[tilespmem:$0x14000] =	vst v63  }
0x4a: {  	s21 =	sadd.s32 $0x140, s12;
	s23 =	sadd.s32 $0x180, s12;
	s14 =	simm.s32 $0x2000  }
0x4b: {  	[tilespmem:s22], [sflag:$0x2] =	stream.strided.gather [hbm4b:s21+s29], $0x400, s30, s29, $0x38;
	[tilespmem:$0x14000] =	vst v63  }
0x4c: {  	s16 =	simm.s32 $0x10000;
	s15 =	sadd.s32 $0x400, s12;
	s20 =	sadd.s32 $0x1C0, s12  }
0x4d: {  	[tilespmem:s31], [sflag:$0x2] =	stream.strided.gather [hbm4b:s23+s29], $0x400, s30, s29, $0x38;
	[tilespmem:$0x14000] =	vst v63  }
.LBB2_4:
0x4e: {  	[tilespmem:s28], [sflag:$0x2] =	stream.strided.gather [hbm4b:s20+s29], $0x400, s30, s29, $0x38;
	[tilespmem:$0x14000] =	vst v63  }
0x4f: {  	s28 =	smov.u32 s14;
	s14 =	smov.u32 s16  }
0x50: {  	s31 =	sadd.s32 $0x8000, s16;
	s14 =	sshra.s32 s14, $0x2;
	s20 =	sadd.s32 $0x8000, s28  }
0x51: {  	[tilespmem:s20], [sflag:$0x2] =	stream.strided.gather [hbm4b:s15+s29], $0x400, s30, s29, $0x38;
	[tilespmem:$0x14000] =	vst v63  }
0x52: {  	p0 =	sne.s32 s16, $0x18000;
	s16 =	sadd.s32 $0x40, s15;
	s20 =	sadd.s32 $0x8400, s28  }
0x53: {  	[tilespmem:s20], [sflag:$0x2] =	stream.strided.gather [hbm4b:s16+s29], $0x400, s30, s29, $0x38;
	[tilespmem:$0x14000] =	vst v63  }
0x54: {  	s16 =	sadd.s32 $0x80, s15;
	s20 =	sadd.s32 $0x8800, s28  }
0x55: {  	[tilespmem:s20], [sflag:$0x2] =	stream.strided.gather [hbm4b:s16+s29], $0x400, s30, s29, $0x38;
	[tilespmem:$0x14000] =	vst v63  }
0x56: {  	s16 =	sadd.s32 $0xC0, s15;
	s20 =	sadd.s32 $0x8C00, s28  }
0x57: {  	[tilespmem:s20], [sflag:$0x2] =	stream.strided.gather [hbm4b:s16+s29], $0x400, s30, s29, $0x38;
	[tilespmem:$0x14000] =	vst v63  }
0x58: {  	s16 =	sadd.s32 $0x100, s15;
	s20 =	sadd.s32 $0x9000, s28  }
0x59: {  	[tilespmem:s20], [sflag:$0x2] =	stream.strided.gather [hbm4b:s16+s29], $0x400, s30, s29, $0x38;
	[tilespmem:$0x14000] =	vst v63  }
.Ltmp1:
0x5a: {  	s16 =	sadd.s32 $0x140, s15;
	s20 =	sadd.s32 $0x9400, s28;
	(pc) =	sbr.rel @p0 .LBB2_4-.Ltmp1, $4  }
0x5b: {  	[tilespmem:s20], [sflag:$0x2] =	stream.strided.gather [hbm4b:s16+s29], $0x400, s30, s29, $0x38;
	[tilespmem:$0x14000] =	vst v63  }
0x5c: {  	s16 =	sadd.s32 $0x180, s15;
	s20 =	sadd.s32 $0x9800, s28;
	s28 =	sadd.s32 $0x9C00, s28  }
0x5d: {  	[tilespmem:s20], [sflag:$0x2] =	stream.strided.gather [hbm4b:s16+s29], $0x400, s30, s29, $0x38;
	[tilespmem:$0x14000] =	vst v63  }
0x5e: {  	s20 =	sadd.s32 $0x1C0, s15;
	s15 =	sadd.s32 $0x400, s15;
	s16 =	smov.u32 s31  }
0x5f: {  	[tilespmem:s28], [sflag:$0x2] =	stream.strided.gather [hbm4b:s20+s29], $0x400, s30, s29, $0x38;
	[tilespmem:$0x14000] =	vst v63  }
0x60: {  	s16 =	sadd.s32 $0x8000, s14  }
0x61: {  	[tilespmem:s16], [sflag:$0x2] =	stream.strided.gather [hbm4b:s15+s29], $0x400, s30, s29, $0x38;
	[tilespmem:$0x14000] =	vst v63  }
0x62: {  	s18 =	sadd.s32 $0x40, s15;
	s19 =	sadd.s32 $0x8400, s14  }
0x63: {  	[tilespmem:s19], [sflag:$0x2] =	stream.strided.gather [hbm4b:s18+s29], $0x400, s30, s29, $0x38;
	[tilespmem:$0x14000] =	vst v63  }
0x64: {  	s21 =	sadd.s32 $0x80, s15;
	s22 =	sadd.s32 $0x8800, s14  }
0x65: {  	[tilespmem:s22], [sflag:$0x2] =	stream.strided.gather [hbm4b:s21+s29], $0x400, s30, s29, $0x38;
	[tilespmem:$0x14000] =	vst v63  }
0x66: {  	s23 =	sadd.s32 $0xC0, s15;
	s0 =	sadd.s32 $0x8C00, s14  }
0x67: {  	[tilespmem:s0], [sflag:$0x2] =	stream.strided.gather [hbm4b:s23+s29], $0x400, s30, s29, $0x38;
	[tilespmem:$0x14000] =	vst v63  }
0x68: {  	s1 =	sadd.s32 $0x100, s15;
	s2 =	sadd.s32 $0x9000, s14  }
0x69: {  	[tilespmem:s2], [sflag:$0x2] =	stream.strided.gather [hbm4b:s1+s29], $0x400, s30, s29, $0x38;
	[tilespmem:$0x14000] =	vst v63  }
0x6a: {  	s3 =	sadd.s32 $0x140, s15;
	s4 =	sadd.s32 $0x9400, s14  }
0x6b: {  	[tilespmem:s4], [sflag:$0x2] =	stream.strided.gather [hbm4b:s3+s29], $0x400, s30, s29, $0x38;
	[tilespmem:$0x14000] =	vst v63  }
0x6c: {  	s5 =	sadd.s32 $0x180, s15;
	s6 =	sadd.s32 $0x9800, s14  }
0x6d: {  	[tilespmem:s6], [sflag:$0x2] =	stream.strided.gather [hbm4b:s5+s29], $0x400, s30, s29, $0x38;
	[tilespmem:$0x14000] =	vst v63  }
0x6e: {  	s7 =	sadd.s32 $0x1C0, s15;
	s8 =	sadd.s32 $0x9C00, s14;
	s14 =	simm.s32 $0x0  }
0x6f: {  	[tilespmem:s8], [sflag:$0x2] =	stream.strided.gather [hbm4b:s7+s29], $0x400, s30, s29, $0x38;
	[tilespmem:$0x14000] =	vst v63  }
0x70: {  	s9 =	simm.s32 $0x1;
	s0 =	rddreg [dreg:$0x8];
	s1 =	simm.s32 $0x12000  }
0x71: {  	[tilespmem:s1], [sflag:$0x4] =	stream.linear.gather [hbm4b:s0+s14], $0x2000, $0x38;
	[tilespmem:$0x14000] =	vst v63  }
0x72: {  	_ =	swait.ge [sflag:s9], $0x8000  }
0x73: {  	[sflag:s9] =	ssyncset.done $0x0  }
0x74: {  	s10 =	simm.s32 $0x3;
	[sflag:s9] =	ssyncadd.s32 $0xFFFF8000  }
0x75: {  	s11 =	simm.s32 $0x0;
	_ =	swait.ge [sflag:s10], $0x2000  }
0x76: {  	s12 =	sand.u32 $0x1C00, s14;
	s15 =	sand.u32 $0x1FFFFF80, s11;
	[sflag:s10] =	ssyncset.done $0x0  }
0x77: {  	s15 =	sadd.s32 s12, s15;
	[sflag:s10] =	ssyncadd.s32 $0xFFFFE000  }
0x78: {  	s13 =	sadd.s32 $0x10000, s15;
	v0 =	vld [tilespmem:s15+$0x10000]  }
0x79: {  	v1 =	vld [tilespmem:s13+$0x70]  }
0x7a: {  	s17 =	simm.s32 $0x0;
	s28 =	simm.s32 $0x0;
	v2 =	vld [tilespmem:s13+$0x10]  }
0x7b: {  	s28 =	sand.u32 $0x6000, s28;
	s15 =	sand.u32 $0x200, s17;
	v3 =	vld [tilespmem:s13+$0x20]  }
0x7c: {  	v4 =	vld [tilespmem:s13+$0x30];
	s15 =	sor.u32 s15, s28  }
0x7d: {  	v5 =	vld [tilespmem:s13+$0x40];
	s15 =	sor.u32 s12, s15  }
0x7e: {  	v6 =	vld [tilespmem:s13+$0x60];
	s16 =	sor.u32 $0x70, s15  }
0x7f: {  	s22 =	sor.u32 $0x10, s15;
	[tilespmem:s16+$0x0] =	vst.add.f32.msk $0xffff, v1  }
0x80: {  	s2 =	sor.u32 $0x20, s15;
	[tilespmem:s22+$0x0] =	vst.add.f32.msk $0xffff, v2  }
0x81: {  	s6 =	sor.u32 $0x30, s15;
	[tilespmem:s2+$0x0] =	vst.add.f32.msk $0xffff, v3  }
0x82: {  	s10 =	sor.u32 $0x40, s15;
	[tilespmem:s6+$0x0] =	vst.add.f32.msk $0xffff, v4  }
0x83: {  	s18 =	sor.u32 $0xF0, s15;
	[tilespmem:s10+$0x0] =	vst.add.f32.msk $0xffff, v5  }
0x84: {  	s23 =	sor.u32 $0x90, s15;
	[tilespmem:s18+$0x0] =	vst.add.f32.msk $0xffff, v1  }
0x85: {  	s3 =	sor.u32 $0xA0, s15;
	[tilespmem:s23+$0x0] =	vst.add.f32.msk $0xffff, v2  }
0x86: {  	s7 =	sor.u32 $0xB0, s15;
	[tilespmem:s3+$0x0] =	vst.add.f32.msk $0xffff, v3  }
0x87: {  	s11 =	sor.u32 $0xC0, s15;
	[tilespmem:s7+$0x0] =	vst.add.f32.msk $0xffff, v4  }
0x88: {  	s22 =	sor.u32 $0x60, s15;
	[tilespmem:s11+$0x0] =	vst.add.f32.msk $0xffff, v5  }
0x89: {  	s19 =	sor.u32 $0x170, s15;
	[tilespmem:s22+$0x0] =	vst.add.f32.msk $0xffff, v6  }
0x8a: {  	s0 =	sor.u32 $0x110, s15;
	[tilespmem:s19+$0x0] =	vst.add.f32.msk $0xffff, v1  }
0x8b: {  	s4 =	sor.u32 $0x120, s15;
	[tilespmem:s0+$0x0] =	vst.add.f32.msk $0xffff, v2  }
0x8c: {  	s8 =	sor.u32 $0x130, s15;
	[tilespmem:s4+$0x0] =	vst.add.f32.msk $0xffff, v3  }
0x8d: {  	s12 =	sor.u32 $0x140, s15;
	[tilespmem:s8+$0x0] =	vst.add.f32.msk $0xffff, v4  }
0x8e: {  	s23 =	sor.u32 $0xE0, s15;
	[tilespmem:s12+$0x0] =	vst.add.f32.msk $0xffff, v5  }
0x8f: {  	s21 =	sor.u32 $0x1F0, s15;
	[tilespmem:s23+$0x0] =	vst.add.f32.msk $0xffff, v6  }
0x90: {  	[tilespmem:s21+$0x0] =	vst.add.f32.msk $0xffff, v1  }
0x91: {  	s1 =	sor.u32 $0x190, s15;
	v1 =	vld [tilespmem:s13+$0x50]  }
0x92: {  	s5 =	sor.u32 $0x1A0, s15;
	[tilespmem:s1+$0x0] =	vst.add.f32.msk $0xffff, v2  }
0x93: {  	s9 =	sor.u32 $0x1B0, s15;
	[tilespmem:s5+$0x0] =	vst.add.f32.msk $0xffff, v3  }
0x94: {  	s28 =	sor.u32 $0x160, s15;
	[tilespmem:s9+$0x0] =	vst.add.f32.msk $0xffff, v4  }
0x95: {  	s13 =	sor.u32 $0x1C0, s15;
	[tilespmem:s28+$0x0] =	vst.add.f32.msk $0xffff, v6  }
0x96: {  	s31 =	sor.u32 $0x1E0, s15;
	[tilespmem:s13+$0x0] =	vst.add.f32.msk $0xffff, v5  }
0x97: {  	s17 =	sor.u32 $0x50, s15;
	[tilespmem:s31+$0x0] =	vst.add.f32.msk $0xffff, v6  }
0x98: {  	s18 =	sor.u32 $0xD0, s15;
	[tilespmem:s17+$0x0] =	vst.add.f32.msk $0xffff, v1  }
0x99: {  	s19 =	sor.u32 $0x150, s15;
	[tilespmem:s18+$0x0] =	vst.add.f32.msk $0xffff, v1  }
0x9a: {  	s20 =	sor.u32 $0x80, s15;
	s21 =	sor.u32 $0x1D0, s15;
	[tilespmem:s19+$0x0] =	vst.add.f32.msk $0xffff, v1  }
0x9b: {  	s16 =	simm.s32 $0x0;
	s28 =	sor.u32 $0x100, s15;
	s31 =	sor.u32 $0x180, s15;
	[tilespmem:s21+$0x0] =	vst.add.f32.msk $0xffff, v1  }
.LBB2_6:
0x9c: {  	s16 =	sadd.s32 $0x80, s16;
	[tilespmem:s15+$0x0] =	vst.add.f32.msk $0xffff, v0  }
0x9d: {  	s14 =	sadd.s32 $0x400, s14;
	s15 =	sshrl.u32 s16, $0x3;
	[tilespmem:s20+$0x0] =	vst.add.f32.msk $0xffff, v0  }
0x9e: {  	s20 =	sand.u32 $0x1C00, s14;
	s15 =	sand.u32 $0x1FFFFF80, s15;
	[tilespmem:s28+$0x0] =	vst.add.f32.msk $0xffff, v0  }
0x9f: {  	p0 =	slt.u32 s16, $0x1F80;
	s15 =	sadd.s32 s20, s15;
	[tilespmem:s31+$0x0] =	vst.add.f32.msk $0xffff, v0  }
0xa0: {  	s0 =	sadd.s32 $0x10000, s15;
	v0 =	vld [tilespmem:s15+$0x10000]  }
0xa1: {  	s28 =	sshll.u32 s16, $0x2;
	s15 =	sshrl.u32 s16, $0x1;
	v1 =	vld [tilespmem:s0+$0x70]  }
0xa2: {  	s28 =	sand.u32 $0x6000, s28;
	s15 =	sand.u32 $0x200, s15;
	v2 =	vld [tilespmem:s0+$0x10]  }
0xa3: {  	s15 =	sor.u32 s15, s28;
	v3 =	vld [tilespmem:s0+$0x20]  }
0xa4: {  	s15 =	sor.u32 s20, s15;
	v4 =	vld [tilespmem:s0+$0x30]  }
0xa5: {  	s20 =	sor.u32 $0x80, s15;
	s28 =	sor.u32 $0x100, s15;
	s3 =	sor.u32 $0x70, s15;
	v5 =	vld [tilespmem:s0+$0x40]  }
0xa6: {  	s31 =	sor.u32 $0x180, s15;
	s5 =	sor.u32 $0x10, s15;
	[tilespmem:s3+$0x0] =	vst.add.f32.msk $0xffff, v1;
	s3 =	sor.u32 $0xF0, s15  }
0xa7: {  	s8 =	sor.u32 $0x90, s15;
	s11 =	sor.u32 $0x110, s15;
	[tilespmem:s3+$0x0] =	vst.add.f32.msk $0xffff, v1;
	s3 =	sor.u32 $0x170, s15  }
0xa8: {  	s13 =	sor.u32 $0x190, s15;
	s1 =	sor.u32 $0x20, s15;
	[tilespmem:s3+$0x0] =	vst.add.f32.msk $0xffff, v1;
	s3 =	sor.u32 $0x1F0, s15  }
0xa9: {  	s2 =	sor.u32 $0xA0, s15;
	s4 =	sor.u32 $0x120, s15;
	s6 =	sor.u32 $0x1A0, s15;
	[tilespmem:s3+$0x0] =	vst.add.f32.msk $0xffff, v1  }
0xaa: {  	s7 =	sor.u32 $0xB0, s15;
	s9 =	sor.u32 $0x130, s15;
	s3 =	sor.u32 $0x30, s15;
	v1 =	vld [tilespmem:s0+$0x50]  }
0xab: {  	s10 =	sor.u32 $0x1B0, s15;
	s12 =	sor.u32 $0x40, s15;
	s17 =	sor.u32 $0xC0, s15;
	v6 =	vld [tilespmem:s0+$0x60]  }
0xac: {  	s18 =	sor.u32 $0x50, s15;
	s0 =	sor.u32 $0x140, s15;
	[tilespmem:s5+$0x0] =	vst.add.f32.msk $0xffff, v2;
	s5 =	sor.u32 $0x1C0, s15  }
0xad: {  	s19 =	sor.u32 $0x150, s15;
	s21 =	sor.u32 $0x1D0, s15;
	[tilespmem:s8+$0x0] =	vst.add.f32.msk $0xffff, v2;
	s8 =	sor.u32 $0xD0, s15  }
0xae: {  	s22 =	sor.u32 $0xE0, s15;
	s23 =	sor.u32 $0x160, s15;
	[tilespmem:s11+$0x0] =	vst.add.f32.msk $0xffff, v2;
	s11 =	sor.u32 $0x60, s15  }
0xaf: {  	[tilespmem:s13+$0x0] =	vst.add.f32.msk $0xffff, v2;
	s13 =	sor.u32 $0x1E0, s15  }
0xb0: {  	[tilespmem:s1+$0x0] =	vst.add.f32.msk $0xffff, v3  }
0xb1: {  	[tilespmem:s2+$0x0] =	vst.add.f32.msk $0xffff, v3  }
0xb2: {  	[tilespmem:s4+$0x0] =	vst.add.f32.msk $0xffff, v3  }
0xb3: {  	[tilespmem:s6+$0x0] =	vst.add.f32.msk $0xffff, v3  }
0xb4: {  	[tilespmem:s3+$0x0] =	vst.add.f32.msk $0xffff, v4  }
0xb5: {  	[tilespmem:s7+$0x0] =	vst.add.f32.msk $0xffff, v4  }
0xb6: {  	[tilespmem:s9+$0x0] =	vst.add.f32.msk $0xffff, v4  }
0xb7: {  	[tilespmem:s10+$0x0] =	vst.add.f32.msk $0xffff, v4  }
0xb8: {  	[tilespmem:s12+$0x0] =	vst.add.f32.msk $0xffff, v5  }
0xb9: {  	[tilespmem:s17+$0x0] =	vst.add.f32.msk $0xffff, v5  }
0xba: {  	[tilespmem:s0+$0x0] =	vst.add.f32.msk $0xffff, v5  }
0xbb: {  	[tilespmem:s5+$0x0] =	vst.add.f32.msk $0xffff, v5  }
0xbc: {  	[tilespmem:s18+$0x0] =	vst.add.f32.msk $0xffff, v1  }
0xbd: {  	[tilespmem:s8+$0x0] =	vst.add.f32.msk $0xffff, v1  }
0xbe: {  	[tilespmem:s19+$0x0] =	vst.add.f32.msk $0xffff, v1  }
.Ltmp2:
0xbf: {  	[tilespmem:s21+$0x0] =	vst.add.f32.msk $0xffff, v1;
	(pc) =	sbr.rel @p0 .LBB2_6-.Ltmp2, $4  }
0xc0: {  	[tilespmem:s11+$0x0] =	vst.add.f32.msk $0xffff, v6  }
0xc1: {  	[tilespmem:s22+$0x0] =	vst.add.f32.msk $0xffff, v6  }
0xc2: {  	[tilespmem:s23+$0x0] =	vst.add.f32.msk $0xffff, v6  }
0xc3: {  	[tilespmem:s13+$0x0] =	vst.add.f32.msk $0xffff, v6  }
0xc4: {  	[tilespmem:s15+$0x0] =	vst.add.f32.msk $0xffff, v0  }
0xc5: {  	[tilespmem:s20+$0x0] =	vst.add.f32.msk $0xffff, v0  }
0xc6: {  	[tilespmem:s28+$0x0] =	vst.add.f32.msk $0xffff, v0  }
0xc7: {  	[tilespmem:s31+$0x0] =	vst.add.f32.msk $0xffff, v0  }
0xc8: {  	[bflag:$0x0] =	sbarrier.arrive $0xFFFF  }
0xc9: {  	s0 =	simm.s32 $0x0;
	s2 =	rddreg [dreg:$0x9]  }
0xca: {  	[hbm4b:s2+s29] =	stream.strided.scatter [tilespmem:s0], [sflag:$0x5], $0x400, s30, s29, $0x38;
	[tilespmem:$0x14000] =	vst v63  }
0xcb: {  	s15 =	simm.s32 $0x400;
	s1 =	sadd.s32 $0x40, s2  }
0xcc: {  	[hbm4b:s1+s29] =	stream.strided.scatter [tilespmem:s15], [sflag:$0x5], $0x400, s30, s29, $0x38;
	[tilespmem:$0x14000] =	vst v63  }
0xcd: {  	s16 =	simm.s32 $0x800;
	s17 =	sadd.s32 $0x80, s2  }
0xce: {  	[hbm4b:s17+s29] =	stream.strided.scatter [tilespmem:s16], [sflag:$0x5], $0x400, s30, s29, $0x38;
	[tilespmem:$0x14000] =	vst v63  }
0xcf: {  	s18 =	simm.s32 $0xC00;
	s22 =	simm.s32 $0x1400;
	s19 =	sadd.s32 $0xC0, s2  }
0xd0: {  	[hbm4b:s19+s29] =	stream.strided.scatter [tilespmem:s18], [sflag:$0x5], $0x400, s30, s29, $0x38;
	[tilespmem:$0x14000] =	vst v63  }
0xd1: {  	s14 =	simm.s32 $0x8000;
	s20 =	simm.s32 $0x1000;
	s21 =	sadd.s32 $0x100, s2  }
0xd2: {  	[hbm4b:s21+s29] =	stream.strided.scatter [tilespmem:s20], [sflag:$0x5], $0x400, s30, s29, $0x38;
	[tilespmem:$0x14000] =	vst v63  }
0xd3: {  	s28 =	simm.s32 $0x1800;
	s23 =	sadd.s32 $0x140, s2;
	s31 =	sadd.s32 $0x180, s2  }
0xd4: {  	[hbm4b:s23+s29] =	stream.strided.scatter [tilespmem:s22], [sflag:$0x5], $0x400, s30, s29, $0x38;
	[tilespmem:$0x14000] =	vst v63  }
0xd5: {  	s15 =	sadd.s32 $0x400, s2;
	s16 =	simm.s32 $0x1C00;
	s20 =	sadd.s32 $0x1C0, s2  }
0xd6: {  	[hbm4b:s31+s29] =	stream.strided.scatter [tilespmem:s28], [sflag:$0x5], $0x400, s30, s29, $0x38;
	[tilespmem:$0x14000] =	vst v63  }
.LBB2_8:
0xd7: {  	[hbm4b:s20+s29] =	stream.strided.scatter [tilespmem:s16], [sflag:$0x5], $0x400, s30, s29, $0x38;
	[tilespmem:$0x14000] =	vst v63  }
0xd8: {  	s0 =	sshra.s32 s14, $0x2;
	p0 =	sne.s32 s14, $0x18000;
	s14 =	sadd.s32 $0x8000, s14  }
0xd9: {  	[hbm4b:s15+s29] =	stream.strided.scatter [tilespmem:s0], [sflag:$0x5], $0x400, s30, s29, $0x38;
	[tilespmem:$0x14000] =	vst v63  }
0xda: {  	s2 =	sadd.s32 $0x40, s15;
	s1 =	sadd.s32 $0x400, s0  }
0xdb: {  	[hbm4b:s2+s29] =	stream.strided.scatter [tilespmem:s1], [sflag:$0x5], $0x400, s30, s29, $0x38;
	[tilespmem:$0x14000] =	vst v63  }
0xdc: {  	s1 =	sadd.s32 $0x800, s0;
	s2 =	sadd.s32 $0x80, s15  }
0xdd: {  	[hbm4b:s2+s29] =	stream.strided.scatter [tilespmem:s1], [sflag:$0x5], $0x400, s30, s29, $0x38;
	[tilespmem:$0x14000] =	vst v63  }
0xde: {  	s1 =	sadd.s32 $0xC00, s0;
	s2 =	sadd.s32 $0xC0, s15  }
0xdf: {  	[hbm4b:s2+s29] =	stream.strided.scatter [tilespmem:s1], [sflag:$0x5], $0x400, s30, s29, $0x38;
	[tilespmem:$0x14000] =	vst v63  }
0xe0: {  	s1 =	sadd.s32 $0x1000, s0;
	s2 =	sadd.s32 $0x100, s15  }
0xe1: {  	[hbm4b:s2+s29] =	stream.strided.scatter [tilespmem:s1], [sflag:$0x5], $0x400, s30, s29, $0x38;
	[tilespmem:$0x14000] =	vst v63  }
.Ltmp3:
0xe2: {  	s1 =	sadd.s32 $0x1400, s0;
	s2 =	sadd.s32 $0x140, s15;
	(pc) =	sbr.rel @p0 .LBB2_8-.Ltmp3, $4  }
0xe3: {  	[hbm4b:s2+s29] =	stream.strided.scatter [tilespmem:s1], [sflag:$0x5], $0x400, s30, s29, $0x38;
	[tilespmem:$0x14000] =	vst v63  }
0xe4: {  	s1 =	sadd.s32 $0x1800, s0;
	s2 =	sadd.s32 $0x180, s15  }
0xe5: {  	[hbm4b:s2+s29] =	stream.strided.scatter [tilespmem:s1], [sflag:$0x5], $0x400, s30, s29, $0x38;
	[tilespmem:$0x14000] =	vst v63  }
0xe6: {  	s20 =	sadd.s32 $0x1C0, s15;
	s16 =	sadd.s32 $0x1C00, s0;
	s15 =	sadd.s32 $0x400, s15  }
0xe7: {  	[hbm4b:s20+s29] =	stream.strided.scatter [tilespmem:s16], [sflag:$0x5], $0x400, s30, s29, $0x38;
	[tilespmem:$0x14000] =	vst v63  }
0xe8: {  	s0 =	simm.s32 $0x5  }
0xe9: {  	_ =	swait.ge [sflag:s0], $0x8000  }
0xea: {  	[sflag:s0] =	ssyncset.done $0x0  }
0xeb: {  	s14 =	simm.s32 $0x0;
	s2 =	rddreg [dreg:$0xa];
	[sflag:s0] =	ssyncadd.s32 $0xFFFF8000  }
0xec: {  	[tilespmem:s14], [sflag:$0x1] =	stream.strided.gather [hbm4b:s2+s29], $0x400, s30, s29, $0x38;
	[tilespmem:$0x14000] =	vst v63  }
0xed: {  	s1 =	simm.s32 $0x400;
	s15 =	sadd.s32 $0x40, s2  }
0xee: {  	[tilespmem:s1], [sflag:$0x1] =	stream.strided.gather [hbm4b:s15+s29], $0x400, s30, s29, $0x38;
	[tilespmem:$0x14000] =	vst v63  }
0xef: {  	s17 =	simm.s32 $0x800;
	s16 =	sadd.s32 $0x80, s2  }
0xf0: {  	[tilespmem:s17], [sflag:$0x1] =	stream.strided.gather [hbm4b:s16+s29], $0x400, s30, s29, $0x38;
	[tilespmem:$0x14000] =	vst v63  }
0xf1: {  	s19 =	simm.s32 $0xC00;
	s21 =	simm.s32 $0x1000;
	s18 =	sadd.s32 $0xC0, s2  }
0xf2: {  	[tilespmem:s19], [sflag:$0x1] =	stream.strided.gather [hbm4b:s18+s29], $0x400, s30, s29, $0x38;
	[tilespmem:$0x14000] =	vst v63  }
0xf3: {  	s23 =	simm.s32 $0x1400;
	s31 =	simm.s32 $0x1800;
	s20 =	sadd.s32 $0x100, s2  }
0xf4: {  	[tilespmem:s21], [sflag:$0x1] =	stream.strided.gather [hbm4b:s20+s29], $0x400, s30, s29, $0x38;
	[tilespmem:$0x14000] =	vst v63  }
0xf5: {  	s22 =	sadd.s32 $0x140, s2;
	s28 =	sadd.s32 $0x180, s2;
	s14 =	simm.s32 $0x8000  }
0xf6: {  	[tilespmem:s23], [sflag:$0x1] =	stream.strided.gather [hbm4b:s22+s29], $0x400, s30, s29, $0x38;
	[tilespmem:$0x14000] =	vst v63  }
0xf7: {  	s15 =	sadd.s32 $0x400, s2;
	s16 =	sadd.s32 $0x1C0, s2;
	s20 =	simm.s32 $0x1C00  }
0xf8: {  	[tilespmem:s31], [sflag:$0x1] =	stream.strided.gather [hbm4b:s28+s29], $0x400, s30, s29, $0x38;
	[tilespmem:$0x14000] =	vst v63  }
.LBB2_10:
0xf9: {  	[tilespmem:s20], [sflag:$0x1] =	stream.strided.gather [hbm4b:s16+s29], $0x400, s30, s29, $0x38;
	[tilespmem:$0x14000] =	vst v63  }
0xfa: {  	s0 =	sshra.s32 s14, $0x2;
	p0 =	sne.s32 s14, $0x18000;
	s14 =	sadd.s32 $0x8000, s14  }
0xfb: {  	[tilespmem:s0], [sflag:$0x1] =	stream.strided.gather [hbm4b:s15+s29], $0x400, s30, s29, $0x38;
	[tilespmem:$0x14000] =	vst v63  }
0xfc: {  	s1 =	sadd.s32 $0x40, s15;
	s2 =	sadd.s32 $0x400, s0  }
0xfd: {  	[tilespmem:s2], [sflag:$0x1] =	stream.strided.gather [hbm4b:s1+s29], $0x400, s30, s29, $0x38;
	[tilespmem:$0x14000] =	vst v63  }
0xfe: {  	s1 =	sadd.s32 $0x80, s15;
	s2 =	sadd.s32 $0x800, s0  }
0xff: {  	[tilespmem:s2], [sflag:$0x1] =	stream.strided.gather [hbm4b:s1+s29], $0x400, s30, s29, $0x38;
	[tilespmem:$0x14000] =	vst v63  }
0x100: {  	s1 =	sadd.s32 $0xC0, s15;
	s2 =	sadd.s32 $0xC00, s0  }
0x101: {  	[tilespmem:s2], [sflag:$0x1] =	stream.strided.gather [hbm4b:s1+s29], $0x400, s30, s29, $0x38;
	[tilespmem:$0x14000] =	vst v63  }
0x102: {  	s1 =	sadd.s32 $0x100, s15;
	s2 =	sadd.s32 $0x1000, s0  }
0x103: {  	[tilespmem:s2], [sflag:$0x1] =	stream.strided.gather [hbm4b:s1+s29], $0x400, s30, s29, $0x38;
	[tilespmem:$0x14000] =	vst v63  }
.Ltmp4:
0x104: {  	s1 =	sadd.s32 $0x140, s15;
	s2 =	sadd.s32 $0x1400, s0;
	(pc) =	sbr.rel @p0 .LBB2_10-.Ltmp4, $4  }
0x105: {  	[tilespmem:s2], [sflag:$0x1] =	stream.strided.gather [hbm4b:s1+s29], $0x400, s30, s29, $0x38;
	[tilespmem:$0x14000] =	vst v63  }
0x106: {  	s1 =	sadd.s32 $0x180, s15;
	s2 =	sadd.s32 $0x1800, s0  }
0x107: {  	[tilespmem:s2], [sflag:$0x1] =	stream.strided.gather [hbm4b:s1+s29], $0x400, s30, s29, $0x38;
	[tilespmem:$0x14000] =	vst v63  }
0x108: {  	s16 =	sadd.s32 $0x1C0, s15;
	s20 =	sadd.s32 $0x1C00, s0;
	s15 =	sadd.s32 $0x400, s15  }
0x109: {  	[tilespmem:s20], [sflag:$0x1] =	stream.strided.gather [hbm4b:s16+s29], $0x400, s30, s29, $0x38;
	[tilespmem:$0x14000] =	vst v63  }
0x10a: {  	s14 =	simm.s32 $0x0  }
0x10b: {  	s0 =	rddreg [dreg:$0xb];
	s1 =	simm.s32 $0x10000;
	s12 =	simm.s32 $0x2  }
0x10c: {  	[tilespmem:s1], [sflag:$0x3] =	stream.linear.gather [hbm4b:s0+s14], $0x2000, $0x38;
	[tilespmem:$0x14000] =	vst v63  }
0x10d: {  	_ =	swait.ge [sflag:s12], $0x8000  }
0x10e: {  	[sflag:s12] =	ssyncset.done $0x0  }
0x10f: {  	s2 =	simm.s32 $0x4;
	[sflag:s12] =	ssyncadd.s32 $0xFFFF8000  }
0x110: {  	s13 =	simm.s32 $0x0;
	_ =	swait.ge [sflag:s2], $0x2000  }
0x111: {  	s15 =	sand.u32 $0x1C00, s14;
	s0 =	sand.u32 $0x1FFFFF80, s13;
	[sflag:s2] =	ssyncset.done $0x0  }
0x112: {  	s0 =	sadd.s32 s15, s0;
	[sflag:s2] =	ssyncadd.s32 $0xFFFFE000  }
0x113: {  	v0 =	vld [tilespmem:s0+$0x12000];
	s0 =	sadd.s32 $0x10000, s0  }
0x114: {  	v1 =	vld [tilespmem:s0+$0x2070]  }
0x115: {  	s16 =	simm.s32 $0x0;
	s3 =	simm.s32 $0x0;
	v2 =	vld [tilespmem:s0+$0x2010]  }
0x116: {  	s3 =	sand.u32 $0x6000, s3;
	s2 =	sand.u32 $0x200, s16;
	v3 =	vld [tilespmem:s0+$0x2020]  }
0x117: {  	s2 =	sor.u32 s2, s3;
	v4 =	vld [tilespmem:s0+$0x2030]  }
0x118: {  	s16 =	sor.u32 s15, s2;
	v5 =	vld [tilespmem:s0+$0x2040]  }
0x119: {  	v6 =	vld [tilespmem:s0+$0x2060];
	s1 =	sor.u32 $0x8070, s16  }
0x11a: {  	s20 =	sor.u32 $0x8010, s16;
	[tilespmem:s1+$0x0] =	vst.add.f32.msk $0xffff, v1  }
0x11b: {  	s2 =	sor.u32 $0x8020, s16;
	[tilespmem:s20+$0x0] =	vst.add.f32.msk $0xffff, v2  }
0x11c: {  	s6 =	sor.u32 $0x8030, s16;
	[tilespmem:s2+$0x0] =	vst.add.f32.msk $0xffff, v3  }
0x11d: {  	s10 =	sor.u32 $0x8040, s16;
	[tilespmem:s6+$0x0] =	vst.add.f32.msk $0xffff, v4  }
0x11e: {  	s17 =	sor.u32 $0x80F0, s16;
	[tilespmem:s10+$0x0] =	vst.add.f32.msk $0xffff, v5  }
0x11f: {  	s21 =	sor.u32 $0x8090, s16;
	[tilespmem:s17+$0x0] =	vst.add.f32.msk $0xffff, v1  }
0x120: {  	s3 =	sor.u32 $0x80A0, s16;
	[tilespmem:s21+$0x0] =	vst.add.f32.msk $0xffff, v2  }
0x121: {  	s7 =	sor.u32 $0x80B0, s16;
	[tilespmem:s3+$0x0] =	vst.add.f32.msk $0xffff, v3  }
0x122: {  	s11 =	sor.u32 $0x80C0, s16;
	[tilespmem:s7+$0x0] =	vst.add.f32.msk $0xffff, v4  }
0x123: {  	s20 =	sor.u32 $0x8060, s16;
	[tilespmem:s11+$0x0] =	vst.add.f32.msk $0xffff, v5  }
0x124: {  	s18 =	sor.u32 $0x8170, s16;
	[tilespmem:s20+$0x0] =	vst.add.f32.msk $0xffff, v6  }
0x125: {  	s22 =	sor.u32 $0x8110, s16;
	[tilespmem:s18+$0x0] =	vst.add.f32.msk $0xffff, v1  }
0x126: {  	s4 =	sor.u32 $0x8120, s16;
	[tilespmem:s22+$0x0] =	vst.add.f32.msk $0xffff, v2  }
0x127: {  	s8 =	sor.u32 $0x8130, s16;
	[tilespmem:s4+$0x0] =	vst.add.f32.msk $0xffff, v3  }
0x128: {  	s12 =	sor.u32 $0x8140, s16;
	[tilespmem:s8+$0x0] =	vst.add.f32.msk $0xffff, v4  }
0x129: {  	s21 =	sor.u32 $0x80E0, s16;
	[tilespmem:s12+$0x0] =	vst.add.f32.msk $0xffff, v5  }
0x12a: {  	s19 =	sor.u32 $0x81F0, s16;
	[tilespmem:s21+$0x0] =	vst.add.f32.msk $0xffff, v6  }
0x12b: {  	[tilespmem:s19+$0x0] =	vst.add.f32.msk $0xffff, v1  }
0x12c: {  	s23 =	sor.u32 $0x8190, s16;
	v1 =	vld [tilespmem:s0+$0x2050]  }
0x12d: {  	s5 =	sor.u32 $0x81A0, s16;
	[tilespmem:s23+$0x0] =	vst.add.f32.msk $0xffff, v2  }
0x12e: {  	s9 =	sor.u32 $0x81B0, s16;
	[tilespmem:s5+$0x0] =	vst.add.f32.msk $0xffff, v3  }
0x12f: {  	s13 =	sor.u32 $0x81C0, s16;
	[tilespmem:s9+$0x0] =	vst.add.f32.msk $0xffff, v4  }
0x130: {  	s22 =	sor.u32 $0x8160, s16;
	[tilespmem:s13+$0x0] =	vst.add.f32.msk $0xffff, v5  }
0x131: {  	s23 =	sor.u32 $0x81E0, s16;
	[tilespmem:s22+$0x0] =	vst.add.f32.msk $0xffff, v6  }
0x132: {  	s15 =	sor.u32 $0x8050, s16;
	[tilespmem:s23+$0x0] =	vst.add.f32.msk $0xffff, v6  }
0x133: {  	s17 =	sor.u32 $0x80D0, s16;
	[tilespmem:s15+$0x0] =	vst.add.f32.msk $0xffff, v1  }
0x134: {  	s18 =	sor.u32 $0x8150, s16;
	[tilespmem:s17+$0x0] =	vst.add.f32.msk $0xffff, v1  }
0x135: {  	s28 =	sor.u32 $0x8080, s16;
	s31 =	sor.u32 $0x8100, s16;
	s19 =	sor.u32 $0x81D0, s16;
	[tilespmem:s18+$0x0] =	vst.add.f32.msk $0xffff, v1  }
0x136: {  	s20 =	sor.u32 $0x8000, s16;
	s16 =	sor.u32 $0x8180, s16;
	s15 =	simm.s32 $0x0;
	[tilespmem:s19+$0x0] =	vst.add.f32.msk $0xffff, v1  }
.LBB2_12:
0x137: {  	s15 =	sadd.s32 $0x80, s15;
	[tilespmem:s20+$0x0] =	vst.add.f32.msk $0xffff, v0  }
0x138: {  	s14 =	sadd.s32 $0x400, s14;
	s0 =	sshrl.u32 s15, $0x3;
	[tilespmem:s28+$0x0] =	vst.add.f32.msk $0xffff, v0  }
0x139: {  	s1 =	sand.u32 $0x1C00, s14;
	s0 =	sand.u32 $0x1FFFFF80, s0;
	[tilespmem:s31+$0x0] =	vst.add.f32.msk $0xffff, v0  }
0x13a: {  	p0 =	slt.u32 s15, $0x1F80;
	s0 =	sadd.s32 s1, s0;
	[tilespmem:s16+$0x0] =	vst.add.f32.msk $0xffff, v0  }
0x13b: {  	v0 =	vld [tilespmem:s0+$0x12000];
	s0 =	sadd.s32 $0x10000, s0  }
0x13c: {  	s2 =	sshrl.u32 s15, $0x1;
	s3 =	sshll.u32 s15, $0x2;
	v1 =	vld [tilespmem:s0+$0x2070]  }
0x13d: {  	s3 =	sand.u32 $0x6000, s3;
	s2 =	sand.u32 $0x200, s2;
	v2 =	vld [tilespmem:s0+$0x2010]  }
0x13e: {  	s2 =	sor.u32 s2, s3;
	v3 =	vld [tilespmem:s0+$0x2020]  }
0x13f: {  	s1 =	sor.u32 s1, s2;
	v4 =	vld [tilespmem:s0+$0x2030]  }
0x140: {  	s20 =	sor.u32 $0x8000, s1;
	s28 =	sor.u32 $0x8080, s1;
	s2 =	sor.u32 $0x8070, s1;
	v5 =	vld [tilespmem:s0+$0x2040]  }
0x141: {  	s31 =	sor.u32 $0x8100, s1;
	s16 =	sor.u32 $0x8180, s1;
	[tilespmem:s2+$0x0] =	vst.add.f32.msk $0xffff, v1;
	s2 =	sor.u32 $0x80F0, s1  }
0x142: {  	s3 =	sor.u32 $0x8010, s1;
	s4 =	sor.u32 $0x8090, s1;
	[tilespmem:s2+$0x0] =	vst.add.f32.msk $0xffff, v1;
	s2 =	sor.u32 $0x8170, s1  }
0x143: {  	s5 =	sor.u32 $0x8110, s1;
	s6 =	sor.u32 $0x8190, s1;
	[tilespmem:s2+$0x0] =	vst.add.f32.msk $0xffff, v1;
	s2 =	sor.u32 $0x81F0, s1  }
0x144: {  	s7 =	sor.u32 $0x8020, s1;
	s8 =	sor.u32 $0x80A0, s1;
	s9 =	sor.u32 $0x8120, s1;
	[tilespmem:s2+$0x0] =	vst.add.f32.msk $0xffff, v1  }
0x145: {  	s10 =	sor.u32 $0x8030, s1;
	s11 =	sor.u32 $0x80B0, s1;
	s2 =	sor.u32 $0x81A0, s1;
	v1 =	vld [tilespmem:s0+$0x2050]  }
0x146: {  	s12 =	sor.u32 $0x8130, s1;
	s13 =	sor.u32 $0x81B0, s1;
	s17 =	sor.u32 $0x8040, s1;
	v6 =	vld [tilespmem:s0+$0x2060]  }
0x147: {  	s18 =	sor.u32 $0x81C0, s1;
	s0 =	sor.u32 $0x80C0, s1;
	[tilespmem:s3+$0x0] =	vst.add.f32.msk $0xffff, v2;
	s3 =	sor.u32 $0x8140, s1  }
0x148: {  	s19 =	sor.u32 $0x80D0, s1;
	s21 =	sor.u32 $0x8150, s1;
	[tilespmem:s4+$0x0] =	vst.add.f32.msk $0xffff, v2;
	s4 =	sor.u32 $0x8050, s1  }
0x149: {  	s22 =	sor.u32 $0x8060, s1;
	s23 =	sor.u32 $0x80E0, s1;
	[tilespmem:s5+$0x0] =	vst.add.f32.msk $0xffff, v2;
	s5 =	sor.u32 $0x81D0, s1  }
0x14a: {  	[tilespmem:s6+$0x0] =	vst.add.f32.msk $0xffff, v2;
	s6 =	sor.u32 $0x8160, s1;
	s1 =	sor.u32 $0x81E0, s1  }
0x14b: {  	[tilespmem:s7+$0x0] =	vst.add.f32.msk $0xffff, v3  }
0x14c: {  	[tilespmem:s8+$0x0] =	vst.add.f32.msk $0xffff, v3  }
0x14d: {  	[tilespmem:s9+$0x0] =	vst.add.f32.msk $0xffff, v3  }
0x14e: {  	[tilespmem:s2+$0x0] =	vst.add.f32.msk $0xffff, v3  }
0x14f: {  	[tilespmem:s10+$0x0] =	vst.add.f32.msk $0xffff, v4  }
0x150: {  	[tilespmem:s11+$0x0] =	vst.add.f32.msk $0xffff, v4  }
0x151: {  	[tilespmem:s12+$0x0] =	vst.add.f32.msk $0xffff, v4  }
0x152: {  	[tilespmem:s13+$0x0] =	vst.add.f32.msk $0xffff, v4  }
0x153: {  	[tilespmem:s17+$0x0] =	vst.add.f32.msk $0xffff, v5  }
0x154: {  	[tilespmem:s0+$0x0] =	vst.add.f32.msk $0xffff, v5  }
0x155: {  	[tilespmem:s3+$0x0] =	vst.add.f32.msk $0xffff, v5  }
0x156: {  	[tilespmem:s18+$0x0] =	vst.add.f32.msk $0xffff, v5  }
0x157: {  	[tilespmem:s4+$0x0] =	vst.add.f32.msk $0xffff, v1  }
0x158: {  	[tilespmem:s19+$0x0] =	vst.add.f32.msk $0xffff, v1  }
0x159: {  	[tilespmem:s21+$0x0] =	vst.add.f32.msk $0xffff, v1  }
.Ltmp5:
0x15a: {  	[tilespmem:s5+$0x0] =	vst.add.f32.msk $0xffff, v1;
	(pc) =	sbr.rel @p0 .LBB2_12-.Ltmp5, $4  }
0x15b: {  	[tilespmem:s22+$0x0] =	vst.add.f32.msk $0xffff, v6  }
0x15c: {  	[tilespmem:s23+$0x0] =	vst.add.f32.msk $0xffff, v6  }
0x15d: {  	[tilespmem:s6+$0x0] =	vst.add.f32.msk $0xffff, v6  }
0x15e: {  	[tilespmem:s1+$0x0] =	vst.add.f32.msk $0xffff, v6  }
0x15f: {  	[tilespmem:s20+$0x0] =	vst.add.f32.msk $0xffff, v0  }
0x160: {  	[tilespmem:s28+$0x0] =	vst.add.f32.msk $0xffff, v0  }
0x161: {  	[tilespmem:s31+$0x0] =	vst.add.f32.msk $0xffff, v0  }
0x162: {  	[tilespmem:s16+$0x0] =	vst.add.f32.msk $0xffff, v0  }
0x163: {  	[bflag:$0x0] =	sbarrier.arrive $0xFFFF  }
0x164: {  	s0 =	simm.s32 $0x8000;
	s2 =	rddreg [dreg:$0xc]  }
0x165: {  	[hbm4b:s2+s29] =	stream.strided.scatter [tilespmem:s0], [sflag:$0x6], $0x400, s30, s29, $0x38;
	[tilespmem:$0x14000] =	vst v63  }
0x166: {  	s14 =	simm.s32 $0x8400;
	s1 =	sadd.s32 $0x40, s2  }
0x167: {  	[hbm4b:s1+s29] =	stream.strided.scatter [tilespmem:s14], [sflag:$0x6], $0x400, s30, s29, $0x38;
	[tilespmem:$0x14000] =	vst v63  }
0x168: {  	s15 =	simm.s32 $0x8800;
	s17 =	simm.s32 $0x8C00;
	s16 =	sadd.s32 $0x80, s2  }
0x169: {  	[hbm4b:s16+s29] =	stream.strided.scatter [tilespmem:s15], [sflag:$0x6], $0x400, s30, s29, $0x38;
	[tilespmem:$0x14000] =	vst v63  }
0x16a: {  	s19 =	simm.s32 $0x9000;
	s21 =	simm.s32 $0x9400;
	s18 =	sadd.s32 $0xC0, s2  }
0x16b: {  	[hbm4b:s18+s29] =	stream.strided.scatter [tilespmem:s17], [sflag:$0x6], $0x400, s30, s29, $0x38;
	[tilespmem:$0x14000] =	vst v63  }
0x16c: {  	s23 =	simm.s32 $0x9800;
	s20 =	sadd.s32 $0x100, s2;
	s22 =	sadd.s32 $0x140, s2  }
0x16d: {  	[hbm4b:s20+s29] =	stream.strided.scatter [tilespmem:s19], [sflag:$0x6], $0x400, s30, s29, $0x38;
	[tilespmem:$0x14000] =	vst v63  }
0x16e: {  	s31 =	sadd.s32 $0x180, s2;
	s28 =	sadd.s32 $0x1C0, s2;
	s14 =	simm.s32 $0x2000  }
0x16f: {  	[hbm4b:s22+s29] =	stream.strided.scatter [tilespmem:s21], [sflag:$0x6], $0x400, s30, s29, $0x38;
	[tilespmem:$0x14000] =	vst v63  }
0x170: {  	s16 =	simm.s32 $0x10000;
	s15 =	sadd.s32 $0x400, s2;
	s20 =	simm.s32 $0x9C00  }
0x171: {  	[hbm4b:s31+s29] =	stream.strided.scatter [tilespmem:s23], [sflag:$0x6], $0x400, s30, s29, $0x38;
	[tilespmem:$0x14000] =	vst v63  }
.LBB2_14:
0x172: {  	[hbm4b:s28+s29] =	stream.strided.scatter [tilespmem:s20], [sflag:$0x6], $0x400, s30, s29, $0x38;
	[tilespmem:$0x14000] =	vst v63  }
0x173: {  	s0 =	smov.u32 s14;
	s1 =	smov.u32 s16  }
0x174: {  	s14 =	sshra.s32 s1, $0x2;
	s1 =	sadd.s32 $0x8000, s16;
	s2 =	sadd.s32 $0x8000, s0  }
0x175: {  	[hbm4b:s15+s29] =	stream.strided.scatter [tilespmem:s2], [sflag:$0x6], $0x400, s30, s29, $0x38;
	[tilespmem:$0x14000] =	vst v63  }
0x176: {  	p0 =	sne.s32 s16, $0x18000;
	s3 =	sadd.s32 $0x40, s15;
	s2 =	sadd.s32 $0x8400, s0  }
0x177: {  	[hbm4b:s3+s29] =	stream.strided.scatter [tilespmem:s2], [sflag:$0x6], $0x400, s30, s29, $0x38;
	[tilespmem:$0x14000] =	vst v63  }
0x178: {  	s2 =	sadd.s32 $0x8800, s0;
	s3 =	sadd.s32 $0x80, s15  }
0x179: {  	[hbm4b:s3+s29] =	stream.strided.scatter [tilespmem:s2], [sflag:$0x6], $0x400, s30, s29, $0x38;
	[tilespmem:$0x14000] =	vst v63  }
0x17a: {  	s2 =	sadd.s32 $0x8C00, s0;
	s3 =	sadd.s32 $0xC0, s15  }
0x17b: {  	[hbm4b:s3+s29] =	stream.strided.scatter [tilespmem:s2], [sflag:$0x6], $0x400, s30, s29, $0x38;
	[tilespmem:$0x14000] =	vst v63  }
0x17c: {  	s2 =	sadd.s32 $0x9000, s0;
	s3 =	sadd.s32 $0x100, s15  }
0x17d: {  	[hbm4b:s3+s29] =	stream.strided.scatter [tilespmem:s2], [sflag:$0x6], $0x400, s30, s29, $0x38;
	[tilespmem:$0x14000] =	vst v63  }
.Ltmp6:
0x17e: {  	s2 =	sadd.s32 $0x9400, s0;
	s3 =	sadd.s32 $0x140, s15;
	(pc) =	sbr.rel @p0 .LBB2_14-.Ltmp6, $4  }
0x17f: {  	[hbm4b:s3+s29] =	stream.strided.scatter [tilespmem:s2], [sflag:$0x6], $0x400, s30, s29, $0x38;
	[tilespmem:$0x14000] =	vst v63  }
0x180: {  	s28 =	sadd.s32 $0x1C0, s15;
	s2 =	sadd.s32 $0x9800, s0;
	s3 =	sadd.s32 $0x180, s15  }
0x181: {  	[hbm4b:s3+s29] =	stream.strided.scatter [tilespmem:s2], [sflag:$0x6], $0x400, s30, s29, $0x38;
	[tilespmem:$0x14000] =	vst v63  }
0x182: {  	s20 =	sadd.s32 $0x9C00, s0;
	s16 =	smov.u32 s1;
	s15 =	sadd.s32 $0x400, s15  }
0x183: {  	[hbm4b:s28+s29] =	stream.strided.scatter [tilespmem:s20], [sflag:$0x6], $0x400, s30, s29, $0x38;
	[tilespmem:$0x14000] =	vst v63  }
0x184: {  	s0 =	sadd.s32 $0x8000, s14  }
0x185: {  	[hbm4b:s15+s29] =	stream.strided.scatter [tilespmem:s0], [sflag:$0x6], $0x400, s30, s29, $0x38;
	[tilespmem:$0x14000] =	vst v63  }
0x186: {  	s22 =	sadd.s32 $0x8400, s14;
	s1 =	sadd.s32 $0x40, s15  }
0x187: {  	[hbm4b:s1+s29] =	stream.strided.scatter [tilespmem:s22], [sflag:$0x6], $0x400, s30, s29, $0x38;
	[tilespmem:$0x14000] =	vst v63  }
0x188: {  	s23 =	sadd.s32 $0x8800, s14;
	s31 =	sadd.s32 $0x80, s15  }
0x189: {  	[hbm4b:s31+s29] =	stream.strided.scatter [tilespmem:s23], [sflag:$0x6], $0x400, s30, s29, $0x38;
	[tilespmem:$0x14000] =	vst v63  }
0x18a: {  	s2 =	sadd.s32 $0xC0, s15;
	s1 =	sadd.s32 $0x8C00, s14  }
0x18b: {  	[hbm4b:s2+s29] =	stream.strided.scatter [tilespmem:s1], [sflag:$0x6], $0x400, s30, s29, $0x38;
	[tilespmem:$0x14000] =	vst v63  }
0x18c: {  	s3 =	sadd.s32 $0x9000, s14;
	s4 =	sadd.s32 $0x100, s15  }
0x18d: {  	[hbm4b:s4+s29] =	stream.strided.scatter [tilespmem:s3], [sflag:$0x6], $0x400, s30, s29, $0x38;
	[tilespmem:$0x14000] =	vst v63  }
0x18e: {  	s5 =	sadd.s32 $0x9400, s14;
	s6 =	sadd.s32 $0x140, s15  }
0x18f: {  	[hbm4b:s6+s29] =	stream.strided.scatter [tilespmem:s5], [sflag:$0x6], $0x400, s30, s29, $0x38;
	[tilespmem:$0x14000] =	vst v63  }
0x190: {  	s7 =	sadd.s32 $0x9800, s14;
	s8 =	sadd.s32 $0x180, s15  }
0x191: {  	[hbm4b:s8+s29] =	stream.strided.scatter [tilespmem:s7], [sflag:$0x6], $0x400, s30, s29, $0x38;
	[tilespmem:$0x14000] =	vst v63  }
0x192: {  	s9 =	sadd.s32 $0x9C00, s14;
	s10 =	sadd.s32 $0x1C0, s15;
	s11 =	simm.s32 $0x6  }
0x193: {  	[hbm4b:s10+s29] =	stream.strided.scatter [tilespmem:s9], [sflag:$0x6], $0x400, s30, s29, $0x38;
	[tilespmem:$0x14000] =	vst v63  }
0x194: {  	_ =	swait.ge [sflag:s11], $0x8000  }
0x195: {  	[sflag:s11] =	ssyncset.done $0x0  }
0x196: {  	s12 =	simm.s32 $0x8000;
	s2 =	rddreg [dreg:$0xd];
	[sflag:s11] =	ssyncadd.s32 $0xFFFF8000  }
0x197: {  	[tilespmem:s12], [sflag:$0x2] =	stream.strided.gather [hbm4b:s2+s29], $0x400, s30, s29, $0x38;
	[tilespmem:$0x14000] =	vst v63  }
0x198: {  	s14 =	simm.s32 $0x8400;
	s13 =	sadd.s32 $0x40, s2  }
0x199: {  	[tilespmem:s14], [sflag:$0x2] =	stream.strided.gather [hbm4b:s13+s29], $0x400, s30, s29, $0x38;
	[tilespmem:$0x14000] =	vst v63  }
0x19a: {  	s16 =	simm.s32 $0x8800;
	s18 =	simm.s32 $0x8C00;
	s15 =	sadd.s32 $0x80, s2  }
0x19b: {  	[tilespmem:s16], [sflag:$0x2] =	stream.strided.gather [hbm4b:s15+s29], $0x400, s30, s29, $0x38;
	[tilespmem:$0x14000] =	vst v63  }
0x19c: {  	s20 =	simm.s32 $0x9000;
	s28 =	simm.s32 $0x9C00;
	s17 =	sadd.s32 $0xC0, s2  }
0x19d: {  	[tilespmem:s18], [sflag:$0x2] =	stream.strided.gather [hbm4b:s17+s29], $0x400, s30, s29, $0x38;
	[tilespmem:$0x14000] =	vst v63  }
0x19e: {  	s22 =	simm.s32 $0x9400;
	s31 =	simm.s32 $0x9800;
	s19 =	sadd.s32 $0x100, s2  }
0x19f: {  	[tilespmem:s20], [sflag:$0x2] =	stream.strided.gather [hbm4b:s19+s29], $0x400, s30, s29, $0x38;
	[tilespmem:$0x14000] =	vst v63  }
0x1a0: {  	s21 =	sadd.s32 $0x140, s2;
	s23 =	sadd.s32 $0x180, s2;
	s14 =	simm.s32 $0x2000  }
0x1a1: {  	[tilespmem:s22], [sflag:$0x2] =	stream.strided.gather [hbm4b:s21+s29], $0x400, s30, s29, $0x38;
	[tilespmem:$0x14000] =	vst v63  }
0x1a2: {  	s16 =	simm.s32 $0x10000;
	s15 =	sadd.s32 $0x400, s2;
	s20 =	sadd.s32 $0x1C0, s2  }
0x1a3: {  	[tilespmem:s31], [sflag:$0x2] =	stream.strided.gather [hbm4b:s23+s29], $0x400, s30, s29, $0x38;
	[tilespmem:$0x14000] =	vst v63  }
.LBB2_16:
0x1a4: {  	[tilespmem:s28], [sflag:$0x2] =	stream.strided.gather [hbm4b:s20+s29], $0x400, s30, s29, $0x38;
	[tilespmem:$0x14000] =	vst v63  }
0x1a5: {  	s0 =	smov.u32 s14;
	s1 =	smov.u32 s16  }
0x1a6: {  	s14 =	sshra.s32 s1, $0x2;
	s1 =	sadd.s32 $0x8000, s16;
	s2 =	sadd.s32 $0x8000, s0  }
0x1a7: {  	[tilespmem:s2], [sflag:$0x2] =	stream.strided.gather [hbm4b:s15+s29], $0x400, s30, s29, $0x38;
	[tilespmem:$0x14000] =	vst v63  }
0x1a8: {  	p0 =	sne.s32 s16, $0x18000;
	s3 =	sadd.s32 $0x8400, s0;
	s2 =	sadd.s32 $0x40, s15  }
0x1a9: {  	[tilespmem:s3], [sflag:$0x2] =	stream.strided.gather [hbm4b:s2+s29], $0x400, s30, s29, $0x38;
	[tilespmem:$0x14000] =	vst v63  }
0x1aa: {  	s2 =	sadd.s32 $0x80, s15;
	s3 =	sadd.s32 $0x8800, s0  }
0x1ab: {  	[tilespmem:s3], [sflag:$0x2] =	stream.strided.gather [hbm4b:s2+s29], $0x400, s30, s29, $0x38;
	[tilespmem:$0x14000] =	vst v63  }
0x1ac: {  	s2 =	sadd.s32 $0xC0, s15;
	s3 =	sadd.s32 $0x8C00, s0  }
0x1ad: {  	[tilespmem:s3], [sflag:$0x2] =	stream.strided.gather [hbm4b:s2+s29], $0x400, s30, s29, $0x38;
	[tilespmem:$0x14000] =	vst v63  }
0x1ae: {  	s2 =	sadd.s32 $0x100, s15;
	s3 =	sadd.s32 $0x9000, s0  }
0x1af: {  	[tilespmem:s3], [sflag:$0x2] =	stream.strided.gather [hbm4b:s2+s29], $0x400, s30, s29, $0x38;
	[tilespmem:$0x14000] =	vst v63  }
.Ltmp7:
0x1b0: {  	s2 =	sadd.s32 $0x140, s15;
	s3 =	sadd.s32 $0x9400, s0;
	(pc) =	sbr.rel @p0 .LBB2_16-.Ltmp7, $4  }
0x1b1: {  	[tilespmem:s3], [sflag:$0x2] =	stream.strided.gather [hbm4b:s2+s29], $0x400, s30, s29, $0x38;
	[tilespmem:$0x14000] =	vst v63  }
0x1b2: {  	s20 =	sadd.s32 $0x1C0, s15;
	s2 =	sadd.s32 $0x180, s15;
	s3 =	sadd.s32 $0x9800, s0  }
0x1b3: {  	[tilespmem:s3], [sflag:$0x2] =	stream.strided.gather [hbm4b:s2+s29], $0x400, s30, s29, $0x38;
	[tilespmem:$0x14000] =	vst v63  }
0x1b4: {  	s28 =	sadd.s32 $0x9C00, s0;
	s16 =	smov.u32 s1;
	s15 =	sadd.s32 $0x400, s15  }
0x1b5: {  	[tilespmem:s28], [sflag:$0x2] =	stream.strided.gather [hbm4b:s20+s29], $0x400, s30, s29, $0x38;
	[tilespmem:$0x14000] =	vst v63  }
0x1b6: {  	s0 =	sadd.s32 $0x8000, s14  }
0x1b7: {  	[tilespmem:s0], [sflag:$0x2] =	stream.strided.gather [hbm4b:s15+s29], $0x400, s30, s29, $0x38;
	[tilespmem:$0x14000] =	vst v63  }
0x1b8: {  	s19 =	sadd.s32 $0x40, s15;
	s1 =	sadd.s32 $0x8400, s14  }
0x1b9: {  	[tilespmem:s1], [sflag:$0x2] =	stream.strided.gather [hbm4b:s19+s29], $0x400, s30, s29, $0x38;
	[tilespmem:$0x14000] =	vst v63  }
0x1ba: {  	s20 =	sadd.s32 $0x80, s15;
	s21 =	sadd.s32 $0x8800, s14  }
0x1bb: {  	[tilespmem:s21], [sflag:$0x2] =	stream.strided.gather [hbm4b:s20+s29], $0x400, s30, s29, $0x38;
	[tilespmem:$0x14000] =	vst v63  }
0x1bc: {  	s22 =	sadd.s32 $0xC0, s15;
	s23 =	sadd.s32 $0x8C00, s14  }
0x1bd: {  	[tilespmem:s23], [sflag:$0x2] =	stream.strided.gather [hbm4b:s22+s29], $0x400, s30, s29, $0x38;
	[tilespmem:$0x14000] =	vst v63  }
0x1be: {  	s2 =	sadd.s32 $0x100, s15;
	s3 =	sadd.s32 $0x9000, s14  }
0x1bf: {  	[tilespmem:s3], [sflag:$0x2] =	stream.strided.gather [hbm4b:s2+s29], $0x400, s30, s29, $0x38;
	[tilespmem:$0x14000] =	vst v63  }
0x1c0: {  	s4 =	sadd.s32 $0x140, s15;
	s5 =	sadd.s32 $0x9400, s14  }
0x1c1: {  	[tilespmem:s5], [sflag:$0x2] =	stream.strided.gather [hbm4b:s4+s29], $0x400, s30, s29, $0x38;
	[tilespmem:$0x14000] =	vst v63  }
0x1c2: {  	s6 =	sadd.s32 $0x180, s15;
	s7 =	sadd.s32 $0x9800, s14  }
0x1c3: {  	[tilespmem:s7], [sflag:$0x2] =	stream.strided.gather [hbm4b:s6+s29], $0x400, s30, s29, $0x38;
	[tilespmem:$0x14000] =	vst v63  }
0x1c4: {  	s8 =	sadd.s32 $0x1C0, s15;
	s9 =	sadd.s32 $0x9C00, s14;
	s14 =	simm.s32 $0x0  }
0x1c5: {  	[tilespmem:s9], [sflag:$0x2] =	stream.strided.gather [hbm4b:s8+s29], $0x400, s30, s29, $0x38;
	[tilespmem:$0x14000] =	vst v63  }
0x1c6: {  	s10 =	rddreg [dreg:$0xe];
	s11 =	simm.s32 $0x12000;
	s12 =	simm.s32 $0x1  }
0x1c7: {  	[tilespmem:s11], [sflag:$0x4] =	stream.linear.gather [hbm4b:s10+s14], $0x2000, $0x38;
	[tilespmem:$0x14000] =	vst v63  }
0x1c8: {  	_ =	swait.ge [sflag:s12], $0x8000  }
0x1c9: {  	[sflag:s12] =	ssyncset.done $0x0  }
0x1ca: {  	s2 =	simm.s32 $0x3;
	[sflag:s12] =	ssyncadd.s32 $0xFFFF8000  }
0x1cb: {  	s13 =	simm.s32 $0x0;
	_ =	swait.ge [sflag:s2], $0x2000  }
0x1cc: {  	s15 =	sand.u32 $0x1C00, s14;
	s0 =	sand.u32 $0x1FFFFF80, s13;
	[sflag:s2] =	ssyncset.done $0x0  }
0x1cd: {  	s0 =	sadd.s32 s15, s0;
	[sflag:s2] =	ssyncadd.s32 $0xFFFFE000  }
0x1ce: {  	s16 =	sadd.s32 $0x10000, s0;
	v0 =	vld [tilespmem:s0+$0x10000]  }
0x1cf: {  	v1 =	vld [tilespmem:s16+$0x70]  }
0x1d0: {  	s17 =	simm.s32 $0x0;
	s3 =	simm.s32 $0x0;
	v2 =	vld [tilespmem:s16+$0x10]  }
0x1d1: {  	s3 =	sand.u32 $0x6000, s3;
	s0 =	sand.u32 $0x200, s17;
	v3 =	vld [tilespmem:s16+$0x20]  }
0x1d2: {  	v4 =	vld [tilespmem:s16+$0x30];
	s0 =	sor.u32 s0, s3  }
0x1d3: {  	v5 =	vld [tilespmem:s16+$0x40];
	s15 =	sor.u32 s15, s0  }
0x1d4: {  	v6 =	vld [tilespmem:s16+$0x60];
	s0 =	sor.u32 $0x70, s15  }
0x1d5: {  	s21 =	sor.u32 $0x10, s15;
	[tilespmem:s0+$0x0] =	vst.add.f32.msk $0xffff, v1  }
0x1d6: {  	s2 =	sor.u32 $0x20, s15;
	[tilespmem:s21+$0x0] =	vst.add.f32.msk $0xffff, v2  }
0x1d7: {  	s6 =	sor.u32 $0x30, s15;
	[tilespmem:s2+$0x0] =	vst.add.f32.msk $0xffff, v3  }
0x1d8: {  	s10 =	sor.u32 $0x40, s15;
	[tilespmem:s6+$0x0] =	vst.add.f32.msk $0xffff, v4  }
0x1d9: {  	s18 =	sor.u32 $0xF0, s15;
	[tilespmem:s10+$0x0] =	vst.add.f32.msk $0xffff, v5  }
0x1da: {  	s1 =	sor.u32 $0x90, s15;
	[tilespmem:s18+$0x0] =	vst.add.f32.msk $0xffff, v1  }
0x1db: {  	s3 =	sor.u32 $0xA0, s15;
	[tilespmem:s1+$0x0] =	vst.add.f32.msk $0xffff, v2  }
0x1dc: {  	s7 =	sor.u32 $0xB0, s15;
	[tilespmem:s3+$0x0] =	vst.add.f32.msk $0xffff, v3  }
0x1dd: {  	s11 =	sor.u32 $0xC0, s15;
	[tilespmem:s7+$0x0] =	vst.add.f32.msk $0xffff, v4  }
0x1de: {  	s19 =	sor.u32 $0x170, s15;
	[tilespmem:s11+$0x0] =	vst.add.f32.msk $0xffff, v5  }
0x1df: {  	s22 =	sor.u32 $0x110, s15;
	[tilespmem:s19+$0x0] =	vst.add.f32.msk $0xffff, v1  }
0x1e0: {  	s4 =	sor.u32 $0x120, s15;
	[tilespmem:s22+$0x0] =	vst.add.f32.msk $0xffff, v2  }
0x1e1: {  	s8 =	sor.u32 $0x130, s15;
	[tilespmem:s4+$0x0] =	vst.add.f32.msk $0xffff, v3  }
0x1e2: {  	s12 =	sor.u32 $0x140, s15;
	[tilespmem:s8+$0x0] =	vst.add.f32.msk $0xffff, v4  }
0x1e3: {  	s20 =	sor.u32 $0x1F0, s15;
	[tilespmem:s12+$0x0] =	vst.add.f32.msk $0xffff, v5  }
0x1e4: {  	[tilespmem:s20+$0x0] =	vst.add.f32.msk $0xffff, v1  }
0x1e5: {  	s23 =	sor.u32 $0x190, s15;
	v1 =	vld [tilespmem:s16+$0x50]  }
0x1e6: {  	s5 =	sor.u32 $0x1A0, s15;
	[tilespmem:s23+$0x0] =	vst.add.f32.msk $0xffff, v2  }
0x1e7: {  	s9 =	sor.u32 $0x1B0, s15;
	[tilespmem:s5+$0x0] =	vst.add.f32.msk $0xffff, v3  }
0x1e8: {  	s13 =	sor.u32 $0x1C0, s15;
	[tilespmem:s9+$0x0] =	vst.add.f32.msk $0xffff, v4  }
0x1e9: {  	[tilespmem:s13+$0x0] =	vst.add.f32.msk $0xffff, v5;
	s20 =	sor.u32 $0x60, s15  }
0x1ea: {  	s21 =	sor.u32 $0xE0, s15;
	[tilespmem:s20+$0x0] =	vst.add.f32.msk $0xffff, v6  }
0x1eb: {  	s22 =	sor.u32 $0x160, s15;
	[tilespmem:s21+$0x0] =	vst.add.f32.msk $0xffff, v6  }
0x1ec: {  	s23 =	sor.u32 $0x1E0, s15;
	[tilespmem:s22+$0x0] =	vst.add.f32.msk $0xffff, v6  }
0x1ed: {  	s16 =	sor.u32 $0x50, s15;
	[tilespmem:s23+$0x0] =	vst.add.f32.msk $0xffff, v6  }
0x1ee: {  	s17 =	sor.u32 $0xD0, s15;
	[tilespmem:s16+$0x0] =	vst.add.f32.msk $0xffff, v1  }
0x1ef: {  	s18 =	sor.u32 $0x150, s15;
	[tilespmem:s17+$0x0] =	vst.add.f32.msk $0xffff, v1  }
0x1f0: {  	s28 =	sor.u32 $0x100, s15;
	s19 =	sor.u32 $0x1D0, s15;
	[tilespmem:s18+$0x0] =	vst.add.f32.msk $0xffff, v1  }
0x1f1: {  	s31 =	sor.u32 $0x180, s15;
	s20 =	sor.u32 $0x80, s15;
	s16 =	simm.s32 $0x0;
	[tilespmem:s19+$0x0] =	vst.add.f32.msk $0xffff, v1  }
.LBB2_18:
0x1f2: {  	s16 =	sadd.s32 $0x80, s16;
	[tilespmem:s15+$0x0] =	vst.add.f32.msk $0xffff, v0  }
0x1f3: {  	s14 =	sadd.s32 $0x400, s14;
	s0 =	sshrl.u32 s16, $0x3;
	[tilespmem:s20+$0x0] =	vst.add.f32.msk $0xffff, v0  }
0x1f4: {  	s1 =	sand.u32 $0x1C00, s14;
	s0 =	sand.u32 $0x1FFFFF80, s0;
	[tilespmem:s28+$0x0] =	vst.add.f32.msk $0xffff, v0  }
0x1f5: {  	p0 =	slt.u32 s16, $0x1F80;
	s0 =	sadd.s32 s1, s0;
	[tilespmem:s31+$0x0] =	vst.add.f32.msk $0xffff, v0  }
0x1f6: {  	s2 =	sadd.s32 $0x10000, s0;
	v0 =	vld [tilespmem:s0+$0x10000]  }
0x1f7: {  	s3 =	sshll.u32 s16, $0x2;
	s0 =	sshrl.u32 s16, $0x1;
	v1 =	vld [tilespmem:s2+$0x70]  }
0x1f8: {  	s3 =	sand.u32 $0x6000, s3;
	s0 =	sand.u32 $0x200, s0;
	v2 =	vld [tilespmem:s2+$0x10]  }
0x1f9: {  	s0 =	sor.u32 s0, s3;
	v3 =	vld [tilespmem:s2+$0x20]  }
0x1fa: {  	s15 =	sor.u32 s1, s0;
	v4 =	vld [tilespmem:s2+$0x30]  }
0x1fb: {  	s20 =	sor.u32 $0x80, s15;
	s28 =	sor.u32 $0x100, s15;
	s0 =	sor.u32 $0x70, s15;
	v5 =	vld [tilespmem:s2+$0x40]  }
0x1fc: {  	s31 =	sor.u32 $0x180, s15;
	s1 =	sor.u32 $0x10, s15;
	[tilespmem:s0+$0x0] =	vst.add.f32.msk $0xffff, v1;
	s0 =	sor.u32 $0xF0, s15  }
0x1fd: {  	s3 =	sor.u32 $0x90, s15;
	s4 =	sor.u32 $0x110, s15;
	[tilespmem:s0+$0x0] =	vst.add.f32.msk $0xffff, v1;
	s0 =	sor.u32 $0x170, s15  }
0x1fe: {  	s5 =	sor.u32 $0x190, s15;
	s6 =	sor.u32 $0x20, s15;
	[tilespmem:s0+$0x0] =	vst.add.f32.msk $0xffff, v1;
	s0 =	sor.u32 $0x1F0, s15  }
0x1ff: {  	s7 =	sor.u32 $0xA0, s15;
	s8 =	sor.u32 $0x120, s15;
	s9 =	sor.u32 $0x1A0, s15;
	[tilespmem:s0+$0x0] =	vst.add.f32.msk $0xffff, v1  }
0x200: {  	s10 =	sor.u32 $0xB0, s15;
	s11 =	sor.u32 $0x130, s15;
	s0 =	sor.u32 $0x30, s15;
	v1 =	vld [tilespmem:s2+$0x50]  }
0x201: {  	s12 =	sor.u32 $0x1B0, s15;
	s13 =	sor.u32 $0x40, s15;
	s17 =	sor.u32 $0xC0, s15;
	v6 =	vld [tilespmem:s2+$0x60]  }
0x202: {  	s18 =	sor.u32 $0x50, s15;
	s2 =	sor.u32 $0x1C0, s15;
	[tilespmem:s1+$0x0] =	vst.add.f32.msk $0xffff, v2;
	s1 =	sor.u32 $0x140, s15  }
0x203: {  	s19 =	sor.u32 $0x150, s15;
	s21 =	sor.u32 $0x1D0, s15;
	[tilespmem:s3+$0x0] =	vst.add.f32.msk $0xffff, v2;
	s3 =	sor.u32 $0xD0, s15  }
0x204: {  	s22 =	sor.u32 $0xE0, s15;
	s23 =	sor.u32 $0x160, s15;
	[tilespmem:s4+$0x0] =	vst.add.f32.msk $0xffff, v2;
	s4 =	sor.u32 $0x60, s15  }
0x205: {  	[tilespmem:s5+$0x0] =	vst.add.f32.msk $0xffff, v2;
	s5 =	sor.u32 $0x1E0, s15  }
0x206: {  	[tilespmem:s6+$0x0] =	vst.add.f32.msk $0xffff, v3  }
0x207: {  	[tilespmem:s7+$0x0] =	vst.add.f32.msk $0xffff, v3  }
0x208: {  	[tilespmem:s8+$0x0] =	vst.add.f32.msk $0xffff, v3  }
0x209: {  	[tilespmem:s9+$0x0] =	vst.add.f32.msk $0xffff, v3  }
0x20a: {  	[tilespmem:s0+$0x0] =	vst.add.f32.msk $0xffff, v4  }
0x20b: {  	[tilespmem:s10+$0x0] =	vst.add.f32.msk $0xffff, v4  }
0x20c: {  	[tilespmem:s11+$0x0] =	vst.add.f32.msk $0xffff, v4  }
0x20d: {  	[tilespmem:s12+$0x0] =	vst.add.f32.msk $0xffff, v4  }
0x20e: {  	[tilespmem:s13+$0x0] =	vst.add.f32.msk $0xffff, v5  }
0x20f: {  	[tilespmem:s17+$0x0] =	vst.add.f32.msk $0xffff, v5  }
0x210: {  	[tilespmem:s1+$0x0] =	vst.add.f32.msk $0xffff, v5  }
0x211: {  	[tilespmem:s2+$0x0] =	vst.add.f32.msk $0xffff, v5  }
0x212: {  	[tilespmem:s18+$0x0] =	vst.add.f32.msk $0xffff, v1  }
0x213: {  	[tilespmem:s3+$0x0] =	vst.add.f32.msk $0xffff, v1  }
0x214: {  	[tilespmem:s19+$0x0] =	vst.add.f32.msk $0xffff, v1  }
.Ltmp8:
0x215: {  	[tilespmem:s21+$0x0] =	vst.add.f32.msk $0xffff, v1;
	(pc) =	sbr.rel @p0 .LBB2_18-.Ltmp8, $4  }
0x216: {  	[tilespmem:s4+$0x0] =	vst.add.f32.msk $0xffff, v6  }
0x217: {  	[tilespmem:s22+$0x0] =	vst.add.f32.msk $0xffff, v6  }
0x218: {  	[tilespmem:s23+$0x0] =	vst.add.f32.msk $0xffff, v6  }
0x219: {  	[tilespmem:s5+$0x0] =	vst.add.f32.msk $0xffff, v6  }
0x21a: {  	[tilespmem:s15+$0x0] =	vst.add.f32.msk $0xffff, v0  }
0x21b: {  	[tilespmem:s20+$0x0] =	vst.add.f32.msk $0xffff, v0  }
0x21c: {  	[tilespmem:s28+$0x0] =	vst.add.f32.msk $0xffff, v0  }
0x21d: {  	[tilespmem:s31+$0x0] =	vst.add.f32.msk $0xffff, v0  }
0x21e: {  	[bflag:$0x0] =	sbarrier.arrive $0xFFFF  }
0x21f: {  	s0 =	simm.s32 $0x0;
	s2 =	rddreg [dreg:$0xf]  }
0x220: {  	[hbm4b:s2+s29] =	stream.strided.scatter [tilespmem:s0], [sflag:$0x5], $0x400, s30, s29, $0x38;
	[tilespmem:$0x14000] =	vst v63  }
0x221: {  	s15 =	simm.s32 $0x400;
	s1 =	sadd.s32 $0x40, s2  }
0x222: {  	[hbm4b:s1+s29] =	stream.strided.scatter [tilespmem:s15], [sflag:$0x5], $0x400, s30, s29, $0x38;
	[tilespmem:$0x14000] =	vst v63  }
0x223: {  	s16 =	simm.s32 $0x800;
	s17 =	sadd.s32 $0x80, s2  }
0x224: {  	[hbm4b:s17+s29] =	stream.strided.scatter [tilespmem:s16], [sflag:$0x5], $0x400, s30, s29, $0x38;
	[tilespmem:$0x14000] =	vst v63  }
0x225: {  	s18 =	simm.s32 $0xC00;
	s22 =	simm.s32 $0x1400;
	s19 =	sadd.s32 $0xC0, s2  }
0x226: {  	[hbm4b:s19+s29] =	stream.strided.scatter [tilespmem:s18], [sflag:$0x5], $0x400, s30, s29, $0x38;
	[tilespmem:$0x14000] =	vst v63  }
0x227: {  	s14 =	simm.s32 $0x8000;
	s20 =	simm.s32 $0x1000;
	s21 =	sadd.s32 $0x100, s2  }
0x228: {  	[hbm4b:s21+s29] =	stream.strided.scatter [tilespmem:s20], [sflag:$0x5], $0x400, s30, s29, $0x38;
	[tilespmem:$0x14000] =	vst v63  }
0x229: {  	s28 =	simm.s32 $0x1800;
	s23 =	sadd.s32 $0x140, s2;
	s31 =	sadd.s32 $0x180, s2  }
0x22a: {  	[hbm4b:s23+s29] =	stream.strided.scatter [tilespmem:s22], [sflag:$0x5], $0x400, s30, s29, $0x38;
	[tilespmem:$0x14000] =	vst v63  }
0x22b: {  	s15 =	sadd.s32 $0x400, s2;
	s16 =	simm.s32 $0x1C00;
	s20 =	sadd.s32 $0x1C0, s2  }
0x22c: {  	[hbm4b:s31+s29] =	stream.strided.scatter [tilespmem:s28], [sflag:$0x5], $0x400, s30, s29, $0x38;
	[tilespmem:$0x14000] =	vst v63  }
.LBB2_20:
0x22d: {  	[hbm4b:s20+s29] =	stream.strided.scatter [tilespmem:s16], [sflag:$0x5], $0x400, s30, s29, $0x38;
	[tilespmem:$0x14000] =	vst v63  }
0x22e: {  	s0 =	sshra.s32 s14, $0x2;
	p0 =	sne.s32 s14, $0x18000;
	s14 =	sadd.s32 $0x8000, s14  }
0x22f: {  	[hbm4b:s15+s29] =	stream.strided.scatter [tilespmem:s0], [sflag:$0x5], $0x400, s30, s29, $0x38;
	[tilespmem:$0x14000] =	vst v63  }
0x230: {  	s2 =	sadd.s32 $0x40, s15;
	s1 =	sadd.s32 $0x400, s0  }
0x231: {  	[hbm4b:s2+s29] =	stream.strided.scatter [tilespmem:s1], [sflag:$0x5], $0x400, s30, s29, $0x38;
	[tilespmem:$0x14000] =	vst v63  }
0x232: {  	s1 =	sadd.s32 $0x800, s0;
	s2 =	sadd.s32 $0x80, s15  }
0x233: {  	[hbm4b:s2+s29] =	stream.strided.scatter [tilespmem:s1], [sflag:$0x5], $0x400, s30, s29, $0x38;
	[tilespmem:$0x14000] =	vst v63  }
0x234: {  	s1 =	sadd.s32 $0xC00, s0;
	s2 =	sadd.s32 $0xC0, s15  }
0x235: {  	[hbm4b:s2+s29] =	stream.strided.scatter [tilespmem:s1], [sflag:$0x5], $0x400, s30, s29, $0x38;
	[tilespmem:$0x14000] =	vst v63  }
0x236: {  	s1 =	sadd.s32 $0x1000, s0;
	s2 =	sadd.s32 $0x100, s15  }
0x237: {  	[hbm4b:s2+s29] =	stream.strided.scatter [tilespmem:s1], [sflag:$0x5], $0x400, s30, s29, $0x38;
	[tilespmem:$0x14000] =	vst v63  }
.Ltmp9:
0x238: {  	s1 =	sadd.s32 $0x1400, s0;
	s2 =	sadd.s32 $0x140, s15;
	(pc) =	sbr.rel @p0 .LBB2_20-.Ltmp9, $4  }
0x239: {  	[hbm4b:s2+s29] =	stream.strided.scatter [tilespmem:s1], [sflag:$0x5], $0x400, s30, s29, $0x38;
	[tilespmem:$0x14000] =	vst v63  }
0x23a: {  	s1 =	sadd.s32 $0x1800, s0;
	s2 =	sadd.s32 $0x180, s15  }
0x23b: {  	[hbm4b:s2+s29] =	stream.strided.scatter [tilespmem:s1], [sflag:$0x5], $0x400, s30, s29, $0x38;
	[tilespmem:$0x14000] =	vst v63  }
0x23c: {  	s20 =	sadd.s32 $0x1C0, s15;
	s16 =	sadd.s32 $0x1C00, s0;
	s15 =	sadd.s32 $0x400, s15  }
0x23d: {  	[hbm4b:s20+s29] =	stream.strided.scatter [tilespmem:s16], [sflag:$0x5], $0x400, s30, s29, $0x38;
	[tilespmem:$0x14000] =	vst v63  }
0x23e: {  	s0 =	simm.s32 $0x5  }
0x23f: {  	_ =	swait.ge [sflag:s0], $0x8000  }
0x240: {  	[sflag:s0] =	ssyncset.done $0x0  }
0x241: {  	s14 =	simm.s32 $0x0;
	s2 =	rddreg [dreg:$0x14];
	[sflag:s0] =	ssyncadd.s32 $0xFFFF8000  }
0x242: {  	[tilespmem:s14], [sflag:$0x1] =	stream.strided.gather [hbm4b:s2+s29], $0x400, s30, s29, $0x38;
	[tilespmem:$0x14000] =	vst v63  }
0x243: {  	s1 =	simm.s32 $0x400;
	s15 =	sadd.s32 $0x40, s2  }
0x244: {  	[tilespmem:s1], [sflag:$0x1] =	stream.strided.gather [hbm4b:s15+s29], $0x400, s30, s29, $0x38;
	[tilespmem:$0x14000] =	vst v63  }
0x245: {  	s17 =	simm.s32 $0x800;
	s16 =	sadd.s32 $0x80, s2  }
0x246: {  	[tilespmem:s17], [sflag:$0x1] =	stream.strided.gather [hbm4b:s16+s29], $0x400, s30, s29, $0x38;
	[tilespmem:$0x14000] =	vst v63  }
0x247: {  	s19 =	simm.s32 $0xC00;
	s21 =	simm.s32 $0x1000;
	s18 =	sadd.s32 $0xC0, s2  }
0x248: {  	[tilespmem:s19], [sflag:$0x1] =	stream.strided.gather [hbm4b:s18+s29], $0x400, s30, s29, $0x38;
	[tilespmem:$0x14000] =	vst v63  }
0x249: {  	s23 =	simm.s32 $0x1400;
	s31 =	simm.s32 $0x1800;
	s20 =	sadd.s32 $0x100, s2  }
0x24a: {  	[tilespmem:s21], [sflag:$0x1] =	stream.strided.gather [hbm4b:s20+s29], $0x400, s30, s29, $0x38;
	[tilespmem:$0x14000] =	vst v63  }
0x24b: {  	s22 =	sadd.s32 $0x140, s2;
	s28 =	sadd.s32 $0x180, s2;
	s14 =	simm.s32 $0x8000  }
0x24c: {  	[tilespmem:s23], [sflag:$0x1] =	stream.strided.gather [hbm4b:s22+s29], $0x400, s30, s29, $0x38;
	[tilespmem:$0x14000] =	vst v63  }
0x24d: {  	s15 =	sadd.s32 $0x400, s2;
	s16 =	sadd.s32 $0x1C0, s2;
	s20 =	simm.s32 $0x1C00  }
0x24e: {  	[tilespmem:s31], [sflag:$0x1] =	stream.strided.gather [hbm4b:s28+s29], $0x400, s30, s29, $0x38;
	[tilespmem:$0x14000] =	vst v63  }
.LBB2_22:
0x24f: {  	[tilespmem:s20], [sflag:$0x1] =	stream.strided.gather [hbm4b:s16+s29], $0x400, s30, s29, $0x38;
	[tilespmem:$0x14000] =	vst v63  }
0x250: {  	s0 =	sshra.s32 s14, $0x2;
	p0 =	sne.s32 s14, $0x18000;
	s14 =	sadd.s32 $0x8000, s14  }
0x251: {  	[tilespmem:s0], [sflag:$0x1] =	stream.strided.gather [hbm4b:s15+s29], $0x400, s30, s29, $0x38;
	[tilespmem:$0x14000] =	vst v63  }
0x252: {  	s1 =	sadd.s32 $0x40, s15;
	s2 =	sadd.s32 $0x400, s0  }
0x253: {  	[tilespmem:s2], [sflag:$0x1] =	stream.strided.gather [hbm4b:s1+s29], $0x400, s30, s29, $0x38;
	[tilespmem:$0x14000] =	vst v63  }
0x254: {  	s1 =	sadd.s32 $0x80, s15;
	s2 =	sadd.s32 $0x800, s0  }
0x255: {  	[tilespmem:s2], [sflag:$0x1] =	stream.strided.gather [hbm4b:s1+s29], $0x400, s30, s29, $0x38;
	[tilespmem:$0x14000] =	vst v63  }
0x256: {  	s1 =	sadd.s32 $0xC0, s15;
	s2 =	sadd.s32 $0xC00, s0  }
0x257: {  	[tilespmem:s2], [sflag:$0x1] =	stream.strided.gather [hbm4b:s1+s29], $0x400, s30, s29, $0x38;
	[tilespmem:$0x14000] =	vst v63  }
0x258: {  	s1 =	sadd.s32 $0x100, s15;
	s2 =	sadd.s32 $0x1000, s0  }
0x259: {  	[tilespmem:s2], [sflag:$0x1] =	stream.strided.gather [hbm4b:s1+s29], $0x400, s30, s29, $0x38;
	[tilespmem:$0x14000] =	vst v63  }
.Ltmp10:
0x25a: {  	s1 =	sadd.s32 $0x140, s15;
	s2 =	sadd.s32 $0x1400, s0;
	(pc) =	sbr.rel @p0 .LBB2_22-.Ltmp10, $4  }
0x25b: {  	[tilespmem:s2], [sflag:$0x1] =	stream.strided.gather [hbm4b:s1+s29], $0x400, s30, s29, $0x38;
	[tilespmem:$0x14000] =	vst v63  }
0x25c: {  	s1 =	sadd.s32 $0x180, s15;
	s2 =	sadd.s32 $0x1800, s0  }
0x25d: {  	[tilespmem:s2], [sflag:$0x1] =	stream.strided.gather [hbm4b:s1+s29], $0x400, s30, s29, $0x38;
	[tilespmem:$0x14000] =	vst v63  }
0x25e: {  	s16 =	sadd.s32 $0x1C0, s15;
	s20 =	sadd.s32 $0x1C00, s0;
	s15 =	sadd.s32 $0x400, s15  }
0x25f: {  	[tilespmem:s20], [sflag:$0x1] =	stream.strided.gather [hbm4b:s16+s29], $0x400, s30, s29, $0x38;
	[tilespmem:$0x14000] =	vst v63  }
0x260: {  	s14 =	simm.s32 $0x0  }
0x261: {  	s0 =	rddreg [dreg:$0x10];
	s1 =	simm.s32 $0x10000;
	s12 =	simm.s32 $0x2  }
0x262: {  	[tilespmem:s1], [sflag:$0x3] =	stream.linear.gather [hbm4b:s0+s14], $0x2000, $0x38;
	[tilespmem:$0x14000] =	vst v63  }
0x263: {  	_ =	swait.ge [sflag:s12], $0x8000  }
0x264: {  	[sflag:s12] =	ssyncset.done $0x0  }
0x265: {  	s2 =	simm.s32 $0x4;
	[sflag:s12] =	ssyncadd.s32 $0xFFFF8000  }
0x266: {  	s13 =	simm.s32 $0x0;
	_ =	swait.ge [sflag:s2], $0x2000  }
0x267: {  	s15 =	sand.u32 $0x1C00, s14;
	s0 =	sand.u32 $0x1FFFFF80, s13;
	[sflag:s2] =	ssyncset.done $0x0  }
0x268: {  	s0 =	sadd.s32 s15, s0;
	[sflag:s2] =	ssyncadd.s32 $0xFFFFE000  }
0x269: {  	v0 =	vld [tilespmem:s0+$0x12000];
	s0 =	sadd.s32 $0x10000, s0  }
0x26a: {  	v1 =	vld [tilespmem:s0+$0x2070]  }
0x26b: {  	s16 =	simm.s32 $0x0;
	s3 =	simm.s32 $0x0;
	v2 =	vld [tilespmem:s0+$0x2010]  }
0x26c: {  	s3 =	sand.u32 $0x6000, s3;
	s2 =	sand.u32 $0x200, s16;
	v3 =	vld [tilespmem:s0+$0x2020]  }
0x26d: {  	s2 =	sor.u32 s2, s3;
	v4 =	vld [tilespmem:s0+$0x2030]  }
0x26e: {  	s16 =	sor.u32 s15, s2;
	v5 =	vld [tilespmem:s0+$0x2040]  }
0x26f: {  	v6 =	vld [tilespmem:s0+$0x2060];
	s1 =	sor.u32 $0x8070, s16  }
0x270: {  	s20 =	sor.u32 $0x8010, s16;
	[tilespmem:s1+$0x0] =	vst.add.f32.msk $0xffff, v1  }
0x271: {  	s2 =	sor.u32 $0x8020, s16;
	[tilespmem:s20+$0x0] =	vst.add.f32.msk $0xffff, v2  }
0x272: {  	s6 =	sor.u32 $0x8030, s16;
	[tilespmem:s2+$0x0] =	vst.add.f32.msk $0xffff, v3  }
0x273: {  	s10 =	sor.u32 $0x8040, s16;
	[tilespmem:s6+$0x0] =	vst.add.f32.msk $0xffff, v4  }
0x274: {  	s17 =	sor.u32 $0x80F0, s16;
	[tilespmem:s10+$0x0] =	vst.add.f32.msk $0xffff, v5  }
0x275: {  	s21 =	sor.u32 $0x8090, s16;
	[tilespmem:s17+$0x0] =	vst.add.f32.msk $0xffff, v1  }
0x276: {  	s3 =	sor.u32 $0x80A0, s16;
	[tilespmem:s21+$0x0] =	vst.add.f32.msk $0xffff, v2  }
0x277: {  	s7 =	sor.u32 $0x80B0, s16;
	[tilespmem:s3+$0x0] =	vst.add.f32.msk $0xffff, v3  }
0x278: {  	s11 =	sor.u32 $0x80C0, s16;
	[tilespmem:s7+$0x0] =	vst.add.f32.msk $0xffff, v4  }
0x279: {  	s20 =	sor.u32 $0x8060, s16;
	[tilespmem:s11+$0x0] =	vst.add.f32.msk $0xffff, v5  }
0x27a: {  	s18 =	sor.u32 $0x8170, s16;
	[tilespmem:s20+$0x0] =	vst.add.f32.msk $0xffff, v6  }
0x27b: {  	s22 =	sor.u32 $0x8110, s16;
	[tilespmem:s18+$0x0] =	vst.add.f32.msk $0xffff, v1  }
0x27c: {  	s4 =	sor.u32 $0x8120, s16;
	[tilespmem:s22+$0x0] =	vst.add.f32.msk $0xffff, v2  }
0x27d: {  	s8 =	sor.u32 $0x8130, s16;
	[tilespmem:s4+$0x0] =	vst.add.f32.msk $0xffff, v3  }
0x27e: {  	s12 =	sor.u32 $0x8140, s16;
	[tilespmem:s8+$0x0] =	vst.add.f32.msk $0xffff, v4  }
0x27f: {  	s21 =	sor.u32 $0x80E0, s16;
	[tilespmem:s12+$0x0] =	vst.add.f32.msk $0xffff, v5  }
0x280: {  	s19 =	sor.u32 $0x81F0, s16;
	[tilespmem:s21+$0x0] =	vst.add.f32.msk $0xffff, v6  }
0x281: {  	[tilespmem:s19+$0x0] =	vst.add.f32.msk $0xffff, v1  }
0x282: {  	s23 =	sor.u32 $0x8190, s16;
	v1 =	vld [tilespmem:s0+$0x2050]  }
0x283: {  	s5 =	sor.u32 $0x81A0, s16;
	[tilespmem:s23+$0x0] =	vst.add.f32.msk $0xffff, v2  }
0x284: {  	s9 =	sor.u32 $0x81B0, s16;
	[tilespmem:s5+$0x0] =	vst.add.f32.msk $0xffff, v3  }
0x285: {  	s13 =	sor.u32 $0x81C0, s16;
	[tilespmem:s9+$0x0] =	vst.add.f32.msk $0xffff, v4  }
0x286: {  	s22 =	sor.u32 $0x8160, s16;
	[tilespmem:s13+$0x0] =	vst.add.f32.msk $0xffff, v5  }
0x287: {  	s23 =	sor.u32 $0x81E0, s16;
	[tilespmem:s22+$0x0] =	vst.add.f32.msk $0xffff, v6  }
0x288: {  	s15 =	sor.u32 $0x8050, s16;
	[tilespmem:s23+$0x0] =	vst.add.f32.msk $0xffff, v6  }
0x289: {  	s17 =	sor.u32 $0x80D0, s16;
	[tilespmem:s15+$0x0] =	vst.add.f32.msk $0xffff, v1  }
0x28a: {  	s18 =	sor.u32 $0x8150, s16;
	[tilespmem:s17+$0x0] =	vst.add.f32.msk $0xffff, v1  }
0x28b: {  	s28 =	sor.u32 $0x8080, s16;
	s31 =	sor.u32 $0x8100, s16;
	s19 =	sor.u32 $0x81D0, s16;
	[tilespmem:s18+$0x0] =	vst.add.f32.msk $0xffff, v1  }
0x28c: {  	s20 =	sor.u32 $0x8000, s16;
	s16 =	sor.u32 $0x8180, s16;
	s15 =	simm.s32 $0x0;
	[tilespmem:s19+$0x0] =	vst.add.f32.msk $0xffff, v1  }
.LBB2_24:
0x28d: {  	s15 =	sadd.s32 $0x80, s15;
	[tilespmem:s20+$0x0] =	vst.add.f32.msk $0xffff, v0  }
0x28e: {  	s14 =	sadd.s32 $0x400, s14;
	s0 =	sshrl.u32 s15, $0x3;
	[tilespmem:s28+$0x0] =	vst.add.f32.msk $0xffff, v0  }
0x28f: {  	s1 =	sand.u32 $0x1C00, s14;
	s0 =	sand.u32 $0x1FFFFF80, s0;
	[tilespmem:s31+$0x0] =	vst.add.f32.msk $0xffff, v0  }
0x290: {  	p0 =	slt.u32 s15, $0x1F80;
	s0 =	sadd.s32 s1, s0;
	[tilespmem:s16+$0x0] =	vst.add.f32.msk $0xffff, v0  }
0x291: {  	v0 =	vld [tilespmem:s0+$0x12000];
	s0 =	sadd.s32 $0x10000, s0  }
0x292: {  	s2 =	sshrl.u32 s15, $0x1;
	s3 =	sshll.u32 s15, $0x2;
	v1 =	vld [tilespmem:s0+$0x2070]  }
0x293: {  	s3 =	sand.u32 $0x6000, s3;
	s2 =	sand.u32 $0x200, s2;
	v2 =	vld [tilespmem:s0+$0x2010]  }
0x294: {  	s2 =	sor.u32 s2, s3;
	v3 =	vld [tilespmem:s0+$0x2020]  }
0x295: {  	s1 =	sor.u32 s1, s2;
	v4 =	vld [tilespmem:s0+$0x2030]  }
0x296: {  	s20 =	sor.u32 $0x8000, s1;
	s28 =	sor.u32 $0x8080, s1;
	s2 =	sor.u32 $0x8070, s1;
	v5 =	vld [tilespmem:s0+$0x2040]  }
0x297: {  	s31 =	sor.u32 $0x8100, s1;
	s16 =	sor.u32 $0x8180, s1;
	[tilespmem:s2+$0x0] =	vst.add.f32.msk $0xffff, v1;
	s2 =	sor.u32 $0x80F0, s1  }
0x298: {  	s3 =	sor.u32 $0x8010, s1;
	s4 =	sor.u32 $0x8090, s1;
	[tilespmem:s2+$0x0] =	vst.add.f32.msk $0xffff, v1;
	s2 =	sor.u32 $0x8170, s1  }
0x299: {  	s5 =	sor.u32 $0x8110, s1;
	s6 =	sor.u32 $0x8190, s1;
	[tilespmem:s2+$0x0] =	vst.add.f32.msk $0xffff, v1;
	s2 =	sor.u32 $0x81F0, s1  }
0x29a: {  	s7 =	sor.u32 $0x8020, s1;
	s8 =	sor.u32 $0x80A0, s1;
	s9 =	sor.u32 $0x8120, s1;
	[tilespmem:s2+$0x0] =	vst.add.f32.msk $0xffff, v1  }
0x29b: {  	s10 =	sor.u32 $0x8030, s1;
	s11 =	sor.u32 $0x80B0, s1;
	s2 =	sor.u32 $0x81A0, s1;
	v1 =	vld [tilespmem:s0+$0x2050]  }
0x29c: {  	s12 =	sor.u32 $0x8130, s1;
	s13 =	sor.u32 $0x81B0, s1;
	s17 =	sor.u32 $0x8040, s1;
	v6 =	vld [tilespmem:s0+$0x2060]  }
0x29d: {  	s18 =	sor.u32 $0x81C0, s1;
	s0 =	sor.u32 $0x80C0, s1;
	[tilespmem:s3+$0x0] =	vst.add.f32.msk $0xffff, v2;
	s3 =	sor.u32 $0x8140, s1  }
0x29e: {  	s19 =	sor.u32 $0x80D0, s1;
	s21 =	sor.u32 $0x8150, s1;
	[tilespmem:s4+$0x0] =	vst.add.f32.msk $0xffff, v2;
	s4 =	sor.u32 $0x8050, s1  }
0x29f: {  	s22 =	sor.u32 $0x8060, s1;
	s23 =	sor.u32 $0x80E0, s1;
	[tilespmem:s5+$0x0] =	vst.add.f32.msk $0xffff, v2;
	s5 =	sor.u32 $0x81D0, s1  }
0x2a0: {  	[tilespmem:s6+$0x0] =	vst.add.f32.msk $0xffff, v2;
	s6 =	sor.u32 $0x8160, s1;
	s1 =	sor.u32 $0x81E0, s1  }
0x2a1: {  	[tilespmem:s7+$0x0] =	vst.add.f32.msk $0xffff, v3  }
0x2a2: {  	[tilespmem:s8+$0x0] =	vst.add.f32.msk $0xffff, v3  }
0x2a3: {  	[tilespmem:s9+$0x0] =	vst.add.f32.msk $0xffff, v3  }
0x2a4: {  	[tilespmem:s2+$0x0] =	vst.add.f32.msk $0xffff, v3  }
0x2a5: {  	[tilespmem:s10+$0x0] =	vst.add.f32.msk $0xffff, v4  }
0x2a6: {  	[tilespmem:s11+$0x0] =	vst.add.f32.msk $0xffff, v4  }
0x2a7: {  	[tilespmem:s12+$0x0] =	vst.add.f32.msk $0xffff, v4  }
0x2a8: {  	[tilespmem:s13+$0x0] =	vst.add.f32.msk $0xffff, v4  }
0x2a9: {  	[tilespmem:s17+$0x0] =	vst.add.f32.msk $0xffff, v5  }
0x2aa: {  	[tilespmem:s0+$0x0] =	vst.add.f32.msk $0xffff, v5  }
0x2ab: {  	[tilespmem:s3+$0x0] =	vst.add.f32.msk $0xffff, v5  }
0x2ac: {  	[tilespmem:s18+$0x0] =	vst.add.f32.msk $0xffff, v5  }
0x2ad: {  	[tilespmem:s4+$0x0] =	vst.add.f32.msk $0xffff, v1  }
0x2ae: {  	[tilespmem:s19+$0x0] =	vst.add.f32.msk $0xffff, v1  }
0x2af: {  	[tilespmem:s21+$0x0] =	vst.add.f32.msk $0xffff, v1  }
.Ltmp11:
0x2b0: {  	[tilespmem:s5+$0x0] =	vst.add.f32.msk $0xffff, v1;
	(pc) =	sbr.rel @p0 .LBB2_24-.Ltmp11, $4  }
0x2b1: {  	[tilespmem:s22+$0x0] =	vst.add.f32.msk $0xffff, v6  }
0x2b2: {  	[tilespmem:s23+$0x0] =	vst.add.f32.msk $0xffff, v6  }
0x2b3: {  	[tilespmem:s6+$0x0] =	vst.add.f32.msk $0xffff, v6  }
0x2b4: {  	[tilespmem:s1+$0x0] =	vst.add.f32.msk $0xffff, v6  }
0x2b5: {  	[tilespmem:s20+$0x0] =	vst.add.f32.msk $0xffff, v0  }
0x2b6: {  	[tilespmem:s28+$0x0] =	vst.add.f32.msk $0xffff, v0  }
0x2b7: {  	[tilespmem:s31+$0x0] =	vst.add.f32.msk $0xffff, v0  }
0x2b8: {  	[tilespmem:s16+$0x0] =	vst.add.f32.msk $0xffff, v0  }
0x2b9: {  	[bflag:$0x0] =	sbarrier.arrive $0xFFFF  }
0x2ba: {  	s0 =	simm.s32 $0x8000;
	s2 =	rddreg [dreg:$0x15]  }
0x2bb: {  	[hbm4b:s2+s29] =	stream.strided.scatter [tilespmem:s0], [sflag:$0x6], $0x400, s30, s29, $0x38;
	[tilespmem:$0x14000] =	vst v63  }
0x2bc: {  	s14 =	simm.s32 $0x8400;
	s1 =	sadd.s32 $0x40, s2  }
0x2bd: {  	[hbm4b:s1+s29] =	stream.strided.scatter [tilespmem:s14], [sflag:$0x6], $0x400, s30, s29, $0x38;
	[tilespmem:$0x14000] =	vst v63  }
0x2be: {  	s15 =	simm.s32 $0x8800;
	s17 =	simm.s32 $0x8C00;
	s16 =	sadd.s32 $0x80, s2  }
0x2bf: {  	[hbm4b:s16+s29] =	stream.strided.scatter [tilespmem:s15], [sflag:$0x6], $0x400, s30, s29, $0x38;
	[tilespmem:$0x14000] =	vst v63  }
0x2c0: {  	s19 =	simm.s32 $0x9000;
	s21 =	simm.s32 $0x9400;
	s18 =	sadd.s32 $0xC0, s2  }
0x2c1: {  	[hbm4b:s18+s29] =	stream.strided.scatter [tilespmem:s17], [sflag:$0x6], $0x400, s30, s29, $0x38;
	[tilespmem:$0x14000] =	vst v63  }
0x2c2: {  	s23 =	simm.s32 $0x9800;
	s20 =	sadd.s32 $0x100, s2;
	s22 =	sadd.s32 $0x140, s2  }
0x2c3: {  	[hbm4b:s20+s29] =	stream.strided.scatter [tilespmem:s19], [sflag:$0x6], $0x400, s30, s29, $0x38;
	[tilespmem:$0x14000] =	vst v63  }
0x2c4: {  	s31 =	sadd.s32 $0x180, s2;
	s28 =	sadd.s32 $0x1C0, s2;
	s14 =	simm.s32 $0x2000  }
0x2c5: {  	[hbm4b:s22+s29] =	stream.strided.scatter [tilespmem:s21], [sflag:$0x6], $0x400, s30, s29, $0x38;
	[tilespmem:$0x14000] =	vst v63  }
0x2c6: {  	s16 =	simm.s32 $0x10000;
	s15 =	sadd.s32 $0x400, s2;
	s20 =	simm.s32 $0x9C00  }
0x2c7: {  	[hbm4b:s31+s29] =	stream.strided.scatter [tilespmem:s23], [sflag:$0x6], $0x400, s30, s29, $0x38;
	[tilespmem:$0x14000] =	vst v63  }
.LBB2_26:
0x2c8: {  	[hbm4b:s28+s29] =	stream.strided.scatter [tilespmem:s20], [sflag:$0x6], $0x400, s30, s29, $0x38;
	[tilespmem:$0x14000] =	vst v63  }
0x2c9: {  	s0 =	smov.u32 s14;
	s1 =	smov.u32 s16  }
0x2ca: {  	s14 =	sshra.s32 s1, $0x2;
	s1 =	sadd.s32 $0x8000, s16;
	s2 =	sadd.s32 $0x8000, s0  }
0x2cb: {  	[hbm4b:s15+s29] =	stream.strided.scatter [tilespmem:s2], [sflag:$0x6], $0x400, s30, s29, $0x38;
	[tilespmem:$0x14000] =	vst v63  }
0x2cc: {  	p0 =	sne.s32 s16, $0x18000;
	s3 =	sadd.s32 $0x40, s15;
	s2 =	sadd.s32 $0x8400, s0  }
0x2cd: {  	[hbm4b:s3+s29] =	stream.strided.scatter [tilespmem:s2], [sflag:$0x6], $0x400, s30, s29, $0x38;
	[tilespmem:$0x14000] =	vst v63  }
0x2ce: {  	s2 =	sadd.s32 $0x8800, s0;
	s3 =	sadd.s32 $0x80, s15  }
0x2cf: {  	[hbm4b:s3+s29] =	stream.strided.scatter [tilespmem:s2], [sflag:$0x6], $0x400, s30, s29, $0x38;
	[tilespmem:$0x14000] =	vst v63  }
0x2d0: {  	s2 =	sadd.s32 $0x8C00, s0;
	s3 =	sadd.s32 $0xC0, s15  }
0x2d1: {  	[hbm4b:s3+s29] =	stream.strided.scatter [tilespmem:s2], [sflag:$0x6], $0x400, s30, s29, $0x38;
	[tilespmem:$0x14000] =	vst v63  }
0x2d2: {  	s2 =	sadd.s32 $0x9000, s0;
	s3 =	sadd.s32 $0x100, s15  }
0x2d3: {  	[hbm4b:s3+s29] =	stream.strided.scatter [tilespmem:s2], [sflag:$0x6], $0x400, s30, s29, $0x38;
	[tilespmem:$0x14000] =	vst v63  }
.Ltmp12:
0x2d4: {  	s2 =	sadd.s32 $0x9400, s0;
	s3 =	sadd.s32 $0x140, s15;
	(pc) =	sbr.rel @p0 .LBB2_26-.Ltmp12, $4  }
0x2d5: {  	[hbm4b:s3+s29] =	stream.strided.scatter [tilespmem:s2], [sflag:$0x6], $0x400, s30, s29, $0x38;
	[tilespmem:$0x14000] =	vst v63  }
0x2d6: {  	s28 =	sadd.s32 $0x1C0, s15;
	s2 =	sadd.s32 $0x9800, s0;
	s3 =	sadd.s32 $0x180, s15  }
0x2d7: {  	[hbm4b:s3+s29] =	stream.strided.scatter [tilespmem:s2], [sflag:$0x6], $0x400, s30, s29, $0x38;
	[tilespmem:$0x14000] =	vst v63  }
0x2d8: {  	s20 =	sadd.s32 $0x9C00, s0;
	s16 =	smov.u32 s1;
	s15 =	sadd.s32 $0x400, s15  }
0x2d9: {  	[hbm4b:s28+s29] =	stream.strided.scatter [tilespmem:s20], [sflag:$0x6], $0x400, s30, s29, $0x38;
	[tilespmem:$0x14000] =	vst v63  }
0x2da: {  	s0 =	sadd.s32 $0x8000, s14  }
0x2db: {  	[hbm4b:s15+s29] =	stream.strided.scatter [tilespmem:s0], [sflag:$0x6], $0x400, s30, s29, $0x38;
	[tilespmem:$0x14000] =	vst v63  }
0x2dc: {  	s22 =	sadd.s32 $0x8400, s14;
	s1 =	sadd.s32 $0x40, s15  }
0x2dd: {  	[hbm4b:s1+s29] =	stream.strided.scatter [tilespmem:s22], [sflag:$0x6], $0x400, s30, s29, $0x38;
	[tilespmem:$0x14000] =	vst v63  }
0x2de: {  	s23 =	sadd.s32 $0x8800, s14;
	s31 =	sadd.s32 $0x80, s15  }
0x2df: {  	[hbm4b:s31+s29] =	stream.strided.scatter [tilespmem:s23], [sflag:$0x6], $0x400, s30, s29, $0x38;
	[tilespmem:$0x14000] =	vst v63  }
0x2e0: {  	s2 =	sadd.s32 $0xC0, s15;
	s1 =	sadd.s32 $0x8C00, s14  }
0x2e1: {  	[hbm4b:s2+s29] =	stream.strided.scatter [tilespmem:s1], [sflag:$0x6], $0x400, s30, s29, $0x38;
	[tilespmem:$0x14000] =	vst v63  }
0x2e2: {  	s3 =	sadd.s32 $0x9000, s14;
	s4 =	sadd.s32 $0x100, s15  }
0x2e3: {  	[hbm4b:s4+s29] =	stream.strided.scatter [tilespmem:s3], [sflag:$0x6], $0x400, s30, s29, $0x38;
	[tilespmem:$0x14000] =	vst v63  }
0x2e4: {  	s5 =	sadd.s32 $0x9400, s14;
	s6 =	sadd.s32 $0x140, s15  }
0x2e5: {  	[hbm4b:s6+s29] =	stream.strided.scatter [tilespmem:s5], [sflag:$0x6], $0x400, s30, s29, $0x38;
	[tilespmem:$0x14000] =	vst v63  }
0x2e6: {  	s7 =	sadd.s32 $0x9800, s14;
	s8 =	sadd.s32 $0x180, s15  }
0x2e7: {  	[hbm4b:s8+s29] =	stream.strided.scatter [tilespmem:s7], [sflag:$0x6], $0x400, s30, s29, $0x38;
	[tilespmem:$0x14000] =	vst v63  }
0x2e8: {  	s9 =	sadd.s32 $0x9C00, s14;
	s10 =	sadd.s32 $0x1C0, s15;
	s11 =	simm.s32 $0x6  }
0x2e9: {  	[hbm4b:s10+s29] =	stream.strided.scatter [tilespmem:s9], [sflag:$0x6], $0x400, s30, s29, $0x38;
	[tilespmem:$0x14000] =	vst v63  }
0x2ea: {  	_ =	swait.ge [sflag:s11], $0x8000  }
0x2eb: {  	[sflag:s11] =	ssyncset.done $0x0  }
0x2ec: {  	s12 =	simm.s32 $0x8000;
	s2 =	rddreg [dreg:$0x17];
	[sflag:s11] =	ssyncadd.s32 $0xFFFF8000  }
0x2ed: {  	[tilespmem:s12], [sflag:$0x2] =	stream.strided.gather [hbm4b:s2+s29], $0x400, s30, s29, $0x38;
	[tilespmem:$0x14000] =	vst v63  }
0x2ee: {  	s14 =	simm.s32 $0x8400;
	s13 =	sadd.s32 $0x40, s2  }
0x2ef: {  	[tilespmem:s14], [sflag:$0x2] =	stream.strided.gather [hbm4b:s13+s29], $0x400, s30, s29, $0x38;
	[tilespmem:$0x14000] =	vst v63  }
0x2f0: {  	s16 =	simm.s32 $0x8800;
	s18 =	simm.s32 $0x8C00;
	s15 =	sadd.s32 $0x80, s2  }
0x2f1: {  	[tilespmem:s16], [sflag:$0x2] =	stream.strided.gather [hbm4b:s15+s29], $0x400, s30, s29, $0x38;
	[tilespmem:$0x14000] =	vst v63  }
0x2f2: {  	s20 =	simm.s32 $0x9000;
	s28 =	simm.s32 $0x9C00;
	s17 =	sadd.s32 $0xC0, s2  }
0x2f3: {  	[tilespmem:s18], [sflag:$0x2] =	stream.strided.gather [hbm4b:s17+s29], $0x400, s30, s29, $0x38;
	[tilespmem:$0x14000] =	vst v63  }
0x2f4: {  	s22 =	simm.s32 $0x9400;
	s31 =	simm.s32 $0x9800;
	s19 =	sadd.s32 $0x100, s2  }
0x2f5: {  	[tilespmem:s20], [sflag:$0x2] =	stream.strided.gather [hbm4b:s19+s29], $0x400, s30, s29, $0x38;
	[tilespmem:$0x14000] =	vst v63  }
0x2f6: {  	s21 =	sadd.s32 $0x140, s2;
	s23 =	sadd.s32 $0x180, s2;
	s14 =	simm.s32 $0x2000  }
0x2f7: {  	[tilespmem:s22], [sflag:$0x2] =	stream.strided.gather [hbm4b:s21+s29], $0x400, s30, s29, $0x38;
	[tilespmem:$0x14000] =	vst v63  }
0x2f8: {  	s16 =	simm.s32 $0x10000;
	s15 =	sadd.s32 $0x400, s2;
	s20 =	sadd.s32 $0x1C0, s2  }
0x2f9: {  	[tilespmem:s31], [sflag:$0x2] =	stream.strided.gather [hbm4b:s23+s29], $0x400, s30, s29, $0x38;
	[tilespmem:$0x14000] =	vst v63  }
.LBB2_28:
0x2fa: {  	[tilespmem:s28], [sflag:$0x2] =	stream.strided.gather [hbm4b:s20+s29], $0x400, s30, s29, $0x38;
	[tilespmem:$0x14000] =	vst v63  }
0x2fb: {  	s0 =	smov.u32 s14;
	s1 =	smov.u32 s16  }
0x2fc: {  	s14 =	sshra.s32 s1, $0x2;
	s1 =	sadd.s32 $0x8000, s16;
	s2 =	sadd.s32 $0x8000, s0  }
0x2fd: {  	[tilespmem:s2], [sflag:$0x2] =	stream.strided.gather [hbm4b:s15+s29], $0x400, s30, s29, $0x38;
	[tilespmem:$0x14000] =	vst v63  }
0x2fe: {  	p0 =	sne.s32 s16, $0x18000;
	s3 =	sadd.s32 $0x8400, s0;
	s2 =	sadd.s32 $0x40, s15  }
0x2ff: {  	[tilespmem:s3], [sflag:$0x2] =	stream.strided.gather [hbm4b:s2+s29], $0x400, s30, s29, $0x38;
	[tilespmem:$0x14000] =	vst v63  }
0x300: {  	s2 =	sadd.s32 $0x80, s15;
	s3 =	sadd.s32 $0x8800, s0  }
0x301: {  	[tilespmem:s3], [sflag:$0x2] =	stream.strided.gather [hbm4b:s2+s29], $0x400, s30, s29, $0x38;
	[tilespmem:$0x14000] =	vst v63  }
0x302: {  	s2 =	sadd.s32 $0xC0, s15;
	s3 =	sadd.s32 $0x8C00, s0  }
0x303: {  	[tilespmem:s3], [sflag:$0x2] =	stream.strided.gather [hbm4b:s2+s29], $0x400, s30, s29, $0x38;
	[tilespmem:$0x14000] =	vst v63  }
0x304: {  	s2 =	sadd.s32 $0x100, s15;
	s3 =	sadd.s32 $0x9000, s0  }
0x305: {  	[tilespmem:s3], [sflag:$0x2] =	stream.strided.gather [hbm4b:s2+s29], $0x400, s30, s29, $0x38;
	[tilespmem:$0x14000] =	vst v63  }
.Ltmp13:
0x306: {  	s2 =	sadd.s32 $0x140, s15;
	s3 =	sadd.s32 $0x9400, s0;
	(pc) =	sbr.rel @p0 .LBB2_28-.Ltmp13, $4  }
0x307: {  	[tilespmem:s3], [sflag:$0x2] =	stream.strided.gather [hbm4b:s2+s29], $0x400, s30, s29, $0x38;
	[tilespmem:$0x14000] =	vst v63  }
0x308: {  	s20 =	sadd.s32 $0x1C0, s15;
	s2 =	sadd.s32 $0x180, s15;
	s3 =	sadd.s32 $0x9800, s0  }
0x309: {  	[tilespmem:s3], [sflag:$0x2] =	stream.strided.gather [hbm4b:s2+s29], $0x400, s30, s29, $0x38;
	[tilespmem:$0x14000] =	vst v63  }
0x30a: {  	s28 =	sadd.s32 $0x9C00, s0;
	s16 =	smov.u32 s1;
	s15 =	sadd.s32 $0x400, s15  }
0x30b: {  	[tilespmem:s28], [sflag:$0x2] =	stream.strided.gather [hbm4b:s20+s29], $0x400, s30, s29, $0x38;
	[tilespmem:$0x14000] =	vst v63  }
0x30c: {  	s0 =	sadd.s32 $0x8000, s14  }
0x30d: {  	[tilespmem:s0], [sflag:$0x2] =	stream.strided.gather [hbm4b:s15+s29], $0x400, s30, s29, $0x38;
	[tilespmem:$0x14000] =	vst v63  }
0x30e: {  	s19 =	sadd.s32 $0x40, s15;
	s1 =	sadd.s32 $0x8400, s14  }
0x30f: {  	[tilespmem:s1], [sflag:$0x2] =	stream.strided.gather [hbm4b:s19+s29], $0x400, s30, s29, $0x38;
	[tilespmem:$0x14000] =	vst v63  }
0x310: {  	s20 =	sadd.s32 $0x80, s15;
	s21 =	sadd.s32 $0x8800, s14  }
0x311: {  	[tilespmem:s21], [sflag:$0x2] =	stream.strided.gather [hbm4b:s20+s29], $0x400, s30, s29, $0x38;
	[tilespmem:$0x14000] =	vst v63  }
0x312: {  	s22 =	sadd.s32 $0xC0, s15;
	s23 =	sadd.s32 $0x8C00, s14  }
0x313: {  	[tilespmem:s23], [sflag:$0x2] =	stream.strided.gather [hbm4b:s22+s29], $0x400, s30, s29, $0x38;
	[tilespmem:$0x14000] =	vst v63  }
0x314: {  	s2 =	sadd.s32 $0x100, s15;
	s3 =	sadd.s32 $0x9000, s14  }
0x315: {  	[tilespmem:s3], [sflag:$0x2] =	stream.strided.gather [hbm4b:s2+s29], $0x400, s30, s29, $0x38;
	[tilespmem:$0x14000] =	vst v63  }
0x316: {  	s4 =	sadd.s32 $0x140, s15;
	s5 =	sadd.s32 $0x9400, s14  }
0x317: {  	[tilespmem:s5], [sflag:$0x2] =	stream.strided.gather [hbm4b:s4+s29], $0x400, s30, s29, $0x38;
	[tilespmem:$0x14000] =	vst v63  }
0x318: {  	s6 =	sadd.s32 $0x180, s15;
	s7 =	sadd.s32 $0x9800, s14  }
0x319: {  	[tilespmem:s7], [sflag:$0x2] =	stream.strided.gather [hbm4b:s6+s29], $0x400, s30, s29, $0x38;
	[tilespmem:$0x14000] =	vst v63  }
0x31a: {  	s8 =	sadd.s32 $0x1C0, s15;
	s9 =	sadd.s32 $0x9C00, s14;
	s14 =	simm.s32 $0x0  }
0x31b: {  	[tilespmem:s9], [sflag:$0x2] =	stream.strided.gather [hbm4b:s8+s29], $0x400, s30, s29, $0x38;
	[tilespmem:$0x14000] =	vst v63  }
0x31c: {  	s10 =	rddreg [dreg:$0x11];
	s11 =	simm.s32 $0x12000;
	s12 =	simm.s32 $0x1  }
0x31d: {  	[tilespmem:s11], [sflag:$0x4] =	stream.linear.gather [hbm4b:s10+s14], $0x2000, $0x38;
	[tilespmem:$0x14000] =	vst v63  }
0x31e: {  	_ =	swait.ge [sflag:s12], $0x8000  }
0x31f: {  	[sflag:s12] =	ssyncset.done $0x0  }
0x320: {  	s2 =	simm.s32 $0x3;
	[sflag:s12] =	ssyncadd.s32 $0xFFFF8000  }
0x321: {  	s13 =	simm.s32 $0x0;
	_ =	swait.ge [sflag:s2], $0x2000  }
0x322: {  	s15 =	sand.u32 $0x1C00, s14;
	s0 =	sand.u32 $0x1FFFFF80, s13;
	[sflag:s2] =	ssyncset.done $0x0  }
0x323: {  	s0 =	sadd.s32 s15, s0;
	[sflag:s2] =	ssyncadd.s32 $0xFFFFE000  }
0x324: {  	s16 =	sadd.s32 $0x10000, s0;
	v0 =	vld [tilespmem:s0+$0x10000]  }
0x325: {  	v1 =	vld [tilespmem:s16+$0x70]  }
0x326: {  	s17 =	simm.s32 $0x0;
	s3 =	simm.s32 $0x0;
	v2 =	vld [tilespmem:s16+$0x10]  }
0x327: {  	s3 =	sand.u32 $0x6000, s3;
	s0 =	sand.u32 $0x200, s17;
	v3 =	vld [tilespmem:s16+$0x20]  }
0x328: {  	v4 =	vld [tilespmem:s16+$0x30];
	s0 =	sor.u32 s0, s3  }
0x329: {  	v5 =	vld [tilespmem:s16+$0x40];
	s15 =	sor.u32 s15, s0  }
0x32a: {  	v6 =	vld [tilespmem:s16+$0x60];
	s0 =	sor.u32 $0x70, s15  }
0x32b: {  	s21 =	sor.u32 $0x10, s15;
	[tilespmem:s0+$0x0] =	vst.add.f32.msk $0xffff, v1  }
0x32c: {  	s2 =	sor.u32 $0x20, s15;
	[tilespmem:s21+$0x0] =	vst.add.f32.msk $0xffff, v2  }
0x32d: {  	s6 =	sor.u32 $0x30, s15;
	[tilespmem:s2+$0x0] =	vst.add.f32.msk $0xffff, v3  }
0x32e: {  	s10 =	sor.u32 $0x40, s15;
	[tilespmem:s6+$0x0] =	vst.add.f32.msk $0xffff, v4  }
0x32f: {  	s18 =	sor.u32 $0xF0, s15;
	[tilespmem:s10+$0x0] =	vst.add.f32.msk $0xffff, v5  }
0x330: {  	s1 =	sor.u32 $0x90, s15;
	[tilespmem:s18+$0x0] =	vst.add.f32.msk $0xffff, v1  }
0x331: {  	s3 =	sor.u32 $0xA0, s15;
	[tilespmem:s1+$0x0] =	vst.add.f32.msk $0xffff, v2  }
0x332: {  	s7 =	sor.u32 $0xB0, s15;
	[tilespmem:s3+$0x0] =	vst.add.f32.msk $0xffff, v3  }
0x333: {  	s11 =	sor.u32 $0xC0, s15;
	[tilespmem:s7+$0x0] =	vst.add.f32.msk $0xffff, v4  }
0x334: {  	s19 =	sor.u32 $0x170, s15;
	[tilespmem:s11+$0x0] =	vst.add.f32.msk $0xffff, v5  }
0x335: {  	s22 =	sor.u32 $0x110, s15;
	[tilespmem:s19+$0x0] =	vst.add.f32.msk $0xffff, v1  }
0x336: {  	s4 =	sor.u32 $0x120, s15;
	[tilespmem:s22+$0x0] =	vst.add.f32.msk $0xffff, v2  }
0x337: {  	s8 =	sor.u32 $0x130, s15;
	[tilespmem:s4+$0x0] =	vst.add.f32.msk $0xffff, v3  }
0x338: {  	s12 =	sor.u32 $0x140, s15;
	[tilespmem:s8+$0x0] =	vst.add.f32.msk $0xffff, v4  }
0x339: {  	s20 =	sor.u32 $0x1F0, s15;
	[tilespmem:s12+$0x0] =	vst.add.f32.msk $0xffff, v5  }
0x33a: {  	[tilespmem:s20+$0x0] =	vst.add.f32.msk $0xffff, v1  }
0x33b: {  	s23 =	sor.u32 $0x190, s15;
	v1 =	vld [tilespmem:s16+$0x50]  }
0x33c: {  	s5 =	sor.u32 $0x1A0, s15;
	[tilespmem:s23+$0x0] =	vst.add.f32.msk $0xffff, v2  }
0x33d: {  	s9 =	sor.u32 $0x1B0, s15;
	[tilespmem:s5+$0x0] =	vst.add.f32.msk $0xffff, v3  }
0x33e: {  	s13 =	sor.u32 $0x1C0, s15;
	[tilespmem:s9+$0x0] =	vst.add.f32.msk $0xffff, v4  }
0x33f: {  	[tilespmem:s13+$0x0] =	vst.add.f32.msk $0xffff, v5;
	s20 =	sor.u32 $0x60, s15  }
0x340: {  	s21 =	sor.u32 $0xE0, s15;
	[tilespmem:s20+$0x0] =	vst.add.f32.msk $0xffff, v6  }
0x341: {  	s22 =	sor.u32 $0x160, s15;
	[tilespmem:s21+$0x0] =	vst.add.f32.msk $0xffff, v6  }
0x342: {  	s23 =	sor.u32 $0x1E0, s15;
	[tilespmem:s22+$0x0] =	vst.add.f32.msk $0xffff, v6  }
0x343: {  	s16 =	sor.u32 $0x50, s15;
	[tilespmem:s23+$0x0] =	vst.add.f32.msk $0xffff, v6  }
0x344: {  	s17 =	sor.u32 $0xD0, s15;
	[tilespmem:s16+$0x0] =	vst.add.f32.msk $0xffff, v1  }
0x345: {  	s18 =	sor.u32 $0x150, s15;
	[tilespmem:s17+$0x0] =	vst.add.f32.msk $0xffff, v1  }
0x346: {  	s28 =	sor.u32 $0x100, s15;
	s19 =	sor.u32 $0x1D0, s15;
	[tilespmem:s18+$0x0] =	vst.add.f32.msk $0xffff, v1  }
0x347: {  	s31 =	sor.u32 $0x180, s15;
	s20 =	sor.u32 $0x80, s15;
	s16 =	simm.s32 $0x0;
	[tilespmem:s19+$0x0] =	vst.add.f32.msk $0xffff, v1  }
.LBB2_30:
0x348: {  	s16 =	sadd.s32 $0x80, s16;
	[tilespmem:s15+$0x0] =	vst.add.f32.msk $0xffff, v0  }
0x349: {  	s14 =	sadd.s32 $0x400, s14;
	s0 =	sshrl.u32 s16, $0x3;
	[tilespmem:s20+$0x0] =	vst.add.f32.msk $0xffff, v0  }
0x34a: {  	s1 =	sand.u32 $0x1C00, s14;
	s0 =	sand.u32 $0x1FFFFF80, s0;
	[tilespmem:s28+$0x0] =	vst.add.f32.msk $0xffff, v0  }
0x34b: {  	p0 =	slt.u32 s16, $0x1F80;
	s0 =	sadd.s32 s1, s0;
	[tilespmem:s31+$0x0] =	vst.add.f32.msk $0xffff, v0  }
0x34c: {  	s2 =	sadd.s32 $0x10000, s0;
	v0 =	vld [tilespmem:s0+$0x10000]  }
0x34d: {  	s3 =	sshll.u32 s16, $0x2;
	s0 =	sshrl.u32 s16, $0x1;
	v1 =	vld [tilespmem:s2+$0x70]  }
0x34e: {  	s3 =	sand.u32 $0x6000, s3;
	s0 =	sand.u32 $0x200, s0;
	v2 =	vld [tilespmem:s2+$0x10]  }
0x34f: {  	s0 =	sor.u32 s0, s3;
	v3 =	vld [tilespmem:s2+$0x20]  }
0x350: {  	s15 =	sor.u32 s1, s0;
	v4 =	vld [tilespmem:s2+$0x30]  }
0x351: {  	s20 =	sor.u32 $0x80, s15;
	s28 =	sor.u32 $0x100, s15;
	s0 =	sor.u32 $0x70, s15;
	v5 =	vld [tilespmem:s2+$0x40]  }
0x352: {  	s31 =	sor.u32 $0x180, s15;
	s1 =	sor.u32 $0x10, s15;
	[tilespmem:s0+$0x0] =	vst.add.f32.msk $0xffff, v1;
	s0 =	sor.u32 $0xF0, s15  }
0x353: {  	s3 =	sor.u32 $0x90, s15;
	s4 =	sor.u32 $0x110, s15;
	[tilespmem:s0+$0x0] =	vst.add.f32.msk $0xffff, v1;
	s0 =	sor.u32 $0x170, s15  }
0x354: {  	s5 =	sor.u32 $0x190, s15;
	s6 =	sor.u32 $0x20, s15;
	[tilespmem:s0+$0x0] =	vst.add.f32.msk $0xffff, v1;
	s0 =	sor.u32 $0x1F0, s15  }
0x355: {  	s7 =	sor.u32 $0xA0, s15;
	s8 =	sor.u32 $0x120, s15;
	s9 =	sor.u32 $0x1A0, s15;
	[tilespmem:s0+$0x0] =	vst.add.f32.msk $0xffff, v1  }
0x356: {  	s10 =	sor.u32 $0xB0, s15;
	s11 =	sor.u32 $0x130, s15;
	s0 =	sor.u32 $0x30, s15;
	v1 =	vld [tilespmem:s2+$0x50]  }
0x357: {  	s12 =	sor.u32 $0x1B0, s15;
	s13 =	sor.u32 $0x40, s15;
	s17 =	sor.u32 $0xC0, s15;
	v6 =	vld [tilespmem:s2+$0x60]  }
0x358: {  	s18 =	sor.u32 $0x50, s15;
	s2 =	sor.u32 $0x1C0, s15;
	[tilespmem:s1+$0x0] =	vst.add.f32.msk $0xffff, v2;
	s1 =	sor.u32 $0x140, s15  }
0x359: {  	s19 =	sor.u32 $0x150, s15;
	s21 =	sor.u32 $0x1D0, s15;
	[tilespmem:s3+$0x0] =	vst.add.f32.msk $0xffff, v2;
	s3 =	sor.u32 $0xD0, s15  }
0x35a: {  	s22 =	sor.u32 $0xE0, s15;
	s23 =	sor.u32 $0x160, s15;
	[tilespmem:s4+$0x0] =	vst.add.f32.msk $0xffff, v2;
	s4 =	sor.u32 $0x60, s15  }
0x35b: {  	[tilespmem:s5+$0x0] =	vst.add.f32.msk $0xffff, v2;
	s5 =	sor.u32 $0x1E0, s15  }
0x35c: {  	[tilespmem:s6+$0x0] =	vst.add.f32.msk $0xffff, v3  }
0x35d: {  	[tilespmem:s7+$0x0] =	vst.add.f32.msk $0xffff, v3  }
0x35e: {  	[tilespmem:s8+$0x0] =	vst.add.f32.msk $0xffff, v3  }
0x35f: {  	[tilespmem:s9+$0x0] =	vst.add.f32.msk $0xffff, v3  }
0x360: {  	[tilespmem:s0+$0x0] =	vst.add.f32.msk $0xffff, v4  }
0x361: {  	[tilespmem:s10+$0x0] =	vst.add.f32.msk $0xffff, v4  }
0x362: {  	[tilespmem:s11+$0x0] =	vst.add.f32.msk $0xffff, v4  }
0x363: {  	[tilespmem:s12+$0x0] =	vst.add.f32.msk $0xffff, v4  }
0x364: {  	[tilespmem:s13+$0x0] =	vst.add.f32.msk $0xffff, v5  }
0x365: {  	[tilespmem:s17+$0x0] =	vst.add.f32.msk $0xffff, v5  }
0x366: {  	[tilespmem:s1+$0x0] =	vst.add.f32.msk $0xffff, v5  }
0x367: {  	[tilespmem:s2+$0x0] =	vst.add.f32.msk $0xffff, v5  }
0x368: {  	[tilespmem:s18+$0x0] =	vst.add.f32.msk $0xffff, v1  }
0x369: {  	[tilespmem:s3+$0x0] =	vst.add.f32.msk $0xffff, v1  }
0x36a: {  	[tilespmem:s19+$0x0] =	vst.add.f32.msk $0xffff, v1  }
.Ltmp14:
0x36b: {  	[tilespmem:s21+$0x0] =	vst.add.f32.msk $0xffff, v1;
	(pc) =	sbr.rel @p0 .LBB2_30-.Ltmp14, $4  }
0x36c: {  	[tilespmem:s4+$0x0] =	vst.add.f32.msk $0xffff, v6  }
0x36d: {  	[tilespmem:s22+$0x0] =	vst.add.f32.msk $0xffff, v6  }
0x36e: {  	[tilespmem:s23+$0x0] =	vst.add.f32.msk $0xffff, v6  }
0x36f: {  	[tilespmem:s5+$0x0] =	vst.add.f32.msk $0xffff, v6  }
0x370: {  	[tilespmem:s15+$0x0] =	vst.add.f32.msk $0xffff, v0  }
0x371: {  	[tilespmem:s20+$0x0] =	vst.add.f32.msk $0xffff, v0  }
0x372: {  	[tilespmem:s28+$0x0] =	vst.add.f32.msk $0xffff, v0  }
0x373: {  	[tilespmem:s31+$0x0] =	vst.add.f32.msk $0xffff, v0  }
0x374: {  	[bflag:$0x0] =	sbarrier.arrive $0xFFFF  }
0x375: {  	s0 =	simm.s32 $0x0;
	s2 =	rddreg [dreg:$0x16]  }
0x376: {  	[hbm4b:s2+s29] =	stream.strided.scatter [tilespmem:s0], [sflag:$0x5], $0x400, s30, s29, $0x38;
	[tilespmem:$0x14000] =	vst v63  }
0x377: {  	s15 =	simm.s32 $0x400;
	s1 =	sadd.s32 $0x40, s2  }
0x378: {  	[hbm4b:s1+s29] =	stream.strided.scatter [tilespmem:s15], [sflag:$0x5], $0x400, s30, s29, $0x38;
	[tilespmem:$0x14000] =	vst v63  }
0x379: {  	s16 =	simm.s32 $0x800;
	s17 =	sadd.s32 $0x80, s2  }
0x37a: {  	[hbm4b:s17+s29] =	stream.strided.scatter [tilespmem:s16], [sflag:$0x5], $0x400, s30, s29, $0x38;
	[tilespmem:$0x14000] =	vst v63  }
0x37b: {  	s18 =	simm.s32 $0xC00;
	s22 =	simm.s32 $0x1400;
	s19 =	sadd.s32 $0xC0, s2  }
0x37c: {  	[hbm4b:s19+s29] =	stream.strided.scatter [tilespmem:s18], [sflag:$0x5], $0x400, s30, s29, $0x38;
	[tilespmem:$0x14000] =	vst v63  }
0x37d: {  	s14 =	simm.s32 $0x8000;
	s20 =	simm.s32 $0x1000;
	s21 =	sadd.s32 $0x100, s2  }
0x37e: {  	[hbm4b:s21+s29] =	stream.strided.scatter [tilespmem:s20], [sflag:$0x5], $0x400, s30, s29, $0x38;
	[tilespmem:$0x14000] =	vst v63  }
0x37f: {  	s28 =	simm.s32 $0x1800;
	s23 =	sadd.s32 $0x140, s2;
	s31 =	sadd.s32 $0x180, s2  }
0x380: {  	[hbm4b:s23+s29] =	stream.strided.scatter [tilespmem:s22], [sflag:$0x5], $0x400, s30, s29, $0x38;
	[tilespmem:$0x14000] =	vst v63  }
0x381: {  	s15 =	sadd.s32 $0x400, s2;
	s16 =	simm.s32 $0x1C00;
	s20 =	sadd.s32 $0x1C0, s2  }
0x382: {  	[hbm4b:s31+s29] =	stream.strided.scatter [tilespmem:s28], [sflag:$0x5], $0x400, s30, s29, $0x38;
	[tilespmem:$0x14000] =	vst v63  }
.LBB2_32:
0x383: {  	[hbm4b:s20+s29] =	stream.strided.scatter [tilespmem:s16], [sflag:$0x5], $0x400, s30, s29, $0x38;
	[tilespmem:$0x14000] =	vst v63  }
0x384: {  	s0 =	sshra.s32 s14, $0x2;
	p0 =	sne.s32 s14, $0x18000;
	s14 =	sadd.s32 $0x8000, s14  }
0x385: {  	[hbm4b:s15+s29] =	stream.strided.scatter [tilespmem:s0], [sflag:$0x5], $0x400, s30, s29, $0x38;
	[tilespmem:$0x14000] =	vst v63  }
0x386: {  	s2 =	sadd.s32 $0x40, s15;
	s1 =	sadd.s32 $0x400, s0  }
0x387: {  	[hbm4b:s2+s29] =	stream.strided.scatter [tilespmem:s1], [sflag:$0x5], $0x400, s30, s29, $0x38;
	[tilespmem:$0x14000] =	vst v63  }
0x388: {  	s1 =	sadd.s32 $0x800, s0;
	s2 =	sadd.s32 $0x80, s15  }
0x389: {  	[hbm4b:s2+s29] =	stream.strided.scatter [tilespmem:s1], [sflag:$0x5], $0x400, s30, s29, $0x38;
	[tilespmem:$0x14000] =	vst v63  }
0x38a: {  	s1 =	sadd.s32 $0xC00, s0;
	s2 =	sadd.s32 $0xC0, s15  }
0x38b: {  	[hbm4b:s2+s29] =	stream.strided.scatter [tilespmem:s1], [sflag:$0x5], $0x400, s30, s29, $0x38;
	[tilespmem:$0x14000] =	vst v63  }
0x38c: {  	s1 =	sadd.s32 $0x1000, s0;
	s2 =	sadd.s32 $0x100, s15  }
0x38d: {  	[hbm4b:s2+s29] =	stream.strided.scatter [tilespmem:s1], [sflag:$0x5], $0x400, s30, s29, $0x38;
	[tilespmem:$0x14000] =	vst v63  }
.Ltmp15:
0x38e: {  	s1 =	sadd.s32 $0x1400, s0;
	s2 =	sadd.s32 $0x140, s15;
	(pc) =	sbr.rel @p0 .LBB2_32-.Ltmp15, $4  }
0x38f: {  	[hbm4b:s2+s29] =	stream.strided.scatter [tilespmem:s1], [sflag:$0x5], $0x400, s30, s29, $0x38;
	[tilespmem:$0x14000] =	vst v63  }
0x390: {  	s1 =	sadd.s32 $0x1800, s0;
	s2 =	sadd.s32 $0x180, s15  }
0x391: {  	[hbm4b:s2+s29] =	stream.strided.scatter [tilespmem:s1], [sflag:$0x5], $0x400, s30, s29, $0x38;
	[tilespmem:$0x14000] =	vst v63  }
0x392: {  	s20 =	sadd.s32 $0x1C0, s15;
	s16 =	sadd.s32 $0x1C00, s0;
	s15 =	sadd.s32 $0x400, s15  }
0x393: {  	[hbm4b:s20+s29] =	stream.strided.scatter [tilespmem:s16], [sflag:$0x5], $0x400, s30, s29, $0x38;
	[tilespmem:$0x14000] =	vst v63  }
0x394: {  	s0 =	simm.s32 $0x5  }
0x395: {  	_ =	swait.ge [sflag:s0], $0x8000  }
0x396: {  	[sflag:s0] =	ssyncset.done $0x0  }
0x397: {  	s14 =	simm.s32 $0x0;
	s2 =	rddreg [dreg:$0x19];
	[sflag:s0] =	ssyncadd.s32 $0xFFFF8000  }
0x398: {  	[tilespmem:s14], [sflag:$0x1] =	stream.strided.gather [hbm4b:s2+s29], $0x400, s30, s29, $0x38;
	[tilespmem:$0x14000] =	vst v63  }
0x399: {  	s1 =	simm.s32 $0x400;
	s15 =	sadd.s32 $0x40, s2  }
0x39a: {  	[tilespmem:s1], [sflag:$0x1] =	stream.strided.gather [hbm4b:s15+s29], $0x400, s30, s29, $0x38;
	[tilespmem:$0x14000] =	vst v63  }
0x39b: {  	s17 =	simm.s32 $0x800;
	s16 =	sadd.s32 $0x80, s2  }
0x39c: {  	[tilespmem:s17], [sflag:$0x1] =	stream.strided.gather [hbm4b:s16+s29], $0x400, s30, s29, $0x38;
	[tilespmem:$0x14000] =	vst v63  }
0x39d: {  	s19 =	simm.s32 $0xC00;
	s21 =	simm.s32 $0x1000;
	s18 =	sadd.s32 $0xC0, s2  }
0x39e: {  	[tilespmem:s19], [sflag:$0x1] =	stream.strided.gather [hbm4b:s18+s29], $0x400, s30, s29, $0x38;
	[tilespmem:$0x14000] =	vst v63  }
0x39f: {  	s23 =	simm.s32 $0x1400;
	s31 =	simm.s32 $0x1800;
	s20 =	sadd.s32 $0x100, s2  }
0x3a0: {  	[tilespmem:s21], [sflag:$0x1] =	stream.strided.gather [hbm4b:s20+s29], $0x400, s30, s29, $0x38;
	[tilespmem:$0x14000] =	vst v63  }
0x3a1: {  	s22 =	sadd.s32 $0x140, s2;
	s28 =	sadd.s32 $0x180, s2;
	s14 =	simm.s32 $0x8000  }
0x3a2: {  	[tilespmem:s23], [sflag:$0x1] =	stream.strided.gather [hbm4b:s22+s29], $0x400, s30, s29, $0x38;
	[tilespmem:$0x14000] =	vst v63  }
0x3a3: {  	s15 =	sadd.s32 $0x400, s2;
	s16 =	sadd.s32 $0x1C0, s2;
	s20 =	simm.s32 $0x1C00  }
0x3a4: {  	[tilespmem:s31], [sflag:$0x1] =	stream.strided.gather [hbm4b:s28+s29], $0x400, s30, s29, $0x38;
	[tilespmem:$0x14000] =	vst v63  }
.LBB2_34:
0x3a5: {  	[tilespmem:s20], [sflag:$0x1] =	stream.strided.gather [hbm4b:s16+s29], $0x400, s30, s29, $0x38;
	[tilespmem:$0x14000] =	vst v63  }
0x3a6: {  	s0 =	sshra.s32 s14, $0x2;
	p0 =	sne.s32 s14, $0x18000;
	s14 =	sadd.s32 $0x8000, s14  }
0x3a7: {  	[tilespmem:s0], [sflag:$0x1] =	stream.strided.gather [hbm4b:s15+s29], $0x400, s30, s29, $0x38;
	[tilespmem:$0x14000] =	vst v63  }
0x3a8: {  	s1 =	sadd.s32 $0x40, s15;
	s2 =	sadd.s32 $0x400, s0  }
0x3a9: {  	[tilespmem:s2], [sflag:$0x1] =	stream.strided.gather [hbm4b:s1+s29], $0x400, s30, s29, $0x38;
	[tilespmem:$0x14000] =	vst v63  }
0x3aa: {  	s1 =	sadd.s32 $0x80, s15;
	s2 =	sadd.s32 $0x800, s0  }
0x3ab: {  	[tilespmem:s2], [sflag:$0x1] =	stream.strided.gather [hbm4b:s1+s29], $0x400, s30, s29, $0x38;
	[tilespmem:$0x14000] =	vst v63  }
0x3ac: {  	s1 =	sadd.s32 $0xC0, s15;
	s2 =	sadd.s32 $0xC00, s0  }
0x3ad: {  	[tilespmem:s2], [sflag:$0x1] =	stream.strided.gather [hbm4b:s1+s29], $0x400, s30, s29, $0x38;
	[tilespmem:$0x14000] =	vst v63  }
0x3ae: {  	s1 =	sadd.s32 $0x100, s15;
	s2 =	sadd.s32 $0x1000, s0  }
0x3af: {  	[tilespmem:s2], [sflag:$0x1] =	stream.strided.gather [hbm4b:s1+s29], $0x400, s30, s29, $0x38;
	[tilespmem:$0x14000] =	vst v63  }
.Ltmp16:
0x3b0: {  	s1 =	sadd.s32 $0x140, s15;
	s2 =	sadd.s32 $0x1400, s0;
	(pc) =	sbr.rel @p0 .LBB2_34-.Ltmp16, $4  }
0x3b1: {  	[tilespmem:s2], [sflag:$0x1] =	stream.strided.gather [hbm4b:s1+s29], $0x400, s30, s29, $0x38;
	[tilespmem:$0x14000] =	vst v63  }
0x3b2: {  	s1 =	sadd.s32 $0x180, s15;
	s2 =	sadd.s32 $0x1800, s0  }
0x3b3: {  	[tilespmem:s2], [sflag:$0x1] =	stream.strided.gather [hbm4b:s1+s29], $0x400, s30, s29, $0x38;
	[tilespmem:$0x14000] =	vst v63  }
0x3b4: {  	s16 =	sadd.s32 $0x1C0, s15;
	s20 =	sadd.s32 $0x1C00, s0;
	s15 =	sadd.s32 $0x400, s15  }
0x3b5: {  	[tilespmem:s20], [sflag:$0x1] =	stream.strided.gather [hbm4b:s16+s29], $0x400, s30, s29, $0x38;
	[tilespmem:$0x14000] =	vst v63  }
0x3b6: {  	s14 =	simm.s32 $0x0  }
0x3b7: {  	s0 =	rddreg [dreg:$0x12];
	s1 =	simm.s32 $0x10000;
	s12 =	simm.s32 $0x2  }
0x3b8: {  	[tilespmem:s1], [sflag:$0x3] =	stream.linear.gather [hbm4b:s0+s14], $0x2000, $0x38;
	[tilespmem:$0x14000] =	vst v63  }
0x3b9: {  	_ =	swait.ge [sflag:s12], $0x8000  }
0x3ba: {  	[sflag:s12] =	ssyncset.done $0x0  }
0x3bb: {  	s2 =	simm.s32 $0x4;
	[sflag:s12] =	ssyncadd.s32 $0xFFFF8000  }
0x3bc: {  	s13 =	simm.s32 $0x0;
	_ =	swait.ge [sflag:s2], $0x2000  }
0x3bd: {  	s15 =	sand.u32 $0x1C00, s14;
	s0 =	sand.u32 $0x1FFFFF80, s13;
	[sflag:s2] =	ssyncset.done $0x0  }
0x3be: {  	s0 =	sadd.s32 s15, s0;
	[sflag:s2] =	ssyncadd.s32 $0xFFFFE000  }
0x3bf: {  	v0 =	vld [tilespmem:s0+$0x12000];
	s0 =	sadd.s32 $0x10000, s0  }
0x3c0: {  	v1 =	vld [tilespmem:s0+$0x2070]  }
0x3c1: {  	s16 =	simm.s32 $0x0;
	s3 =	simm.s32 $0x0;
	v2 =	vld [tilespmem:s0+$0x2010]  }
0x3c2: {  	s3 =	sand.u32 $0x6000, s3;
	s2 =	sand.u32 $0x200, s16;
	v3 =	vld [tilespmem:s0+$0x2020]  }
0x3c3: {  	s2 =	sor.u32 s2, s3;
	v4 =	vld [tilespmem:s0+$0x2030]  }
0x3c4: {  	s16 =	sor.u32 s15, s2;
	v5 =	vld [tilespmem:s0+$0x2040]  }
0x3c5: {  	v6 =	vld [tilespmem:s0+$0x2060];
	s1 =	sor.u32 $0x8070, s16  }
0x3c6: {  	s20 =	sor.u32 $0x8010, s16;
	[tilespmem:s1+$0x0] =	vst.add.f32.msk $0xffff, v1  }
0x3c7: {  	s2 =	sor.u32 $0x8020, s16;
	[tilespmem:s20+$0x0] =	vst.add.f32.msk $0xffff, v2  }
0x3c8: {  	s6 =	sor.u32 $0x8030, s16;
	[tilespmem:s2+$0x0] =	vst.add.f32.msk $0xffff, v3  }
0x3c9: {  	s10 =	sor.u32 $0x8040, s16;
	[tilespmem:s6+$0x0] =	vst.add.f32.msk $0xffff, v4  }
0x3ca: {  	s17 =	sor.u32 $0x80F0, s16;
	[tilespmem:s10+$0x0] =	vst.add.f32.msk $0xffff, v5  }
0x3cb: {  	s21 =	sor.u32 $0x8090, s16;
	[tilespmem:s17+$0x0] =	vst.add.f32.msk $0xffff, v1  }
0x3cc: {  	s3 =	sor.u32 $0x80A0, s16;
	[tilespmem:s21+$0x0] =	vst.add.f32.msk $0xffff, v2  }
0x3cd: {  	s7 =	sor.u32 $0x80B0, s16;
	[tilespmem:s3+$0x0] =	vst.add.f32.msk $0xffff, v3  }
0x3ce: {  	s11 =	sor.u32 $0x80C0, s16;
	[tilespmem:s7+$0x0] =	vst.add.f32.msk $0xffff, v4  }
0x3cf: {  	s20 =	sor.u32 $0x8060, s16;
	[tilespmem:s11+$0x0] =	vst.add.f32.msk $0xffff, v5  }
0x3d0: {  	s18 =	sor.u32 $0x8170, s16;
	[tilespmem:s20+$0x0] =	vst.add.f32.msk $0xffff, v6  }
0x3d1: {  	s22 =	sor.u32 $0x8110, s16;
	[tilespmem:s18+$0x0] =	vst.add.f32.msk $0xffff, v1  }
0x3d2: {  	s4 =	sor.u32 $0x8120, s16;
	[tilespmem:s22+$0x0] =	vst.add.f32.msk $0xffff, v2  }
0x3d3: {  	s8 =	sor.u32 $0x8130, s16;
	[tilespmem:s4+$0x0] =	vst.add.f32.msk $0xffff, v3  }
0x3d4: {  	s12 =	sor.u32 $0x8140, s16;
	[tilespmem:s8+$0x0] =	vst.add.f32.msk $0xffff, v4  }
0x3d5: {  	s21 =	sor.u32 $0x80E0, s16;
	[tilespmem:s12+$0x0] =	vst.add.f32.msk $0xffff, v5  }
0x3d6: {  	s19 =	sor.u32 $0x81F0, s16;
	[tilespmem:s21+$0x0] =	vst.add.f32.msk $0xffff, v6  }
0x3d7: {  	[tilespmem:s19+$0x0] =	vst.add.f32.msk $0xffff, v1  }
0x3d8: {  	s23 =	sor.u32 $0x8190, s16;
	v1 =	vld [tilespmem:s0+$0x2050]  }
0x3d9: {  	s5 =	sor.u32 $0x81A0, s16;
	[tilespmem:s23+$0x0] =	vst.add.f32.msk $0xffff, v2  }
0x3da: {  	s9 =	sor.u32 $0x81B0, s16;
	[tilespmem:s5+$0x0] =	vst.add.f32.msk $0xffff, v3  }
0x3db: {  	s13 =	sor.u32 $0x81C0, s16;
	[tilespmem:s9+$0x0] =	vst.add.f32.msk $0xffff, v4  }
0x3dc: {  	s22 =	sor.u32 $0x8160, s16;
	[tilespmem:s13+$0x0] =	vst.add.f32.msk $0xffff, v5  }
0x3dd: {  	s23 =	sor.u32 $0x81E0, s16;
	[tilespmem:s22+$0x0] =	vst.add.f32.msk $0xffff, v6  }
0x3de: {  	s15 =	sor.u32 $0x8050, s16;
	[tilespmem:s23+$0x0] =	vst.add.f32.msk $0xffff, v6  }
0x3df: {  	s17 =	sor.u32 $0x80D0, s16;
	[tilespmem:s15+$0x0] =	vst.add.f32.msk $0xffff, v1  }
0x3e0: {  	s18 =	sor.u32 $0x8150, s16;
	[tilespmem:s17+$0x0] =	vst.add.f32.msk $0xffff, v1  }
0x3e1: {  	s28 =	sor.u32 $0x8080, s16;
	s31 =	sor.u32 $0x8100, s16;
	s19 =	sor.u32 $0x81D0, s16;
	[tilespmem:s18+$0x0] =	vst.add.f32.msk $0xffff, v1  }
0x3e2: {  	s20 =	sor.u32 $0x8000, s16;
	s16 =	sor.u32 $0x8180, s16;
	s15 =	simm.s32 $0x0;
	[tilespmem:s19+$0x0] =	vst.add.f32.msk $0xffff, v1  }
.LBB2_36:
0x3e3: {  	s15 =	sadd.s32 $0x80, s15;
	[tilespmem:s20+$0x0] =	vst.add.f32.msk $0xffff, v0  }
0x3e4: {  	s14 =	sadd.s32 $0x400, s14;
	s0 =	sshrl.u32 s15, $0x3;
	[tilespmem:s28+$0x0] =	vst.add.f32.msk $0xffff, v0  }
0x3e5: {  	s1 =	sand.u32 $0x1C00, s14;
	s0 =	sand.u32 $0x1FFFFF80, s0;
	[tilespmem:s31+$0x0] =	vst.add.f32.msk $0xffff, v0  }
0x3e6: {  	p0 =	slt.u32 s15, $0x1F80;
	s0 =	sadd.s32 s1, s0;
	[tilespmem:s16+$0x0] =	vst.add.f32.msk $0xffff, v0  }
0x3e7: {  	v0 =	vld [tilespmem:s0+$0x12000];
	s0 =	sadd.s32 $0x10000, s0  }
0x3e8: {  	s2 =	sshrl.u32 s15, $0x1;
	s3 =	sshll.u32 s15, $0x2;
	v1 =	vld [tilespmem:s0+$0x2070]  }
0x3e9: {  	s3 =	sand.u32 $0x6000, s3;
	s2 =	sand.u32 $0x200, s2;
	v2 =	vld [tilespmem:s0+$0x2010]  }
0x3ea: {  	s2 =	sor.u32 s2, s3;
	v3 =	vld [tilespmem:s0+$0x2020]  }
0x3eb: {  	s1 =	sor.u32 s1, s2;
	v4 =	vld [tilespmem:s0+$0x2030]  }
0x3ec: {  	s20 =	sor.u32 $0x8000, s1;
	s28 =	sor.u32 $0x8080, s1;
	s2 =	sor.u32 $0x8070, s1;
	v5 =	vld [tilespmem:s0+$0x2040]  }
0x3ed: {  	s31 =	sor.u32 $0x8100, s1;
	s16 =	sor.u32 $0x8180, s1;
	[tilespmem:s2+$0x0] =	vst.add.f32.msk $0xffff, v1;
	s2 =	sor.u32 $0x80F0, s1  }
0x3ee: {  	s3 =	sor.u32 $0x8010, s1;
	s4 =	sor.u32 $0x8090, s1;
	[tilespmem:s2+$0x0] =	vst.add.f32.msk $0xffff, v1;
	s2 =	sor.u32 $0x8170, s1  }
0x3ef: {  	s5 =	sor.u32 $0x8110, s1;
	s6 =	sor.u32 $0x8190, s1;
	[tilespmem:s2+$0x0] =	vst.add.f32.msk $0xffff, v1;
	s2 =	sor.u32 $0x81F0, s1  }
0x3f0: {  	s7 =	sor.u32 $0x8020, s1;
	s8 =	sor.u32 $0x80A0, s1;
	s9 =	sor.u32 $0x8120, s1;
	[tilespmem:s2+$0x0] =	vst.add.f32.msk $0xffff, v1  }
0x3f1: {  	s10 =	sor.u32 $0x8030, s1;
	s11 =	sor.u32 $0x80B0, s1;
	s2 =	sor.u32 $0x81A0, s1;
	v1 =	vld [tilespmem:s0+$0x2050]  }
0x3f2: {  	s12 =	sor.u32 $0x8130, s1;
	s13 =	sor.u32 $0x81B0, s1;
	s17 =	sor.u32 $0x8040, s1;
	v6 =	vld [tilespmem:s0+$0x2060]  }
0x3f3: {  	s18 =	sor.u32 $0x81C0, s1;
	s0 =	sor.u32 $0x80C0, s1;
	[tilespmem:s3+$0x0] =	vst.add.f32.msk $0xffff, v2;
	s3 =	sor.u32 $0x8140, s1  }
0x3f4: {  	s19 =	sor.u32 $0x80D0, s1;
	s21 =	sor.u32 $0x8150, s1;
	[tilespmem:s4+$0x0] =	vst.add.f32.msk $0xffff, v2;
	s4 =	sor.u32 $0x8050, s1  }
0x3f5: {  	s22 =	sor.u32 $0x8060, s1;
	s23 =	sor.u32 $0x80E0, s1;
	[tilespmem:s5+$0x0] =	vst.add.f32.msk $0xffff, v2;
	s5 =	sor.u32 $0x81D0, s1  }
0x3f6: {  	[tilespmem:s6+$0x0] =	vst.add.f32.msk $0xffff, v2;
	s6 =	sor.u32 $0x8160, s1;
	s1 =	sor.u32 $0x81E0, s1  }
0x3f7: {  	[tilespmem:s7+$0x0] =	vst.add.f32.msk $0xffff, v3  }
0x3f8: {  	[tilespmem:s8+$0x0] =	vst.add.f32.msk $0xffff, v3  }
0x3f9: {  	[tilespmem:s9+$0x0] =	vst.add.f32.msk $0xffff, v3  }
0x3fa: {  	[tilespmem:s2+$0x0] =	vst.add.f32.msk $0xffff, v3  }
0x3fb: {  	[tilespmem:s10+$0x0] =	vst.add.f32.msk $0xffff, v4  }
0x3fc: {  	[tilespmem:s11+$0x0] =	vst.add.f32.msk $0xffff, v4  }
0x3fd: {  	[tilespmem:s12+$0x0] =	vst.add.f32.msk $0xffff, v4  }
0x3fe: {  	[tilespmem:s13+$0x0] =	vst.add.f32.msk $0xffff, v4  }
0x3ff: {  	[tilespmem:s17+$0x0] =	vst.add.f32.msk $0xffff, v5  }
0x400: {  	[tilespmem:s0+$0x0] =	vst.add.f32.msk $0xffff, v5  }
0x401: {  	[tilespmem:s3+$0x0] =	vst.add.f32.msk $0xffff, v5  }
0x402: {  	[tilespmem:s18+$0x0] =	vst.add.f32.msk $0xffff, v5  }
0x403: {  	[tilespmem:s4+$0x0] =	vst.add.f32.msk $0xffff, v1  }
0x404: {  	[tilespmem:s19+$0x0] =	vst.add.f32.msk $0xffff, v1  }
0x405: {  	[tilespmem:s21+$0x0] =	vst.add.f32.msk $0xffff, v1  }
.Ltmp17:
0x406: {  	[tilespmem:s5+$0x0] =	vst.add.f32.msk $0xffff, v1;
	(pc) =	sbr.rel @p0 .LBB2_36-.Ltmp17, $4  }
0x407: {  	[tilespmem:s22+$0x0] =	vst.add.f32.msk $0xffff, v6  }
0x408: {  	[tilespmem:s23+$0x0] =	vst.add.f32.msk $0xffff, v6  }
0x409: {  	[tilespmem:s6+$0x0] =	vst.add.f32.msk $0xffff, v6  }
0x40a: {  	[tilespmem:s1+$0x0] =	vst.add.f32.msk $0xffff, v6  }
0x40b: {  	[tilespmem:s20+$0x0] =	vst.add.f32.msk $0xffff, v0  }
0x40c: {  	[tilespmem:s28+$0x0] =	vst.add.f32.msk $0xffff, v0  }
0x40d: {  	[tilespmem:s31+$0x0] =	vst.add.f32.msk $0xffff, v0  }
0x40e: {  	[tilespmem:s16+$0x0] =	vst.add.f32.msk $0xffff, v0  }
0x40f: {  	[bflag:$0x0] =	sbarrier.arrive $0xFFFF  }
0x410: {  	s0 =	simm.s32 $0x8000;
	s2 =	rddreg [dreg:$0x18]  }
0x411: {  	[hbm4b:s2+s29] =	stream.strided.scatter [tilespmem:s0], [sflag:$0x6], $0x400, s30, s29, $0x38;
	[tilespmem:$0x14000] =	vst v63  }
0x412: {  	s14 =	simm.s32 $0x8400;
	s1 =	sadd.s32 $0x40, s2  }
0x413: {  	[hbm4b:s1+s29] =	stream.strided.scatter [tilespmem:s14], [sflag:$0x6], $0x400, s30, s29, $0x38;
	[tilespmem:$0x14000] =	vst v63  }
0x414: {  	s15 =	simm.s32 $0x8800;
	s17 =	simm.s32 $0x8C00;
	s16 =	sadd.s32 $0x80, s2  }
0x415: {  	[hbm4b:s16+s29] =	stream.strided.scatter [tilespmem:s15], [sflag:$0x6], $0x400, s30, s29, $0x38;
	[tilespmem:$0x14000] =	vst v63  }
0x416: {  	s19 =	simm.s32 $0x9000;
	s21 =	simm.s32 $0x9400;
	s18 =	sadd.s32 $0xC0, s2  }
0x417: {  	[hbm4b:s18+s29] =	stream.strided.scatter [tilespmem:s17], [sflag:$0x6], $0x400, s30, s29, $0x38;
	[tilespmem:$0x14000] =	vst v63  }
0x418: {  	s23 =	simm.s32 $0x9800;
	s20 =	sadd.s32 $0x100, s2;
	s22 =	sadd.s32 $0x140, s2  }
0x419: {  	[hbm4b:s20+s29] =	stream.strided.scatter [tilespmem:s19], [sflag:$0x6], $0x400, s30, s29, $0x38;
	[tilespmem:$0x14000] =	vst v63  }
0x41a: {  	s31 =	sadd.s32 $0x180, s2;
	s28 =	sadd.s32 $0x1C0, s2;
	s14 =	simm.s32 $0x2000  }
0x41b: {  	[hbm4b:s22+s29] =	stream.strided.scatter [tilespmem:s21], [sflag:$0x6], $0x400, s30, s29, $0x38;
	[tilespmem:$0x14000] =	vst v63  }
0x41c: {  	s16 =	simm.s32 $0x10000;
	s15 =	sadd.s32 $0x400, s2;
	s20 =	simm.s32 $0x9C00  }
0x41d: {  	[hbm4b:s31+s29] =	stream.strided.scatter [tilespmem:s23], [sflag:$0x6], $0x400, s30, s29, $0x38;
	[tilespmem:$0x14000] =	vst v63  }
.LBB2_38:
0x41e: {  	[hbm4b:s28+s29] =	stream.strided.scatter [tilespmem:s20], [sflag:$0x6], $0x400, s30, s29, $0x38;
	[tilespmem:$0x14000] =	vst v63  }
0x41f: {  	s0 =	smov.u32 s14;
	s1 =	smov.u32 s16  }
0x420: {  	s14 =	sshra.s32 s1, $0x2;
	s1 =	sadd.s32 $0x8000, s16;
	s2 =	sadd.s32 $0x8000, s0  }
0x421: {  	[hbm4b:s15+s29] =	stream.strided.scatter [tilespmem:s2], [sflag:$0x6], $0x400, s30, s29, $0x38;
	[tilespmem:$0x14000] =	vst v63  }
0x422: {  	p0 =	sne.s32 s16, $0x18000;
	s3 =	sadd.s32 $0x40, s15;
	s2 =	sadd.s32 $0x8400, s0  }
0x423: {  	[hbm4b:s3+s29] =	stream.strided.scatter [tilespmem:s2], [sflag:$0x6], $0x400, s30, s29, $0x38;
	[tilespmem:$0x14000] =	vst v63  }
0x424: {  	s2 =	sadd.s32 $0x8800, s0;
	s3 =	sadd.s32 $0x80, s15  }
0x425: {  	[hbm4b:s3+s29] =	stream.strided.scatter [tilespmem:s2], [sflag:$0x6], $0x400, s30, s29, $0x38;
	[tilespmem:$0x14000] =	vst v63  }
0x426: {  	s2 =	sadd.s32 $0x8C00, s0;
	s3 =	sadd.s32 $0xC0, s15  }
0x427: {  	[hbm4b:s3+s29] =	stream.strided.scatter [tilespmem:s2], [sflag:$0x6], $0x400, s30, s29, $0x38;
	[tilespmem:$0x14000] =	vst v63  }
0x428: {  	s2 =	sadd.s32 $0x9000, s0;
	s3 =	sadd.s32 $0x100, s15  }
0x429: {  	[hbm4b:s3+s29] =	stream.strided.scatter [tilespmem:s2], [sflag:$0x6], $0x400, s30, s29, $0x38;
	[tilespmem:$0x14000] =	vst v63  }
.Ltmp18:
0x42a: {  	s2 =	sadd.s32 $0x9400, s0;
	s3 =	sadd.s32 $0x140, s15;
	(pc) =	sbr.rel @p0 .LBB2_38-.Ltmp18, $4  }
0x42b: {  	[hbm4b:s3+s29] =	stream.strided.scatter [tilespmem:s2], [sflag:$0x6], $0x400, s30, s29, $0x38;
	[tilespmem:$0x14000] =	vst v63  }
0x42c: {  	s28 =	sadd.s32 $0x1C0, s15;
	s2 =	sadd.s32 $0x9800, s0;
	s3 =	sadd.s32 $0x180, s15  }
0x42d: {  	[hbm4b:s3+s29] =	stream.strided.scatter [tilespmem:s2], [sflag:$0x6], $0x400, s30, s29, $0x38;
	[tilespmem:$0x14000] =	vst v63  }
0x42e: {  	s20 =	sadd.s32 $0x9C00, s0;
	s16 =	smov.u32 s1;
	s15 =	sadd.s32 $0x400, s15  }
0x42f: {  	[hbm4b:s28+s29] =	stream.strided.scatter [tilespmem:s20], [sflag:$0x6], $0x400, s30, s29, $0x38;
	[tilespmem:$0x14000] =	vst v63  }
0x430: {  	s0 =	sadd.s32 $0x8000, s14  }
0x431: {  	[hbm4b:s15+s29] =	stream.strided.scatter [tilespmem:s0], [sflag:$0x6], $0x400, s30, s29, $0x38;
	[tilespmem:$0x14000] =	vst v63  }
0x432: {  	s22 =	sadd.s32 $0x8400, s14;
	s1 =	sadd.s32 $0x40, s15  }
0x433: {  	[hbm4b:s1+s29] =	stream.strided.scatter [tilespmem:s22], [sflag:$0x6], $0x400, s30, s29, $0x38;
	[tilespmem:$0x14000] =	vst v63  }
0x434: {  	s23 =	sadd.s32 $0x8800, s14;
	s31 =	sadd.s32 $0x80, s15  }
0x435: {  	[hbm4b:s31+s29] =	stream.strided.scatter [tilespmem:s23], [sflag:$0x6], $0x400, s30, s29, $0x38;
	[tilespmem:$0x14000] =	vst v63  }
0x436: {  	s2 =	sadd.s32 $0xC0, s15;
	s1 =	sadd.s32 $0x8C00, s14  }
0x437: {  	[hbm4b:s2+s29] =	stream.strided.scatter [tilespmem:s1], [sflag:$0x6], $0x400, s30, s29, $0x38;
	[tilespmem:$0x14000] =	vst v63  }
0x438: {  	s3 =	sadd.s32 $0x9000, s14;
	s4 =	sadd.s32 $0x100, s15  }
0x439: {  	[hbm4b:s4+s29] =	stream.strided.scatter [tilespmem:s3], [sflag:$0x6], $0x400, s30, s29, $0x38;
	[tilespmem:$0x14000] =	vst v63  }
0x43a: {  	s5 =	sadd.s32 $0x9400, s14;
	s6 =	sadd.s32 $0x140, s15  }
0x43b: {  	[hbm4b:s6+s29] =	stream.strided.scatter [tilespmem:s5], [sflag:$0x6], $0x400, s30, s29, $0x38;
	[tilespmem:$0x14000] =	vst v63  }
0x43c: {  	s7 =	sadd.s32 $0x9800, s14;
	s8 =	sadd.s32 $0x180, s15  }
0x43d: {  	[hbm4b:s8+s29] =	stream.strided.scatter [tilespmem:s7], [sflag:$0x6], $0x400, s30, s29, $0x38;
	[tilespmem:$0x14000] =	vst v63  }
0x43e: {  	s9 =	sadd.s32 $0x9C00, s14;
	s10 =	sadd.s32 $0x1C0, s15;
	s11 =	simm.s32 $0x6  }
0x43f: {  	[hbm4b:s10+s29] =	stream.strided.scatter [tilespmem:s9], [sflag:$0x6], $0x400, s30, s29, $0x38;
	[tilespmem:$0x14000] =	vst v63  }
0x440: {  	_ =	swait.ge [sflag:s11], $0x8000  }
0x441: {  	[sflag:s11] =	ssyncset.done $0x0  }
0x442: {  	s12 =	simm.s32 $0x8000;
	[sflag:s11] =	ssyncadd.s32 $0xFFFF8000  }
0x443: {  	[tilespmem:s12], [sflag:$0x2] =	stream.strided.gather [hbm4b:s24+s29], $0x400, s30, s29, $0x38;
	[tilespmem:$0x14000] =	vst v63  }
0x444: {  	s13 =	sadd.s32 $0x40, s24;
	s14 =	simm.s32 $0x8400  }
0x445: {  	[tilespmem:s14], [sflag:$0x2] =	stream.strided.gather [hbm4b:s13+s29], $0x400, s30, s29, $0x38;
	[tilespmem:$0x14000] =	vst v63  }
0x446: {  	s16 =	simm.s32 $0x8800;
	s17 =	sadd.s32 $0xC0, s24;
	s15 =	sadd.s32 $0x80, s24  }
0x447: {  	[tilespmem:s16], [sflag:$0x2] =	stream.strided.gather [hbm4b:s15+s29], $0x400, s30, s29, $0x38;
	[tilespmem:$0x14000] =	vst v63  }
0x448: {  	s18 =	simm.s32 $0x8C00;
	s19 =	sadd.s32 $0x100, s24;
	s20 =	simm.s32 $0x9000  }
0x449: {  	[tilespmem:s18], [sflag:$0x2] =	stream.strided.gather [hbm4b:s17+s29], $0x400, s30, s29, $0x38;
	[tilespmem:$0x14000] =	vst v63  }
0x44a: {  	s21 =	sadd.s32 $0x140, s24;
	s28 =	simm.s32 $0x9C00;
	s22 =	simm.s32 $0x9400  }
0x44b: {  	[tilespmem:s20], [sflag:$0x2] =	stream.strided.gather [hbm4b:s19+s29], $0x400, s30, s29, $0x38;
	[tilespmem:$0x14000] =	vst v63  }
0x44c: {  	s23 =	sadd.s32 $0x180, s24;
	s31 =	simm.s32 $0x9800;
	s14 =	simm.s32 $0x2000  }
0x44d: {  	[tilespmem:s22], [sflag:$0x2] =	stream.strided.gather [hbm4b:s21+s29], $0x400, s30, s29, $0x38;
	[tilespmem:$0x14000] =	vst v63  }
0x44e: {  	s16 =	simm.s32 $0x10000;
	s15 =	sadd.s32 $0x400, s24;
	s20 =	sadd.s32 $0x1C0, s24  }
0x44f: {  	[tilespmem:s31], [sflag:$0x2] =	stream.strided.gather [hbm4b:s23+s29], $0x400, s30, s29, $0x38;
	[tilespmem:$0x14000] =	vst v63  }
.LBB2_40:
0x450: {  	[tilespmem:s28], [sflag:$0x2] =	stream.strided.gather [hbm4b:s20+s29], $0x400, s30, s29, $0x38;
	[tilespmem:$0x14000] =	vst v63  }
0x451: {  	s0 =	smov.u32 s14;
	s1 =	smov.u32 s16  }
0x452: {  	s14 =	sshra.s32 s1, $0x2;
	s1 =	sadd.s32 $0x8000, s16;
	s2 =	sadd.s32 $0x8000, s0  }
0x453: {  	[tilespmem:s2], [sflag:$0x2] =	stream.strided.gather [hbm4b:s15+s29], $0x400, s30, s29, $0x38;
	[tilespmem:$0x14000] =	vst v63  }
0x454: {  	p0 =	sne.s32 s16, $0x18000;
	s3 =	sadd.s32 $0x8400, s0;
	s2 =	sadd.s32 $0x40, s15  }
0x455: {  	[tilespmem:s3], [sflag:$0x2] =	stream.strided.gather [hbm4b:s2+s29], $0x400, s30, s29, $0x38;
	[tilespmem:$0x14000] =	vst v63  }
0x456: {  	s2 =	sadd.s32 $0x80, s15;
	s3 =	sadd.s32 $0x8800, s0  }
0x457: {  	[tilespmem:s3], [sflag:$0x2] =	stream.strided.gather [hbm4b:s2+s29], $0x400, s30, s29, $0x38;
	[tilespmem:$0x14000] =	vst v63  }
0x458: {  	s2 =	sadd.s32 $0xC0, s15;
	s3 =	sadd.s32 $0x8C00, s0  }
0x459: {  	[tilespmem:s3], [sflag:$0x2] =	stream.strided.gather [hbm4b:s2+s29], $0x400, s30, s29, $0x38;
	[tilespmem:$0x14000] =	vst v63  }
0x45a: {  	s2 =	sadd.s32 $0x100, s15;
	s3 =	sadd.s32 $0x9000, s0  }
0x45b: {  	[tilespmem:s3], [sflag:$0x2] =	stream.strided.gather [hbm4b:s2+s29], $0x400, s30, s29, $0x38;
	[tilespmem:$0x14000] =	vst v63  }
.Ltmp19:
0x45c: {  	s2 =	sadd.s32 $0x140, s15;
	s3 =	sadd.s32 $0x9400, s0;
	(pc) =	sbr.rel @p0 .LBB2_40-.Ltmp19, $4  }
0x45d: {  	[tilespmem:s3], [sflag:$0x2] =	stream.strided.gather [hbm4b:s2+s29], $0x400, s30, s29, $0x38;
	[tilespmem:$0x14000] =	vst v63  }
0x45e: {  	s20 =	sadd.s32 $0x1C0, s15;
	s2 =	sadd.s32 $0x180, s15;
	s3 =	sadd.s32 $0x9800, s0  }
0x45f: {  	[tilespmem:s3], [sflag:$0x2] =	stream.strided.gather [hbm4b:s2+s29], $0x400, s30, s29, $0x38;
	[tilespmem:$0x14000] =	vst v63  }
0x460: {  	s28 =	sadd.s32 $0x9C00, s0;
	s16 =	smov.u32 s1;
	s15 =	sadd.s32 $0x400, s15  }
0x461: {  	[tilespmem:s28], [sflag:$0x2] =	stream.strided.gather [hbm4b:s20+s29], $0x400, s30, s29, $0x38;
	[tilespmem:$0x14000] =	vst v63  }
0x462: {  	s0 =	sadd.s32 $0x8000, s14  }
0x463: {  	[tilespmem:s0], [sflag:$0x2] =	stream.strided.gather [hbm4b:s15+s29], $0x400, s30, s29, $0x38;
	[tilespmem:$0x14000] =	vst v63  }
0x464: {  	s19 =	sadd.s32 $0x40, s15;
	s1 =	sadd.s32 $0x8400, s14  }
0x465: {  	[tilespmem:s1], [sflag:$0x2] =	stream.strided.gather [hbm4b:s19+s29], $0x400, s30, s29, $0x38;
	[tilespmem:$0x14000] =	vst v63  }
0x466: {  	s20 =	sadd.s32 $0x80, s15;
	s21 =	sadd.s32 $0x8800, s14  }
0x467: {  	[tilespmem:s21], [sflag:$0x2] =	stream.strided.gather [hbm4b:s20+s29], $0x400, s30, s29, $0x38;
	[tilespmem:$0x14000] =	vst v63  }
0x468: {  	s22 =	sadd.s32 $0xC0, s15;
	s23 =	sadd.s32 $0x8C00, s14  }
0x469: {  	[tilespmem:s23], [sflag:$0x2] =	stream.strided.gather [hbm4b:s22+s29], $0x400, s30, s29, $0x38;
	[tilespmem:$0x14000] =	vst v63  }
0x46a: {  	s2 =	sadd.s32 $0x100, s15;
	s3 =	sadd.s32 $0x9000, s14  }
0x46b: {  	[tilespmem:s3], [sflag:$0x2] =	stream.strided.gather [hbm4b:s2+s29], $0x400, s30, s29, $0x38;
	[tilespmem:$0x14000] =	vst v63  }
0x46c: {  	s4 =	sadd.s32 $0x140, s15;
	s5 =	sadd.s32 $0x9400, s14  }
0x46d: {  	[tilespmem:s5], [sflag:$0x2] =	stream.strided.gather [hbm4b:s4+s29], $0x400, s30, s29, $0x38;
	[tilespmem:$0x14000] =	vst v63  }
0x46e: {  	s6 =	sadd.s32 $0x180, s15;
	s7 =	sadd.s32 $0x9800, s14  }
0x46f: {  	[tilespmem:s7], [sflag:$0x2] =	stream.strided.gather [hbm4b:s6+s29], $0x400, s30, s29, $0x38;
	[tilespmem:$0x14000] =	vst v63  }
0x470: {  	s8 =	sadd.s32 $0x1C0, s15;
	s9 =	sadd.s32 $0x9C00, s14;
	s14 =	simm.s32 $0x0  }
0x471: {  	[tilespmem:s9], [sflag:$0x2] =	stream.strided.gather [hbm4b:s8+s29], $0x400, s30, s29, $0x38;
	[tilespmem:$0x14000] =	vst v63  }
0x472: {  	s10 =	rddreg [dreg:$0x13];
	s11 =	simm.s32 $0x12000;
	s12 =	simm.s32 $0x1  }
0x473: {  	[tilespmem:s11], [sflag:$0x4] =	stream.linear.gather [hbm4b:s10+s14], $0x2000, $0x38;
	[tilespmem:$0x14000] =	vst v63  }
0x474: {  	_ =	swait.ge [sflag:s12], $0x8000  }
0x475: {  	[sflag:s12] =	ssyncset.done $0x0  }
0x476: {  	s2 =	simm.s32 $0x3;
	[sflag:s12] =	ssyncadd.s32 $0xFFFF8000  }
0x477: {  	s13 =	simm.s32 $0x0;
	_ =	swait.ge [sflag:s2], $0x2000  }
0x478: {  	s15 =	sand.u32 $0x1C00, s14;
	s0 =	sand.u32 $0x1FFFFF80, s13;
	[sflag:s2] =	ssyncset.done $0x0  }
0x479: {  	s0 =	sadd.s32 s15, s0;
	[sflag:s2] =	ssyncadd.s32 $0xFFFFE000  }
0x47a: {  	s16 =	sadd.s32 $0x10000, s0;
	v0 =	vld [tilespmem:s0+$0x10000]  }
0x47b: {  	v1 =	vld [tilespmem:s16+$0x70]  }
0x47c: {  	s17 =	simm.s32 $0x0;
	s3 =	simm.s32 $0x0;
	v2 =	vld [tilespmem:s16+$0x10]  }
0x47d: {  	s3 =	sand.u32 $0x6000, s3;
	s0 =	sand.u32 $0x200, s17;
	v3 =	vld [tilespmem:s16+$0x20]  }
0x47e: {  	v4 =	vld [tilespmem:s16+$0x30];
	s0 =	sor.u32 s0, s3  }
0x47f: {  	v5 =	vld [tilespmem:s16+$0x40];
	s15 =	sor.u32 s15, s0  }
0x480: {  	v6 =	vld [tilespmem:s16+$0x60];
	s0 =	sor.u32 $0x70, s15  }
0x481: {  	s21 =	sor.u32 $0x10, s15;
	[tilespmem:s0+$0x0] =	vst.add.f32.msk $0xffff, v1  }
0x482: {  	s2 =	sor.u32 $0x20, s15;
	[tilespmem:s21+$0x0] =	vst.add.f32.msk $0xffff, v2  }
0x483: {  	s6 =	sor.u32 $0x30, s15;
	[tilespmem:s2+$0x0] =	vst.add.f32.msk $0xffff, v3  }
0x484: {  	s10 =	sor.u32 $0x40, s15;
	[tilespmem:s6+$0x0] =	vst.add.f32.msk $0xffff, v4  }
0x485: {  	s18 =	sor.u32 $0xF0, s15;
	[tilespmem:s10+$0x0] =	vst.add.f32.msk $0xffff, v5  }
0x486: {  	s1 =	sor.u32 $0x90, s15;
	[tilespmem:s18+$0x0] =	vst.add.f32.msk $0xffff, v1  }
0x487: {  	s3 =	sor.u32 $0xA0, s15;
	[tilespmem:s1+$0x0] =	vst.add.f32.msk $0xffff, v2  }
0x488: {  	s7 =	sor.u32 $0xB0, s15;
	[tilespmem:s3+$0x0] =	vst.add.f32.msk $0xffff, v3  }
0x489: {  	s11 =	sor.u32 $0xC0, s15;
	[tilespmem:s7+$0x0] =	vst.add.f32.msk $0xffff, v4  }
0x48a: {  	s19 =	sor.u32 $0x170, s15;
	[tilespmem:s11+$0x0] =	vst.add.f32.msk $0xffff, v5  }
0x48b: {  	s22 =	sor.u32 $0x110, s15;
	[tilespmem:s19+$0x0] =	vst.add.f32.msk $0xffff, v1  }
0x48c: {  	s4 =	sor.u32 $0x120, s15;
	[tilespmem:s22+$0x0] =	vst.add.f32.msk $0xffff, v2  }
0x48d: {  	s8 =	sor.u32 $0x130, s15;
	[tilespmem:s4+$0x0] =	vst.add.f32.msk $0xffff, v3  }
0x48e: {  	s12 =	sor.u32 $0x140, s15;
	[tilespmem:s8+$0x0] =	vst.add.f32.msk $0xffff, v4  }
0x48f: {  	s20 =	sor.u32 $0x1F0, s15;
	[tilespmem:s12+$0x0] =	vst.add.f32.msk $0xffff, v5  }
0x490: {  	[tilespmem:s20+$0x0] =	vst.add.f32.msk $0xffff, v1  }
0x491: {  	s23 =	sor.u32 $0x190, s15;
	v1 =	vld [tilespmem:s16+$0x50]  }
0x492: {  	s5 =	sor.u32 $0x1A0, s15;
	[tilespmem:s23+$0x0] =	vst.add.f32.msk $0xffff, v2  }
0x493: {  	s9 =	sor.u32 $0x1B0, s15;
	[tilespmem:s5+$0x0] =	vst.add.f32.msk $0xffff, v3  }
0x494: {  	s13 =	sor.u32 $0x1C0, s15;
	[tilespmem:s9+$0x0] =	vst.add.f32.msk $0xffff, v4  }
0x495: {  	[tilespmem:s13+$0x0] =	vst.add.f32.msk $0xffff, v5;
	s20 =	sor.u32 $0x60, s15  }
0x496: {  	s21 =	sor.u32 $0xE0, s15;
	[tilespmem:s20+$0x0] =	vst.add.f32.msk $0xffff, v6  }
0x497: {  	s22 =	sor.u32 $0x160, s15;
	[tilespmem:s21+$0x0] =	vst.add.f32.msk $0xffff, v6  }
0x498: {  	s23 =	sor.u32 $0x1E0, s15;
	[tilespmem:s22+$0x0] =	vst.add.f32.msk $0xffff, v6  }
0x499: {  	s16 =	sor.u32 $0x50, s15;
	[tilespmem:s23+$0x0] =	vst.add.f32.msk $0xffff, v6  }
0x49a: {  	s17 =	sor.u32 $0xD0, s15;
	[tilespmem:s16+$0x0] =	vst.add.f32.msk $0xffff, v1  }
0x49b: {  	s18 =	sor.u32 $0x150, s15;
	[tilespmem:s17+$0x0] =	vst.add.f32.msk $0xffff, v1  }
0x49c: {  	s28 =	sor.u32 $0x100, s15;
	s19 =	sor.u32 $0x1D0, s15;
	[tilespmem:s18+$0x0] =	vst.add.f32.msk $0xffff, v1  }
0x49d: {  	s31 =	sor.u32 $0x180, s15;
	s20 =	sor.u32 $0x80, s15;
	s16 =	simm.s32 $0x0;
	[tilespmem:s19+$0x0] =	vst.add.f32.msk $0xffff, v1  }
.LBB2_42:
0x49e: {  	s16 =	sadd.s32 $0x80, s16;
	[tilespmem:s15+$0x0] =	vst.add.f32.msk $0xffff, v0  }
0x49f: {  	s14 =	sadd.s32 $0x400, s14;
	s0 =	sshrl.u32 s16, $0x3;
	[tilespmem:s20+$0x0] =	vst.add.f32.msk $0xffff, v0  }
0x4a0: {  	s1 =	sand.u32 $0x1C00, s14;
	s0 =	sand.u32 $0x1FFFFF80, s0;
	[tilespmem:s28+$0x0] =	vst.add.f32.msk $0xffff, v0  }
0x4a1: {  	p0 =	slt.u32 s16, $0x1F80;
	s0 =	sadd.s32 s1, s0;
	[tilespmem:s31+$0x0] =	vst.add.f32.msk $0xffff, v0  }
0x4a2: {  	s2 =	sadd.s32 $0x10000, s0;
	v0 =	vld [tilespmem:s0+$0x10000]  }
0x4a3: {  	s3 =	sshll.u32 s16, $0x2;
	s0 =	sshrl.u32 s16, $0x1;
	v1 =	vld [tilespmem:s2+$0x70]  }
0x4a4: {  	s3 =	sand.u32 $0x6000, s3;
	s0 =	sand.u32 $0x200, s0;
	v2 =	vld [tilespmem:s2+$0x10]  }
0x4a5: {  	s0 =	sor.u32 s0, s3;
	v3 =	vld [tilespmem:s2+$0x20]  }
0x4a6: {  	s15 =	sor.u32 s1, s0;
	v4 =	vld [tilespmem:s2+$0x30]  }
0x4a7: {  	s20 =	sor.u32 $0x80, s15;
	s28 =	sor.u32 $0x100, s15;
	s0 =	sor.u32 $0x70, s15;
	v5 =	vld [tilespmem:s2+$0x40]  }
0x4a8: {  	s31 =	sor.u32 $0x180, s15;
	s1 =	sor.u32 $0x10, s15;
	[tilespmem:s0+$0x0] =	vst.add.f32.msk $0xffff, v1;
	s0 =	sor.u32 $0xF0, s15  }
0x4a9: {  	s3 =	sor.u32 $0x90, s15;
	s4 =	sor.u32 $0x110, s15;
	[tilespmem:s0+$0x0] =	vst.add.f32.msk $0xffff, v1;
	s0 =	sor.u32 $0x170, s15  }
0x4aa: {  	s5 =	sor.u32 $0x190, s15;
	s6 =	sor.u32 $0x20, s15;
	[tilespmem:s0+$0x0] =	vst.add.f32.msk $0xffff, v1;
	s0 =	sor.u32 $0x1F0, s15  }
0x4ab: {  	s7 =	sor.u32 $0xA0, s15;
	s8 =	sor.u32 $0x120, s15;
	s9 =	sor.u32 $0x1A0, s15;
	[tilespmem:s0+$0x0] =	vst.add.f32.msk $0xffff, v1  }
0x4ac: {  	s10 =	sor.u32 $0xB0, s15;
	s11 =	sor.u32 $0x130, s15;
	s0 =	sor.u32 $0x30, s15;
	v1 =	vld [tilespmem:s2+$0x50]  }
0x4ad: {  	s12 =	sor.u32 $0x1B0, s15;
	s13 =	sor.u32 $0x40, s15;
	s17 =	sor.u32 $0xC0, s15;
	v6 =	vld [tilespmem:s2+$0x60]  }
0x4ae: {  	s18 =	sor.u32 $0x50, s15;
	s2 =	sor.u32 $0x1C0, s15;
	[tilespmem:s1+$0x0] =	vst.add.f32.msk $0xffff, v2;
	s1 =	sor.u32 $0x140, s15  }
0x4af: {  	s19 =	sor.u32 $0x150, s15;
	s21 =	sor.u32 $0x1D0, s15;
	[tilespmem:s3+$0x0] =	vst.add.f32.msk $0xffff, v2;
	s3 =	sor.u32 $0xD0, s15  }
0x4b0: {  	s22 =	sor.u32 $0xE0, s15;
	s23 =	sor.u32 $0x160, s15;
	[tilespmem:s4+$0x0] =	vst.add.f32.msk $0xffff, v2;
	s4 =	sor.u32 $0x60, s15  }
0x4b1: {  	[tilespmem:s5+$0x0] =	vst.add.f32.msk $0xffff, v2;
	s5 =	sor.u32 $0x1E0, s15  }
0x4b2: {  	[tilespmem:s6+$0x0] =	vst.add.f32.msk $0xffff, v3  }
0x4b3: {  	[tilespmem:s7+$0x0] =	vst.add.f32.msk $0xffff, v3  }
0x4b4: {  	[tilespmem:s8+$0x0] =	vst.add.f32.msk $0xffff, v3  }
0x4b5: {  	[tilespmem:s9+$0x0] =	vst.add.f32.msk $0xffff, v3  }
0x4b6: {  	[tilespmem:s0+$0x0] =	vst.add.f32.msk $0xffff, v4  }
0x4b7: {  	[tilespmem:s10+$0x0] =	vst.add.f32.msk $0xffff, v4  }
0x4b8: {  	[tilespmem:s11+$0x0] =	vst.add.f32.msk $0xffff, v4  }
0x4b9: {  	[tilespmem:s12+$0x0] =	vst.add.f32.msk $0xffff, v4  }
0x4ba: {  	[tilespmem:s13+$0x0] =	vst.add.f32.msk $0xffff, v5  }
0x4bb: {  	[tilespmem:s17+$0x0] =	vst.add.f32.msk $0xffff, v5  }
0x4bc: {  	[tilespmem:s1+$0x0] =	vst.add.f32.msk $0xffff, v5  }
0x4bd: {  	[tilespmem:s2+$0x0] =	vst.add.f32.msk $0xffff, v5  }
0x4be: {  	[tilespmem:s18+$0x0] =	vst.add.f32.msk $0xffff, v1  }
0x4bf: {  	[tilespmem:s3+$0x0] =	vst.add.f32.msk $0xffff, v1  }
0x4c0: {  	[tilespmem:s19+$0x0] =	vst.add.f32.msk $0xffff, v1  }
.Ltmp20:
0x4c1: {  	[tilespmem:s21+$0x0] =	vst.add.f32.msk $0xffff, v1;
	(pc) =	sbr.rel @p0 .LBB2_42-.Ltmp20, $4  }
0x4c2: {  	[tilespmem:s4+$0x0] =	vst.add.f32.msk $0xffff, v6  }
0x4c3: {  	[tilespmem:s22+$0x0] =	vst.add.f32.msk $0xffff, v6  }
0x4c4: {  	[tilespmem:s23+$0x0] =	vst.add.f32.msk $0xffff, v6  }
0x4c5: {  	[tilespmem:s5+$0x0] =	vst.add.f32.msk $0xffff, v6  }
0x4c6: {  	[tilespmem:s15+$0x0] =	vst.add.f32.msk $0xffff, v0  }
0x4c7: {  	[tilespmem:s20+$0x0] =	vst.add.f32.msk $0xffff, v0  }
0x4c8: {  	[tilespmem:s28+$0x0] =	vst.add.f32.msk $0xffff, v0  }
0x4c9: {  	[tilespmem:s31+$0x0] =	vst.add.f32.msk $0xffff, v0  }
0x4ca: {  	s0 =	simm.s32 $0x0;
	[bflag:$0x0] =	sbarrier.arrive $0xFFFF  }
0x4cb: {  	[hbm4b:s25+s29] =	stream.strided.scatter [tilespmem:s0], [sflag:$0x5], $0x400, s30, s29, $0x38;
	[tilespmem:$0x14000] =	vst v63  }
0x4cc: {  	s15 =	simm.s32 $0x400;
	s1 =	sadd.s32 $0x40, s25  }
0x4cd: {  	[hbm4b:s1+s29] =	stream.strided.scatter [tilespmem:s15], [sflag:$0x5], $0x400, s30, s29, $0x38;
	[tilespmem:$0x14000] =	vst v63  }
0x4ce: {  	s16 =	simm.s32 $0x800;
	s17 =	sadd.s32 $0x80, s25  }
0x4cf: {  	[hbm4b:s17+s29] =	stream.strided.scatter [tilespmem:s16], [sflag:$0x5], $0x400, s30, s29, $0x38;
	[tilespmem:$0x14000] =	vst v63  }
0x4d0: {  	s18 =	simm.s32 $0xC00;
	s19 =	sadd.s32 $0xC0, s25;
	s21 =	sadd.s32 $0x100, s25  }
0x4d1: {  	[hbm4b:s19+s29] =	stream.strided.scatter [tilespmem:s18], [sflag:$0x5], $0x400, s30, s29, $0x38;
	[tilespmem:$0x14000] =	vst v63  }
0x4d2: {  	s22 =	simm.s32 $0x1400;
	s23 =	sadd.s32 $0x140, s25;
	s20 =	simm.s32 $0x1000  }
0x4d3: {  	[hbm4b:s21+s29] =	stream.strided.scatter [tilespmem:s20], [sflag:$0x5], $0x400, s30, s29, $0x38;
	[tilespmem:$0x14000] =	vst v63  }
0x4d4: {  	s14 =	simm.s32 $0x8000;
	s28 =	simm.s32 $0x1800;
	s31 =	sadd.s32 $0x180, s25  }
0x4d5: {  	[hbm4b:s23+s29] =	stream.strided.scatter [tilespmem:s22], [sflag:$0x5], $0x400, s30, s29, $0x38;
	[tilespmem:$0x14000] =	vst v63  }
0x4d6: {  	s15 =	sadd.s32 $0x400, s25;
	s16 =	simm.s32 $0x1C00;
	s20 =	sadd.s32 $0x1C0, s25  }
0x4d7: {  	[hbm4b:s31+s29] =	stream.strided.scatter [tilespmem:s28], [sflag:$0x5], $0x400, s30, s29, $0x38;
	[tilespmem:$0x14000] =	vst v63  }
.LBB2_44:
0x4d8: {  	[hbm4b:s20+s29] =	stream.strided.scatter [tilespmem:s16], [sflag:$0x5], $0x400, s30, s29, $0x38;
	[tilespmem:$0x14000] =	vst v63  }
0x4d9: {  	s0 =	sshra.s32 s14, $0x2;
	p0 =	sne.s32 s14, $0x18000;
	s14 =	sadd.s32 $0x8000, s14  }
0x4da: {  	[hbm4b:s15+s29] =	stream.strided.scatter [tilespmem:s0], [sflag:$0x5], $0x400, s30, s29, $0x38;
	[tilespmem:$0x14000] =	vst v63  }
0x4db: {  	s2 =	sadd.s32 $0x40, s15;
	s1 =	sadd.s32 $0x400, s0  }
0x4dc: {  	[hbm4b:s2+s29] =	stream.strided.scatter [tilespmem:s1], [sflag:$0x5], $0x400, s30, s29, $0x38;
	[tilespmem:$0x14000] =	vst v63  }
0x4dd: {  	s1 =	sadd.s32 $0x800, s0;
	s2 =	sadd.s32 $0x80, s15  }
0x4de: {  	[hbm4b:s2+s29] =	stream.strided.scatter [tilespmem:s1], [sflag:$0x5], $0x400, s30, s29, $0x38;
	[tilespmem:$0x14000] =	vst v63  }
0x4df: {  	s1 =	sadd.s32 $0xC00, s0;
	s2 =	sadd.s32 $0xC0, s15  }
0x4e0: {  	[hbm4b:s2+s29] =	stream.strided.scatter [tilespmem:s1], [sflag:$0x5], $0x400, s30, s29, $0x38;
	[tilespmem:$0x14000] =	vst v63  }
0x4e1: {  	s1 =	sadd.s32 $0x1000, s0;
	s2 =	sadd.s32 $0x100, s15  }
0x4e2: {  	[hbm4b:s2+s29] =	stream.strided.scatter [tilespmem:s1], [sflag:$0x5], $0x400, s30, s29, $0x38;
	[tilespmem:$0x14000] =	vst v63  }
.Ltmp21:
0x4e3: {  	s1 =	sadd.s32 $0x1400, s0;
	s2 =	sadd.s32 $0x140, s15;
	(pc) =	sbr.rel @p0 .LBB2_44-.Ltmp21, $4  }
0x4e4: {  	[hbm4b:s2+s29] =	stream.strided.scatter [tilespmem:s1], [sflag:$0x5], $0x400, s30, s29, $0x38;
	[tilespmem:$0x14000] =	vst v63  }
0x4e5: {  	s1 =	sadd.s32 $0x1800, s0;
	s2 =	sadd.s32 $0x180, s15  }
0x4e6: {  	[hbm4b:s2+s29] =	stream.strided.scatter [tilespmem:s1], [sflag:$0x5], $0x400, s30, s29, $0x38;
	[tilespmem:$0x14000] =	vst v63  }
0x4e7: {  	s20 =	sadd.s32 $0x1C0, s15;
	s16 =	sadd.s32 $0x1C00, s0;
	s15 =	sadd.s32 $0x400, s15  }
0x4e8: {  	[hbm4b:s20+s29] =	stream.strided.scatter [tilespmem:s16], [sflag:$0x5], $0x400, s30, s29, $0x38;
	[tilespmem:$0x14000] =	vst v63  }
0x4e9: {  	s0 =	simm.s32 $0x2  }
0x4ea: {  	_ =	swait.ge [sflag:s0], $0x8000  }
0x4eb: {  	[sflag:s0] =	ssyncset.done $0x0  }
0x4ec: {  	s2 =	simm.s32 $0x4;
	[sflag:s0] =	ssyncadd.s32 $0xFFFF8000  }
0x4ed: {  	s14 =	simm.s32 $0x0;
	s15 =	simm.s32 $0x0;
	_ =	swait.ge [sflag:s2], $0x2000  }
0x4ee: {  	s1 =	sand.u32 $0x1C00, s14;
	s0 =	sand.u32 $0x1FFFFF80, s15;
	[sflag:s2] =	ssyncset.done $0x0  }
0x4ef: {  	s0 =	sadd.s32 s1, s0;
	[sflag:s2] =	ssyncadd.s32 $0xFFFFE000  }
0x4f0: {  	v0 =	vld [tilespmem:s0+$0x12000];
	s0 =	sadd.s32 $0x10000, s0  }
0x4f1: {  	v1 =	vld [tilespmem:s0+$0x2070]  }
0x4f2: {  	s16 =	simm.s32 $0x0;
	s3 =	simm.s32 $0x0;
	v2 =	vld [tilespmem:s0+$0x2010]  }
0x4f3: {  	s3 =	sand.u32 $0x6000, s3;
	s2 =	sand.u32 $0x200, s16;
	v3 =	vld [tilespmem:s0+$0x2020]  }
0x4f4: {  	s2 =	sor.u32 s2, s3;
	v4 =	vld [tilespmem:s0+$0x2030]  }
0x4f5: {  	s16 =	sor.u32 s1, s2;
	v5 =	vld [tilespmem:s0+$0x2040]  }
0x4f6: {  	v6 =	vld [tilespmem:s0+$0x2060];
	s1 =	sor.u32 $0x8070, s16  }
0x4f7: {  	s20 =	sor.u32 $0x8010, s16;
	[tilespmem:s1+$0x0] =	vst.add.f32.msk $0xffff, v1  }
0x4f8: {  	s2 =	sor.u32 $0x8020, s16;
	[tilespmem:s20+$0x0] =	vst.add.f32.msk $0xffff, v2  }
0x4f9: {  	s6 =	sor.u32 $0x8030, s16;
	[tilespmem:s2+$0x0] =	vst.add.f32.msk $0xffff, v3  }
0x4fa: {  	s10 =	sor.u32 $0x8040, s16;
	[tilespmem:s6+$0x0] =	vst.add.f32.msk $0xffff, v4  }
0x4fb: {  	s17 =	sor.u32 $0x80F0, s16;
	[tilespmem:s10+$0x0] =	vst.add.f32.msk $0xffff, v5  }
0x4fc: {  	s21 =	sor.u32 $0x8090, s16;
	[tilespmem:s17+$0x0] =	vst.add.f32.msk $0xffff, v1  }
0x4fd: {  	s3 =	sor.u32 $0x80A0, s16;
	[tilespmem:s21+$0x0] =	vst.add.f32.msk $0xffff, v2  }
0x4fe: {  	s7 =	sor.u32 $0x80B0, s16;
	[tilespmem:s3+$0x0] =	vst.add.f32.msk $0xffff, v3  }
0x4ff: {  	s11 =	sor.u32 $0x80C0, s16;
	[tilespmem:s7+$0x0] =	vst.add.f32.msk $0xffff, v4  }
0x500: {  	s20 =	sor.u32 $0x8060, s16;
	[tilespmem:s11+$0x0] =	vst.add.f32.msk $0xffff, v5  }
0x501: {  	s18 =	sor.u32 $0x8170, s16;
	[tilespmem:s20+$0x0] =	vst.add.f32.msk $0xffff, v6  }
0x502: {  	s22 =	sor.u32 $0x8110, s16;
	[tilespmem:s18+$0x0] =	vst.add.f32.msk $0xffff, v1  }
0x503: {  	s4 =	sor.u32 $0x8120, s16;
	[tilespmem:s22+$0x0] =	vst.add.f32.msk $0xffff, v2  }
0x504: {  	s8 =	sor.u32 $0x8130, s16;
	[tilespmem:s4+$0x0] =	vst.add.f32.msk $0xffff, v3  }
0x505: {  	s12 =	sor.u32 $0x8140, s16;
	[tilespmem:s8+$0x0] =	vst.add.f32.msk $0xffff, v4  }
0x506: {  	s21 =	sor.u32 $0x80E0, s16;
	[tilespmem:s12+$0x0] =	vst.add.f32.msk $0xffff, v5  }
0x507: {  	s19 =	sor.u32 $0x81F0, s16;
	[tilespmem:s21+$0x0] =	vst.add.f32.msk $0xffff, v6  }
0x508: {  	[tilespmem:s19+$0x0] =	vst.add.f32.msk $0xffff, v1  }
0x509: {  	s23 =	sor.u32 $0x8190, s16;
	v1 =	vld [tilespmem:s0+$0x2050]  }
0x50a: {  	s5 =	sor.u32 $0x81A0, s16;
	[tilespmem:s23+$0x0] =	vst.add.f32.msk $0xffff, v2  }
0x50b: {  	s9 =	sor.u32 $0x81B0, s16;
	[tilespmem:s5+$0x0] =	vst.add.f32.msk $0xffff, v3  }
0x50c: {  	s13 =	sor.u32 $0x81C0, s16;
	[tilespmem:s9+$0x0] =	vst.add.f32.msk $0xffff, v4  }
0x50d: {  	s22 =	sor.u32 $0x8160, s16;
	[tilespmem:s13+$0x0] =	vst.add.f32.msk $0xffff, v5  }
0x50e: {  	s23 =	sor.u32 $0x81E0, s16;
	[tilespmem:s22+$0x0] =	vst.add.f32.msk $0xffff, v6  }
0x50f: {  	s15 =	sor.u32 $0x8050, s16;
	[tilespmem:s23+$0x0] =	vst.add.f32.msk $0xffff, v6  }
0x510: {  	s17 =	sor.u32 $0x80D0, s16;
	[tilespmem:s15+$0x0] =	vst.add.f32.msk $0xffff, v1  }
0x511: {  	s18 =	sor.u32 $0x8150, s16;
	[tilespmem:s17+$0x0] =	vst.add.f32.msk $0xffff, v1  }
0x512: {  	s28 =	sor.u32 $0x8080, s16;
	s31 =	sor.u32 $0x8100, s16;
	s19 =	sor.u32 $0x81D0, s16;
	[tilespmem:s18+$0x0] =	vst.add.f32.msk $0xffff, v1  }
0x513: {  	s20 =	sor.u32 $0x8000, s16;
	s16 =	sor.u32 $0x8180, s16;
	s15 =	simm.s32 $0x0;
	[tilespmem:s19+$0x0] =	vst.add.f32.msk $0xffff, v1  }
.LBB2_46:
0x514: {  	s15 =	sadd.s32 $0x80, s15;
	[tilespmem:s20+$0x0] =	vst.add.f32.msk $0xffff, v0  }
0x515: {  	s14 =	sadd.s32 $0x400, s14;
	s0 =	sshrl.u32 s15, $0x3;
	[tilespmem:s28+$0x0] =	vst.add.f32.msk $0xffff, v0  }
0x516: {  	s1 =	sand.u32 $0x1C00, s14;
	s0 =	sand.u32 $0x1FFFFF80, s0;
	[tilespmem:s31+$0x0] =	vst.add.f32.msk $0xffff, v0  }
0x517: {  	p0 =	slt.u32 s15, $0x1F80;
	s0 =	sadd.s32 s1, s0;
	[tilespmem:s16+$0x0] =	vst.add.f32.msk $0xffff, v0  }
0x518: {  	v0 =	vld [tilespmem:s0+$0x12000];
	s0 =	sadd.s32 $0x10000, s0  }
0x519: {  	s2 =	sshrl.u32 s15, $0x1;
	s3 =	sshll.u32 s15, $0x2;
	v1 =	vld [tilespmem:s0+$0x2070]  }
0x51a: {  	s3 =	sand.u32 $0x6000, s3;
	s2 =	sand.u32 $0x200, s2;
	v2 =	vld [tilespmem:s0+$0x2010]  }
0x51b: {  	s2 =	sor.u32 s2, s3;
	v3 =	vld [tilespmem:s0+$0x2020]  }
0x51c: {  	s1 =	sor.u32 s1, s2;
	v4 =	vld [tilespmem:s0+$0x2030]  }
0x51d: {  	s20 =	sor.u32 $0x8000, s1;
	s28 =	sor.u32 $0x8080, s1;
	s2 =	sor.u32 $0x8070, s1;
	v5 =	vld [tilespmem:s0+$0x2040]  }
0x51e: {  	s31 =	sor.u32 $0x8100, s1;
	s16 =	sor.u32 $0x8180, s1;
	[tilespmem:s2+$0x0] =	vst.add.f32.msk $0xffff, v1;
	s2 =	sor.u32 $0x80F0, s1  }
0x51f: {  	s3 =	sor.u32 $0x8010, s1;
	s4 =	sor.u32 $0x8090, s1;
	[tilespmem:s2+$0x0] =	vst.add.f32.msk $0xffff, v1;
	s2 =	sor.u32 $0x8170, s1  }
0x520: {  	s5 =	sor.u32 $0x8110, s1;
	s6 =	sor.u32 $0x8190, s1;
	[tilespmem:s2+$0x0] =	vst.add.f32.msk $0xffff, v1;
	s2 =	sor.u32 $0x81F0, s1  }
0x521: {  	s7 =	sor.u32 $0x8020, s1;
	s8 =	sor.u32 $0x80A0, s1;
	s9 =	sor.u32 $0x8120, s1;
	[tilespmem:s2+$0x0] =	vst.add.f32.msk $0xffff, v1  }
0x522: {  	s10 =	sor.u32 $0x8030, s1;
	s11 =	sor.u32 $0x80B0, s1;
	s2 =	sor.u32 $0x81A0, s1;
	v1 =	vld [tilespmem:s0+$0x2050]  }
0x523: {  	s12 =	sor.u32 $0x8130, s1;
	s13 =	sor.u32 $0x81B0, s1;
	s17 =	sor.u32 $0x8040, s1;
	v6 =	vld [tilespmem:s0+$0x2060]  }
0x524: {  	s18 =	sor.u32 $0x81C0, s1;
	s0 =	sor.u32 $0x80C0, s1;
	[tilespmem:s3+$0x0] =	vst.add.f32.msk $0xffff, v2;
	s3 =	sor.u32 $0x8140, s1  }
0x525: {  	s19 =	sor.u32 $0x80D0, s1;
	s21 =	sor.u32 $0x8150, s1;
	[tilespmem:s4+$0x0] =	vst.add.f32.msk $0xffff, v2;
	s4 =	sor.u32 $0x8050, s1  }
0x526: {  	s22 =	sor.u32 $0x8060, s1;
	s23 =	sor.u32 $0x80E0, s1;
	[tilespmem:s5+$0x0] =	vst.add.f32.msk $0xffff, v2;
	s5 =	sor.u32 $0x81D0, s1  }
0x527: {  	[tilespmem:s6+$0x0] =	vst.add.f32.msk $0xffff, v2;
	s6 =	sor.u32 $0x8160, s1;
	s1 =	sor.u32 $0x81E0, s1  }
0x528: {  	[tilespmem:s7+$0x0] =	vst.add.f32.msk $0xffff, v3  }
0x529: {  	[tilespmem:s8+$0x0] =	vst.add.f32.msk $0xffff, v3  }
0x52a: {  	[tilespmem:s9+$0x0] =	vst.add.f32.msk $0xffff, v3  }
0x52b: {  	[tilespmem:s2+$0x0] =	vst.add.f32.msk $0xffff, v3  }
0x52c: {  	[tilespmem:s10+$0x0] =	vst.add.f32.msk $0xffff, v4  }
0x52d: {  	[tilespmem:s11+$0x0] =	vst.add.f32.msk $0xffff, v4  }
0x52e: {  	[tilespmem:s12+$0x0] =	vst.add.f32.msk $0xffff, v4  }
0x52f: {  	[tilespmem:s13+$0x0] =	vst.add.f32.msk $0xffff, v4  }
0x530: {  	[tilespmem:s17+$0x0] =	vst.add.f32.msk $0xffff, v5  }
0x531: {  	[tilespmem:s0+$0x0] =	vst.add.f32.msk $0xffff, v5  }
0x532: {  	[tilespmem:s3+$0x0] =	vst.add.f32.msk $0xffff, v5  }
0x533: {  	[tilespmem:s18+$0x0] =	vst.add.f32.msk $0xffff, v5  }
0x534: {  	[tilespmem:s4+$0x0] =	vst.add.f32.msk $0xffff, v1  }
0x535: {  	[tilespmem:s19+$0x0] =	vst.add.f32.msk $0xffff, v1  }
0x536: {  	[tilespmem:s21+$0x0] =	vst.add.f32.msk $0xffff, v1  }
.Ltmp22:
0x537: {  	[tilespmem:s5+$0x0] =	vst.add.f32.msk $0xffff, v1;
	(pc) =	sbr.rel @p0 .LBB2_46-.Ltmp22, $4  }
0x538: {  	[tilespmem:s22+$0x0] =	vst.add.f32.msk $0xffff, v6  }
0x539: {  	[tilespmem:s23+$0x0] =	vst.add.f32.msk $0xffff, v6  }
0x53a: {  	[tilespmem:s6+$0x0] =	vst.add.f32.msk $0xffff, v6  }
0x53b: {  	[tilespmem:s1+$0x0] =	vst.add.f32.msk $0xffff, v6  }
0x53c: {  	[tilespmem:s20+$0x0] =	vst.add.f32.msk $0xffff, v0  }
0x53d: {  	[tilespmem:s28+$0x0] =	vst.add.f32.msk $0xffff, v0  }
0x53e: {  	[tilespmem:s31+$0x0] =	vst.add.f32.msk $0xffff, v0  }
0x53f: {  	[tilespmem:s16+$0x0] =	vst.add.f32.msk $0xffff, v0  }
0x540: {  	s0 =	simm.s32 $0x8000;
	[bflag:$0x0] =	sbarrier.arrive $0xFFFF  }
0x541: {  	[hbm4b:s26+s29] =	stream.strided.scatter [tilespmem:s0], [sflag:$0x6], $0x400, s30, s29, $0x38;
	[tilespmem:$0x14000] =	vst v63  }
0x542: {  	s14 =	simm.s32 $0x8400;
	s1 =	sadd.s32 $0x40, s26  }
0x543: {  	[hbm4b:s1+s29] =	stream.strided.scatter [tilespmem:s14], [sflag:$0x6], $0x400, s30, s29, $0x38;
	[tilespmem:$0x14000] =	vst v63  }
0x544: {  	s15 =	simm.s32 $0x8800;
	s17 =	simm.s32 $0x8C00;
	s16 =	sadd.s32 $0x80, s26  }
0x545: {  	[hbm4b:s16+s29] =	stream.strided.scatter [tilespmem:s15], [sflag:$0x6], $0x400, s30, s29, $0x38;
	[tilespmem:$0x14000] =	vst v63  }
0x546: {  	s18 =	sadd.s32 $0xC0, s26;
	s19 =	simm.s32 $0x9000;
	s20 =	sadd.s32 $0x100, s26  }
0x547: {  	[hbm4b:s18+s29] =	stream.strided.scatter [tilespmem:s17], [sflag:$0x6], $0x400, s30, s29, $0x38;
	[tilespmem:$0x14000] =	vst v63  }
0x548: {  	s21 =	simm.s32 $0x9400;
	s22 =	sadd.s32 $0x140, s26;
	s23 =	simm.s32 $0x9800  }
0x549: {  	[hbm4b:s20+s29] =	stream.strided.scatter [tilespmem:s19], [sflag:$0x6], $0x400, s30, s29, $0x38;
	[tilespmem:$0x14000] =	vst v63  }
0x54a: {  	s28 =	sadd.s32 $0x1C0, s26;
	s31 =	sadd.s32 $0x180, s26;
	s14 =	simm.s32 $0x2000  }
0x54b: {  	[hbm4b:s22+s29] =	stream.strided.scatter [tilespmem:s21], [sflag:$0x6], $0x400, s30, s29, $0x38;
	[tilespmem:$0x14000] =	vst v63  }
0x54c: {  	s16 =	simm.s32 $0x10000;
	s15 =	sadd.s32 $0x400, s26;
	s20 =	simm.s32 $0x9C00  }
0x54d: {  	[hbm4b:s31+s29] =	stream.strided.scatter [tilespmem:s23], [sflag:$0x6], $0x400, s30, s29, $0x38;
	[tilespmem:$0x14000] =	vst v63  }
.LBB2_48:
0x54e: {  	[hbm4b:s28+s29] =	stream.strided.scatter [tilespmem:s20], [sflag:$0x6], $0x400, s30, s29, $0x38;
	[tilespmem:$0x14000] =	vst v63  }
0x54f: {  	s0 =	smov.u32 s14;
	s1 =	smov.u32 s16  }
0x550: {  	s14 =	sshra.s32 s1, $0x2;
	s1 =	sadd.s32 $0x8000, s16;
	s2 =	sadd.s32 $0x8000, s0  }
0x551: {  	[hbm4b:s15+s29] =	stream.strided.scatter [tilespmem:s2], [sflag:$0x6], $0x400, s30, s29, $0x38;
	[tilespmem:$0x14000] =	vst v63  }
0x552: {  	p0 =	sne.s32 s16, $0x18000;
	s3 =	sadd.s32 $0x40, s15;
	s2 =	sadd.s32 $0x8400, s0  }
0x553: {  	[hbm4b:s3+s29] =	stream.strided.scatter [tilespmem:s2], [sflag:$0x6], $0x400, s30, s29, $0x38;
	[tilespmem:$0x14000] =	vst v63  }
0x554: {  	s2 =	sadd.s32 $0x8800, s0;
	s3 =	sadd.s32 $0x80, s15  }
0x555: {  	[hbm4b:s3+s29] =	stream.strided.scatter [tilespmem:s2], [sflag:$0x6], $0x400, s30, s29, $0x38;
	[tilespmem:$0x14000] =	vst v63  }
0x556: {  	s2 =	sadd.s32 $0x8C00, s0;
	s3 =	sadd.s32 $0xC0, s15  }
0x557: {  	[hbm4b:s3+s29] =	stream.strided.scatter [tilespmem:s2], [sflag:$0x6], $0x400, s30, s29, $0x38;
	[tilespmem:$0x14000] =	vst v63  }
0x558: {  	s2 =	sadd.s32 $0x9000, s0;
	s3 =	sadd.s32 $0x100, s15  }
0x559: {  	[hbm4b:s3+s29] =	stream.strided.scatter [tilespmem:s2], [sflag:$0x6], $0x400, s30, s29, $0x38;
	[tilespmem:$0x14000] =	vst v63  }
.Ltmp23:
0x55a: {  	s2 =	sadd.s32 $0x9400, s0;
	s3 =	sadd.s32 $0x140, s15;
	(pc) =	sbr.rel @p0 .LBB2_48-.Ltmp23, $4  }
0x55b: {  	[hbm4b:s3+s29] =	stream.strided.scatter [tilespmem:s2], [sflag:$0x6], $0x400, s30, s29, $0x38;
	[tilespmem:$0x14000] =	vst v63  }
0x55c: {  	s28 =	sadd.s32 $0x1C0, s15;
	s2 =	sadd.s32 $0x9800, s0;
	s3 =	sadd.s32 $0x180, s15  }
0x55d: {  	[hbm4b:s3+s29] =	stream.strided.scatter [tilespmem:s2], [sflag:$0x6], $0x400, s30, s29, $0x38;
	[tilespmem:$0x14000] =	vst v63  }
0x55e: {  	s20 =	sadd.s32 $0x9C00, s0;
	s16 =	smov.u32 s1;
	s15 =	sadd.s32 $0x400, s15  }
0x55f: {  	[hbm4b:s28+s29] =	stream.strided.scatter [tilespmem:s20], [sflag:$0x6], $0x400, s30, s29, $0x38;
	[tilespmem:$0x14000] =	vst v63  }
0x560: {  	s0 =	sadd.s32 $0x8000, s14  }
0x561: {  	[hbm4b:s15+s29] =	stream.strided.scatter [tilespmem:s0], [sflag:$0x6], $0x400, s30, s29, $0x38;
	[tilespmem:$0x14000] =	vst v63  }
0x562: {  	s8 =	sadd.s32 $0x8400, s14;
	s1 =	sadd.s32 $0x40, s15  }
0x563: {  	[hbm4b:s1+s29] =	stream.strided.scatter [tilespmem:s8], [sflag:$0x6], $0x400, s30, s29, $0x38;
	[tilespmem:$0x14000] =	vst v63  }
0x564: {  	s9 =	sadd.s32 $0x8800, s14;
	s10 =	sadd.s32 $0x80, s15  }
0x565: {  	[hbm4b:s10+s29] =	stream.strided.scatter [tilespmem:s9], [sflag:$0x6], $0x400, s30, s29, $0x38;
	[tilespmem:$0x14000] =	vst v63  }
0x566: {  	s11 =	sadd.s32 $0x8C00, s14;
	s12 =	sadd.s32 $0xC0, s15  }
0x567: {  	[hbm4b:s12+s29] =	stream.strided.scatter [tilespmem:s11], [sflag:$0x6], $0x400, s30, s29, $0x38;
	[tilespmem:$0x14000] =	vst v63  }
0x568: {  	s13 =	sadd.s32 $0x9000, s14;
	s16 =	sadd.s32 $0x100, s15  }
0x569: {  	[hbm4b:s16+s29] =	stream.strided.scatter [tilespmem:s13], [sflag:$0x6], $0x400, s30, s29, $0x38;
	[tilespmem:$0x14000] =	vst v63  }
0x56a: {  	s17 =	sadd.s32 $0x9400, s14;
	s18 =	sadd.s32 $0x140, s15  }
0x56b: {  	[hbm4b:s18+s29] =	stream.strided.scatter [tilespmem:s17], [sflag:$0x6], $0x400, s30, s29, $0x38;
	[tilespmem:$0x14000] =	vst v63  }
0x56c: {  	s19 =	sadd.s32 $0x9800, s14;
	s20 =	sadd.s32 $0x180, s15  }
0x56d: {  	[hbm4b:s20+s29] =	stream.strided.scatter [tilespmem:s19], [sflag:$0x6], $0x400, s30, s29, $0x38;
	[tilespmem:$0x14000] =	vst v63  }
0x56e: {  	s21 =	sadd.s32 $0x9C00, s14;
	s22 =	sadd.s32 $0x1C0, s15;
	s23 =	simm.s32 $0x5  }
0x56f: {  	[hbm4b:s22+s29] =	stream.strided.scatter [tilespmem:s21], [sflag:$0x6], $0x400, s30, s29, $0x38;
	[tilespmem:$0x14000] =	vst v63  }
0x570: {  	_ =	swait.ge [sflag:s23], $0x8000  }
0x571: {  	[sflag:s23] =	ssyncset.done $0x0  }
0x572: {  	s2 =	simm.s32 $0x6;
	[sflag:s23] =	ssyncadd.s32 $0xFFFF8000  }
0x573: {  	_ =	swait.ge [sflag:s2], $0x8000  }
0x574: {  	s28 =	rddreg [dreg:$0x4]  }
0x575: {  	s31 =	rddreg [dreg:$0x1a];
	s1 =	sadd.s32 $0x1, s28  }
0x576: {  	p0 =	sne.s32 s1, s31  }
.Ltmp24:
0x577: {  	_ = 	snop;
	(pc) =	sbr.rel @p0 .LBB2_1-.Ltmp24, $3  }
0x578: {  	_ =	sdelay $0x1  }
0x579: {  	[sflag:s2] =	ssyncset.done $0x0  }
0x57a: {  	[sflag:s2] =	ssyncadd.s32 $0xFFFF8000  }
0x57b: {  	_ =	sfence.sel $0x180000  }
0x57c: {  	[bflag:$0x0] =	sbarrier.arrive $0xFFFF  }
0x57d: {  	_ =	strace $0x90000047  }
0x57e: {  	s0 =	stileid.u32;
	[bflag:$0x2] =	sbarrier.arrive $0xFFFF  }
0x57f: {  	p0 =	sne.s32 s0, $0x0;
	s0 =	rddreg [dreg:$0x3]  }
0x580: {  	s0 =	sadd.s32 @!p0 $0x100000, s0  }
0x581: {  	[sflag:s0] =	ssyncadd.tile.s32 @!p0 $0x1;
	_ =	shalt  }
.Lfunc_end2:
_tile_overlayer_lowered:
.L_overlay_start_2:
0x582: {  	(tag) =	ssettag $0x2  }
0x583: {  	s0 =	rddreg [dreg:$0x0];
	s2 =	stileid.u32  }
0x584: {  	s1 =	rddreg [dreg:$0x1];
	p0 =	sne.s32 s2, $0x0  }
0x585: {  	s3 =	rddreg [dreg:$0x2];
	[bflag:$0x3] =	sbarrier.arrive $0xFFFF;
	s2 =	simm.s32 @!p0 $0x1C07  }
0x586: {  	[timem:s3], [sflag:s2] =	dma.local @!p0 [hbm:s0], s1  }
0x587: {  	s0 =	simm.s32 @!p0 $0x7  }
0x588: {  	_ =	swait.ge @!p0 [sflag:s0], s1  }
0x589: {  	s1 =	ssub.s32 @!p0 $0x0, s1;
	[sflag:s0] =	ssyncset.done @!p0 $0x0  }
0x58a: {  	[sflag:s0] =	ssyncadd.s32 @!p0 s1  }
0x58b: {  	[bflag:$0x3] =	sbarrier.arrive $0xFFFF  }
0x58c: {  	_ =	shalt  }

</sc_bundles>
